<compile_context>
chip_gen: v7x
topology: tpu7x:2x2x1
jax: 0.10.2.dev20260603
libtpu: 0.0.44.dev20260713+nightly
codegen_flags: <defaults>
</compile_context>

<pallas_src>
import functools

import jax
import jax.numpy as jnp
from jax import lax
from jax.experimental import pallas as pl
from jax.experimental.pallas import tpu as pltpu
from jax.experimental.pallas import tpu_sc as plsc

RADIUS = 0.2
NBLK = 512
MBLK = 1024


def _select_body(n_total, xyzn_ref, xyzt_ref, pts_ref,
                 gidx_ref, table_ref, xyzp_ref):
    b = pl.program_id(0)
    nb = pl.program_id(1)
    xyzn = xyzn_ref[0]
    xyzt = xyzt_ref[0]
    judge = jnp.float32(RADIUS * RADIUS)
    big = jnp.float32(1e10)
    dx = xyzt[0:1, :] - xyzn[:, 0:1]
    dy = xyzt[1:2, :] - xyzn[:, 1:2]
    dz = xyzt[2:3, :] - xyzn[:, 2:3]
    dist = (dx * dx + dy * dy) + dz * dz
    db = jnp.where((dist > 1e-10) & (dist < judge), dist, big)
    mx, my, mz = dx >= 0, dy >= 0, dz >= 0
    a1 = jnp.where(mx, db, big)
    a0 = jnp.where(mx, big, db)
    b00 = jnp.where(my, big, a0)
    b01 = jnp.where(my, a0, big)
    b10 = jnp.where(my, big, a1)
    b11 = jnp.where(my, a1, big)
    leaves = []
    for bb in (b00, b01, b10, b11):
        leaves.append(jnp.where(mz, big, bb))
        leaves.append(jnp.where(mz, bb, big))
    nlanes = 128
    nch = n_total // nlanes
    lane_iota = lax.broadcasted_iota(jnp.int32, (NBLK, nlanes), 1)
    nglob = nb * NBLK + lax.broadcasted_iota(jnp.int32, (NBLK, 1), 0)
    cols = []
    for lf in leaves:
        best = lf[:, 0:nlanes]
        colarg = jnp.zeros((NBLK, nlanes), jnp.int32)
        for c in range(1, nch):
            v = lf[:, c * nlanes:(c + 1) * nlanes]
            lt = v < best
            best = jnp.where(lt, v, best)
            colarg = jnp.where(lt, jnp.int32(c), colarg)
        mv = jnp.min(best, axis=1, keepdims=True)
        im = jnp.min(jnp.where(best == mv, colarg * nlanes + lane_iota,
                               jnp.int32(n_total)), axis=1, keepdims=True)
        cols.append(jnp.where(mv < judge, im, nglob))
    idx = jnp.concatenate(cols, axis=1)
    idxt = jnp.transpose(idx + b * n_total, (1, 0))
    gidx_ref[...] = jnp.transpose(
        jnp.reshape(idxt, (8, NBLK // 128, 128)), (1, 0, 2))
    zpad13 = jnp.zeros((NBLK, 13), jnp.float32)
    zpad48 = jnp.zeros((NBLK, 48), jnp.float32)
    xyzp = jnp.concatenate([xyzn, zpad13], axis=1)
    xyzp_ref[...] = xyzp
    table_ref[...] = jnp.concatenate([xyzp, pts_ref[...], zpad48], axis=1)


def _select(xyz2, pts_flat, b0, bh):
    n = xyz2.shape[1]
    rows = bh * n
    xyzt = jnp.transpose(xyz2, (0, 2, 1))
    nb_per_b = n // NBLK
    grid = (bh, nb_per_b)
    return pl.pallas_call(
        functools.partial(_select_body, n),
        grid=grid,
        in_specs=[
            pl.BlockSpec((1, NBLK, 3), lambda b, nb: (b0 + b, nb, 0)),
            pl.BlockSpec((1, 3, n), lambda b, nb: (b0 + b, 0, 0)),
            pl.BlockSpec((NBLK, 64),
                         lambda b, nb: ((b0 + b) * nb_per_b + nb, 0)),
        ],
        out_specs=[
            pl.BlockSpec((NBLK // 128, 8, 128),
                         lambda b, nb: (b * nb_per_b + nb, 0, 0)),
            pl.BlockSpec((NBLK, 128), lambda b, nb: (b * nb_per_b + nb, 0)),
            pl.BlockSpec((NBLK, 16), lambda b, nb: (b * nb_per_b + nb, 0)),
        ],
        out_shape=[
            jax.ShapeDtypeStruct((rows // 128, 8, 128), jnp.int32),
            jax.ShapeDtypeStruct((rows, 128), jnp.float32),
            jax.ShapeDtypeStruct((rows, 16), jnp.float32),
        ],
    )(xyz2, xyzt, pts_flat)


def _make_sc_gather(nslab, d):
    nw = 32
    nchunk_total = nslab * 8
    nchunk = nchunk_total // nw
    assert nchunk * 128 * d * 4 <= 500_000, "TileSpmem overflow"
    mesh = plsc.VectorSubcoreMesh(core_axis_name="c", subcore_axis_name="s")

    assert nchunk < 8 and 8 % nchunk == 0 or nchunk % 8 == 0
    idx_shape = ((nchunk // 8, 8, 128) if nchunk >= 8 else (nchunk, 128))

    @functools.partial(
        pl.kernel,
        mesh=mesh,
        out_type=jax.ShapeDtypeStruct((nchunk_total * 128, d), jnp.float32),
        scratch_types=[
            pltpu.VMEM(idx_shape, jnp.int32),
            pltpu.VMEM((nchunk * 128, d), jnp.float32),
            pltpu.SemaphoreType.DMA,
        ],
    )
    def gk(gidx_hbm, table_hbm, out_hbm, idx_v, rows_v, sem):
        wid = lax.axis_index("s") * 2 + lax.axis_index("c")
        if nchunk >= 8:
            pltpu.sync_copy(gidx_hbm.at[pl.ds(wid * (nchunk // 8),
                                              nchunk // 8)], idx_v)
        else:
            k0 = (wid * nchunk) // 8
            t0 = (wid * nchunk) % 8
            pltpu.sync_copy(gidx_hbm.at[k0, pl.ds(t0, nchunk)], idx_v)
        cps = [
            pltpu.async_copy(
                table_hbm.at[idx_v.at[c // 8, c % 8] if nchunk >= 8
                             else idx_v.at[c]],
                rows_v.at[pl.ds(c * 128, 128)], sem)
            for c in range(nchunk)
        ]
        for c in cps:
            c.wait()
        pltpu.sync_copy(rows_v,
                        out_hbm.at[pl.ds(wid * nchunk * 128, nchunk * 128)])

    return gk


def _sc_gather(gidx3, table):
    return _make_sc_gather(gidx3.shape[0], table.shape[1])(gidx3, table)


def _chain_core(g_ref, xyzp_ref, wa_ref, wb_ref, wc_ref,
                ba_ref, bb_ref, bc_ref):
    xyzp = xyzp_ref[...]
    c0 = (ba_ref[...]
          - jnp.dot(xyzp, wa_ref[0, 0:16, :],
                    preferred_element_type=jnp.float32)
          - jnp.dot(xyzp, wa_ref[1, 0:16, :],
                    preferred_element_type=jnp.float32))
    nsl = MBLK // 128
    x1 = []
    for w in range(4):
        taps = []
        for k in range(2):
            t = 2 * w + k
            taps.append(jnp.concatenate([g_ref[s, t] for s in range(nsl)],
                                        axis=0))
        s = (jnp.dot(taps[0], wa_ref[0], preferred_element_type=jnp.float32)
             + jnp.dot(taps[1], wa_ref[1],
                       preferred_element_type=jnp.float32))
        x1.append(s + c0)
    x2 = []
    for w in range(2):
        s = (jnp.dot(x1[2 * w], wb_ref[0], preferred_element_type=jnp.float32)
             + jnp.dot(x1[2 * w + 1], wb_ref[1],
                       preferred_element_type=jnp.float32))
        x2.append(s + bb_ref[...])
    return (jnp.dot(x2[0], wc_ref[0], preferred_element_type=jnp.float32)
            + jnp.dot(x2[1], wc_ref[1], preferred_element_type=jnp.float32)
            + bc_ref[...])


def _chain1_body(g_ref, xyzp_ref, wa_ref, wb_ref, wc_ref,
                 ba_ref, bb_ref, bc_ref, out_ref):
    x3 = _chain_core(g_ref, xyzp_ref, wa_ref, wb_ref, wc_ref,
                     ba_ref, bb_ref, bc_ref)
    zpad48 = jnp.zeros((x3.shape[0], 48), jnp.float32)
    out_ref[...] = jnp.concatenate([xyzp_ref[...], x3, zpad48], axis=1)


def _chain2_body(g_ref, xyzp_ref, wa_ref, wb_ref, wc_ref,
                 ba_ref, bb_ref, bc_ref, pts_ref, out_ref):
    x3 = _chain_core(g_ref, xyzp_ref, wa_ref, wb_ref, wc_ref,
                     ba_ref, bb_ref, bc_ref)
    out_ref[...] = jax.nn.relu(jnp.concatenate([x3, pts_ref[...]], axis=1))


def _run_chain(body, g4, xyzp, wa, wb, wc, ba, bb, bc,
               extra, extra_off, out_cols):
    rows = xyzp.shape[0]
    grid = (rows // MBLK,)
    nsl = MBLK // 128
    full = lambda i: (0, 0, 0)
    specs = [
        pl.BlockSpec((nsl, 8, 128, g4.shape[3]), lambda i: (i, 0, 0, 0)),
        pl.BlockSpec((MBLK, 16), lambda i: (i, 0)),
        pl.BlockSpec(wa.shape, full),
        pl.BlockSpec(wb.shape, full),
        pl.BlockSpec(wc.shape, full),
        pl.BlockSpec((1, 64), lambda i: (0, 0)),
        pl.BlockSpec((1, 64), lambda i: (0, 0)),
        pl.BlockSpec((1, 64), lambda i: (0, 0)),
    ]
    args = [g4, xyzp, wa, wb, wc, ba, bb, bc]
    if extra is not None:
        specs.append(pl.BlockSpec((MBLK, 64),
                                  lambda i: (extra_off + i, 0)))
        args.append(extra)
    return pl.pallas_call(
        body,
        grid=grid,
        in_specs=specs,
        out_specs=pl.BlockSpec((MBLK, out_cols), lambda i: (i, 0)),
        out_shape=jax.ShapeDtypeStruct((rows, out_cols), jnp.float32),
    )(*args)


def _prep_tap_weights(w):
    o, c, _ = w.shape
    out = jnp.zeros((2, 128, o), jnp.float32)
    wt = jnp.transpose(w, (2, 1, 0))
    out = out.at[:, 0:3, :].set(wt[:, 0:3, :])
    out = out.at[:, 16:16 + (c - 3), :].set(wt[:, 3:, :])
    return out


def kernel(xyz, points, w1a, b1a, w1b, b1b, w1c, b1c,
           w2a, b2a, w2b, b2b, w2c, b2c):
    B, T, N, _ = xyz.shape
    bt = B * T
    rows = bt * N
    xyz2 = xyz.reshape(bt, N, 3)
    pts_flat = points.reshape(rows, -1)

    wa1 = _prep_tap_weights(w1a)
    wb1 = jnp.transpose(w1b, (2, 1, 0))
    wc1 = jnp.transpose(w1c, (2, 1, 0))
    wa2 = _prep_tap_weights(w2a)
    wb2 = jnp.transpose(w2b, (2, 1, 0))
    wc2 = jnp.transpose(w2c, (2, 1, 0))

    ns = 2
    bh = bt // ns
    rh = bh * N
    merged_parts = []
    for s in range(ns):
        gidx3, table1, xyzp = _select(xyz2, pts_flat, s * bh, bh)
        g1 = _sc_gather(gidx3, table1).reshape(rh // 128, 8, 128, 128)
        table2 = _run_chain(_chain1_body, g1, xyzp, wa1, wb1, wc1,
                            b1a.reshape(1, -1), b1b.reshape(1, -1),
                            b1c.reshape(1, -1), None, 0, 128)
        g2 = _sc_gather(gidx3, table2).reshape(rh // 128, 8, 128, 128)
        merged_parts.append(
            _run_chain(_chain2_body, g2, xyzp, wa2, wb2, wc2,
                       b2a.reshape(1, -1), b2b.reshape(1, -1),
                       b2c.reshape(1, -1), pts_flat,
                       s * rh // MBLK, 128))
    merged = jnp.concatenate(merged_parts, axis=0)
    return (xyz, merged.reshape(B, T, N, 128))

# --- scband reference (transcript-rebuilt; emitter-appended) ---
"""Pipeline reference for scband-point-sift-res-module-26972394619821 (READ-ONLY COPY).

The authoritative reference and input builder live on the scoring server;
editing this copy changes nothing except your own understanding.
"""

import jax, jax.numpy as jnp
import numpy as np

RADIUS = 0.2

def index_points(points, idx):
    # points: [B, N, C], idx: [B, N, 8] -> [B, N, 8, C]
    return jax.vmap(lambda p, i: p[i])(points, idx)

def pointsift_select(radius, xyz):
    # Vectorized, math-equivalent form of the original per-point loop.
    B, N, _ = xyz.shape
    judge = radius ** 2
    # diff[b, n, m, :] = xyz[b, m] - xyz[b, n]  (n = centroid, m = candidate)
    diff = xyz[:, None, :, :] - xyz[:, :, None, :]
    dist = jnp.sum(diff ** 2, axis=-1)  # [B, N, N]
    sub = jnp.sum((diff + 1.0).astype(jnp.int32) * jnp.array([4, 2, 1], dtype=jnp.int32), axis=-1)
    eye = jnp.eye(N, dtype=bool)[None, :, :]
    base = jnp.where(eye, jnp.float32(judge), jnp.float32(1e10))
    idx_list = []
    for i in range(8):
        mask = (sub == i) & (dist > 1e-10) & (dist < judge)
        D = jnp.where(mask, dist, base)
        idx_list.append(jnp.argmin(D, axis=-1))
    return jnp.stack(idx_list, axis=-1)  # [B, N, 8]

def conv_1x2_s2(x, w, b):
    # Conv2d with kernel [1,2], stride [1,2]; x: [B, C, N, W], w: [O, C, 2]
    Bx, C, N, W = x.shape
    xr = x.reshape(Bx, C, N, W // 2, 2)
    return jnp.einsum('bcnwk,ock->bonw', xr, w) + b[None, :, None, None]

def setup_inputs(seed: int = 0) -> dict:
    key = jax.random.key(seed)
    ks = jax.random.split(key, 16)
    B, T, N = 2, 2, 1024
    Cextra, Cout = 64, 64
    xyz = jax.random.uniform(ks[0], (B, T, N, 3), dtype=jnp.float32)
    points = jax.random.normal(ks[1], (B, T, N, Cextra), dtype=jnp.float32)
    def w(k, o, c):
        return jax.random.normal(k, (o, c, 2), dtype=jnp.float32) * 0.05
    def bb(k, o):
        return jax.random.normal(k, (o,), dtype=jnp.float32) * 0.01
    return {
        "xyz": xyz, "points": points,
        "w1a": w(ks[2], Cout, 3 + Cextra), "b1a": bb(ks[3], Cout),
        "w1b": w(ks[4], Cout, Cout), "b1b": bb(ks[5], Cout),
        "w1c": w(ks[6], Cout, Cout), "b1c": bb(ks[7], Cout),
        "w2a": w(ks[8], Cout, 3 + Cout), "b2a": bb(ks[9], Cout),
        "w2b": w(ks[10], Cout, Cout), "b2b": bb(ks[11], Cout),
        "w2c": w(ks[12], Cout, Cout), "b2c": bb(ks[13], Cout),
    }

def reference(xyz, points, w1a, b1a, w1b, b1b, w1c, b1c, w2a, b2a, w2b, b2b, w2c, b2c):
    B, T, N, C = xyz.shape
    xyz2 = xyz.reshape(B * T, N, C)
    pts = points.reshape(B * T, N, -1)
    idx = pointsift_select(RADIUS, xyz2)
    gxyz = index_points(xyz2, idx) - xyz2[:, :, None, :]
    gpts = jnp.concatenate([gxyz, index_points(pts, idx)], axis=-1)  # [Bt, N, 8, 3+Cextra]
    gp = jnp.transpose(gpts, (0, 3, 1, 2))
    h = conv_1x2_s2(conv_1x2_s2(conv_1x2_s2(gp, w1a, b1a), w1b, b1b), w1c, b1c)
    new_points = jnp.transpose(h[..., 0], (0, 2, 1))  # [Bt, N, Cout]
    gxyz2 = index_points(xyz2, idx) - xyz2[:, :, None, :]
    gpts2 = jnp.concatenate([gxyz2, index_points(new_points, idx)], axis=-1)
    gp2 = jnp.transpose(gpts2, (0, 3, 1, 2))
    h2 = conv_1x2_s2(conv_1x2_s2(conv_1x2_s2(gp2, w2a, b2a), w2b, b2b), w2c, b2c)[..., 0]
    ptsT = jnp.transpose(pts, (0, 2, 1))
    merged = jnp.concatenate([h2, ptsT], axis=1)  # merge == 'concat'
    merged = jax.nn.relu(merged)
    merged = jnp.transpose(merged, (0, 2, 1))
    return (xyz.reshape(B, T, N, C), merged.reshape(B, T, N, -1))

if __name__ == "__main__":
    import jax
    _d = setup_inputs()
    print(jax.jit(kernel)(*tuple(_d.values())))

</pallas_src>

<mosaic_0001>
#map = affine_map<(d0, d1) -> (0, 0, 0)>
#map1 = affine_map<(d0, d1) -> (0, 0)>
module attributes {stable_mosaic.version = 14 : i64} {
  func.func @gk(%arg0: i32, %arg1: i32, %arg2: memref<16x8x128xi32, #tpu.memory_space<hbm>>, %arg3: memref<2048x128xf32, #tpu.memory_space<hbm>>, %arg4: memref<16384x128xf32, #tpu.memory_space<hbm>>, %arg5: memref<4x128xi32, #tpu.memory_space<vmem>>, %arg6: memref<512x128xf32, #tpu.memory_space<vmem>>, %arg7: memref<!tpu.dma_semaphore, #tpu.memory_space<semaphore_mem>>) attributes {dimension_semantics = [#tpu.dimension_semantics<core_parallel>, #tpu.dimension_semantics<subcore_parallel>], iteration_bounds = array<i64: 2, 16>, scalar_prefetch = 0 : i64, scratch_operands = 3 : i64, tpu.core_type = #tpu.core_type<sc_vector_subcore>, window_params = [{transform_indices = #map}, {transform_indices = #map1}, {transform_indices = #map1}]} {
    %mul3A = arith.constant 2 : i32
    %mul3A_0 = arith.muli %arg1, %mul3A : i32
    %add3A = arith.addi %mul3A_0, %arg0 : i32
    %mul3A_1 = arith.constant 4 : i32
    %mul3A_2 = arith.muli %add3A, %mul3A_1 : i32
    %jit3A = arith.constant 8 : i32
    %div3A = arith.divsi %mul3A_2, %jit3A : i32
    %sign3A = arith.constant 0 : i32
    %sign3A_3 = arith.cmpi sgt, %mul3A_2, %sign3A : i32
    %sign3A_4 = arith.extui %sign3A_3 : i1 to i32
    %sign3A_5 = arith.constant 0 : i32
    %sign3A_6 = arith.cmpi slt, %mul3A_2, %sign3A_5 : i32
    %sign3A_7 = arith.extui %sign3A_6 : i1 to i32
    %sign3A_8 = arith.subi %sign3A_4, %sign3A_7 : i32
    %sign3A_9 = arith.constant 0 : i32
    %sign3A_10 = arith.cmpi sgt, %jit3A, %sign3A_9 : i32
    %sign3A_11 = arith.extui %sign3A_10 : i1 to i32
    %sign3A_12 = arith.constant 0 : i32
    %sign3A_13 = arith.cmpi slt, %jit3A, %sign3A_12 : i32
    %sign3A_14 = arith.extui %sign3A_13 : i1 to i32
    %sign3A_15 = arith.subi %sign3A_11, %sign3A_14 : i32
    %ne3A = arith.cmpi ne, %sign3A_8, %sign3A_15 : i32
    %rem3A = arith.remsi %mul3A_2, %jit3A : i32
    %ne3A_16 = arith.constant 0 : i32
    %ne3A_17 = arith.cmpi ne, %rem3A, %ne3A_16 : i32
    %and3A = arith.andi %ne3A, %ne3A_17 : i1
    %sub3A = arith.constant 1 : i32
    %sub3A_18 = arith.subi %div3A, %sub3A : i32
    %select_n3A = arith.select %and3A, %sub3A_18, %div3A : i32
    %mul3A_19 = arith.constant 4 : i32
    %mul3A_20 = arith.muli %add3A, %mul3A_19 : i32
    %jit3A_21 = arith.constant 8 : i32
    %eq3A = arith.constant 0 : i32
    %eq3A_22 = arith.cmpi eq, %jit3A_21, %eq3A : i32
    %jit3A_23 = arith.constant 1 : i32
    %select_n3A_24 = arith.select %eq3A_22, %jit3A_23, %jit3A_21 : i32
    %rem3A_25 = arith.remsi %mul3A_20, %select_n3A_24 : i32
    %ne3A_26 = arith.constant 0 : i32
    %ne3A_27 = arith.cmpi ne, %rem3A_25, %ne3A_26 : i32
    %lt3A = arith.constant 0 : i32
    %lt3A_28 = arith.cmpi slt, %rem3A_25, %lt3A : i32
    %lt3A_29 = arith.constant 0 : i32
    %lt3A_30 = arith.cmpi slt, %select_n3A_24, %lt3A_29 : i32
    %ne3A_31 = arith.xori %lt3A_28, %lt3A_30 : i1
    %and3A_32 = arith.andi %ne3A_31, %ne3A_27 : i1
    %add3A_33 = arith.addi %rem3A_25, %select_n3A_24 : i32
    %select_n3A_34 = arith.select %and3A_32, %add3A_33, %rem3A_25 : i32
    "tpu.region"() ({
      %run_scoped3A = tpu.sem_alloc : memref<!tpu.dma_semaphore, #tpu.memory_space<semaphore_mem>>
      %dma_start3A_117 = arith.constant 0 : i32
      %dma_start3A_118 = tpu.memref_slice %arg2[%select_n3A, %select_n3A_34, %dma_start3A_117] : memref<16x8x128xi32, #tpu.memory_space<hbm>> -> memref<1x4x128xi32, #tpu.memory_space<hbm>>
      %dma_start3A_119 = tpu.memref_squeeze %dma_start3A_118 : memref<1x4x128xi32, #tpu.memory_space<hbm>> -> memref<4x128xi32, #tpu.memory_space<hbm>>
      %dma_start3A_120 = arith.constant 0 : i32
      %dma_start3A_121 = tpu.memref_slice %arg2[%select_n3A, %select_n3A_34, %dma_start3A_120] : memref<16x8x128xi32, #tpu.memory_space<hbm>> -> memref<1x4x128xi32, #tpu.memory_space<hbm>>
      %dma_start3A_122 = tpu.memref_squeeze %dma_start3A_121 : memref<1x4x128xi32, #tpu.memory_space<hbm>> -> memref<4x128xi32, #tpu.memory_space<hbm>>
      tpu.enqueue_dma source(%dma_start3A_122 : memref<4x128xi32, #tpu.memory_space<hbm>>) target(%arg5 : memref<4x128xi32, #tpu.memory_space<vmem>>) target_semaphore(%run_scoped3A : memref<!tpu.dma_semaphore, #tpu.memory_space<semaphore_mem>>)
      %dma_wait3A_123 = arith.constant 0 : i32
      %dma_wait3A_124 = tpu.memref_slice %arg2[%select_n3A, %select_n3A_34, %dma_wait3A_123] : memref<16x8x128xi32, #tpu.memory_space<hbm>> -> memref<1x4x128xi32, #tpu.memory_space<hbm>>
      %dma_wait3A_125 = tpu.memref_squeeze %dma_wait3A_124 : memref<1x4x128xi32, #tpu.memory_space<hbm>> -> memref<4x128xi32, #tpu.memory_space<hbm>>
      %dma_wait3A_126 = arith.constant 0 : i32
      %dma_wait3A_127 = tpu.memref_slice %arg2[%select_n3A, %select_n3A_34, %dma_wait3A_126] : memref<16x8x128xi32, #tpu.memory_space<hbm>> -> memref<1x4x128xi32, #tpu.memory_space<hbm>>
      %dma_wait3A_128 = tpu.memref_squeeze %dma_wait3A_127 : memref<1x4x128xi32, #tpu.memory_space<hbm>> -> memref<4x128xi32, #tpu.memory_space<hbm>>
      tpu.wait_dma2 semaphore(%run_scoped3A : memref<!tpu.dma_semaphore, #tpu.memory_space<semaphore_mem>>) src(%dma_wait3A_128 : memref<4x128xi32, #tpu.memory_space<hbm>>) dst(%arg5 : memref<4x128xi32, #tpu.memory_space<vmem>>)
      tpu.yield
    }) : () -> ()
    %dma_start3A = arith.constant 0 : i32
    %dma_start3A_35 = arith.constant 0 : i32
    %dma_start3A_36 = arith.constant 0 : i32
    %dma_start3A_37 = tpu.memref_slice %arg6[%dma_start3A_35, %dma_start3A_36] : memref<512x128xf32, #tpu.memory_space<vmem>> -> memref<128x128xf32, #tpu.memory_space<vmem>>
    %dma_start3A_38 = arith.constant 0 : i32
    %dma_start3A_39 = tpu.memref_slice %arg5[%dma_start3A, %dma_start3A_38] : memref<4x128xi32, #tpu.memory_space<vmem>> -> memref<1x128xi32, #tpu.memory_space<vmem>>
    %dma_start3A_40 = tpu.memref_squeeze %dma_start3A_39 : memref<1x128xi32, #tpu.memory_space<vmem>> -> memref<128xi32, #tpu.memory_space<vmem>>
    %dma_start3A_41 = arith.constant 0 : i32
    %dma_start3A_42 = arith.constant 0 : i32
    %dma_start3A_43 = tpu.memref_slice %arg3[%dma_start3A_41, %dma_start3A_42] : memref<2048x128xf32, #tpu.memory_space<hbm>> -> memref<2048x128xf32, #tpu.memory_space<hbm>>
    tpu.enqueue_indirect_dma source(%dma_start3A_43 : memref<2048x128xf32, #tpu.memory_space<hbm>>) target(%dma_start3A_37 : memref<128x128xf32, #tpu.memory_space<vmem>>) offsets(%dma_start3A_40 : memref<128xi32, #tpu.memory_space<vmem>>) semaphore(%arg7 : memref<!tpu.dma_semaphore, #tpu.memory_space<semaphore_mem>>)
    %dma_start3A_44 = arith.constant 1 : i32
    %dma_start3A_45 = arith.constant 128 : i32
    %dma_start3A_46 = arith.constant 0 : i32
    %dma_start3A_47 = tpu.memref_slice %arg6[%dma_start3A_45, %dma_start3A_46] : memref<512x128xf32, #tpu.memory_space<vmem>> -> memref<128x128xf32, #tpu.memory_space<vmem>>
    %dma_start3A_48 = arith.constant 0 : i32
    %dma_start3A_49 = tpu.memref_slice %arg5[%dma_start3A_44, %dma_start3A_48] : memref<4x128xi32, #tpu.memory_space<vmem>> -> memref<1x128xi32, #tpu.memory_space<vmem>>
    %dma_start3A_50 = tpu.memref_squeeze %dma_start3A_49 : memref<1x128xi32, #tpu.memory_space<vmem>> -> memref<128xi32, #tpu.memory_space<vmem>>
    %dma_start3A_51 = arith.constant 0 : i32
    %dma_start3A_52 = arith.constant 0 : i32
    %dma_start3A_53 = tpu.memref_slice %arg3[%dma_start3A_51, %dma_start3A_52] : memref<2048x128xf32, #tpu.memory_space<hbm>> -> memref<2048x128xf32, #tpu.memory_space<hbm>>
    tpu.enqueue_indirect_dma source(%dma_start3A_53 : memref<2048x128xf32, #tpu.memory_space<hbm>>) target(%dma_start3A_47 : memref<128x128xf32, #tpu.memory_space<vmem>>) offsets(%dma_start3A_50 : memref<128xi32, #tpu.memory_space<vmem>>) semaphore(%arg7 : memref<!tpu.dma_semaphore, #tpu.memory_space<semaphore_mem>>)
    %dma_start3A_54 = arith.constant 2 : i32
    %dma_start3A_55 = arith.constant 256 : i32
    %dma_start3A_56 = arith.constant 0 : i32
    %dma_start3A_57 = tpu.memref_slice %arg6[%dma_start3A_55, %dma_start3A_56] : memref<512x128xf32, #tpu.memory_space<vmem>> -> memref<128x128xf32, #tpu.memory_space<vmem>>
    %dma_start3A_58 = arith.constant 0 : i32
    %dma_start3A_59 = tpu.memref_slice %arg5[%dma_start3A_54, %dma_start3A_58] : memref<4x128xi32, #tpu.memory_space<vmem>> -> memref<1x128xi32, #tpu.memory_space<vmem>>
    %dma_start3A_60 = tpu.memref_squeeze %dma_start3A_59 : memref<1x128xi32, #tpu.memory_space<vmem>> -> memref<128xi32, #tpu.memory_space<vmem>>
    %dma_start3A_61 = arith.constant 0 : i32
    %dma_start3A_62 = arith.constant 0 : i32
    %dma_start3A_63 = tpu.memref_slice %arg3[%dma_start3A_61, %dma_start3A_62] : memref<2048x128xf32, #tpu.memory_space<hbm>> -> memref<2048x128xf32, #tpu.memory_space<hbm>>
    tpu.enqueue_indirect_dma source(%dma_start3A_63 : memref<2048x128xf32, #tpu.memory_space<hbm>>) target(%dma_start3A_57 : memref<128x128xf32, #tpu.memory_space<vmem>>) offsets(%dma_start3A_60 : memref<128xi32, #tpu.memory_space<vmem>>) semaphore(%arg7 : memref<!tpu.dma_semaphore, #tpu.memory_space<semaphore_mem>>)
    %dma_start3A_64 = arith.constant 3 : i32
    %dma_start3A_65 = arith.constant 384 : i32
    %dma_start3A_66 = arith.constant 0 : i32
    %dma_start3A_67 = tpu.memref_slice %arg6[%dma_start3A_65, %dma_start3A_66] : memref<512x128xf32, #tpu.memory_space<vmem>> -> memref<128x128xf32, #tpu.memory_space<vmem>>
    %dma_start3A_68 = arith.constant 0 : i32
    %dma_start3A_69 = tpu.memref_slice %arg5[%dma_start3A_64, %dma_start3A_68] : memref<4x128xi32, #tpu.memory_space<vmem>> -> memref<1x128xi32, #tpu.memory_space<vmem>>
    %dma_start3A_70 = tpu.memref_squeeze %dma_start3A_69 : memref<1x128xi32, #tpu.memory_space<vmem>> -> memref<128xi32, #tpu.memory_space<vmem>>
    %dma_start3A_71 = arith.constant 0 : i32
    %dma_start3A_72 = arith.constant 0 : i32
    %dma_start3A_73 = tpu.memref_slice %arg3[%dma_start3A_71, %dma_start3A_72] : memref<2048x128xf32, #tpu.memory_space<hbm>> -> memref<2048x128xf32, #tpu.memory_space<hbm>>
    tpu.enqueue_indirect_dma source(%dma_start3A_73 : memref<2048x128xf32, #tpu.memory_space<hbm>>) target(%dma_start3A_67 : memref<128x128xf32, #tpu.memory_space<vmem>>) offsets(%dma_start3A_70 : memref<128xi32, #tpu.memory_space<vmem>>) semaphore(%arg7 : memref<!tpu.dma_semaphore, #tpu.memory_space<semaphore_mem>>)
    %dma_wait3A = arith.constant 0 : i32
    %dma_wait3A_74 = arith.constant 0 : i32
    %dma_wait3A_75 = arith.constant 0 : i32
    %dma_wait3A_76 = tpu.memref_slice %arg6[%dma_wait3A_74, %dma_wait3A_75] : memref<512x128xf32, #tpu.memory_space<vmem>> -> memref<128x128xf32, #tpu.memory_space<vmem>>
    %dma_wait3A_77 = arith.constant 0 : i32
    %dma_wait3A_78 = tpu.memref_slice %arg5[%dma_wait3A, %dma_wait3A_77] : memref<4x128xi32, #tpu.memory_space<vmem>> -> memref<1x128xi32, #tpu.memory_space<vmem>>
    %dma_wait3A_79 = tpu.memref_squeeze %dma_wait3A_78 : memref<1x128xi32, #tpu.memory_space<vmem>> -> memref<128xi32, #tpu.memory_space<vmem>>
    %dma_wait3A_80 = arith.constant 0 : i32
    %dma_wait3A_81 = arith.constant 0 : i32
    %dma_wait3A_82 = tpu.memref_slice %arg3[%dma_wait3A_80, %dma_wait3A_81] : memref<2048x128xf32, #tpu.memory_space<hbm>> -> memref<2048x128xf32, #tpu.memory_space<hbm>>
    tpu.wait_indirect_dma semaphore(%arg7 : memref<!tpu.dma_semaphore, #tpu.memory_space<semaphore_mem>>) src(%dma_wait3A_82 : memref<2048x128xf32, #tpu.memory_space<hbm>>) dst(%dma_wait3A_76 : memref<128x128xf32, #tpu.memory_space<vmem>>)
    %dma_wait3A_83 = arith.constant 1 : i32
    %dma_wait3A_84 = arith.constant 128 : i32
    %dma_wait3A_85 = arith.constant 0 : i32
    %dma_wait3A_86 = tpu.memref_slice %arg6[%dma_wait3A_84, %dma_wait3A_85] : memref<512x128xf32, #tpu.memory_space<vmem>> -> memref<128x128xf32, #tpu.memory_space<vmem>>
    %dma_wait3A_87 = arith.constant 0 : i32
    %dma_wait3A_88 = tpu.memref_slice %arg5[%dma_wait3A_83, %dma_wait3A_87] : memref<4x128xi32, #tpu.memory_space<vmem>> -> memref<1x128xi32, #tpu.memory_space<vmem>>
    %dma_wait3A_89 = tpu.memref_squeeze %dma_wait3A_88 : memref<1x128xi32, #tpu.memory_space<vmem>> -> memref<128xi32, #tpu.memory_space<vmem>>
    %dma_wait3A_90 = arith.constant 0 : i32
    %dma_wait3A_91 = arith.constant 0 : i32
    %dma_wait3A_92 = tpu.memref_slice %arg3[%dma_wait3A_90, %dma_wait3A_91] : memref<2048x128xf32, #tpu.memory_space<hbm>> -> memref<2048x128xf32, #tpu.memory_space<hbm>>
    tpu.wait_indirect_dma semaphore(%arg7 : memref<!tpu.dma_semaphore, #tpu.memory_space<semaphore_mem>>) src(%dma_wait3A_92 : memref<2048x128xf32, #tpu.memory_space<hbm>>) dst(%dma_wait3A_86 : memref<128x128xf32, #tpu.memory_space<vmem>>)
    %dma_wait3A_93 = arith.constant 2 : i32
    %dma_wait3A_94 = arith.constant 256 : i32
    %dma_wait3A_95 = arith.constant 0 : i32
    %dma_wait3A_96 = tpu.memref_slice %arg6[%dma_wait3A_94, %dma_wait3A_95] : memref<512x128xf32, #tpu.memory_space<vmem>> -> memref<128x128xf32, #tpu.memory_space<vmem>>
    %dma_wait3A_97 = arith.constant 0 : i32
    %dma_wait3A_98 = tpu.memref_slice %arg5[%dma_wait3A_93, %dma_wait3A_97] : memref<4x128xi32, #tpu.memory_space<vmem>> -> memref<1x128xi32, #tpu.memory_space<vmem>>
    %dma_wait3A_99 = tpu.memref_squeeze %dma_wait3A_98 : memref<1x128xi32, #tpu.memory_space<vmem>> -> memref<128xi32, #tpu.memory_space<vmem>>
    %dma_wait3A_100 = arith.constant 0 : i32
    %dma_wait3A_101 = arith.constant 0 : i32
    %dma_wait3A_102 = tpu.memref_slice %arg3[%dma_wait3A_100, %dma_wait3A_101] : memref<2048x128xf32, #tpu.memory_space<hbm>> -> memref<2048x128xf32, #tpu.memory_space<hbm>>
    tpu.wait_indirect_dma semaphore(%arg7 : memref<!tpu.dma_semaphore, #tpu.memory_space<semaphore_mem>>) src(%dma_wait3A_102 : memref<2048x128xf32, #tpu.memory_space<hbm>>) dst(%dma_wait3A_96 : memref<128x128xf32, #tpu.memory_space<vmem>>)
    %dma_wait3A_103 = arith.constant 3 : i32
    %dma_wait3A_104 = arith.constant 384 : i32
    %dma_wait3A_105 = arith.constant 0 : i32
    %dma_wait3A_106 = tpu.memref_slice %arg6[%dma_wait3A_104, %dma_wait3A_105] : memref<512x128xf32, #tpu.memory_space<vmem>> -> memref<128x128xf32, #tpu.memory_space<vmem>>
    %dma_wait3A_107 = arith.constant 0 : i32
    %dma_wait3A_108 = tpu.memref_slice %arg5[%dma_wait3A_103, %dma_wait3A_107] : memref<4x128xi32, #tpu.memory_space<vmem>> -> memref<1x128xi32, #tpu.memory_space<vmem>>
    %dma_wait3A_109 = tpu.memref_squeeze %dma_wait3A_108 : memref<1x128xi32, #tpu.memory_space<vmem>> -> memref<128xi32, #tpu.memory_space<vmem>>
    %dma_wait3A_110 = arith.constant 0 : i32
    %dma_wait3A_111 = arith.constant 0 : i32
    %dma_wait3A_112 = tpu.memref_slice %arg3[%dma_wait3A_110, %dma_wait3A_111] : memref<2048x128xf32, #tpu.memory_space<hbm>> -> memref<2048x128xf32, #tpu.memory_space<hbm>>
    tpu.wait_indirect_dma semaphore(%arg7 : memref<!tpu.dma_semaphore, #tpu.memory_space<semaphore_mem>>) src(%dma_wait3A_112 : memref<2048x128xf32, #tpu.memory_space<hbm>>) dst(%dma_wait3A_106 : memref<128x128xf32, #tpu.memory_space<vmem>>)
    %mul3A_113 = arith.constant 4 : i32
    %mul3A_114 = arith.muli %add3A, %mul3A_113 : i32
    %mul3A_115 = arith.constant 128 : i32
    %mul3A_116 = arith.muli %mul3A_114, %mul3A_115 : i32
    "tpu.region"() ({
      %run_scoped3A = tpu.sem_alloc : memref<!tpu.dma_semaphore, #tpu.memory_space<semaphore_mem>>
      %dma_start3A_117 = arith.constant 0 : i32
      %dma_start3A_118 = tpu.memref_slice %arg4[%mul3A_116, %dma_start3A_117] : memref<16384x128xf32, #tpu.memory_space<hbm>> -> memref<512x128xf32, #tpu.memory_space<hbm>>
      %dma_start3A_119 = arith.constant 0 : i32
      %dma_start3A_120 = tpu.memref_slice %arg4[%mul3A_116, %dma_start3A_119] : memref<16384x128xf32, #tpu.memory_space<hbm>> -> memref<512x128xf32, #tpu.memory_space<hbm>>
      tpu.enqueue_dma source(%arg6 : memref<512x128xf32, #tpu.memory_space<vmem>>) target(%dma_start3A_120 : memref<512x128xf32, #tpu.memory_space<hbm>>) target_semaphore(%run_scoped3A : memref<!tpu.dma_semaphore, #tpu.memory_space<semaphore_mem>>)
      %dma_wait3A_121 = arith.constant 0 : i32
      %dma_wait3A_122 = tpu.memref_slice %arg4[%mul3A_116, %dma_wait3A_121] : memref<16384x128xf32, #tpu.memory_space<hbm>> -> memref<512x128xf32, #tpu.memory_space<hbm>>
      %dma_wait3A_123 = arith.constant 0 : i32
      %dma_wait3A_124 = tpu.memref_slice %arg4[%mul3A_116, %dma_wait3A_123] : memref<16384x128xf32, #tpu.memory_space<hbm>> -> memref<512x128xf32, #tpu.memory_space<hbm>>
      tpu.wait_dma2 semaphore(%run_scoped3A : memref<!tpu.dma_semaphore, #tpu.memory_space<semaphore_mem>>) src(%arg6 : memref<512x128xf32, #tpu.memory_space<vmem>>) dst(%dma_wait3A_124 : memref<512x128xf32, #tpu.memory_space<hbm>>)
      tpu.yield
    }) : () -> ()
    return
  }
}

#map = affine_map<(d0, d1) -> (0, 0, 0)>
#map1 = affine_map<(d0, d1) -> (0, 0)>
module attributes {stable_mosaic.version = 14 : i64} {
  func.func @gk(%arg0: i32, %arg1: i32, %arg2: memref<16x8x128xi32, #tpu.memory_space<hbm>>, %arg3: memref<2048x128xf32, #tpu.memory_space<hbm>>, %arg4: memref<16384x128xf32, #tpu.memory_space<hbm>>, %arg5: memref<4x128xi32, #tpu.memory_space<vmem>>, %arg6: memref<512x128xf32, #tpu.memory_space<vmem>>, %arg7: memref<!tpu.dma_semaphore, #tpu.memory_space<semaphore_mem>>) attributes {dimension_semantics = [#tpu.dimension_semantics<core_parallel>, #tpu.dimension_semantics<subcore_parallel>], iteration_bounds = array<i64: 2, 16>, scalar_prefetch = 0 : i64, scratch_operands = 3 : i64, tpu.core_type = #tpu.core_type<sc_vector_subcore>, window_params = [{transform_indices = #map}, {transform_indices = #map1}, {transform_indices = #map1}]} {
    %mul3A = arith.constant 2 : i32
    %mul3A_0 = arith.muli %arg1, %mul3A : i32
    %add3A = arith.addi %mul3A_0, %arg0 : i32
    %mul3A_1 = arith.constant 4 : i32
    %mul3A_2 = arith.muli %add3A, %mul3A_1 : i32
    %jit3A = arith.constant 8 : i32
    %div3A = arith.divsi %mul3A_2, %jit3A : i32
    %sign3A = arith.constant 0 : i32
    %sign3A_3 = arith.cmpi sgt, %mul3A_2, %sign3A : i32
    %sign3A_4 = arith.extui %sign3A_3 : i1 to i32
    %sign3A_5 = arith.constant 0 : i32
    %sign3A_6 = arith.cmpi slt, %mul3A_2, %sign3A_5 : i32
    %sign3A_7 = arith.extui %sign3A_6 : i1 to i32
    %sign3A_8 = arith.subi %sign3A_4, %sign3A_7 : i32
    %sign3A_9 = arith.constant 0 : i32
    %sign3A_10 = arith.cmpi sgt, %jit3A, %sign3A_9 : i32
    %sign3A_11 = arith.extui %sign3A_10 : i1 to i32
    %sign3A_12 = arith.constant 0 : i32
    %sign3A_13 = arith.cmpi slt, %jit3A, %sign3A_12 : i32
    %sign3A_14 = arith.extui %sign3A_13 : i1 to i32
    %sign3A_15 = arith.subi %sign3A_11, %sign3A_14 : i32
    %ne3A = arith.cmpi ne, %sign3A_8, %sign3A_15 : i32
    %rem3A = arith.remsi %mul3A_2, %jit3A : i32
    %ne3A_16 = arith.constant 0 : i32
    %ne3A_17 = arith.cmpi ne, %rem3A, %ne3A_16 : i32
    %and3A = arith.andi %ne3A, %ne3A_17 : i1
    %sub3A = arith.constant 1 : i32
    %sub3A_18 = arith.subi %div3A, %sub3A : i32
    %select_n3A = arith.select %and3A, %sub3A_18, %div3A : i32
    %mul3A_19 = arith.constant 4 : i32
    %mul3A_20 = arith.muli %add3A, %mul3A_19 : i32
    %jit3A_21 = arith.constant 8 : i32
    %eq3A = arith.constant 0 : i32
    %eq3A_22 = arith.cmpi eq, %jit3A_21, %eq3A : i32
    %jit3A_23 = arith.constant 1 : i32
    %select_n3A_24 = arith.select %eq3A_22, %jit3A_23, %jit3A_21 : i32
    %rem3A_25 = arith.remsi %mul3A_20, %select_n3A_24 : i32
    %ne3A_26 = arith.constant 0 : i32
    %ne3A_27 = arith.cmpi ne, %rem3A_25, %ne3A_26 : i32
    %lt3A = arith.constant 0 : i32
    %lt3A_28 = arith.cmpi slt, %rem3A_25, %lt3A : i32
    %lt3A_29 = arith.constant 0 : i32
    %lt3A_30 = arith.cmpi slt, %select_n3A_24, %lt3A_29 : i32
    %ne3A_31 = arith.xori %lt3A_28, %lt3A_30 : i1
    %and3A_32 = arith.andi %ne3A_31, %ne3A_27 : i1
    %add3A_33 = arith.addi %rem3A_25, %select_n3A_24 : i32
    %select_n3A_34 = arith.select %and3A_32, %add3A_33, %rem3A_25 : i32
    "tpu.region"() ({
      %run_scoped3A = tpu.sem_alloc : memref<!tpu.dma_semaphore, #tpu.memory_space<semaphore_mem>>
      %dma_start3A_117 = arith.constant 0 : i32
      %dma_start3A_118 = tpu.memref_slice %arg2[%select_n3A, %select_n3A_34, %dma_start3A_117] : memref<16x8x128xi32, #tpu.memory_space<hbm>> -> memref<1x4x128xi32, #tpu.memory_space<hbm>>
      %dma_start3A_119 = tpu.memref_squeeze %dma_start3A_118 : memref<1x4x128xi32, #tpu.memory_space<hbm>> -> memref<4x128xi32, #tpu.memory_space<hbm>>
      %dma_start3A_120 = arith.constant 0 : i32
      %dma_start3A_121 = tpu.memref_slice %arg2[%select_n3A, %select_n3A_34, %dma_start3A_120] : memref<16x8x128xi32, #tpu.memory_space<hbm>> -> memref<1x4x128xi32, #tpu.memory_space<hbm>>
      %dma_start3A_122 = tpu.memref_squeeze %dma_start3A_121 : memref<1x4x128xi32, #tpu.memory_space<hbm>> -> memref<4x128xi32, #tpu.memory_space<hbm>>
      tpu.enqueue_dma source(%dma_start3A_122 : memref<4x128xi32, #tpu.memory_space<hbm>>) target(%arg5 : memref<4x128xi32, #tpu.memory_space<vmem>>) target_semaphore(%run_scoped3A : memref<!tpu.dma_semaphore, #tpu.memory_space<semaphore_mem>>)
      %dma_wait3A_123 = arith.constant 0 : i32
      %dma_wait3A_124 = tpu.memref_slice %arg2[%select_n3A, %select_n3A_34, %dma_wait3A_123] : memref<16x8x128xi32, #tpu.memory_space<hbm>> -> memref<1x4x128xi32, #tpu.memory_space<hbm>>
      %dma_wait3A_125 = tpu.memref_squeeze %dma_wait3A_124 : memref<1x4x128xi32, #tpu.memory_space<hbm>> -> memref<4x128xi32, #tpu.memory_space<hbm>>
      %dma_wait3A_126 = arith.constant 0 : i32
      %dma_wait3A_127 = tpu.memref_slice %arg2[%select_n3A, %select_n3A_34, %dma_wait3A_126] : memref<16x8x128xi32, #tpu.memory_space<hbm>> -> memref<1x4x128xi32, #tpu.memory_space<hbm>>
      %dma_wait3A_128 = tpu.memref_squeeze %dma_wait3A_127 : memref<1x4x128xi32, #tpu.memory_space<hbm>> -> memref<4x128xi32, #tpu.memory_space<hbm>>
      tpu.wait_dma2 semaphore(%run_scoped3A : memref<!tpu.dma_semaphore, #tpu.memory_space<semaphore_mem>>) src(%dma_wait3A_128 : memref<4x128xi32, #tpu.memory_space<hbm>>) dst(%arg5 : memref<4x128xi32, #tpu.memory_space<vmem>>)
      tpu.yield
    }) : () -> ()
    %dma_start3A = arith.constant 0 : i32
    %dma_start3A_35 = arith.constant 0 : i32
    %dma_start3A_36 = arith.constant 0 : i32
    %dma_start3A_37 = tpu.memref_slice %arg6[%dma_start3A_35, %dma_start3A_36] : memref<512x128xf32, #tpu.memory_space<vmem>> -> memref<128x128xf32, #tpu.memory_space<vmem>>
    %dma_start3A_38 = arith.constant 0 : i32
    %dma_start3A_39 = tpu.memref_slice %arg5[%dma_start3A, %dma_start3A_38] : memref<4x128xi32, #tpu.memory_space<vmem>> -> memref<1x128xi32, #tpu.memory_space<vmem>>
    %dma_start3A_40 = tpu.memref_squeeze %dma_start3A_39 : memref<1x128xi32, #tpu.memory_space<vmem>> -> memref<128xi32, #tpu.memory_space<vmem>>
    %dma_start3A_41 = arith.constant 0 : i32
    %dma_start3A_42 = arith.constant 0 : i32
    %dma_start3A_43 = tpu.memref_slice %arg3[%dma_start3A_41, %dma_start3A_42] : memref<2048x128xf32, #tpu.memory_space<hbm>> -> memref<2048x128xf32, #tpu.memory_space<hbm>>
    tpu.enqueue_indirect_dma source(%dma_start3A_43 : memref<2048x128xf32, #tpu.memory_space<hbm>>) target(%dma_start3A_37 : memref<128x128xf32, #tpu.memory_space<vmem>>) offsets(%dma_start3A_40 : memref<128xi32, #tpu.memory_space<vmem>>) semaphore(%arg7 : memref<!tpu.dma_semaphore, #tpu.memory_space<semaphore_mem>>)
    %dma_start3A_44 = arith.constant 1 : i32
    %dma_start3A_45 = arith.constant 128 : i32
    %dma_start3A_46 = arith.constant 0 : i32
    %dma_start3A_47 = tpu.memref_slice %arg6[%dma_start3A_45, %dma_start3A_46] : memref<512x128xf32, #tpu.memory_space<vmem>> -> memref<128x128xf32, #tpu.memory_space<vmem>>
    %dma_start3A_48 = arith.constant 0 : i32
    %dma_start3A_49 = tpu.memref_slice %arg5[%dma_start3A_44, %dma_start3A_48] : memref<4x128xi32, #tpu.memory_space<vmem>> -> memref<1x128xi32, #tpu.memory_space<vmem>>
    %dma_start3A_50 = tpu.memref_squeeze %dma_start3A_49 : memref<1x128xi32, #tpu.memory_space<vmem>> -> memref<128xi32, #tpu.memory_space<vmem>>
    %dma_start3A_51 = arith.constant 0 : i32
    %dma_start3A_52 = arith.constant 0 : i32
    %dma_start3A_53 = tpu.memref_slice %arg3[%dma_start3A_51, %dma_start3A_52] : memref<2048x128xf32, #tpu.memory_space<hbm>> -> memref<2048x128xf32, #tpu.memory_space<hbm>>
    tpu.enqueue_indirect_dma source(%dma_start3A_53 : memref<2048x128xf32, #tpu.memory_space<hbm>>) target(%dma_start3A_47 : memref<128x128xf32, #tpu.memory_space<vmem>>) offsets(%dma_start3A_50 : memref<128xi32, #tpu.memory_space<vmem>>) semaphore(%arg7 : memref<!tpu.dma_semaphore, #tpu.memory_space<semaphore_mem>>)
    %dma_start3A_54 = arith.constant 2 : i32
    %dma_start3A_55 = arith.constant 256 : i32
    %dma_start3A_56 = arith.constant 0 : i32
    %dma_start3A_57 = tpu.memref_slice %arg6[%dma_start3A_55, %dma_start3A_56] : memref<512x128xf32, #tpu.memory_space<vmem>> -> memref<128x128xf32, #tpu.memory_space<vmem>>
    %dma_start3A_58 = arith.constant 0 : i32
    %dma_start3A_59 = tpu.memref_slice %arg5[%dma_start3A_54, %dma_start3A_58] : memref<4x128xi32, #tpu.memory_space<vmem>> -> memref<1x128xi32, #tpu.memory_space<vmem>>
    %dma_start3A_60 = tpu.memref_squeeze %dma_start3A_59 : memref<1x128xi32, #tpu.memory_space<vmem>> -> memref<128xi32, #tpu.memory_space<vmem>>
    %dma_start3A_61 = arith.constant 0 : i32
    %dma_start3A_62 = arith.constant 0 : i32
    %dma_start3A_63 = tpu.memref_slice %arg3[%dma_start3A_61, %dma_start3A_62] : memref<2048x128xf32, #tpu.memory_space<hbm>> -> memref<2048x128xf32, #tpu.memory_space<hbm>>
    tpu.enqueue_indirect_dma source(%dma_start3A_63 : memref<2048x128xf32, #tpu.memory_space<hbm>>) target(%dma_start3A_57 : memref<128x128xf32, #tpu.memory_space<vmem>>) offsets(%dma_start3A_60 : memref<128xi32, #tpu.memory_space<vmem>>) semaphore(%arg7 : memref<!tpu.dma_semaphore, #tpu.memory_space<semaphore_mem>>)
    %dma_start3A_64 = arith.constant 3 : i32
    %dma_start3A_65 = arith.constant 384 : i32
    %dma_start3A_66 = arith.constant 0 : i32
    %dma_start3A_67 = tpu.memref_slice %arg6[%dma_start3A_65, %dma_start3A_66] : memref<512x128xf32, #tpu.memory_space<vmem>> -> memref<128x128xf32, #tpu.memory_space<vmem>>
    %dma_start3A_68 = arith.constant 0 : i32
    %dma_start3A_69 = tpu.memref_slice %arg5[%dma_start3A_64, %dma_start3A_68] : memref<4x128xi32, #tpu.memory_space<vmem>> -> memref<1x128xi32, #tpu.memory_space<vmem>>
    %dma_start3A_70 = tpu.memref_squeeze %dma_start3A_69 : memref<1x128xi32, #tpu.memory_space<vmem>> -> memref<128xi32, #tpu.memory_space<vmem>>
    %dma_start3A_71 = arith.constant 0 : i32
    %dma_start3A_72 = arith.constant 0 : i32
    %dma_start3A_73 = tpu.memref_slice %arg3[%dma_start3A_71, %dma_start3A_72] : memref<2048x128xf32, #tpu.memory_space<hbm>> -> memref<2048x128xf32, #tpu.memory_space<hbm>>
    tpu.enqueue_indirect_dma source(%dma_start3A_73 : memref<2048x128xf32, #tpu.memory_space<hbm>>) target(%dma_start3A_67 : memref<128x128xf32, #tpu.memory_space<vmem>>) offsets(%dma_start3A_70 : memref<128xi32, #tpu.memory_space<vmem>>) semaphore(%arg7 : memref<!tpu.dma_semaphore, #tpu.memory_space<semaphore_mem>>)
    %dma_wait3A = arith.constant 0 : i32
    %dma_wait3A_74 = arith.constant 0 : i32
    %dma_wait3A_75 = arith.constant 0 : i32
    %dma_wait3A_76 = tpu.memref_slice %arg6[%dma_wait3A_74, %dma_wait3A_75] : memref<512x128xf32, #tpu.memory_space<vmem>> -> memref<128x128xf32, #tpu.memory_space<vmem>>
    %dma_wait3A_77 = arith.constant 0 : i32
    %dma_wait3A_78 = tpu.memref_slice %arg5[%dma_wait3A, %dma_wait3A_77] : memref<4x128xi32, #tpu.memory_space<vmem>> -> memref<1x128xi32, #tpu.memory_space<vmem>>
    %dma_wait3A_79 = tpu.memref_squeeze %dma_wait3A_78 : memref<1x128xi32, #tpu.memory_space<vmem>> -> memref<128xi32, #tpu.memory_space<vmem>>
    %dma_wait3A_80 = arith.constant 0 : i32
    %dma_wait3A_81 = arith.constant 0 : i32
    %dma_wait3A_82 = tpu.memref_slice %arg3[%dma_wait3A_80, %dma_wait3A_81] : memref<2048x128xf32, #tpu.memory_space<hbm>> -> memref<2048x128xf32, #tpu.memory_space<hbm>>
    tpu.wait_indirect_dma semaphore(%arg7 : memref<!tpu.dma_semaphore, #tpu.memory_space<semaphore_mem>>) src(%dma_wait3A_82 : memref<2048x128xf32, #tpu.memory_space<hbm>>) dst(%dma_wait3A_76 : memref<128x128xf32, #tpu.memory_space<vmem>>)
    %dma_wait3A_83 = arith.constant 1 : i32
    %dma_wait3A_84 = arith.constant 128 : i32
    %dma_wait3A_85 = arith.constant 0 : i32
    %dma_wait3A_86 = tpu.memref_slice %arg6[%dma_wait3A_84, %dma_wait3A_85] : memref<512x128xf32, #tpu.memory_space<vmem>> -> memref<128x128xf32, #tpu.memory_space<vmem>>
    %dma_wait3A_87 = arith.constant 0 : i32
    %dma_wait3A_88 = tpu.memref_slice %arg5[%dma_wait3A_83, %dma_wait3A_87] : memref<4x128xi32, #tpu.memory_space<vmem>> -> memref<1x128xi32, #tpu.memory_space<vmem>>
    %dma_wait3A_89 = tpu.memref_squeeze %dma_wait3A_88 : memref<1x128xi32, #tpu.memory_space<vmem>> -> memref<128xi32, #tpu.memory_space<vmem>>
    %dma_wait3A_90 = arith.constant 0 : i32
    %dma_wait3A_91 = arith.constant 0 : i32
    %dma_wait3A_92 = tpu.memref_slice %arg3[%dma_wait3A_90, %dma_wait3A_91] : memref<2048x128xf32, #tpu.memory_space<hbm>> -> memref<2048x128xf32, #tpu.memory_space<hbm>>
    tpu.wait_indirect_dma semaphore(%arg7 : memref<!tpu.dma_semaphore, #tpu.memory_space<semaphore_mem>>) src(%dma_wait3A_92 : memref<2048x128xf32, #tpu.memory_space<hbm>>) dst(%dma_wait3A_86 : memref<128x128xf32, #tpu.memory_space<vmem>>)
    %dma_wait3A_93 = arith.constant 2 : i32
    %dma_wait3A_94 = arith.constant 256 : i32
    %dma_wait3A_95 = arith.constant 0 : i32
    %dma_wait3A_96 = tpu.memref_slice %arg6[%dma_wait3A_94, %dma_wait3A_95] : memref<512x128xf32, #tpu.memory_space<vmem>> -> memref<128x128xf32, #tpu.memory_space<vmem>>
    %dma_wait3A_97 = arith.constant 0 : i32
    %dma_wait3A_98 = tpu.memref_slice %arg5[%dma_wait3A_93, %dma_wait3A_97] : memref<4x128xi32, #tpu.memory_space<vmem>> -> memref<1x128xi32, #tpu.memory_space<vmem>>
    %dma_wait3A_99 = tpu.memref_squeeze %dma_wait3A_98 : memref<1x128xi32, #tpu.memory_space<vmem>> -> memref<128xi32, #tpu.memory_space<vmem>>
    %dma_wait3A_100 = arith.constant 0 : i32
    %dma_wait3A_101 = arith.constant 0 : i32
    %dma_wait3A_102 = tpu.memref_slice %arg3[%dma_wait3A_100, %dma_wait3A_101] : memref<2048x128xf32, #tpu.memory_space<hbm>> -> memref<2048x128xf32, #tpu.memory_space<hbm>>
    tpu.wait_indirect_dma semaphore(%arg7 : memref<!tpu.dma_semaphore, #tpu.memory_space<semaphore_mem>>) src(%dma_wait3A_102 : memref<2048x128xf32, #tpu.memory_space<hbm>>) dst(%dma_wait3A_96 : memref<128x128xf32, #tpu.memory_space<vmem>>)
    %dma_wait3A_103 = arith.constant 3 : i32
    %dma_wait3A_104 = arith.constant 384 : i32
    %dma_wait3A_105 = arith.constant 0 : i32
    %dma_wait3A_106 = tpu.memref_slice %arg6[%dma_wait3A_104, %dma_wait3A_105] : memref<512x128xf32, #tpu.memory_space<vmem>> -> memref<128x128xf32, #tpu.memory_space<vmem>>
    %dma_wait3A_107 = arith.constant 0 : i32
    %dma_wait3A_108 = tpu.memref_slice %arg5[%dma_wait3A_103, %dma_wait3A_107] : memref<4x128xi32, #tpu.memory_space<vmem>> -> memref<1x128xi32, #tpu.memory_space<vmem>>
    %dma_wait3A_109 = tpu.memref_squeeze %dma_wait3A_108 : memref<1x128xi32, #tpu.memory_space<vmem>> -> memref<128xi32, #tpu.memory_space<vmem>>
    %dma_wait3A_110 = arith.constant 0 : i32
    %dma_wait3A_111 = arith.constant 0 : i32
    %dma_wait3A_112 = tpu.memref_slice %arg3[%dma_wait3A_110, %dma_wait3A_111] : memref<2048x128xf32, #tpu.memory_space<hbm>> -> memref<2048x128xf32, #tpu.memory_space<hbm>>
    tpu.wait_indirect_dma semaphore(%arg7 : memref<!tpu.dma_semaphore, #tpu.memory_space<semaphore_mem>>) src(%dma_wait3A_112 : memref<2048x128xf32, #tpu.memory_space<hbm>>) dst(%dma_wait3A_106 : memref<128x128xf32, #tpu.memory_space<vmem>>)
    %mul3A_113 = arith.constant 4 : i32
    %mul3A_114 = arith.muli %add3A, %mul3A_113 : i32
    %mul3A_115 = arith.constant 128 : i32
    %mul3A_116 = arith.muli %mul3A_114, %mul3A_115 : i32
    "tpu.region"() ({
      %run_scoped3A = tpu.sem_alloc : memref<!tpu.dma_semaphore, #tpu.memory_space<semaphore_mem>>
      %dma_start3A_117 = arith.constant 0 : i32
      %dma_start3A_118 = tpu.memref_slice %arg4[%mul3A_116, %dma_start3A_117] : memref<16384x128xf32, #tpu.memory_space<hbm>> -> memref<512x128xf32, #tpu.memory_space<hbm>>
      %dma_start3A_119 = arith.constant 0 : i32
      %dma_start3A_120 = tpu.memref_slice %arg4[%mul3A_116, %dma_start3A_119] : memref<16384x128xf32, #tpu.memory_space<hbm>> -> memref<512x128xf32, #tpu.memory_space<hbm>>
      tpu.enqueue_dma source(%arg6 : memref<512x128xf32, #tpu.memory_space<vmem>>) target(%dma_start3A_120 : memref<512x128xf32, #tpu.memory_space<hbm>>) target_semaphore(%run_scoped3A : memref<!tpu.dma_semaphore, #tpu.memory_space<semaphore_mem>>)
      %dma_wait3A_121 = arith.constant 0 : i32
      %dma_wait3A_122 = tpu.memref_slice %arg4[%mul3A_116, %dma_wait3A_121] : memref<16384x128xf32, #tpu.memory_space<hbm>> -> memref<512x128xf32, #tpu.memory_space<hbm>>
      %dma_wait3A_123 = arith.constant 0 : i32
      %dma_wait3A_124 = tpu.memref_slice %arg4[%mul3A_116, %dma_wait3A_123] : memref<16384x128xf32, #tpu.memory_space<hbm>> -> memref<512x128xf32, #tpu.memory_space<hbm>>
      tpu.wait_dma2 semaphore(%run_scoped3A : memref<!tpu.dma_semaphore, #tpu.memory_space<semaphore_mem>>) src(%arg6 : memref<512x128xf32, #tpu.memory_space<vmem>>) dst(%dma_wait3A_124 : memref<512x128xf32, #tpu.memory_space<hbm>>)
      tpu.yield
    }) : () -> ()
    return
  }
}

#map = affine_map<(d0, d1) -> (0, 0, 0)>
#map1 = affine_map<(d0, d1) -> (0, 0)>
module attributes {stable_mosaic.version = 14 : i64} {
  func.func @gk(%arg0: i32, %arg1: i32, %arg2: memref<16x8x128xi32, #tpu.memory_space<hbm>>, %arg3: memref<2048x128xf32, #tpu.memory_space<hbm>>, %arg4: memref<16384x128xf32, #tpu.memory_space<hbm>>, %arg5: memref<4x128xi32, #tpu.memory_space<vmem>>, %arg6: memref<512x128xf32, #tpu.memory_space<vmem>>, %arg7: memref<!tpu.dma_semaphore, #tpu.memory_space<semaphore_mem>>) attributes {dimension_semantics = [#tpu.dimension_semantics<core_parallel>, #tpu.dimension_semantics<subcore_parallel>], iteration_bounds = array<i64: 2, 16>, scalar_prefetch = 0 : i64, scratch_operands = 3 : i64, tpu.core_type = #tpu.core_type<sc_vector_subcore>, window_params = [{transform_indices = #map}, {transform_indices = #map1}, {transform_indices = #map1}]} {
    %mul3A = arith.constant 2 : i32
    %mul3A_0 = arith.muli %arg1, %mul3A : i32
    %add3A = arith.addi %mul3A_0, %arg0 : i32
    %mul3A_1 = arith.constant 4 : i32
    %mul3A_2 = arith.muli %add3A, %mul3A_1 : i32
    %jit3A = arith.constant 8 : i32
    %div3A = arith.divsi %mul3A_2, %jit3A : i32
    %sign3A = arith.constant 0 : i32
    %sign3A_3 = arith.cmpi sgt, %mul3A_2, %sign3A : i32
    %sign3A_4 = arith.extui %sign3A_3 : i1 to i32
    %sign3A_5 = arith.constant 0 : i32
    %sign3A_6 = arith.cmpi slt, %mul3A_2, %sign3A_5 : i32
    %sign3A_7 = arith.extui %sign3A_6 : i1 to i32
    %sign3A_8 = arith.subi %sign3A_4, %sign3A_7 : i32
    %sign3A_9 = arith.constant 0 : i32
    %sign3A_10 = arith.cmpi sgt, %jit3A, %sign3A_9 : i32
    %sign3A_11 = arith.extui %sign3A_10 : i1 to i32
    %sign3A_12 = arith.constant 0 : i32
    %sign3A_13 = arith.cmpi slt, %jit3A, %sign3A_12 : i32
    %sign3A_14 = arith.extui %sign3A_13 : i1 to i32
    %sign3A_15 = arith.subi %sign3A_11, %sign3A_14 : i32
    %ne3A = arith.cmpi ne, %sign3A_8, %sign3A_15 : i32
    %rem3A = arith.remsi %mul3A_2, %jit3A : i32
    %ne3A_16 = arith.constant 0 : i32
    %ne3A_17 = arith.cmpi ne, %rem3A, %ne3A_16 : i32
    %and3A = arith.andi %ne3A, %ne3A_17 : i1
    %sub3A = arith.constant 1 : i32
    %sub3A_18 = arith.subi %div3A, %sub3A : i32
    %select_n3A = arith.select %and3A, %sub3A_18, %div3A : i32
    %mul3A_19 = arith.constant 4 : i32
    %mul3A_20 = arith.muli %add3A, %mul3A_19 : i32
    %jit3A_21 = arith.constant 8 : i32
    %eq3A = arith.constant 0 : i32
    %eq3A_22 = arith.cmpi eq, %jit3A_21, %eq3A : i32
    %jit3A_23 = arith.constant 1 : i32
    %select_n3A_24 = arith.select %eq3A_22, %jit3A_23, %jit3A_21 : i32
    %rem3A_25 = arith.remsi %mul3A_20, %select_n3A_24 : i32
    %ne3A_26 = arith.constant 0 : i32
    %ne3A_27 = arith.cmpi ne, %rem3A_25, %ne3A_26 : i32
    %lt3A = arith.constant 0 : i32
    %lt3A_28 = arith.cmpi slt, %rem3A_25, %lt3A : i32
    %lt3A_29 = arith.constant 0 : i32
    %lt3A_30 = arith.cmpi slt, %select_n3A_24, %lt3A_29 : i32
    %ne3A_31 = arith.xori %lt3A_28, %lt3A_30 : i1
    %and3A_32 = arith.andi %ne3A_31, %ne3A_27 : i1
    %add3A_33 = arith.addi %rem3A_25, %select_n3A_24 : i32
    %select_n3A_34 = arith.select %and3A_32, %add3A_33, %rem3A_25 : i32
    "tpu.region"() ({
      %run_scoped3A = tpu.sem_alloc : memref<!tpu.dma_semaphore, #tpu.memory_space<semaphore_mem>>
      %dma_start3A_117 = arith.constant 0 : i32
      %dma_start3A_118 = tpu.memref_slice %arg2[%select_n3A, %select_n3A_34, %dma_start3A_117] : memref<16x8x128xi32, #tpu.memory_space<hbm>> -> memref<1x4x128xi32, #tpu.memory_space<hbm>>
      %dma_start3A_119 = tpu.memref_squeeze %dma_start3A_118 : memref<1x4x128xi32, #tpu.memory_space<hbm>> -> memref<4x128xi32, #tpu.memory_space<hbm>>
      %dma_start3A_120 = arith.constant 0 : i32
      %dma_start3A_121 = tpu.memref_slice %arg2[%select_n3A, %select_n3A_34, %dma_start3A_120] : memref<16x8x128xi32, #tpu.memory_space<hbm>> -> memref<1x4x128xi32, #tpu.memory_space<hbm>>
      %dma_start3A_122 = tpu.memref_squeeze %dma_start3A_121 : memref<1x4x128xi32, #tpu.memory_space<hbm>> -> memref<4x128xi32, #tpu.memory_space<hbm>>
      tpu.enqueue_dma source(%dma_start3A_122 : memref<4x128xi32, #tpu.memory_space<hbm>>) target(%arg5 : memref<4x128xi32, #tpu.memory_space<vmem>>) target_semaphore(%run_scoped3A : memref<!tpu.dma_semaphore, #tpu.memory_space<semaphore_mem>>)
      %dma_wait3A_123 = arith.constant 0 : i32
      %dma_wait3A_124 = tpu.memref_slice %arg2[%select_n3A, %select_n3A_34, %dma_wait3A_123] : memref<16x8x128xi32, #tpu.memory_space<hbm>> -> memref<1x4x128xi32, #tpu.memory_space<hbm>>
      %dma_wait3A_125 = tpu.memref_squeeze %dma_wait3A_124 : memref<1x4x128xi32, #tpu.memory_space<hbm>> -> memref<4x128xi32, #tpu.memory_space<hbm>>
      %dma_wait3A_126 = arith.constant 0 : i32
      %dma_wait3A_127 = tpu.memref_slice %arg2[%select_n3A, %select_n3A_34, %dma_wait3A_126] : memref<16x8x128xi32, #tpu.memory_space<hbm>> -> memref<1x4x128xi32, #tpu.memory_space<hbm>>
      %dma_wait3A_128 = tpu.memref_squeeze %dma_wait3A_127 : memref<1x4x128xi32, #tpu.memory_space<hbm>> -> memref<4x128xi32, #tpu.memory_space<hbm>>
      tpu.wait_dma2 semaphore(%run_scoped3A : memref<!tpu.dma_semaphore, #tpu.memory_space<semaphore_mem>>) src(%dma_wait3A_128 : memref<4x128xi32, #tpu.memory_space<hbm>>) dst(%arg5 : memref<4x128xi32, #tpu.memory_space<vmem>>)
      tpu.yield
    }) : () -> ()
    %dma_start3A = arith.constant 0 : i32
    %dma_start3A_35 = arith.constant 0 : i32
    %dma_start3A_36 = arith.constant 0 : i32
    %dma_start3A_37 = tpu.memref_slice %arg6[%dma_start3A_35, %dma_start3A_36] : memref<512x128xf32, #tpu.memory_space<vmem>> -> memref<128x128xf32, #tpu.memory_space<vmem>>
    %dma_start3A_38 = arith.constant 0 : i32
    %dma_start3A_39 = tpu.memref_slice %arg5[%dma_start3A, %dma_start3A_38] : memref<4x128xi32, #tpu.memory_space<vmem>> -> memref<1x128xi32, #tpu.memory_space<vmem>>
    %dma_start3A_40 = tpu.memref_squeeze %dma_start3A_39 : memref<1x128xi32, #tpu.memory_space<vmem>> -> memref<128xi32, #tpu.memory_space<vmem>>
    %dma_start3A_41 = arith.constant 0 : i32
    %dma_start3A_42 = arith.constant 0 : i32
    %dma_start3A_43 = tpu.memref_slice %arg3[%dma_start3A_41, %dma_start3A_42] : memref<2048x128xf32, #tpu.memory_space<hbm>> -> memref<2048x128xf32, #tpu.memory_space<hbm>>
    tpu.enqueue_indirect_dma source(%dma_start3A_43 : memref<2048x128xf32, #tpu.memory_space<hbm>>) target(%dma_start3A_37 : memref<128x128xf32, #tpu.memory_space<vmem>>) offsets(%dma_start3A_40 : memref<128xi32, #tpu.memory_space<vmem>>) semaphore(%arg7 : memref<!tpu.dma_semaphore, #tpu.memory_space<semaphore_mem>>)
    %dma_start3A_44 = arith.constant 1 : i32
    %dma_start3A_45 = arith.constant 128 : i32
    %dma_start3A_46 = arith.constant 0 : i32
    %dma_start3A_47 = tpu.memref_slice %arg6[%dma_start3A_45, %dma_start3A_46] : memref<512x128xf32, #tpu.memory_space<vmem>> -> memref<128x128xf32, #tpu.memory_space<vmem>>
    %dma_start3A_48 = arith.constant 0 : i32
    %dma_start3A_49 = tpu.memref_slice %arg5[%dma_start3A_44, %dma_start3A_48] : memref<4x128xi32, #tpu.memory_space<vmem>> -> memref<1x128xi32, #tpu.memory_space<vmem>>
    %dma_start3A_50 = tpu.memref_squeeze %dma_start3A_49 : memref<1x128xi32, #tpu.memory_space<vmem>> -> memref<128xi32, #tpu.memory_space<vmem>>
    %dma_start3A_51 = arith.constant 0 : i32
    %dma_start3A_52 = arith.constant 0 : i32
    %dma_start3A_53 = tpu.memref_slice %arg3[%dma_start3A_51, %dma_start3A_52] : memref<2048x128xf32, #tpu.memory_space<hbm>> -> memref<2048x128xf32, #tpu.memory_space<hbm>>
    tpu.enqueue_indirect_dma source(%dma_start3A_53 : memref<2048x128xf32, #tpu.memory_space<hbm>>) target(%dma_start3A_47 : memref<128x128xf32, #tpu.memory_space<vmem>>) offsets(%dma_start3A_50 : memref<128xi32, #tpu.memory_space<vmem>>) semaphore(%arg7 : memref<!tpu.dma_semaphore, #tpu.memory_space<semaphore_mem>>)
    %dma_start3A_54 = arith.constant 2 : i32
    %dma_start3A_55 = arith.constant 256 : i32
    %dma_start3A_56 = arith.constant 0 : i32
    %dma_start3A_57 = tpu.memref_slice %arg6[%dma_start3A_55, %dma_start3A_56] : memref<512x128xf32, #tpu.memory_space<vmem>> -> memref<128x128xf32, #tpu.memory_space<vmem>>
    %dma_start3A_58 = arith.constant 0 : i32
    %dma_start3A_59 = tpu.memref_slice %arg5[%dma_start3A_54, %dma_start3A_58] : memref<4x128xi32, #tpu.memory_space<vmem>> -> memref<1x128xi32, #tpu.memory_space<vmem>>
    %dma_start3A_60 = tpu.memref_squeeze %dma_start3A_59 : memref<1x128xi32, #tpu.memory_space<vmem>> -> memref<128xi32, #tpu.memory_space<vmem>>
    %dma_start3A_61 = arith.constant 0 : i32
    %dma_start3A_62 = arith.constant 0 : i32
    %dma_start3A_63 = tpu.memref_slice %arg3[%dma_start3A_61, %dma_start3A_62] : memref<2048x128xf32, #tpu.memory_space<hbm>> -> memref<2048x128xf32, #tpu.memory_space<hbm>>
    tpu.enqueue_indirect_dma source(%dma_start3A_63 : memref<2048x128xf32, #tpu.memory_space<hbm>>) target(%dma_start3A_57 : memref<128x128xf32, #tpu.memory_space<vmem>>) offsets(%dma_start3A_60 : memref<128xi32, #tpu.memory_space<vmem>>) semaphore(%arg7 : memref<!tpu.dma_semaphore, #tpu.memory_space<semaphore_mem>>)
    %dma_start3A_64 = arith.constant 3 : i32
    %dma_start3A_65 = arith.constant 384 : i32
    %dma_start3A_66 = arith.constant 0 : i32
    %dma_start3A_67 = tpu.memref_slice %arg6[%dma_start3A_65, %dma_start3A_66] : memref<512x128xf32, #tpu.memory_space<vmem>> -> memref<128x128xf32, #tpu.memory_space<vmem>>
    %dma_start3A_68 = arith.constant 0 : i32
    %dma_start3A_69 = tpu.memref_slice %arg5[%dma_start3A_64, %dma_start3A_68] : memref<4x128xi32, #tpu.memory_space<vmem>> -> memref<1x128xi32, #tpu.memory_space<vmem>>
    %dma_start3A_70 = tpu.memref_squeeze %dma_start3A_69 : memref<1x128xi32, #tpu.memory_space<vmem>> -> memref<128xi32, #tpu.memory_space<vmem>>
    %dma_start3A_71 = arith.constant 0 : i32
    %dma_start3A_72 = arith.constant 0 : i32
    %dma_start3A_73 = tpu.memref_slice %arg3[%dma_start3A_71, %dma_start3A_72] : memref<2048x128xf32, #tpu.memory_space<hbm>> -> memref<2048x128xf32, #tpu.memory_space<hbm>>
    tpu.enqueue_indirect_dma source(%dma_start3A_73 : memref<2048x128xf32, #tpu.memory_space<hbm>>) target(%dma_start3A_67 : memref<128x128xf32, #tpu.memory_space<vmem>>) offsets(%dma_start3A_70 : memref<128xi32, #tpu.memory_space<vmem>>) semaphore(%arg7 : memref<!tpu.dma_semaphore, #tpu.memory_space<semaphore_mem>>)
    %dma_wait3A = arith.constant 0 : i32
    %dma_wait3A_74 = arith.constant 0 : i32
    %dma_wait3A_75 = arith.constant 0 : i32
    %dma_wait3A_76 = tpu.memref_slice %arg6[%dma_wait3A_74, %dma_wait3A_75] : memref<512x128xf32, #tpu.memory_space<vmem>> -> memref<128x128xf32, #tpu.memory_space<vmem>>
    %dma_wait3A_77 = arith.constant 0 : i32
    %dma_wait3A_78 = tpu.memref_slice %arg5[%dma_wait3A, %dma_wait3A_77] : memref<4x128xi32, #tpu.memory_space<vmem>> -> memref<1x128xi32, #tpu.memory_space<vmem>>
    %dma_wait3A_79 = tpu.memref_squeeze %dma_wait3A_78 : memref<1x128xi32, #tpu.memory_space<vmem>> -> memref<128xi32, #tpu.memory_space<vmem>>
    %dma_wait3A_80 = arith.constant 0 : i32
    %dma_wait3A_81 = arith.constant 0 : i32
    %dma_wait3A_82 = tpu.memref_slice %arg3[%dma_wait3A_80, %dma_wait3A_81] : memref<2048x128xf32, #tpu.memory_space<hbm>> -> memref<2048x128xf32, #tpu.memory_space<hbm>>
    tpu.wait_indirect_dma semaphore(%arg7 : memref<!tpu.dma_semaphore, #tpu.memory_space<semaphore_mem>>) src(%dma_wait3A_82 : memref<2048x128xf32, #tpu.memory_space<hbm>>) dst(%dma_wait3A_76 : memref<128x128xf32, #tpu.memory_space<vmem>>)
    %dma_wait3A_83 = arith.constant 1 : i32
    %dma_wait3A_84 = arith.constant 128 : i32
    %dma_wait3A_85 = arith.constant 0 : i32
    %dma_wait3A_86 = tpu.memref_slice %arg6[%dma_wait3A_84, %dma_wait3A_85] : memref<512x128xf32, #tpu.memory_space<vmem>> -> memref<128x128xf32, #tpu.memory_space<vmem>>
    %dma_wait3A_87 = arith.constant 0 : i32
    %dma_wait3A_88 = tpu.memref_slice %arg5[%dma_wait3A_83, %dma_wait3A_87] : memref<4x128xi32, #tpu.memory_space<vmem>> -> memref<1x128xi32, #tpu.memory_space<vmem>>
    %dma_wait3A_89 = tpu.memref_squeeze %dma_wait3A_88 : memref<1x128xi32, #tpu.memory_space<vmem>> -> memref<128xi32, #tpu.memory_space<vmem>>
    %dma_wait3A_90 = arith.constant 0 : i32
    %dma_wait3A_91 = arith.constant 0 : i32
    %dma_wait3A_92 = tpu.memref_slice %arg3[%dma_wait3A_90, %dma_wait3A_91] : memref<2048x128xf32, #tpu.memory_space<hbm>> -> memref<2048x128xf32, #tpu.memory_space<hbm>>
    tpu.wait_indirect_dma semaphore(%arg7 : memref<!tpu.dma_semaphore, #tpu.memory_space<semaphore_mem>>) src(%dma_wait3A_92 : memref<2048x128xf32, #tpu.memory_space<hbm>>) dst(%dma_wait3A_86 : memref<128x128xf32, #tpu.memory_space<vmem>>)
    %dma_wait3A_93 = arith.constant 2 : i32
    %dma_wait3A_94 = arith.constant 256 : i32
    %dma_wait3A_95 = arith.constant 0 : i32
    %dma_wait3A_96 = tpu.memref_slice %arg6[%dma_wait3A_94, %dma_wait3A_95] : memref<512x128xf32, #tpu.memory_space<vmem>> -> memref<128x128xf32, #tpu.memory_space<vmem>>
    %dma_wait3A_97 = arith.constant 0 : i32
    %dma_wait3A_98 = tpu.memref_slice %arg5[%dma_wait3A_93, %dma_wait3A_97] : memref<4x128xi32, #tpu.memory_space<vmem>> -> memref<1x128xi32, #tpu.memory_space<vmem>>
    %dma_wait3A_99 = tpu.memref_squeeze %dma_wait3A_98 : memref<1x128xi32, #tpu.memory_space<vmem>> -> memref<128xi32, #tpu.memory_space<vmem>>
    %dma_wait3A_100 = arith.constant 0 : i32
    %dma_wait3A_101 = arith.constant 0 : i32
    %dma_wait3A_102 = tpu.memref_slice %arg3[%dma_wait3A_100, %dma_wait3A_101] : memref<2048x128xf32, #tpu.memory_space<hbm>> -> memref<2048x128xf32, #tpu.memory_space<hbm>>
    tpu.wait_indirect_dma semaphore(%arg7 : memref<!tpu.dma_semaphore, #tpu.memory_space<semaphore_mem>>) src(%dma_wait3A_102 : memref<2048x128xf32, #tpu.memory_space<hbm>>) dst(%dma_wait3A_96 : memref<128x128xf32, #tpu.memory_space<vmem>>)
    %dma_wait3A_103 = arith.constant 3 : i32
    %dma_wait3A_104 = arith.constant 384 : i32
    %dma_wait3A_105 = arith.constant 0 : i32
    %dma_wait3A_106 = tpu.memref_slice %arg6[%dma_wait3A_104, %dma_wait3A_105] : memref<512x128xf32, #tpu.memory_space<vmem>> -> memref<128x128xf32, #tpu.memory_space<vmem>>
    %dma_wait3A_107 = arith.constant 0 : i32
    %dma_wait3A_108 = tpu.memref_slice %arg5[%dma_wait3A_103, %dma_wait3A_107] : memref<4x128xi32, #tpu.memory_space<vmem>> -> memref<1x128xi32, #tpu.memory_space<vmem>>
    %dma_wait3A_109 = tpu.memref_squeeze %dma_wait3A_108 : memref<1x128xi32, #tpu.memory_space<vmem>> -> memref<128xi32, #tpu.memory_space<vmem>>
    %dma_wait3A_110 = arith.constant 0 : i32
    %dma_wait3A_111 = arith.constant 0 : i32
    %dma_wait3A_112 = tpu.memref_slice %arg3[%dma_wait3A_110, %dma_wait3A_111] : memref<2048x128xf32, #tpu.memory_space<hbm>> -> memref<2048x128xf32, #tpu.memory_space<hbm>>
    tpu.wait_indirect_dma semaphore(%arg7 : memref<!tpu.dma_semaphore, #tpu.memory_space<semaphore_mem>>) src(%dma_wait3A_112 : memref<2048x128xf32, #tpu.memory_space<hbm>>) dst(%dma_wait3A_106 : memref<128x128xf32, #tpu.memory_space<vmem>>)
    %mul3A_113 = arith.constant 4 : i32
    %mul3A_114 = arith.muli %add3A, %mul3A_113 : i32
    %mul3A_115 = arith.constant 128 : i32
    %mul3A_116 = arith.muli %mul3A_114, %mul3A_115 : i32
    "tpu.region"() ({
      %run_scoped3A = tpu.sem_alloc : memref<!tpu.dma_semaphore, #tpu.memory_space<semaphore_mem>>
      %dma_start3A_117 = arith.constant 0 : i32
      %dma_start3A_118 = tpu.memref_slice %arg4[%mul3A_116, %dma_start3A_117] : memref<16384x128xf32, #tpu.memory_space<hbm>> -> memref<512x128xf32, #tpu.memory_space<hbm>>
      %dma_start3A_119 = arith.constant 0 : i32
      %dma_start3A_120 = tpu.memref_slice %arg4[%mul3A_116, %dma_start3A_119] : memref<16384x128xf32, #tpu.memory_space<hbm>> -> memref<512x128xf32, #tpu.memory_space<hbm>>
      tpu.enqueue_dma source(%arg6 : memref<512x128xf32, #tpu.memory_space<vmem>>) target(%dma_start3A_120 : memref<512x128xf32, #tpu.memory_space<hbm>>) target_semaphore(%run_scoped3A : memref<!tpu.dma_semaphore, #tpu.memory_space<semaphore_mem>>)
      %dma_wait3A_121 = arith.constant 0 : i32
      %dma_wait3A_122 = tpu.memref_slice %arg4[%mul3A_116, %dma_wait3A_121] : memref<16384x128xf32, #tpu.memory_space<hbm>> -> memref<512x128xf32, #tpu.memory_space<hbm>>
      %dma_wait3A_123 = arith.constant 0 : i32
      %dma_wait3A_124 = tpu.memref_slice %arg4[%mul3A_116, %dma_wait3A_123] : memref<16384x128xf32, #tpu.memory_space<hbm>> -> memref<512x128xf32, #tpu.memory_space<hbm>>
      tpu.wait_dma2 semaphore(%run_scoped3A : memref<!tpu.dma_semaphore, #tpu.memory_space<semaphore_mem>>) src(%arg6 : memref<512x128xf32, #tpu.memory_space<vmem>>) dst(%dma_wait3A_124 : memref<512x128xf32, #tpu.memory_space<hbm>>)
      tpu.yield
    }) : () -> ()
    return
  }
}

#map = affine_map<(d0, d1) -> (0, 0, 0)>
#map1 = affine_map<(d0, d1) -> (0, 0)>
module attributes {stable_mosaic.version = 14 : i64} {
  func.func @gk(%arg0: i32, %arg1: i32, %arg2: memref<16x8x128xi32, #tpu.memory_space<hbm>>, %arg3: memref<2048x128xf32, #tpu.memory_space<hbm>>, %arg4: memref<16384x128xf32, #tpu.memory_space<hbm>>, %arg5: memref<4x128xi32, #tpu.memory_space<vmem>>, %arg6: memref<512x128xf32, #tpu.memory_space<vmem>>, %arg7: memref<!tpu.dma_semaphore, #tpu.memory_space<semaphore_mem>>) attributes {dimension_semantics = [#tpu.dimension_semantics<core_parallel>, #tpu.dimension_semantics<subcore_parallel>], iteration_bounds = array<i64: 2, 16>, scalar_prefetch = 0 : i64, scratch_operands = 3 : i64, tpu.core_type = #tpu.core_type<sc_vector_subcore>, window_params = [{transform_indices = #map}, {transform_indices = #map1}, {transform_indices = #map1}]} {
    %mul3A = arith.constant 2 : i32
    %mul3A_0 = arith.muli %arg1, %mul3A : i32
    %add3A = arith.addi %mul3A_0, %arg0 : i32
    %mul3A_1 = arith.constant 4 : i32
    %mul3A_2 = arith.muli %add3A, %mul3A_1 : i32
    %jit3A = arith.constant 8 : i32
    %div3A = arith.divsi %mul3A_2, %jit3A : i32
    %sign3A = arith.constant 0 : i32
    %sign3A_3 = arith.cmpi sgt, %mul3A_2, %sign3A : i32
    %sign3A_4 = arith.extui %sign3A_3 : i1 to i32
    %sign3A_5 = arith.constant 0 : i32
    %sign3A_6 = arith.cmpi slt, %mul3A_2, %sign3A_5 : i32
    %sign3A_7 = arith.extui %sign3A_6 : i1 to i32
    %sign3A_8 = arith.subi %sign3A_4, %sign3A_7 : i32
    %sign3A_9 = arith.constant 0 : i32
    %sign3A_10 = arith.cmpi sgt, %jit3A, %sign3A_9 : i32
    %sign3A_11 = arith.extui %sign3A_10 : i1 to i32
    %sign3A_12 = arith.constant 0 : i32
    %sign3A_13 = arith.cmpi slt, %jit3A, %sign3A_12 : i32
    %sign3A_14 = arith.extui %sign3A_13 : i1 to i32
    %sign3A_15 = arith.subi %sign3A_11, %sign3A_14 : i32
    %ne3A = arith.cmpi ne, %sign3A_8, %sign3A_15 : i32
    %rem3A = arith.remsi %mul3A_2, %jit3A : i32
    %ne3A_16 = arith.constant 0 : i32
    %ne3A_17 = arith.cmpi ne, %rem3A, %ne3A_16 : i32
    %and3A = arith.andi %ne3A, %ne3A_17 : i1
    %sub3A = arith.constant 1 : i32
    %sub3A_18 = arith.subi %div3A, %sub3A : i32
    %select_n3A = arith.select %and3A, %sub3A_18, %div3A : i32
    %mul3A_19 = arith.constant 4 : i32
    %mul3A_20 = arith.muli %add3A, %mul3A_19 : i32
    %jit3A_21 = arith.constant 8 : i32
    %eq3A = arith.constant 0 : i32
    %eq3A_22 = arith.cmpi eq, %jit3A_21, %eq3A : i32
    %jit3A_23 = arith.constant 1 : i32
    %select_n3A_24 = arith.select %eq3A_22, %jit3A_23, %jit3A_21 : i32
    %rem3A_25 = arith.remsi %mul3A_20, %select_n3A_24 : i32
    %ne3A_26 = arith.constant 0 : i32
    %ne3A_27 = arith.cmpi ne, %rem3A_25, %ne3A_26 : i32
    %lt3A = arith.constant 0 : i32
    %lt3A_28 = arith.cmpi slt, %rem3A_25, %lt3A : i32
    %lt3A_29 = arith.constant 0 : i32
    %lt3A_30 = arith.cmpi slt, %select_n3A_24, %lt3A_29 : i32
    %ne3A_31 = arith.xori %lt3A_28, %lt3A_30 : i1
    %and3A_32 = arith.andi %ne3A_31, %ne3A_27 : i1
    %add3A_33 = arith.addi %rem3A_25, %select_n3A_24 : i32
    %select_n3A_34 = arith.select %and3A_32, %add3A_33, %rem3A_25 : i32
    "tpu.region"() ({
      %run_scoped3A = tpu.sem_alloc : memref<!tpu.dma_semaphore, #tpu.memory_space<semaphore_mem>>
      %dma_start3A_117 = arith.constant 0 : i32
      %dma_start3A_118 = tpu.memref_slice %arg2[%select_n3A, %select_n3A_34, %dma_start3A_117] : memref<16x8x128xi32, #tpu.memory_space<hbm>> -> memref<1x4x128xi32, #tpu.memory_space<hbm>>
      %dma_start3A_119 = tpu.memref_squeeze %dma_start3A_118 : memref<1x4x128xi32, #tpu.memory_space<hbm>> -> memref<4x128xi32, #tpu.memory_space<hbm>>
      %dma_start3A_120 = arith.constant 0 : i32
      %dma_start3A_121 = tpu.memref_slice %arg2[%select_n3A, %select_n3A_34, %dma_start3A_120] : memref<16x8x128xi32, #tpu.memory_space<hbm>> -> memref<1x4x128xi32, #tpu.memory_space<hbm>>
      %dma_start3A_122 = tpu.memref_squeeze %dma_start3A_121 : memref<1x4x128xi32, #tpu.memory_space<hbm>> -> memref<4x128xi32, #tpu.memory_space<hbm>>
      tpu.enqueue_dma source(%dma_start3A_122 : memref<4x128xi32, #tpu.memory_space<hbm>>) target(%arg5 : memref<4x128xi32, #tpu.memory_space<vmem>>) target_semaphore(%run_scoped3A : memref<!tpu.dma_semaphore, #tpu.memory_space<semaphore_mem>>)
      %dma_wait3A_123 = arith.constant 0 : i32
      %dma_wait3A_124 = tpu.memref_slice %arg2[%select_n3A, %select_n3A_34, %dma_wait3A_123] : memref<16x8x128xi32, #tpu.memory_space<hbm>> -> memref<1x4x128xi32, #tpu.memory_space<hbm>>
      %dma_wait3A_125 = tpu.memref_squeeze %dma_wait3A_124 : memref<1x4x128xi32, #tpu.memory_space<hbm>> -> memref<4x128xi32, #tpu.memory_space<hbm>>
      %dma_wait3A_126 = arith.constant 0 : i32
      %dma_wait3A_127 = tpu.memref_slice %arg2[%select_n3A, %select_n3A_34, %dma_wait3A_126] : memref<16x8x128xi32, #tpu.memory_space<hbm>> -> memref<1x4x128xi32, #tpu.memory_space<hbm>>
      %dma_wait3A_128 = tpu.memref_squeeze %dma_wait3A_127 : memref<1x4x128xi32, #tpu.memory_space<hbm>> -> memref<4x128xi32, #tpu.memory_space<hbm>>
      tpu.wait_dma2 semaphore(%run_scoped3A : memref<!tpu.dma_semaphore, #tpu.memory_space<semaphore_mem>>) src(%dma_wait3A_128 : memref<4x128xi32, #tpu.memory_space<hbm>>) dst(%arg5 : memref<4x128xi32, #tpu.memory_space<vmem>>)
      tpu.yield
    }) : () -> ()
    %dma_start3A = arith.constant 0 : i32
    %dma_start3A_35 = arith.constant 0 : i32
    %dma_start3A_36 = arith.constant 0 : i32
    %dma_start3A_37 = tpu.memref_slice %arg6[%dma_start3A_35, %dma_start3A_36] : memref<512x128xf32, #tpu.memory_space<vmem>> -> memref<128x128xf32, #tpu.memory_space<vmem>>
    %dma_start3A_38 = arith.constant 0 : i32
    %dma_start3A_39 = tpu.memref_slice %arg5[%dma_start3A, %dma_start3A_38] : memref<4x128xi32, #tpu.memory_space<vmem>> -> memref<1x128xi32, #tpu.memory_space<vmem>>
    %dma_start3A_40 = tpu.memref_squeeze %dma_start3A_39 : memref<1x128xi32, #tpu.memory_space<vmem>> -> memref<128xi32, #tpu.memory_space<vmem>>
    %dma_start3A_41 = arith.constant 0 : i32
    %dma_start3A_42 = arith.constant 0 : i32
    %dma_start3A_43 = tpu.memref_slice %arg3[%dma_start3A_41, %dma_start3A_42] : memref<2048x128xf32, #tpu.memory_space<hbm>> -> memref<2048x128xf32, #tpu.memory_space<hbm>>
    tpu.enqueue_indirect_dma source(%dma_start3A_43 : memref<2048x128xf32, #tpu.memory_space<hbm>>) target(%dma_start3A_37 : memref<128x128xf32, #tpu.memory_space<vmem>>) offsets(%dma_start3A_40 : memref<128xi32, #tpu.memory_space<vmem>>) semaphore(%arg7 : memref<!tpu.dma_semaphore, #tpu.memory_space<semaphore_mem>>)
    %dma_start3A_44 = arith.constant 1 : i32
    %dma_start3A_45 = arith.constant 128 : i32
    %dma_start3A_46 = arith.constant 0 : i32
    %dma_start3A_47 = tpu.memref_slice %arg6[%dma_start3A_45, %dma_start3A_46] : memref<512x128xf32, #tpu.memory_space<vmem>> -> memref<128x128xf32, #tpu.memory_space<vmem>>
    %dma_start3A_48 = arith.constant 0 : i32
    %dma_start3A_49 = tpu.memref_slice %arg5[%dma_start3A_44, %dma_start3A_48] : memref<4x128xi32, #tpu.memory_space<vmem>> -> memref<1x128xi32, #tpu.memory_space<vmem>>
    %dma_start3A_50 = tpu.memref_squeeze %dma_start3A_49 : memref<1x128xi32, #tpu.memory_space<vmem>> -> memref<128xi32, #tpu.memory_space<vmem>>
    %dma_start3A_51 = arith.constant 0 : i32
    %dma_start3A_52 = arith.constant 0 : i32
    %dma_start3A_53 = tpu.memref_slice %arg3[%dma_start3A_51, %dma_start3A_52] : memref<2048x128xf32, #tpu.memory_space<hbm>> -> memref<2048x128xf32, #tpu.memory_space<hbm>>
    tpu.enqueue_indirect_dma source(%dma_start3A_53 : memref<2048x128xf32, #tpu.memory_space<hbm>>) target(%dma_start3A_47 : memref<128x128xf32, #tpu.memory_space<vmem>>) offsets(%dma_start3A_50 : memref<128xi32, #tpu.memory_space<vmem>>) semaphore(%arg7 : memref<!tpu.dma_semaphore, #tpu.memory_space<semaphore_mem>>)
    %dma_start3A_54 = arith.constant 2 : i32
    %dma_start3A_55 = arith.constant 256 : i32
    %dma_start3A_56 = arith.constant 0 : i32
    %dma_start3A_57 = tpu.memref_slice %arg6[%dma_start3A_55, %dma_start3A_56] : memref<512x128xf32, #tpu.memory_space<vmem>> -> memref<128x128xf32, #tpu.memory_space<vmem>>
    %dma_start3A_58 = arith.constant 0 : i32
    %dma_start3A_59 = tpu.memref_slice %arg5[%dma_start3A_54, %dma_start3A_58] : memref<4x128xi32, #tpu.memory_space<vmem>> -> memref<1x128xi32, #tpu.memory_space<vmem>>
    %dma_start3A_60 = tpu.memref_squeeze %dma_start3A_59 : memref<1x128xi32, #tpu.memory_space<vmem>> -> memref<128xi32, #tpu.memory_space<vmem>>
    %dma_start3A_61 = arith.constant 0 : i32
    %dma_start3A_62 = arith.constant 0 : i32
    %dma_start3A_63 = tpu.memref_slice %arg3[%dma_start3A_61, %dma_start3A_62] : memref<2048x128xf32, #tpu.memory_space<hbm>> -> memref<2048x128xf32, #tpu.memory_space<hbm>>
    tpu.enqueue_indirect_dma source(%dma_start3A_63 : memref<2048x128xf32, #tpu.memory_space<hbm>>) target(%dma_start3A_57 : memref<128x128xf32, #tpu.memory_space<vmem>>) offsets(%dma_start3A_60 : memref<128xi32, #tpu.memory_space<vmem>>) semaphore(%arg7 : memref<!tpu.dma_semaphore, #tpu.memory_space<semaphore_mem>>)
    %dma_start3A_64 = arith.constant 3 : i32
    %dma_start3A_65 = arith.constant 384 : i32
    %dma_start3A_66 = arith.constant 0 : i32
    %dma_start3A_67 = tpu.memref_slice %arg6[%dma_start3A_65, %dma_start3A_66] : memref<512x128xf32, #tpu.memory_space<vmem>> -> memref<128x128xf32, #tpu.memory_space<vmem>>
    %dma_start3A_68 = arith.constant 0 : i32
    %dma_start3A_69 = tpu.memref_slice %arg5[%dma_start3A_64, %dma_start3A_68] : memref<4x128xi32, #tpu.memory_space<vmem>> -> memref<1x128xi32, #tpu.memory_space<vmem>>
    %dma_start3A_70 = tpu.memref_squeeze %dma_start3A_69 : memref<1x128xi32, #tpu.memory_space<vmem>> -> memref<128xi32, #tpu.memory_space<vmem>>
    %dma_start3A_71 = arith.constant 0 : i32
    %dma_start3A_72 = arith.constant 0 : i32
    %dma_start3A_73 = tpu.memref_slice %arg3[%dma_start3A_71, %dma_start3A_72] : memref<2048x128xf32, #tpu.memory_space<hbm>> -> memref<2048x128xf32, #tpu.memory_space<hbm>>
    tpu.enqueue_indirect_dma source(%dma_start3A_73 : memref<2048x128xf32, #tpu.memory_space<hbm>>) target(%dma_start3A_67 : memref<128x128xf32, #tpu.memory_space<vmem>>) offsets(%dma_start3A_70 : memref<128xi32, #tpu.memory_space<vmem>>) semaphore(%arg7 : memref<!tpu.dma_semaphore, #tpu.memory_space<semaphore_mem>>)
    %dma_wait3A = arith.constant 0 : i32
    %dma_wait3A_74 = arith.constant 0 : i32
    %dma_wait3A_75 = arith.constant 0 : i32
    %dma_wait3A_76 = tpu.memref_slice %arg6[%dma_wait3A_74, %dma_wait3A_75] : memref<512x128xf32, #tpu.memory_space<vmem>> -> memref<128x128xf32, #tpu.memory_space<vmem>>
    %dma_wait3A_77 = arith.constant 0 : i32
    %dma_wait3A_78 = tpu.memref_slice %arg5[%dma_wait3A, %dma_wait3A_77] : memref<4x128xi32, #tpu.memory_space<vmem>> -> memref<1x128xi32, #tpu.memory_space<vmem>>
    %dma_wait3A_79 = tpu.memref_squeeze %dma_wait3A_78 : memref<1x128xi32, #tpu.memory_space<vmem>> -> memref<128xi32, #tpu.memory_space<vmem>>
    %dma_wait3A_80 = arith.constant 0 : i32
    %dma_wait3A_81 = arith.constant 0 : i32
    %dma_wait3A_82 = tpu.memref_slice %arg3[%dma_wait3A_80, %dma_wait3A_81] : memref<2048x128xf32, #tpu.memory_space<hbm>> -> memref<2048x128xf32, #tpu.memory_space<hbm>>
    tpu.wait_indirect_dma semaphore(%arg7 : memref<!tpu.dma_semaphore, #tpu.memory_space<semaphore_mem>>) src(%dma_wait3A_82 : memref<2048x128xf32, #tpu.memory_space<hbm>>) dst(%dma_wait3A_76 : memref<128x128xf32, #tpu.memory_space<vmem>>)
    %dma_wait3A_83 = arith.constant 1 : i32
    %dma_wait3A_84 = arith.constant 128 : i32
    %dma_wait3A_85 = arith.constant 0 : i32
    %dma_wait3A_86 = tpu.memref_slice %arg6[%dma_wait3A_84, %dma_wait3A_85] : memref<512x128xf32, #tpu.memory_space<vmem>> -> memref<128x128xf32, #tpu.memory_space<vmem>>
    %dma_wait3A_87 = arith.constant 0 : i32
    %dma_wait3A_88 = tpu.memref_slice %arg5[%dma_wait3A_83, %dma_wait3A_87] : memref<4x128xi32, #tpu.memory_space<vmem>> -> memref<1x128xi32, #tpu.memory_space<vmem>>
    %dma_wait3A_89 = tpu.memref_squeeze %dma_wait3A_88 : memref<1x128xi32, #tpu.memory_space<vmem>> -> memref<128xi32, #tpu.memory_space<vmem>>
    %dma_wait3A_90 = arith.constant 0 : i32
    %dma_wait3A_91 = arith.constant 0 : i32
    %dma_wait3A_92 = tpu.memref_slice %arg3[%dma_wait3A_90, %dma_wait3A_91] : memref<2048x128xf32, #tpu.memory_space<hbm>> -> memref<2048x128xf32, #tpu.memory_space<hbm>>
    tpu.wait_indirect_dma semaphore(%arg7 : memref<!tpu.dma_semaphore, #tpu.memory_space<semaphore_mem>>) src(%dma_wait3A_92 : memref<2048x128xf32, #tpu.memory_space<hbm>>) dst(%dma_wait3A_86 : memref<128x128xf32, #tpu.memory_space<vmem>>)
    %dma_wait3A_93 = arith.constant 2 : i32
    %dma_wait3A_94 = arith.constant 256 : i32
    %dma_wait3A_95 = arith.constant 0 : i32
    %dma_wait3A_96 = tpu.memref_slice %arg6[%dma_wait3A_94, %dma_wait3A_95] : memref<512x128xf32, #tpu.memory_space<vmem>> -> memref<128x128xf32, #tpu.memory_space<vmem>>
    %dma_wait3A_97 = arith.constant 0 : i32
    %dma_wait3A_98 = tpu.memref_slice %arg5[%dma_wait3A_93, %dma_wait3A_97] : memref<4x128xi32, #tpu.memory_space<vmem>> -> memref<1x128xi32, #tpu.memory_space<vmem>>
    %dma_wait3A_99 = tpu.memref_squeeze %dma_wait3A_98 : memref<1x128xi32, #tpu.memory_space<vmem>> -> memref<128xi32, #tpu.memory_space<vmem>>
    %dma_wait3A_100 = arith.constant 0 : i32
    %dma_wait3A_101 = arith.constant 0 : i32
    %dma_wait3A_102 = tpu.memref_slice %arg3[%dma_wait3A_100, %dma_wait3A_101] : memref<2048x128xf32, #tpu.memory_space<hbm>> -> memref<2048x128xf32, #tpu.memory_space<hbm>>
    tpu.wait_indirect_dma semaphore(%arg7 : memref<!tpu.dma_semaphore, #tpu.memory_space<semaphore_mem>>) src(%dma_wait3A_102 : memref<2048x128xf32, #tpu.memory_space<hbm>>) dst(%dma_wait3A_96 : memref<128x128xf32, #tpu.memory_space<vmem>>)
    %dma_wait3A_103 = arith.constant 3 : i32
    %dma_wait3A_104 = arith.constant 384 : i32
    %dma_wait3A_105 = arith.constant 0 : i32
    %dma_wait3A_106 = tpu.memref_slice %arg6[%dma_wait3A_104, %dma_wait3A_105] : memref<512x128xf32, #tpu.memory_space<vmem>> -> memref<128x128xf32, #tpu.memory_space<vmem>>
    %dma_wait3A_107 = arith.constant 0 : i32
    %dma_wait3A_108 = tpu.memref_slice %arg5[%dma_wait3A_103, %dma_wait3A_107] : memref<4x128xi32, #tpu.memory_space<vmem>> -> memref<1x128xi32, #tpu.memory_space<vmem>>
    %dma_wait3A_109 = tpu.memref_squeeze %dma_wait3A_108 : memref<1x128xi32, #tpu.memory_space<vmem>> -> memref<128xi32, #tpu.memory_space<vmem>>
    %dma_wait3A_110 = arith.constant 0 : i32
    %dma_wait3A_111 = arith.constant 0 : i32
    %dma_wait3A_112 = tpu.memref_slice %arg3[%dma_wait3A_110, %dma_wait3A_111] : memref<2048x128xf32, #tpu.memory_space<hbm>> -> memref<2048x128xf32, #tpu.memory_space<hbm>>
    tpu.wait_indirect_dma semaphore(%arg7 : memref<!tpu.dma_semaphore, #tpu.memory_space<semaphore_mem>>) src(%dma_wait3A_112 : memref<2048x128xf32, #tpu.memory_space<hbm>>) dst(%dma_wait3A_106 : memref<128x128xf32, #tpu.memory_space<vmem>>)
    %mul3A_113 = arith.constant 4 : i32
    %mul3A_114 = arith.muli %add3A, %mul3A_113 : i32
    %mul3A_115 = arith.constant 128 : i32
    %mul3A_116 = arith.muli %mul3A_114, %mul3A_115 : i32
    "tpu.region"() ({
      %run_scoped3A = tpu.sem_alloc : memref<!tpu.dma_semaphore, #tpu.memory_space<semaphore_mem>>
      %dma_start3A_117 = arith.constant 0 : i32
      %dma_start3A_118 = tpu.memref_slice %arg4[%mul3A_116, %dma_start3A_117] : memref<16384x128xf32, #tpu.memory_space<hbm>> -> memref<512x128xf32, #tpu.memory_space<hbm>>
      %dma_start3A_119 = arith.constant 0 : i32
      %dma_start3A_120 = tpu.memref_slice %arg4[%mul3A_116, %dma_start3A_119] : memref<16384x128xf32, #tpu.memory_space<hbm>> -> memref<512x128xf32, #tpu.memory_space<hbm>>
      tpu.enqueue_dma source(%arg6 : memref<512x128xf32, #tpu.memory_space<vmem>>) target(%dma_start3A_120 : memref<512x128xf32, #tpu.memory_space<hbm>>) target_semaphore(%run_scoped3A : memref<!tpu.dma_semaphore, #tpu.memory_space<semaphore_mem>>)
      %dma_wait3A_121 = arith.constant 0 : i32
      %dma_wait3A_122 = tpu.memref_slice %arg4[%mul3A_116, %dma_wait3A_121] : memref<16384x128xf32, #tpu.memory_space<hbm>> -> memref<512x128xf32, #tpu.memory_space<hbm>>
      %dma_wait3A_123 = arith.constant 0 : i32
      %dma_wait3A_124 = tpu.memref_slice %arg4[%mul3A_116, %dma_wait3A_123] : memref<16384x128xf32, #tpu.memory_space<hbm>> -> memref<512x128xf32, #tpu.memory_space<hbm>>
      tpu.wait_dma2 semaphore(%run_scoped3A : memref<!tpu.dma_semaphore, #tpu.memory_space<semaphore_mem>>) src(%arg6 : memref<512x128xf32, #tpu.memory_space<vmem>>) dst(%dma_wait3A_124 : memref<512x128xf32, #tpu.memory_space<hbm>>)
      tpu.yield
    }) : () -> ()
    return
  }
}

module attributes {stable_mosaic.version = 14 : i64} {
  func.func @_select_body(%arg0: i32, %arg1: i32, %arg2: memref<1x512x3xf32, #tpu.memory_space<vmem>>, %arg3: memref<1x3x1024xf32, #tpu.memory_space<vmem>>, %arg4: memref<512x64xf32, #tpu.memory_space<vmem>>, %arg5: memref<4x8x128xi32, #tpu.memory_space<vmem>>, %arg6: memref<512x128xf32, #tpu.memory_space<vmem>>, %arg7: memref<512x16xf32, #tpu.memory_space<vmem>>) attributes {dimension_semantics = [#tpu.dimension_semantics<arbitrary>, #tpu.dimension_semantics<arbitrary>], iteration_bounds = array<i64: 2, 2>, scalar_prefetch = 0 : i64, scratch_operands = 0 : i64, tpu.core_type = #tpu.core_type<tc>, window_params = [{transform_indices = @transform_0, window_bounds = array<i64: 1, 512, 3>}, {transform_indices = @transform_1, window_bounds = array<i64: 1, 3, 1024>}, {transform_indices = @transform_2, window_bounds = array<i64: 512, 64>}, {transform_indices = @transform_3, window_bounds = array<i64: 4, 8, 128>}, {transform_indices = @transform_4, window_bounds = array<i64: 512, 128>}, {transform_indices = @transform_5, window_bounds = array<i64: 512, 16>}]} {
    %get3A = arith.constant 0 : index
    %get3A_0 = arith.constant 0 : index
    %get3A_1 = arith.constant 0 : index
    %get3A_2 = vector.load %arg2[%get3A, %get3A_0, %get3A_1] : memref<1x512x3xf32, #tpu.memory_space<vmem>>, vector<1x512x3xf32>
    %get3A_3 = vector.shape_cast %get3A_2 : vector<1x512x3xf32> to vector<512x3xf32>
    %get3A_4 = arith.constant 0 : index
    %get3A_5 = arith.constant 0 : index
    %get3A_6 = arith.constant 0 : index
    %get3A_7 = vector.load %arg3[%get3A_4, %get3A_5, %get3A_6] : memref<1x3x1024xf32, #tpu.memory_space<vmem>>, vector<1x3x1024xf32>
    %get3A_8 = vector.shape_cast %get3A_7 : vector<1x3x1024xf32> to vector<3x1024xf32>
    %slice3A = vector.extract_strided_slice %get3A_8 {offsets = [0, 0], sizes = [1, 1024], strides = [1, 1]} : vector<3x1024xf32> to vector<1x1024xf32>
    %slice3A_9 = vector.extract_strided_slice %get3A_3 {offsets = [0, 0], sizes = [512, 1], strides = [1, 1]} : vector<512x3xf32> to vector<512x1xf32>
    %sub3A = vector.broadcast %slice3A : vector<1x1024xf32> to vector<512x1024xf32>
    %sub3A_10 = vector.broadcast %slice3A_9 : vector<512x1xf32> to vector<512x1024xf32>
    %sub3A_11 = arith.subf %sub3A, %sub3A_10 : vector<512x1024xf32>
    %slice3A_12 = vector.extract_strided_slice %get3A_8 {offsets = [1, 0], sizes = [1, 1024], strides = [1, 1]} : vector<3x1024xf32> to vector<1x1024xf32>
    %slice3A_13 = vector.extract_strided_slice %get3A_3 {offsets = [0, 1], sizes = [512, 1], strides = [1, 1]} : vector<512x3xf32> to vector<512x1xf32>
    %sub3A_14 = vector.broadcast %slice3A_12 : vector<1x1024xf32> to vector<512x1024xf32>
    %sub3A_15 = vector.broadcast %slice3A_13 : vector<512x1xf32> to vector<512x1024xf32>
    %sub3A_16 = arith.subf %sub3A_14, %sub3A_15 : vector<512x1024xf32>
    %slice3A_17 = vector.extract_strided_slice %get3A_8 {offsets = [2, 0], sizes = [1, 1024], strides = [1, 1]} : vector<3x1024xf32> to vector<1x1024xf32>
    %slice3A_18 = vector.extract_strided_slice %get3A_3 {offsets = [0, 2], sizes = [512, 1], strides = [1, 1]} : vector<512x3xf32> to vector<512x1xf32>
    %sub3A_19 = vector.broadcast %slice3A_17 : vector<1x1024xf32> to vector<512x1024xf32>
    %sub3A_20 = vector.broadcast %slice3A_18 : vector<512x1xf32> to vector<512x1024xf32>
    %sub3A_21 = arith.subf %sub3A_19, %sub3A_20 : vector<512x1024xf32>
    %mul3A = arith.mulf %sub3A_11, %sub3A_11 : vector<512x1024xf32>
    %mul3A_22 = arith.mulf %sub3A_16, %sub3A_16 : vector<512x1024xf32>
    %add3A = arith.addf %mul3A, %mul3A_22 : vector<512x1024xf32>
    %mul3A_23 = arith.mulf %sub3A_21, %sub3A_21 : vector<512x1024xf32>
    %add3A_24 = arith.addf %add3A, %mul3A_23 : vector<512x1024xf32>
    %gt3A = arith.constant 1.000000e-10 : f32
    %gt3A_25 = vector.broadcast %gt3A : f32 to vector<512x1024xf32>
    %gt3A_26 = arith.cmpf ogt, %add3A_24, %gt3A_25 : vector<512x1024xf32>
    %lt3A = arith.constant 4.000000e-02 : f32
    %lt3A_27 = vector.broadcast %lt3A : f32 to vector<512x1024xf32>
    %lt3A_28 = arith.cmpf olt, %add3A_24, %lt3A_27 : vector<512x1024xf32>
    %and3A = arith.andi %gt3A_26, %lt3A_28 : vector<512x1024xi1>
    %jit3A = arith.constant 1.000000e+10 : f32
    %broadcast_in_dim3A = vector.broadcast %jit3A : f32 to vector<512x1024xf32>
    %select_n3A = arith.select %and3A, %add3A_24, %broadcast_in_dim3A : vector<512x1024xi1>, vector<512x1024xf32>
    %ge3A = arith.constant 0.000000e+00 : f32
    %ge3A_29 = vector.broadcast %ge3A : f32 to vector<512x1024xf32>
    %ge3A_30 = arith.cmpf oge, %sub3A_11, %ge3A_29 : vector<512x1024xf32>
    %ge3A_31 = arith.constant 0.000000e+00 : f32
    %ge3A_32 = vector.broadcast %ge3A_31 : f32 to vector<512x1024xf32>
    %ge3A_33 = arith.cmpf oge, %sub3A_16, %ge3A_32 : vector<512x1024xf32>
    %ge3A_34 = arith.constant 0.000000e+00 : f32
    %ge3A_35 = vector.broadcast %ge3A_34 : f32 to vector<512x1024xf32>
    %ge3A_36 = arith.cmpf oge, %sub3A_21, %ge3A_35 : vector<512x1024xf32>
    %jit3A_37 = arith.constant 1.000000e+10 : f32
    %broadcast_in_dim3A_38 = vector.broadcast %jit3A_37 : f32 to vector<512x1024xf32>
    %select_n3A_39 = arith.select %ge3A_30, %select_n3A, %broadcast_in_dim3A_38 : vector<512x1024xi1>, vector<512x1024xf32>
    %jit3A_40 = arith.constant 1.000000e+10 : f32
    %broadcast_in_dim3A_41 = vector.broadcast %jit3A_40 : f32 to vector<512x1024xf32>
    %select_n3A_42 = arith.select %ge3A_30, %broadcast_in_dim3A_41, %select_n3A : vector<512x1024xi1>, vector<512x1024xf32>
    %jit3A_43 = arith.constant 1.000000e+10 : f32
    %broadcast_in_dim3A_44 = vector.broadcast %jit3A_43 : f32 to vector<512x1024xf32>
    %select_n3A_45 = arith.select %ge3A_33, %broadcast_in_dim3A_44, %select_n3A_42 : vector<512x1024xi1>, vector<512x1024xf32>
    %jit3A_46 = arith.constant 1.000000e+10 : f32
    %broadcast_in_dim3A_47 = vector.broadcast %jit3A_46 : f32 to vector<512x1024xf32>
    %select_n3A_48 = arith.select %ge3A_33, %select_n3A_42, %broadcast_in_dim3A_47 : vector<512x1024xi1>, vector<512x1024xf32>
    %jit3A_49 = arith.constant 1.000000e+10 : f32
    %broadcast_in_dim3A_50 = vector.broadcast %jit3A_49 : f32 to vector<512x1024xf32>
    %select_n3A_51 = arith.select %ge3A_33, %broadcast_in_dim3A_50, %select_n3A_39 : vector<512x1024xi1>, vector<512x1024xf32>
    %jit3A_52 = arith.constant 1.000000e+10 : f32
    %broadcast_in_dim3A_53 = vector.broadcast %jit3A_52 : f32 to vector<512x1024xf32>
    %select_n3A_54 = arith.select %ge3A_33, %select_n3A_39, %broadcast_in_dim3A_53 : vector<512x1024xi1>, vector<512x1024xf32>
    %jit3A_55 = arith.constant 1.000000e+10 : f32
    %broadcast_in_dim3A_56 = vector.broadcast %jit3A_55 : f32 to vector<512x1024xf32>
    %select_n3A_57 = arith.select %ge3A_36, %broadcast_in_dim3A_56, %select_n3A_45 : vector<512x1024xi1>, vector<512x1024xf32>
    %jit3A_58 = arith.constant 1.000000e+10 : f32
    %broadcast_in_dim3A_59 = vector.broadcast %jit3A_58 : f32 to vector<512x1024xf32>
    %select_n3A_60 = arith.select %ge3A_36, %select_n3A_45, %broadcast_in_dim3A_59 : vector<512x1024xi1>, vector<512x1024xf32>
    %jit3A_61 = arith.constant 1.000000e+10 : f32
    %broadcast_in_dim3A_62 = vector.broadcast %jit3A_61 : f32 to vector<512x1024xf32>
    %select_n3A_63 = arith.select %ge3A_36, %broadcast_in_dim3A_62, %select_n3A_48 : vector<512x1024xi1>, vector<512x1024xf32>
    %jit3A_64 = arith.constant 1.000000e+10 : f32
    %broadcast_in_dim3A_65 = vector.broadcast %jit3A_64 : f32 to vector<512x1024xf32>
    %select_n3A_66 = arith.select %ge3A_36, %select_n3A_48, %broadcast_in_dim3A_65 : vector<512x1024xi1>, vector<512x1024xf32>
    %jit3A_67 = arith.constant 1.000000e+10 : f32
    %broadcast_in_dim3A_68 = vector.broadcast %jit3A_67 : f32 to vector<512x1024xf32>
    %select_n3A_69 = arith.select %ge3A_36, %broadcast_in_dim3A_68, %select_n3A_51 : vector<512x1024xi1>, vector<512x1024xf32>
    %jit3A_70 = arith.constant 1.000000e+10 : f32
    %broadcast_in_dim3A_71 = vector.broadcast %jit3A_70 : f32 to vector<512x1024xf32>
    %select_n3A_72 = arith.select %ge3A_36, %select_n3A_51, %broadcast_in_dim3A_71 : vector<512x1024xi1>, vector<512x1024xf32>
    %jit3A_73 = arith.constant 1.000000e+10 : f32
    %broadcast_in_dim3A_74 = vector.broadcast %jit3A_73 : f32 to vector<512x1024xf32>
    %select_n3A_75 = arith.select %ge3A_36, %broadcast_in_dim3A_74, %select_n3A_54 : vector<512x1024xi1>, vector<512x1024xf32>
    %jit3A_76 = arith.constant 1.000000e+10 : f32
    %broadcast_in_dim3A_77 = vector.broadcast %jit3A_76 : f32 to vector<512x1024xf32>
    %select_n3A_78 = arith.select %ge3A_36, %select_n3A_54, %broadcast_in_dim3A_77 : vector<512x1024xi1>, vector<512x1024xf32>
    %iota3A = tpu.iota {dimensions = array<i32: 1>} : vector<512x128xi32>
    %mul3A_79 = arith.constant 512 : i32
    %mul3A_80 = arith.muli %arg1, %mul3A_79 : i32
    %iota3A_81 = tpu.iota {dimensions = array<i32: 0>} : vector<512x1xi32>
    %add3A_82 = vector.broadcast %mul3A_80 : i32 to vector<512x1xi32>
    %add3A_83 = arith.addi %add3A_82, %iota3A_81 : vector<512x1xi32>
    %slice3A_84 = vector.extract_strided_slice %select_n3A_57 {offsets = [0, 0], sizes = [512, 128], strides = [1, 1]} : vector<512x1024xf32> to vector<512x128xf32>
    %broadcast_in_dim3A_85 = arith.constant 0 : i32
    %broadcast_in_dim3A_86 = vector.broadcast %broadcast_in_dim3A_85 : i32 to vector<512x128xi32>
    %slice3A_87 = vector.extract_strided_slice %select_n3A_57 {offsets = [0, 128], sizes = [512, 128], strides = [1, 1]} : vector<512x1024xf32> to vector<512x128xf32>
    %lt3A_88 = arith.cmpf olt, %slice3A_87, %slice3A_84 : vector<512x128xf32>
    %select_n3A_89 = arith.select %lt3A_88, %slice3A_87, %slice3A_84 : vector<512x128xi1>, vector<512x128xf32>
    %jit3A_90 = arith.constant 1 : i32
    %broadcast_in_dim3A_91 = vector.broadcast %jit3A_90 : i32 to vector<512x128xi32>
    %select_n3A_92 = arith.select %lt3A_88, %broadcast_in_dim3A_91, %broadcast_in_dim3A_86 : vector<512x128xi1>, vector<512x128xi32>
    %slice3A_93 = vector.extract_strided_slice %select_n3A_57 {offsets = [0, 256], sizes = [512, 128], strides = [1, 1]} : vector<512x1024xf32> to vector<512x128xf32>
    %lt3A_94 = arith.cmpf olt, %slice3A_93, %select_n3A_89 : vector<512x128xf32>
    %select_n3A_95 = arith.select %lt3A_94, %slice3A_93, %select_n3A_89 : vector<512x128xi1>, vector<512x128xf32>
    %jit3A_96 = arith.constant 2 : i32
    %broadcast_in_dim3A_97 = vector.broadcast %jit3A_96 : i32 to vector<512x128xi32>
    %select_n3A_98 = arith.select %lt3A_94, %broadcast_in_dim3A_97, %select_n3A_92 : vector<512x128xi1>, vector<512x128xi32>
    %slice3A_99 = vector.extract_strided_slice %select_n3A_57 {offsets = [0, 384], sizes = [512, 128], strides = [1, 1]} : vector<512x1024xf32> to vector<512x128xf32>
    %lt3A_100 = arith.cmpf olt, %slice3A_99, %select_n3A_95 : vector<512x128xf32>
    %select_n3A_101 = arith.select %lt3A_100, %slice3A_99, %select_n3A_95 : vector<512x128xi1>, vector<512x128xf32>
    %jit3A_102 = arith.constant 3 : i32
    %broadcast_in_dim3A_103 = vector.broadcast %jit3A_102 : i32 to vector<512x128xi32>
    %select_n3A_104 = arith.select %lt3A_100, %broadcast_in_dim3A_103, %select_n3A_98 : vector<512x128xi1>, vector<512x128xi32>
    %slice3A_105 = vector.extract_strided_slice %select_n3A_57 {offsets = [0, 512], sizes = [512, 128], strides = [1, 1]} : vector<512x1024xf32> to vector<512x128xf32>
    %lt3A_106 = arith.cmpf olt, %slice3A_105, %select_n3A_101 : vector<512x128xf32>
    %select_n3A_107 = arith.select %lt3A_106, %slice3A_105, %select_n3A_101 : vector<512x128xi1>, vector<512x128xf32>
    %jit3A_108 = arith.constant 4 : i32
    %broadcast_in_dim3A_109 = vector.broadcast %jit3A_108 : i32 to vector<512x128xi32>
    %select_n3A_110 = arith.select %lt3A_106, %broadcast_in_dim3A_109, %select_n3A_104 : vector<512x128xi1>, vector<512x128xi32>
    %slice3A_111 = vector.extract_strided_slice %select_n3A_57 {offsets = [0, 640], sizes = [512, 128], strides = [1, 1]} : vector<512x1024xf32> to vector<512x128xf32>
    %lt3A_112 = arith.cmpf olt, %slice3A_111, %select_n3A_107 : vector<512x128xf32>
    %select_n3A_113 = arith.select %lt3A_112, %slice3A_111, %select_n3A_107 : vector<512x128xi1>, vector<512x128xf32>
    %jit3A_114 = arith.constant 5 : i32
    %broadcast_in_dim3A_115 = vector.broadcast %jit3A_114 : i32 to vector<512x128xi32>
    %select_n3A_116 = arith.select %lt3A_112, %broadcast_in_dim3A_115, %select_n3A_110 : vector<512x128xi1>, vector<512x128xi32>
    %slice3A_117 = vector.extract_strided_slice %select_n3A_57 {offsets = [0, 768], sizes = [512, 128], strides = [1, 1]} : vector<512x1024xf32> to vector<512x128xf32>
    %lt3A_118 = arith.cmpf olt, %slice3A_117, %select_n3A_113 : vector<512x128xf32>
    %select_n3A_119 = arith.select %lt3A_118, %slice3A_117, %select_n3A_113 : vector<512x128xi1>, vector<512x128xf32>
    %jit3A_120 = arith.constant 6 : i32
    %broadcast_in_dim3A_121 = vector.broadcast %jit3A_120 : i32 to vector<512x128xi32>
    %select_n3A_122 = arith.select %lt3A_118, %broadcast_in_dim3A_121, %select_n3A_116 : vector<512x128xi1>, vector<512x128xi32>
    %slice3A_123 = vector.extract_strided_slice %select_n3A_57 {offsets = [0, 896], sizes = [512, 128], strides = [1, 1]} : vector<512x1024xf32> to vector<512x128xf32>
    %lt3A_124 = arith.cmpf olt, %slice3A_123, %select_n3A_119 : vector<512x128xf32>
    %select_n3A_125 = arith.select %lt3A_124, %slice3A_123, %select_n3A_119 : vector<512x128xi1>, vector<512x128xf32>
    %jit3A_126 = arith.constant 7 : i32
    %broadcast_in_dim3A_127 = vector.broadcast %jit3A_126 : i32 to vector<512x128xi32>
    %select_n3A_128 = arith.select %lt3A_124, %broadcast_in_dim3A_127, %select_n3A_122 : vector<512x128xi1>, vector<512x128xi32>
    %reduce_min3A = arith.constant dense<0x7F800000> : vector<512xf32>
    %reduce_min3A_129 = vector.multi_reduction <minimumf>, %select_n3A_125, %reduce_min3A [1] : vector<512x128xf32> to vector<512xf32>
    %broadcast_in_dim3A_130 = vector.shape_cast %reduce_min3A_129 : vector<512xf32> to vector<512x1xf32>
    %eq3A = vector.broadcast %broadcast_in_dim3A_130 : vector<512x1xf32> to vector<512x128xf32>
    %eq3A_131 = arith.cmpf oeq, %select_n3A_125, %eq3A : vector<512x128xf32>
    %mul3A_132 = arith.constant 128 : i32
    %mul3A_133 = vector.broadcast %mul3A_132 : i32 to vector<512x128xi32>
    %mul3A_134 = arith.muli %select_n3A_128, %mul3A_133 : vector<512x128xi32>
    %add3A_135 = arith.addi %mul3A_134, %iota3A : vector<512x128xi32>
    %jit3A_136 = arith.constant 1024 : i32
    %broadcast_in_dim3A_137 = vector.broadcast %jit3A_136 : i32 to vector<512x128xi32>
    %select_n3A_138 = arith.select %eq3A_131, %add3A_135, %broadcast_in_dim3A_137 : vector<512x128xi1>, vector<512x128xi32>
    %reduce_min3A_139 = arith.constant dense<2147483647> : vector<512xi32>
    %reduce_min3A_140 = vector.multi_reduction <minsi>, %select_n3A_138, %reduce_min3A_139 [1] : vector<512x128xi32> to vector<512xi32>
    %broadcast_in_dim3A_141 = vector.shape_cast %reduce_min3A_140 : vector<512xi32> to vector<512x1xi32>
    %lt3A_142 = arith.constant 4.000000e-02 : f32
    %lt3A_143 = vector.broadcast %lt3A_142 : f32 to vector<512x1xf32>
    %lt3A_144 = arith.cmpf olt, %broadcast_in_dim3A_130, %lt3A_143 : vector<512x1xf32>
    %select_n3A_145 = arith.select %lt3A_144, %broadcast_in_dim3A_141, %add3A_83 : vector<512x1xi1>, vector<512x1xi32>
    %slice3A_146 = vector.extract_strided_slice %select_n3A_60 {offsets = [0, 0], sizes = [512, 128], strides = [1, 1]} : vector<512x1024xf32> to vector<512x128xf32>
    %broadcast_in_dim3A_147 = arith.constant 0 : i32
    %broadcast_in_dim3A_148 = vector.broadcast %broadcast_in_dim3A_147 : i32 to vector<512x128xi32>
    %slice3A_149 = vector.extract_strided_slice %select_n3A_60 {offsets = [0, 128], sizes = [512, 128], strides = [1, 1]} : vector<512x1024xf32> to vector<512x128xf32>
    %lt3A_150 = arith.cmpf olt, %slice3A_149, %slice3A_146 : vector<512x128xf32>
    %select_n3A_151 = arith.select %lt3A_150, %slice3A_149, %slice3A_146 : vector<512x128xi1>, vector<512x128xf32>
    %jit3A_152 = arith.constant 1 : i32
    %broadcast_in_dim3A_153 = vector.broadcast %jit3A_152 : i32 to vector<512x128xi32>
    %select_n3A_154 = arith.select %lt3A_150, %broadcast_in_dim3A_153, %broadcast_in_dim3A_148 : vector<512x128xi1>, vector<512x128xi32>
    %slice3A_155 = vector.extract_strided_slice %select_n3A_60 {offsets = [0, 256], sizes = [512, 128], strides = [1, 1]} : vector<512x1024xf32> to vector<512x128xf32>
    %lt3A_156 = arith.cmpf olt, %slice3A_155, %select_n3A_151 : vector<512x128xf32>
    %select_n3A_157 = arith.select %lt3A_156, %slice3A_155, %select_n3A_151 : vector<512x128xi1>, vector<512x128xf32>
    %jit3A_158 = arith.constant 2 : i32
    %broadcast_in_dim3A_159 = vector.broadcast %jit3A_158 : i32 to vector<512x128xi32>
    %select_n3A_160 = arith.select %lt3A_156, %broadcast_in_dim3A_159, %select_n3A_154 : vector<512x128xi1>, vector<512x128xi32>
    %slice3A_161 = vector.extract_strided_slice %select_n3A_60 {offsets = [0, 384], sizes = [512, 128], strides = [1, 1]} : vector<512x1024xf32> to vector<512x128xf32>
    %lt3A_162 = arith.cmpf olt, %slice3A_161, %select_n3A_157 : vector<512x128xf32>
    %select_n3A_163 = arith.select %lt3A_162, %slice3A_161, %select_n3A_157 : vector<512x128xi1>, vector<512x128xf32>
    %jit3A_164 = arith.constant 3 : i32
    %broadcast_in_dim3A_165 = vector.broadcast %jit3A_164 : i32 to vector<512x128xi32>
    %select_n3A_166 = arith.select %lt3A_162, %broadcast_in_dim3A_165, %select_n3A_160 : vector<512x128xi1>, vector<512x128xi32>
    %slice3A_167 = vector.extract_strided_slice %select_n3A_60 {offsets = [0, 512], sizes = [512, 128], strides = [1, 1]} : vector<512x1024xf32> to vector<512x128xf32>
    %lt3A_168 = arith.cmpf olt, %slice3A_167, %select_n3A_163 : vector<512x128xf32>
    %select_n3A_169 = arith.select %lt3A_168, %slice3A_167, %select_n3A_163 : vector<512x128xi1>, vector<512x128xf32>
    %jit3A_170 = arith.constant 4 : i32
    %broadcast_in_dim3A_171 = vector.broadcast %jit3A_170 : i32 to vector<512x128xi32>
    %select_n3A_172 = arith.select %lt3A_168, %broadcast_in_dim3A_171, %select_n3A_166 : vector<512x128xi1>, vector<512x128xi32>
    %slice3A_173 = vector.extract_strided_slice %select_n3A_60 {offsets = [0, 640], sizes = [512, 128], strides = [1, 1]} : vector<512x1024xf32> to vector<512x128xf32>
    %lt3A_174 = arith.cmpf olt, %slice3A_173, %select_n3A_169 : vector<512x128xf32>
    %select_n3A_175 = arith.select %lt3A_174, %slice3A_173, %select_n3A_169 : vector<512x128xi1>, vector<512x128xf32>
    %jit3A_176 = arith.constant 5 : i32
    %broadcast_in_dim3A_177 = vector.broadcast %jit3A_176 : i32 to vector<512x128xi32>
    %select_n3A_178 = arith.select %lt3A_174, %broadcast_in_dim3A_177, %select_n3A_172 : vector<512x128xi1>, vector<512x128xi32>
    %slice3A_179 = vector.extract_strided_slice %select_n3A_60 {offsets = [0, 768], sizes = [512, 128], strides = [1, 1]} : vector<512x1024xf32> to vector<512x128xf32>
    %lt3A_180 = arith.cmpf olt, %slice3A_179, %select_n3A_175 : vector<512x128xf32>
    %select_n3A_181 = arith.select %lt3A_180, %slice3A_179, %select_n3A_175 : vector<512x128xi1>, vector<512x128xf32>
    %jit3A_182 = arith.constant 6 : i32
    %broadcast_in_dim3A_183 = vector.broadcast %jit3A_182 : i32 to vector<512x128xi32>
    %select_n3A_184 = arith.select %lt3A_180, %broadcast_in_dim3A_183, %select_n3A_178 : vector<512x128xi1>, vector<512x128xi32>
    %slice3A_185 = vector.extract_strided_slice %select_n3A_60 {offsets = [0, 896], sizes = [512, 128], strides = [1, 1]} : vector<512x1024xf32> to vector<512x128xf32>
    %lt3A_186 = arith.cmpf olt, %slice3A_185, %select_n3A_181 : vector<512x128xf32>
    %select_n3A_187 = arith.select %lt3A_186, %slice3A_185, %select_n3A_181 : vector<512x128xi1>, vector<512x128xf32>
    %jit3A_188 = arith.constant 7 : i32
    %broadcast_in_dim3A_189 = vector.broadcast %jit3A_188 : i32 to vector<512x128xi32>
    %select_n3A_190 = arith.select %lt3A_186, %broadcast_in_dim3A_189, %select_n3A_184 : vector<512x128xi1>, vector<512x128xi32>
    %reduce_min3A_191 = arith.constant dense<0x7F800000> : vector<512xf32>
    %reduce_min3A_192 = vector.multi_reduction <minimumf>, %select_n3A_187, %reduce_min3A_191 [1] : vector<512x128xf32> to vector<512xf32>
    %broadcast_in_dim3A_193 = vector.shape_cast %reduce_min3A_192 : vector<512xf32> to vector<512x1xf32>
    %eq3A_194 = vector.broadcast %broadcast_in_dim3A_193 : vector<512x1xf32> to vector<512x128xf32>
    %eq3A_195 = arith.cmpf oeq, %select_n3A_187, %eq3A_194 : vector<512x128xf32>
    %mul3A_196 = arith.constant 128 : i32
    %mul3A_197 = vector.broadcast %mul3A_196 : i32 to vector<512x128xi32>
    %mul3A_198 = arith.muli %select_n3A_190, %mul3A_197 : vector<512x128xi32>
    %add3A_199 = arith.addi %mul3A_198, %iota3A : vector<512x128xi32>
    %jit3A_200 = arith.constant 1024 : i32
    %broadcast_in_dim3A_201 = vector.broadcast %jit3A_200 : i32 to vector<512x128xi32>
    %select_n3A_202 = arith.select %eq3A_195, %add3A_199, %broadcast_in_dim3A_201 : vector<512x128xi1>, vector<512x128xi32>
    %reduce_min3A_203 = arith.constant dense<2147483647> : vector<512xi32>
    %reduce_min3A_204 = vector.multi_reduction <minsi>, %select_n3A_202, %reduce_min3A_203 [1] : vector<512x128xi32> to vector<512xi32>
    %broadcast_in_dim3A_205 = vector.shape_cast %reduce_min3A_204 : vector<512xi32> to vector<512x1xi32>
    %lt3A_206 = arith.constant 4.000000e-02 : f32
    %lt3A_207 = vector.broadcast %lt3A_206 : f32 to vector<512x1xf32>
    %lt3A_208 = arith.cmpf olt, %broadcast_in_dim3A_193, %lt3A_207 : vector<512x1xf32>
    %select_n3A_209 = arith.select %lt3A_208, %broadcast_in_dim3A_205, %add3A_83 : vector<512x1xi1>, vector<512x1xi32>
    %slice3A_210 = vector.extract_strided_slice %select_n3A_63 {offsets = [0, 0], sizes = [512, 128], strides = [1, 1]} : vector<512x1024xf32> to vector<512x128xf32>
    %broadcast_in_dim3A_211 = arith.constant 0 : i32
    %broadcast_in_dim3A_212 = vector.broadcast %broadcast_in_dim3A_211 : i32 to vector<512x128xi32>
    %slice3A_213 = vector.extract_strided_slice %select_n3A_63 {offsets = [0, 128], sizes = [512, 128], strides = [1, 1]} : vector<512x1024xf32> to vector<512x128xf32>
    %lt3A_214 = arith.cmpf olt, %slice3A_213, %slice3A_210 : vector<512x128xf32>
    %select_n3A_215 = arith.select %lt3A_214, %slice3A_213, %slice3A_210 : vector<512x128xi1>, vector<512x128xf32>
    %jit3A_216 = arith.constant 1 : i32
    %broadcast_in_dim3A_217 = vector.broadcast %jit3A_216 : i32 to vector<512x128xi32>
    %select_n3A_218 = arith.select %lt3A_214, %broadcast_in_dim3A_217, %broadcast_in_dim3A_212 : vector<512x128xi1>, vector<512x128xi32>
    %slice3A_219 = vector.extract_strided_slice %select_n3A_63 {offsets = [0, 256], sizes = [512, 128], strides = [1, 1]} : vector<512x1024xf32> to vector<512x128xf32>
    %lt3A_220 = arith.cmpf olt, %slice3A_219, %select_n3A_215 : vector<512x128xf32>
    %select_n3A_221 = arith.select %lt3A_220, %slice3A_219, %select_n3A_215 : vector<512x128xi1>, vector<512x128xf32>
    %jit3A_222 = arith.constant 2 : i32
    %broadcast_in_dim3A_223 = vector.broadcast %jit3A_222 : i32 to vector<512x128xi32>
    %select_n3A_224 = arith.select %lt3A_220, %broadcast_in_dim3A_223, %select_n3A_218 : vector<512x128xi1>, vector<512x128xi32>
    %slice3A_225 = vector.extract_strided_slice %select_n3A_63 {offsets = [0, 384], sizes = [512, 128], strides = [1, 1]} : vector<512x1024xf32> to vector<512x128xf32>
    %lt3A_226 = arith.cmpf olt, %slice3A_225, %select_n3A_221 : vector<512x128xf32>
    %select_n3A_227 = arith.select %lt3A_226, %slice3A_225, %select_n3A_221 : vector<512x128xi1>, vector<512x128xf32>
    %jit3A_228 = arith.constant 3 : i32
    %broadcast_in_dim3A_229 = vector.broadcast %jit3A_228 : i32 to vector<512x128xi32>
    %select_n3A_230 = arith.select %lt3A_226, %broadcast_in_dim3A_229, %select_n3A_224 : vector<512x128xi1>, vector<512x128xi32>
    %slice3A_231 = vector.extract_strided_slice %select_n3A_63 {offsets = [0, 512], sizes = [512, 128], strides = [1, 1]} : vector<512x1024xf32> to vector<512x128xf32>
    %lt3A_232 = arith.cmpf olt, %slice3A_231, %select_n3A_227 : vector<512x128xf32>
    %select_n3A_233 = arith.select %lt3A_232, %slice3A_231, %select_n3A_227 : vector<512x128xi1>, vector<512x128xf32>
    %jit3A_234 = arith.constant 4 : i32
    %broadcast_in_dim3A_235 = vector.broadcast %jit3A_234 : i32 to vector<512x128xi32>
    %select_n3A_236 = arith.select %lt3A_232, %broadcast_in_dim3A_235, %select_n3A_230 : vector<512x128xi1>, vector<512x128xi32>
    %slice3A_237 = vector.extract_strided_slice %select_n3A_63 {offsets = [0, 640], sizes = [512, 128], strides = [1, 1]} : vector<512x1024xf32> to vector<512x128xf32>
    %lt3A_238 = arith.cmpf olt, %slice3A_237, %select_n3A_233 : vector<512x128xf32>
    %select_n3A_239 = arith.select %lt3A_238, %slice3A_237, %select_n3A_233 : vector<512x128xi1>, vector<512x128xf32>
    %jit3A_240 = arith.constant 5 : i32
    %broadcast_in_dim3A_241 = vector.broadcast %jit3A_240 : i32 to vector<512x128xi32>
    %select_n3A_242 = arith.select %lt3A_238, %broadcast_in_dim3A_241, %select_n3A_236 : vector<512x128xi1>, vector<512x128xi32>
    %slice3A_243 = vector.extract_strided_slice %select_n3A_63 {offsets = [0, 768], sizes = [512, 128], strides = [1, 1]} : vector<512x1024xf32> to vector<512x128xf32>
    %lt3A_244 = arith.cmpf olt, %slice3A_243, %select_n3A_239 : vector<512x128xf32>
    %select_n3A_245 = arith.select %lt3A_244, %slice3A_243, %select_n3A_239 : vector<512x128xi1>, vector<512x128xf32>
    %jit3A_246 = arith.constant 6 : i32
    %broadcast_in_dim3A_247 = vector.broadcast %jit3A_246 : i32 to vector<512x128xi32>
    %select_n3A_248 = arith.select %lt3A_244, %broadcast_in_dim3A_247, %select_n3A_242 : vector<512x128xi1>, vector<512x128xi32>
    %slice3A_249 = vector.extract_strided_slice %select_n3A_63 {offsets = [0, 896], sizes = [512, 128], strides = [1, 1]} : vector<512x1024xf32> to vector<512x128xf32>
    %lt3A_250 = arith.cmpf olt, %slice3A_249, %select_n3A_245 : vector<512x128xf32>
    %select_n3A_251 = arith.select %lt3A_250, %slice3A_249, %select_n3A_245 : vector<512x128xi1>, vector<512x128xf32>
    %jit3A_252 = arith.constant 7 : i32
    %broadcast_in_dim3A_253 = vector.broadcast %jit3A_252 : i32 to vector<512x128xi32>
    %select_n3A_254 = arith.select %lt3A_250, %broadcast_in_dim3A_253, %select_n3A_248 : vector<512x128xi1>, vector<512x128xi32>
    %reduce_min3A_255 = arith.constant dense<0x7F800000> : vector<512xf32>
    %reduce_min3A_256 = vector.multi_reduction <minimumf>, %select_n3A_251, %reduce_min3A_255 [1] : vector<512x128xf32> to vector<512xf32>
    %broadcast_in_dim3A_257 = vector.shape_cast %reduce_min3A_256 : vector<512xf32> to vector<512x1xf32>
    %eq3A_258 = vector.broadcast %broadcast_in_dim3A_257 : vector<512x1xf32> to vector<512x128xf32>
    %eq3A_259 = arith.cmpf oeq, %select_n3A_251, %eq3A_258 : vector<512x128xf32>
    %mul3A_260 = arith.constant 128 : i32
    %mul3A_261 = vector.broadcast %mul3A_260 : i32 to vector<512x128xi32>
    %mul3A_262 = arith.muli %select_n3A_254, %mul3A_261 : vector<512x128xi32>
    %add3A_263 = arith.addi %mul3A_262, %iota3A : vector<512x128xi32>
    %jit3A_264 = arith.constant 1024 : i32
    %broadcast_in_dim3A_265 = vector.broadcast %jit3A_264 : i32 to vector<512x128xi32>
    %select_n3A_266 = arith.select %eq3A_259, %add3A_263, %broadcast_in_dim3A_265 : vector<512x128xi1>, vector<512x128xi32>
    %reduce_min3A_267 = arith.constant dense<2147483647> : vector<512xi32>
    %reduce_min3A_268 = vector.multi_reduction <minsi>, %select_n3A_266, %reduce_min3A_267 [1] : vector<512x128xi32> to vector<512xi32>
    %broadcast_in_dim3A_269 = vector.shape_cast %reduce_min3A_268 : vector<512xi32> to vector<512x1xi32>
    %lt3A_270 = arith.constant 4.000000e-02 : f32
    %lt3A_271 = vector.broadcast %lt3A_270 : f32 to vector<512x1xf32>
    %lt3A_272 = arith.cmpf olt, %broadcast_in_dim3A_257, %lt3A_271 : vector<512x1xf32>
    %select_n3A_273 = arith.select %lt3A_272, %broadcast_in_dim3A_269, %add3A_83 : vector<512x1xi1>, vector<512x1xi32>
    %slice3A_274 = vector.extract_strided_slice %select_n3A_66 {offsets = [0, 0], sizes = [512, 128], strides = [1, 1]} : vector<512x1024xf32> to vector<512x128xf32>
    %broadcast_in_dim3A_275 = arith.constant 0 : i32
    %broadcast_in_dim3A_276 = vector.broadcast %broadcast_in_dim3A_275 : i32 to vector<512x128xi32>
    %slice3A_277 = vector.extract_strided_slice %select_n3A_66 {offsets = [0, 128], sizes = [512, 128], strides = [1, 1]} : vector<512x1024xf32> to vector<512x128xf32>
    %lt3A_278 = arith.cmpf olt, %slice3A_277, %slice3A_274 : vector<512x128xf32>
    %select_n3A_279 = arith.select %lt3A_278, %slice3A_277, %slice3A_274 : vector<512x128xi1>, vector<512x128xf32>
    %jit3A_280 = arith.constant 1 : i32
    %broadcast_in_dim3A_281 = vector.broadcast %jit3A_280 : i32 to vector<512x128xi32>
    %select_n3A_282 = arith.select %lt3A_278, %broadcast_in_dim3A_281, %broadcast_in_dim3A_276 : vector<512x128xi1>, vector<512x128xi32>
    %slice3A_283 = vector.extract_strided_slice %select_n3A_66 {offsets = [0, 256], sizes = [512, 128], strides = [1, 1]} : vector<512x1024xf32> to vector<512x128xf32>
    %lt3A_284 = arith.cmpf olt, %slice3A_283, %select_n3A_279 : vector<512x128xf32>
    %select_n3A_285 = arith.select %lt3A_284, %slice3A_283, %select_n3A_279 : vector<512x128xi1>, vector<512x128xf32>
    %jit3A_286 = arith.constant 2 : i32
    %broadcast_in_dim3A_287 = vector.broadcast %jit3A_286 : i32 to vector<512x128xi32>
    %select_n3A_288 = arith.select %lt3A_284, %broadcast_in_dim3A_287, %select_n3A_282 : vector<512x128xi1>, vector<512x128xi32>
    %slice3A_289 = vector.extract_strided_slice %select_n3A_66 {offsets = [0, 384], sizes = [512, 128], strides = [1, 1]} : vector<512x1024xf32> to vector<512x128xf32>
    %lt3A_290 = arith.cmpf olt, %slice3A_289, %select_n3A_285 : vector<512x128xf32>
    %select_n3A_291 = arith.select %lt3A_290, %slice3A_289, %select_n3A_285 : vector<512x128xi1>, vector<512x128xf32>
    %jit3A_292 = arith.constant 3 : i32
    %broadcast_in_dim3A_293 = vector.broadcast %jit3A_292 : i32 to vector<512x128xi32>
    %select_n3A_294 = arith.select %lt3A_290, %broadcast_in_dim3A_293, %select_n3A_288 : vector<512x128xi1>, vector<512x128xi32>
    %slice3A_295 = vector.extract_strided_slice %select_n3A_66 {offsets = [0, 512], sizes = [512, 128], strides = [1, 1]} : vector<512x1024xf32> to vector<512x128xf32>
    %lt3A_296 = arith.cmpf olt, %slice3A_295, %select_n3A_291 : vector<512x128xf32>
    %select_n3A_297 = arith.select %lt3A_296, %slice3A_295, %select_n3A_291 : vector<512x128xi1>, vector<512x128xf32>
    %jit3A_298 = arith.constant 4 : i32
    %broadcast_in_dim3A_299 = vector.broadcast %jit3A_298 : i32 to vector<512x128xi32>
    %select_n3A_300 = arith.select %lt3A_296, %broadcast_in_dim3A_299, %select_n3A_294 : vector<512x128xi1>, vector<512x128xi32>
    %slice3A_301 = vector.extract_strided_slice %select_n3A_66 {offsets = [0, 640], sizes = [512, 128], strides = [1, 1]} : vector<512x1024xf32> to vector<512x128xf32>
    %lt3A_302 = arith.cmpf olt, %slice3A_301, %select_n3A_297 : vector<512x128xf32>
    %select_n3A_303 = arith.select %lt3A_302, %slice3A_301, %select_n3A_297 : vector<512x128xi1>, vector<512x128xf32>
    %jit3A_304 = arith.constant 5 : i32
    %broadcast_in_dim3A_305 = vector.broadcast %jit3A_304 : i32 to vector<512x128xi32>
    %select_n3A_306 = arith.select %lt3A_302, %broadcast_in_dim3A_305, %select_n3A_300 : vector<512x128xi1>, vector<512x128xi32>
    %slice3A_307 = vector.extract_strided_slice %select_n3A_66 {offsets = [0, 768], sizes = [512, 128], strides = [1, 1]} : vector<512x1024xf32> to vector<512x128xf32>
    %lt3A_308 = arith.cmpf olt, %slice3A_307, %select_n3A_303 : vector<512x128xf32>
    %select_n3A_309 = arith.select %lt3A_308, %slice3A_307, %select_n3A_303 : vector<512x128xi1>, vector<512x128xf32>
    %jit3A_310 = arith.constant 6 : i32
    %broadcast_in_dim3A_311 = vector.broadcast %jit3A_310 : i32 to vector<512x128xi32>
    %select_n3A_312 = arith.select %lt3A_308, %broadcast_in_dim3A_311, %select_n3A_306 : vector<512x128xi1>, vector<512x128xi32>
    %slice3A_313 = vector.extract_strided_slice %select_n3A_66 {offsets = [0, 896], sizes = [512, 128], strides = [1, 1]} : vector<512x1024xf32> to vector<512x128xf32>
    %lt3A_314 = arith.cmpf olt, %slice3A_313, %select_n3A_309 : vector<512x128xf32>
    %select_n3A_315 = arith.select %lt3A_314, %slice3A_313, %select_n3A_309 : vector<512x128xi1>, vector<512x128xf32>
    %jit3A_316 = arith.constant 7 : i32
    %broadcast_in_dim3A_317 = vector.broadcast %jit3A_316 : i32 to vector<512x128xi32>
    %select_n3A_318 = arith.select %lt3A_314, %broadcast_in_dim3A_317, %select_n3A_312 : vector<512x128xi1>, vector<512x128xi32>
    %reduce_min3A_319 = arith.constant dense<0x7F800000> : vector<512xf32>
    %reduce_min3A_320 = vector.multi_reduction <minimumf>, %select_n3A_315, %reduce_min3A_319 [1] : vector<512x128xf32> to vector<512xf32>
    %broadcast_in_dim3A_321 = vector.shape_cast %reduce_min3A_320 : vector<512xf32> to vector<512x1xf32>
    %eq3A_322 = vector.broadcast %broadcast_in_dim3A_321 : vector<512x1xf32> to vector<512x128xf32>
    %eq3A_323 = arith.cmpf oeq, %select_n3A_315, %eq3A_322 : vector<512x128xf32>
    %mul3A_324 = arith.constant 128 : i32
    %mul3A_325 = vector.broadcast %mul3A_324 : i32 to vector<512x128xi32>
    %mul3A_326 = arith.muli %select_n3A_318, %mul3A_325 : vector<512x128xi32>
    %add3A_327 = arith.addi %mul3A_326, %iota3A : vector<512x128xi32>
    %jit3A_328 = arith.constant 1024 : i32
    %broadcast_in_dim3A_329 = vector.broadcast %jit3A_328 : i32 to vector<512x128xi32>
    %select_n3A_330 = arith.select %eq3A_323, %add3A_327, %broadcast_in_dim3A_329 : vector<512x128xi1>, vector<512x128xi32>
    %reduce_min3A_331 = arith.constant dense<2147483647> : vector<512xi32>
    %reduce_min3A_332 = vector.multi_reduction <minsi>, %select_n3A_330, %reduce_min3A_331 [1] : vector<512x128xi32> to vector<512xi32>
    %broadcast_in_dim3A_333 = vector.shape_cast %reduce_min3A_332 : vector<512xi32> to vector<512x1xi32>
    %lt3A_334 = arith.constant 4.000000e-02 : f32
    %lt3A_335 = vector.broadcast %lt3A_334 : f32 to vector<512x1xf32>
    %lt3A_336 = arith.cmpf olt, %broadcast_in_dim3A_321, %lt3A_335 : vector<512x1xf32>
    %select_n3A_337 = arith.select %lt3A_336, %broadcast_in_dim3A_333, %add3A_83 : vector<512x1xi1>, vector<512x1xi32>
    %slice3A_338 = vector.extract_strided_slice %select_n3A_69 {offsets = [0, 0], sizes = [512, 128], strides = [1, 1]} : vector<512x1024xf32> to vector<512x128xf32>
    %broadcast_in_dim3A_339 = arith.constant 0 : i32
    %broadcast_in_dim3A_340 = vector.broadcast %broadcast_in_dim3A_339 : i32 to vector<512x128xi32>
    %slice3A_341 = vector.extract_strided_slice %select_n3A_69 {offsets = [0, 128], sizes = [512, 128], strides = [1, 1]} : vector<512x1024xf32> to vector<512x128xf32>
    %lt3A_342 = arith.cmpf olt, %slice3A_341, %slice3A_338 : vector<512x128xf32>
    %select_n3A_343 = arith.select %lt3A_342, %slice3A_341, %slice3A_338 : vector<512x128xi1>, vector<512x128xf32>
    %jit3A_344 = arith.constant 1 : i32
    %broadcast_in_dim3A_345 = vector.broadcast %jit3A_344 : i32 to vector<512x128xi32>
    %select_n3A_346 = arith.select %lt3A_342, %broadcast_in_dim3A_345, %broadcast_in_dim3A_340 : vector<512x128xi1>, vector<512x128xi32>
    %slice3A_347 = vector.extract_strided_slice %select_n3A_69 {offsets = [0, 256], sizes = [512, 128], strides = [1, 1]} : vector<512x1024xf32> to vector<512x128xf32>
    %lt3A_348 = arith.cmpf olt, %slice3A_347, %select_n3A_343 : vector<512x128xf32>
    %select_n3A_349 = arith.select %lt3A_348, %slice3A_347, %select_n3A_343 : vector<512x128xi1>, vector<512x128xf32>
    %jit3A_350 = arith.constant 2 : i32
    %broadcast_in_dim3A_351 = vector.broadcast %jit3A_350 : i32 to vector<512x128xi32>
    %select_n3A_352 = arith.select %lt3A_348, %broadcast_in_dim3A_351, %select_n3A_346 : vector<512x128xi1>, vector<512x128xi32>
    %slice3A_353 = vector.extract_strided_slice %select_n3A_69 {offsets = [0, 384], sizes = [512, 128], strides = [1, 1]} : vector<512x1024xf32> to vector<512x128xf32>
    %lt3A_354 = arith.cmpf olt, %slice3A_353, %select_n3A_349 : vector<512x128xf32>
    %select_n3A_355 = arith.select %lt3A_354, %slice3A_353, %select_n3A_349 : vector<512x128xi1>, vector<512x128xf32>
    %jit3A_356 = arith.constant 3 : i32
    %broadcast_in_dim3A_357 = vector.broadcast %jit3A_356 : i32 to vector<512x128xi32>
    %select_n3A_358 = arith.select %lt3A_354, %broadcast_in_dim3A_357, %select_n3A_352 : vector<512x128xi1>, vector<512x128xi32>
    %slice3A_359 = vector.extract_strided_slice %select_n3A_69 {offsets = [0, 512], sizes = [512, 128], strides = [1, 1]} : vector<512x1024xf32> to vector<512x128xf32>
    %lt3A_360 = arith.cmpf olt, %slice3A_359, %select_n3A_355 : vector<512x128xf32>
    %select_n3A_361 = arith.select %lt3A_360, %slice3A_359, %select_n3A_355 : vector<512x128xi1>, vector<512x128xf32>
    %jit3A_362 = arith.constant 4 : i32
    %broadcast_in_dim3A_363 = vector.broadcast %jit3A_362 : i32 to vector<512x128xi32>
    %select_n3A_364 = arith.select %lt3A_360, %broadcast_in_dim3A_363, %select_n3A_358 : vector<512x128xi1>, vector<512x128xi32>
    %slice3A_365 = vector.extract_strided_slice %select_n3A_69 {offsets = [0, 640], sizes = [512, 128], strides = [1, 1]} : vector<512x1024xf32> to vector<512x128xf32>
    %lt3A_366 = arith.cmpf olt, %slice3A_365, %select_n3A_361 : vector<512x128xf32>
    %select_n3A_367 = arith.select %lt3A_366, %slice3A_365, %select_n3A_361 : vector<512x128xi1>, vector<512x128xf32>
    %jit3A_368 = arith.constant 5 : i32
    %broadcast_in_dim3A_369 = vector.broadcast %jit3A_368 : i32 to vector<512x128xi32>
    %select_n3A_370 = arith.select %lt3A_366, %broadcast_in_dim3A_369, %select_n3A_364 : vector<512x128xi1>, vector<512x128xi32>
    %slice3A_371 = vector.extract_strided_slice %select_n3A_69 {offsets = [0, 768], sizes = [512, 128], strides = [1, 1]} : vector<512x1024xf32> to vector<512x128xf32>
    %lt3A_372 = arith.cmpf olt, %slice3A_371, %select_n3A_367 : vector<512x128xf32>
    %select_n3A_373 = arith.select %lt3A_372, %slice3A_371, %select_n3A_367 : vector<512x128xi1>, vector<512x128xf32>
    %jit3A_374 = arith.constant 6 : i32
    %broadcast_in_dim3A_375 = vector.broadcast %jit3A_374 : i32 to vector<512x128xi32>
    %select_n3A_376 = arith.select %lt3A_372, %broadcast_in_dim3A_375, %select_n3A_370 : vector<512x128xi1>, vector<512x128xi32>
    %slice3A_377 = vector.extract_strided_slice %select_n3A_69 {offsets = [0, 896], sizes = [512, 128], strides = [1, 1]} : vector<512x1024xf32> to vector<512x128xf32>
    %lt3A_378 = arith.cmpf olt, %slice3A_377, %select_n3A_373 : vector<512x128xf32>
    %select_n3A_379 = arith.select %lt3A_378, %slice3A_377, %select_n3A_373 : vector<512x128xi1>, vector<512x128xf32>
    %jit3A_380 = arith.constant 7 : i32
    %broadcast_in_dim3A_381 = vector.broadcast %jit3A_380 : i32 to vector<512x128xi32>
    %select_n3A_382 = arith.select %lt3A_378, %broadcast_in_dim3A_381, %select_n3A_376 : vector<512x128xi1>, vector<512x128xi32>
    %reduce_min3A_383 = arith.constant dense<0x7F800000> : vector<512xf32>
    %reduce_min3A_384 = vector.multi_reduction <minimumf>, %select_n3A_379, %reduce_min3A_383 [1] : vector<512x128xf32> to vector<512xf32>
    %broadcast_in_dim3A_385 = vector.shape_cast %reduce_min3A_384 : vector<512xf32> to vector<512x1xf32>
    %eq3A_386 = vector.broadcast %broadcast_in_dim3A_385 : vector<512x1xf32> to vector<512x128xf32>
    %eq3A_387 = arith.cmpf oeq, %select_n3A_379, %eq3A_386 : vector<512x128xf32>
    %mul3A_388 = arith.constant 128 : i32
    %mul3A_389 = vector.broadcast %mul3A_388 : i32 to vector<512x128xi32>
    %mul3A_390 = arith.muli %select_n3A_382, %mul3A_389 : vector<512x128xi32>
    %add3A_391 = arith.addi %mul3A_390, %iota3A : vector<512x128xi32>
    %jit3A_392 = arith.constant 1024 : i32
    %broadcast_in_dim3A_393 = vector.broadcast %jit3A_392 : i32 to vector<512x128xi32>
    %select_n3A_394 = arith.select %eq3A_387, %add3A_391, %broadcast_in_dim3A_393 : vector<512x128xi1>, vector<512x128xi32>
    %reduce_min3A_395 = arith.constant dense<2147483647> : vector<512xi32>
    %reduce_min3A_396 = vector.multi_reduction <minsi>, %select_n3A_394, %reduce_min3A_395 [1] : vector<512x128xi32> to vector<512xi32>
    %broadcast_in_dim3A_397 = vector.shape_cast %reduce_min3A_396 : vector<512xi32> to vector<512x1xi32>
    %lt3A_398 = arith.constant 4.000000e-02 : f32
    %lt3A_399 = vector.broadcast %lt3A_398 : f32 to vector<512x1xf32>
    %lt3A_400 = arith.cmpf olt, %broadcast_in_dim3A_385, %lt3A_399 : vector<512x1xf32>
    %select_n3A_401 = arith.select %lt3A_400, %broadcast_in_dim3A_397, %add3A_83 : vector<512x1xi1>, vector<512x1xi32>
    %slice3A_402 = vector.extract_strided_slice %select_n3A_72 {offsets = [0, 0], sizes = [512, 128], strides = [1, 1]} : vector<512x1024xf32> to vector<512x128xf32>
    %broadcast_in_dim3A_403 = arith.constant 0 : i32
    %broadcast_in_dim3A_404 = vector.broadcast %broadcast_in_dim3A_403 : i32 to vector<512x128xi32>
    %slice3A_405 = vector.extract_strided_slice %select_n3A_72 {offsets = [0, 128], sizes = [512, 128], strides = [1, 1]} : vector<512x1024xf32> to vector<512x128xf32>
    %lt3A_406 = arith.cmpf olt, %slice3A_405, %slice3A_402 : vector<512x128xf32>
    %select_n3A_407 = arith.select %lt3A_406, %slice3A_405, %slice3A_402 : vector<512x128xi1>, vector<512x128xf32>
    %jit3A_408 = arith.constant 1 : i32
    %broadcast_in_dim3A_409 = vector.broadcast %jit3A_408 : i32 to vector<512x128xi32>
    %select_n3A_410 = arith.select %lt3A_406, %broadcast_in_dim3A_409, %broadcast_in_dim3A_404 : vector<512x128xi1>, vector<512x128xi32>
    %slice3A_411 = vector.extract_strided_slice %select_n3A_72 {offsets = [0, 256], sizes = [512, 128], strides = [1, 1]} : vector<512x1024xf32> to vector<512x128xf32>
    %lt3A_412 = arith.cmpf olt, %slice3A_411, %select_n3A_407 : vector<512x128xf32>
    %select_n3A_413 = arith.select %lt3A_412, %slice3A_411, %select_n3A_407 : vector<512x128xi1>, vector<512x128xf32>
    %jit3A_414 = arith.constant 2 : i32
    %broadcast_in_dim3A_415 = vector.broadcast %jit3A_414 : i32 to vector<512x128xi32>
    %select_n3A_416 = arith.select %lt3A_412, %broadcast_in_dim3A_415, %select_n3A_410 : vector<512x128xi1>, vector<512x128xi32>
    %slice3A_417 = vector.extract_strided_slice %select_n3A_72 {offsets = [0, 384], sizes = [512, 128], strides = [1, 1]} : vector<512x1024xf32> to vector<512x128xf32>
    %lt3A_418 = arith.cmpf olt, %slice3A_417, %select_n3A_413 : vector<512x128xf32>
    %select_n3A_419 = arith.select %lt3A_418, %slice3A_417, %select_n3A_413 : vector<512x128xi1>, vector<512x128xf32>
    %jit3A_420 = arith.constant 3 : i32
    %broadcast_in_dim3A_421 = vector.broadcast %jit3A_420 : i32 to vector<512x128xi32>
    %select_n3A_422 = arith.select %lt3A_418, %broadcast_in_dim3A_421, %select_n3A_416 : vector<512x128xi1>, vector<512x128xi32>
    %slice3A_423 = vector.extract_strided_slice %select_n3A_72 {offsets = [0, 512], sizes = [512, 128], strides = [1, 1]} : vector<512x1024xf32> to vector<512x128xf32>
    %lt3A_424 = arith.cmpf olt, %slice3A_423, %select_n3A_419 : vector<512x128xf32>
    %select_n3A_425 = arith.select %lt3A_424, %slice3A_423, %select_n3A_419 : vector<512x128xi1>, vector<512x128xf32>
    %jit3A_426 = arith.constant 4 : i32
    %broadcast_in_dim3A_427 = vector.broadcast %jit3A_426 : i32 to vector<512x128xi32>
    %select_n3A_428 = arith.select %lt3A_424, %broadcast_in_dim3A_427, %select_n3A_422 : vector<512x128xi1>, vector<512x128xi32>
    %slice3A_429 = vector.extract_strided_slice %select_n3A_72 {offsets = [0, 640], sizes = [512, 128], strides = [1, 1]} : vector<512x1024xf32> to vector<512x128xf32>
    %lt3A_430 = arith.cmpf olt, %slice3A_429, %select_n3A_425 : vector<512x128xf32>
    %select_n3A_431 = arith.select %lt3A_430, %slice3A_429, %select_n3A_425 : vector<512x128xi1>, vector<512x128xf32>
    %jit3A_432 = arith.constant 5 : i32
    %broadcast_in_dim3A_433 = vector.broadcast %jit3A_432 : i32 to vector<512x128xi32>
    %select_n3A_434 = arith.select %lt3A_430, %broadcast_in_dim3A_433, %select_n3A_428 : vector<512x128xi1>, vector<512x128xi32>
    %slice3A_435 = vector.extract_strided_slice %select_n3A_72 {offsets = [0, 768], sizes = [512, 128], strides = [1, 1]} : vector<512x1024xf32> to vector<512x128xf32>
    %lt3A_436 = arith.cmpf olt, %slice3A_435, %select_n3A_431 : vector<512x128xf32>
    %select_n3A_437 = arith.select %lt3A_436, %slice3A_435, %select_n3A_431 : vector<512x128xi1>, vector<512x128xf32>
    %jit3A_438 = arith.constant 6 : i32
    %broadcast_in_dim3A_439 = vector.broadcast %jit3A_438 : i32 to vector<512x128xi32>
    %select_n3A_440 = arith.select %lt3A_436, %broadcast_in_dim3A_439, %select_n3A_434 : vector<512x128xi1>, vector<512x128xi32>
    %slice3A_441 = vector.extract_strided_slice %select_n3A_72 {offsets = [0, 896], sizes = [512, 128], strides = [1, 1]} : vector<512x1024xf32> to vector<512x128xf32>
    %lt3A_442 = arith.cmpf olt, %slice3A_441, %select_n3A_437 : vector<512x128xf32>
    %select_n3A_443 = arith.select %lt3A_442, %slice3A_441, %select_n3A_437 : vector<512x128xi1>, vector<512x128xf32>
    %jit3A_444 = arith.constant 7 : i32
    %broadcast_in_dim3A_445 = vector.broadcast %jit3A_444 : i32 to vector<512x128xi32>
    %select_n3A_446 = arith.select %lt3A_442, %broadcast_in_dim3A_445, %select_n3A_440 : vector<512x128xi1>, vector<512x128xi32>
    %reduce_min3A_447 = arith.constant dense<0x7F800000> : vector<512xf32>
    %reduce_min3A_448 = vector.multi_reduction <minimumf>, %select_n3A_443, %reduce_min3A_447 [1] : vector<512x128xf32> to vector<512xf32>
    %broadcast_in_dim3A_449 = vector.shape_cast %reduce_min3A_448 : vector<512xf32> to vector<512x1xf32>
    %eq3A_450 = vector.broadcast %broadcast_in_dim3A_449 : vector<512x1xf32> to vector<512x128xf32>
    %eq3A_451 = arith.cmpf oeq, %select_n3A_443, %eq3A_450 : vector<512x128xf32>
    %mul3A_452 = arith.constant 128 : i32
    %mul3A_453 = vector.broadcast %mul3A_452 : i32 to vector<512x128xi32>
    %mul3A_454 = arith.muli %select_n3A_446, %mul3A_453 : vector<512x128xi32>
    %add3A_455 = arith.addi %mul3A_454, %iota3A : vector<512x128xi32>
    %jit3A_456 = arith.constant 1024 : i32
    %broadcast_in_dim3A_457 = vector.broadcast %jit3A_456 : i32 to vector<512x128xi32>
    %select_n3A_458 = arith.select %eq3A_451, %add3A_455, %broadcast_in_dim3A_457 : vector<512x128xi1>, vector<512x128xi32>
    %reduce_min3A_459 = arith.constant dense<2147483647> : vector<512xi32>
    %reduce_min3A_460 = vector.multi_reduction <minsi>, %select_n3A_458, %reduce_min3A_459 [1] : vector<512x128xi32> to vector<512xi32>
    %broadcast_in_dim3A_461 = vector.shape_cast %reduce_min3A_460 : vector<512xi32> to vector<512x1xi32>
    %lt3A_462 = arith.constant 4.000000e-02 : f32
    %lt3A_463 = vector.broadcast %lt3A_462 : f32 to vector<512x1xf32>
    %lt3A_464 = arith.cmpf olt, %broadcast_in_dim3A_449, %lt3A_463 : vector<512x1xf32>
    %select_n3A_465 = arith.select %lt3A_464, %broadcast_in_dim3A_461, %add3A_83 : vector<512x1xi1>, vector<512x1xi32>
    %slice3A_466 = vector.extract_strided_slice %select_n3A_75 {offsets = [0, 0], sizes = [512, 128], strides = [1, 1]} : vector<512x1024xf32> to vector<512x128xf32>
    %broadcast_in_dim3A_467 = arith.constant 0 : i32
    %broadcast_in_dim3A_468 = vector.broadcast %broadcast_in_dim3A_467 : i32 to vector<512x128xi32>
    %slice3A_469 = vector.extract_strided_slice %select_n3A_75 {offsets = [0, 128], sizes = [512, 128], strides = [1, 1]} : vector<512x1024xf32> to vector<512x128xf32>
    %lt3A_470 = arith.cmpf olt, %slice3A_469, %slice3A_466 : vector<512x128xf32>
    %select_n3A_471 = arith.select %lt3A_470, %slice3A_469, %slice3A_466 : vector<512x128xi1>, vector<512x128xf32>
    %jit3A_472 = arith.constant 1 : i32
    %broadcast_in_dim3A_473 = vector.broadcast %jit3A_472 : i32 to vector<512x128xi32>
    %select_n3A_474 = arith.select %lt3A_470, %broadcast_in_dim3A_473, %broadcast_in_dim3A_468 : vector<512x128xi1>, vector<512x128xi32>
    %slice3A_475 = vector.extract_strided_slice %select_n3A_75 {offsets = [0, 256], sizes = [512, 128], strides = [1, 1]} : vector<512x1024xf32> to vector<512x128xf32>
    %lt3A_476 = arith.cmpf olt, %slice3A_475, %select_n3A_471 : vector<512x128xf32>
    %select_n3A_477 = arith.select %lt3A_476, %slice3A_475, %select_n3A_471 : vector<512x128xi1>, vector<512x128xf32>
    %jit3A_478 = arith.constant 2 : i32
    %broadcast_in_dim3A_479 = vector.broadcast %jit3A_478 : i32 to vector<512x128xi32>
    %select_n3A_480 = arith.select %lt3A_476, %broadcast_in_dim3A_479, %select_n3A_474 : vector<512x128xi1>, vector<512x128xi32>
    %slice3A_481 = vector.extract_strided_slice %select_n3A_75 {offsets = [0, 384], sizes = [512, 128], strides = [1, 1]} : vector<512x1024xf32> to vector<512x128xf32>
    %lt3A_482 = arith.cmpf olt, %slice3A_481, %select_n3A_477 : vector<512x128xf32>
    %select_n3A_483 = arith.select %lt3A_482, %slice3A_481, %select_n3A_477 : vector<512x128xi1>, vector<512x128xf32>
    %jit3A_484 = arith.constant 3 : i32
    %broadcast_in_dim3A_485 = vector.broadcast %jit3A_484 : i32 to vector<512x128xi32>
    %select_n3A_486 = arith.select %lt3A_482, %broadcast_in_dim3A_485, %select_n3A_480 : vector<512x128xi1>, vector<512x128xi32>
    %slice3A_487 = vector.extract_strided_slice %select_n3A_75 {offsets = [0, 512], sizes = [512, 128], strides = [1, 1]} : vector<512x1024xf32> to vector<512x128xf32>
    %lt3A_488 = arith.cmpf olt, %slice3A_487, %select_n3A_483 : vector<512x128xf32>
    %select_n3A_489 = arith.select %lt3A_488, %slice3A_487, %select_n3A_483 : vector<512x128xi1>, vector<512x128xf32>
    %jit3A_490 = arith.constant 4 : i32
    %broadcast_in_dim3A_491 = vector.broadcast %jit3A_490 : i32 to vector<512x128xi32>
    %select_n3A_492 = arith.select %lt3A_488, %broadcast_in_dim3A_491, %select_n3A_486 : vector<512x128xi1>, vector<512x128xi32>
    %slice3A_493 = vector.extract_strided_slice %select_n3A_75 {offsets = [0, 640], sizes = [512, 128], strides = [1, 1]} : vector<512x1024xf32> to vector<512x128xf32>
    %lt3A_494 = arith.cmpf olt, %slice3A_493, %select_n3A_489 : vector<512x128xf32>
    %select_n3A_495 = arith.select %lt3A_494, %slice3A_493, %select_n3A_489 : vector<512x128xi1>, vector<512x128xf32>
    %jit3A_496 = arith.constant 5 : i32
    %broadcast_in_dim3A_497 = vector.broadcast %jit3A_496 : i32 to vector<512x128xi32>
    %select_n3A_498 = arith.select %lt3A_494, %broadcast_in_dim3A_497, %select_n3A_492 : vector<512x128xi1>, vector<512x128xi32>
    %slice3A_499 = vector.extract_strided_slice %select_n3A_75 {offsets = [0, 768], sizes = [512, 128], strides = [1, 1]} : vector<512x1024xf32> to vector<512x128xf32>
    %lt3A_500 = arith.cmpf olt, %slice3A_499, %select_n3A_495 : vector<512x128xf32>
    %select_n3A_501 = arith.select %lt3A_500, %slice3A_499, %select_n3A_495 : vector<512x128xi1>, vector<512x128xf32>
    %jit3A_502 = arith.constant 6 : i32
    %broadcast_in_dim3A_503 = vector.broadcast %jit3A_502 : i32 to vector<512x128xi32>
    %select_n3A_504 = arith.select %lt3A_500, %broadcast_in_dim3A_503, %select_n3A_498 : vector<512x128xi1>, vector<512x128xi32>
    %slice3A_505 = vector.extract_strided_slice %select_n3A_75 {offsets = [0, 896], sizes = [512, 128], strides = [1, 1]} : vector<512x1024xf32> to vector<512x128xf32>
    %lt3A_506 = arith.cmpf olt, %slice3A_505, %select_n3A_501 : vector<512x128xf32>
    %select_n3A_507 = arith.select %lt3A_506, %slice3A_505, %select_n3A_501 : vector<512x128xi1>, vector<512x128xf32>
    %jit3A_508 = arith.constant 7 : i32
    %broadcast_in_dim3A_509 = vector.broadcast %jit3A_508 : i32 to vector<512x128xi32>
    %select_n3A_510 = arith.select %lt3A_506, %broadcast_in_dim3A_509, %select_n3A_504 : vector<512x128xi1>, vector<512x128xi32>
    %reduce_min3A_511 = arith.constant dense<0x7F800000> : vector<512xf32>
    %reduce_min3A_512 = vector.multi_reduction <minimumf>, %select_n3A_507, %reduce_min3A_511 [1] : vector<512x128xf32> to vector<512xf32>
    %broadcast_in_dim3A_513 = vector.shape_cast %reduce_min3A_512 : vector<512xf32> to vector<512x1xf32>
    %eq3A_514 = vector.broadcast %broadcast_in_dim3A_513 : vector<512x1xf32> to vector<512x128xf32>
    %eq3A_515 = arith.cmpf oeq, %select_n3A_507, %eq3A_514 : vector<512x128xf32>
    %mul3A_516 = arith.constant 128 : i32
    %mul3A_517 = vector.broadcast %mul3A_516 : i32 to vector<512x128xi32>
    %mul3A_518 = arith.muli %select_n3A_510, %mul3A_517 : vector<512x128xi32>
    %add3A_519 = arith.addi %mul3A_518, %iota3A : vector<512x128xi32>
    %jit3A_520 = arith.constant 1024 : i32
    %broadcast_in_dim3A_521 = vector.broadcast %jit3A_520 : i32 to vector<512x128xi32>
    %select_n3A_522 = arith.select %eq3A_515, %add3A_519, %broadcast_in_dim3A_521 : vector<512x128xi1>, vector<512x128xi32>
    %reduce_min3A_523 = arith.constant dense<2147483647> : vector<512xi32>
    %reduce_min3A_524 = vector.multi_reduction <minsi>, %select_n3A_522, %reduce_min3A_523 [1] : vector<512x128xi32> to vector<512xi32>
    %broadcast_in_dim3A_525 = vector.shape_cast %reduce_min3A_524 : vector<512xi32> to vector<512x1xi32>
    %lt3A_526 = arith.constant 4.000000e-02 : f32
    %lt3A_527 = vector.broadcast %lt3A_526 : f32 to vector<512x1xf32>
    %lt3A_528 = arith.cmpf olt, %broadcast_in_dim3A_513, %lt3A_527 : vector<512x1xf32>
    %select_n3A_529 = arith.select %lt3A_528, %broadcast_in_dim3A_525, %add3A_83 : vector<512x1xi1>, vector<512x1xi32>
    %slice3A_530 = vector.extract_strided_slice %select_n3A_78 {offsets = [0, 0], sizes = [512, 128], strides = [1, 1]} : vector<512x1024xf32> to vector<512x128xf32>
    %broadcast_in_dim3A_531 = arith.constant 0 : i32
    %broadcast_in_dim3A_532 = vector.broadcast %broadcast_in_dim3A_531 : i32 to vector<512x128xi32>
    %slice3A_533 = vector.extract_strided_slice %select_n3A_78 {offsets = [0, 128], sizes = [512, 128], strides = [1, 1]} : vector<512x1024xf32> to vector<512x128xf32>
    %lt3A_534 = arith.cmpf olt, %slice3A_533, %slice3A_530 : vector<512x128xf32>
    %select_n3A_535 = arith.select %lt3A_534, %slice3A_533, %slice3A_530 : vector<512x128xi1>, vector<512x128xf32>
    %jit3A_536 = arith.constant 1 : i32
    %broadcast_in_dim3A_537 = vector.broadcast %jit3A_536 : i32 to vector<512x128xi32>
    %select_n3A_538 = arith.select %lt3A_534, %broadcast_in_dim3A_537, %broadcast_in_dim3A_532 : vector<512x128xi1>, vector<512x128xi32>
    %slice3A_539 = vector.extract_strided_slice %select_n3A_78 {offsets = [0, 256], sizes = [512, 128], strides = [1, 1]} : vector<512x1024xf32> to vector<512x128xf32>
    %lt3A_540 = arith.cmpf olt, %slice3A_539, %select_n3A_535 : vector<512x128xf32>
    %select_n3A_541 = arith.select %lt3A_540, %slice3A_539, %select_n3A_535 : vector<512x128xi1>, vector<512x128xf32>
    %jit3A_542 = arith.constant 2 : i32
    %broadcast_in_dim3A_543 = vector.broadcast %jit3A_542 : i32 to vector<512x128xi32>
    %select_n3A_544 = arith.select %lt3A_540, %broadcast_in_dim3A_543, %select_n3A_538 : vector<512x128xi1>, vector<512x128xi32>
    %slice3A_545 = vector.extract_strided_slice %select_n3A_78 {offsets = [0, 384], sizes = [512, 128], strides = [1, 1]} : vector<512x1024xf32> to vector<512x128xf32>
    %lt3A_546 = arith.cmpf olt, %slice3A_545, %select_n3A_541 : vector<512x128xf32>
    %select_n3A_547 = arith.select %lt3A_546, %slice3A_545, %select_n3A_541 : vector<512x128xi1>, vector<512x128xf32>
    %jit3A_548 = arith.constant 3 : i32
    %broadcast_in_dim3A_549 = vector.broadcast %jit3A_548 : i32 to vector<512x128xi32>
    %select_n3A_550 = arith.select %lt3A_546, %broadcast_in_dim3A_549, %select_n3A_544 : vector<512x128xi1>, vector<512x128xi32>
    %slice3A_551 = vector.extract_strided_slice %select_n3A_78 {offsets = [0, 512], sizes = [512, 128], strides = [1, 1]} : vector<512x1024xf32> to vector<512x128xf32>
    %lt3A_552 = arith.cmpf olt, %slice3A_551, %select_n3A_547 : vector<512x128xf32>
    %select_n3A_553 = arith.select %lt3A_552, %slice3A_551, %select_n3A_547 : vector<512x128xi1>, vector<512x128xf32>
    %jit3A_554 = arith.constant 4 : i32
    %broadcast_in_dim3A_555 = vector.broadcast %jit3A_554 : i32 to vector<512x128xi32>
    %select_n3A_556 = arith.select %lt3A_552, %broadcast_in_dim3A_555, %select_n3A_550 : vector<512x128xi1>, vector<512x128xi32>
    %slice3A_557 = vector.extract_strided_slice %select_n3A_78 {offsets = [0, 640], sizes = [512, 128], strides = [1, 1]} : vector<512x1024xf32> to vector<512x128xf32>
    %lt3A_558 = arith.cmpf olt, %slice3A_557, %select_n3A_553 : vector<512x128xf32>
    %select_n3A_559 = arith.select %lt3A_558, %slice3A_557, %select_n3A_553 : vector<512x128xi1>, vector<512x128xf32>
    %jit3A_560 = arith.constant 5 : i32
    %broadcast_in_dim3A_561 = vector.broadcast %jit3A_560 : i32 to vector<512x128xi32>
    %select_n3A_562 = arith.select %lt3A_558, %broadcast_in_dim3A_561, %select_n3A_556 : vector<512x128xi1>, vector<512x128xi32>
    %slice3A_563 = vector.extract_strided_slice %select_n3A_78 {offsets = [0, 768], sizes = [512, 128], strides = [1, 1]} : vector<512x1024xf32> to vector<512x128xf32>
    %lt3A_564 = arith.cmpf olt, %slice3A_563, %select_n3A_559 : vector<512x128xf32>
    %select_n3A_565 = arith.select %lt3A_564, %slice3A_563, %select_n3A_559 : vector<512x128xi1>, vector<512x128xf32>
    %jit3A_566 = arith.constant 6 : i32
    %broadcast_in_dim3A_567 = vector.broadcast %jit3A_566 : i32 to vector<512x128xi32>
    %select_n3A_568 = arith.select %lt3A_564, %broadcast_in_dim3A_567, %select_n3A_562 : vector<512x128xi1>, vector<512x128xi32>
    %slice3A_569 = vector.extract_strided_slice %select_n3A_78 {offsets = [0, 896], sizes = [512, 128], strides = [1, 1]} : vector<512x1024xf32> to vector<512x128xf32>
    %lt3A_570 = arith.cmpf olt, %slice3A_569, %select_n3A_565 : vector<512x128xf32>
    %select_n3A_571 = arith.select %lt3A_570, %slice3A_569, %select_n3A_565 : vector<512x128xi1>, vector<512x128xf32>
    %jit3A_572 = arith.constant 7 : i32
    %broadcast_in_dim3A_573 = vector.broadcast %jit3A_572 : i32 to vector<512x128xi32>
    %select_n3A_574 = arith.select %lt3A_570, %broadcast_in_dim3A_573, %select_n3A_568 : vector<512x128xi1>, vector<512x128xi32>
    %reduce_min3A_575 = arith.constant dense<0x7F800000> : vector<512xf32>
    %reduce_min3A_576 = vector.multi_reduction <minimumf>, %select_n3A_571, %reduce_min3A_575 [1] : vector<512x128xf32> to vector<512xf32>
    %broadcast_in_dim3A_577 = vector.shape_cast %reduce_min3A_576 : vector<512xf32> to vector<512x1xf32>
    %eq3A_578 = vector.broadcast %broadcast_in_dim3A_577 : vector<512x1xf32> to vector<512x128xf32>
    %eq3A_579 = arith.cmpf oeq, %select_n3A_571, %eq3A_578 : vector<512x128xf32>
    %mul3A_580 = arith.constant 128 : i32
    %mul3A_581 = vector.broadcast %mul3A_580 : i32 to vector<512x128xi32>
    %mul3A_582 = arith.muli %select_n3A_574, %mul3A_581 : vector<512x128xi32>
    %add3A_583 = arith.addi %mul3A_582, %iota3A : vector<512x128xi32>
    %jit3A_584 = arith.constant 1024 : i32
    %broadcast_in_dim3A_585 = vector.broadcast %jit3A_584 : i32 to vector<512x128xi32>
    %select_n3A_586 = arith.select %eq3A_579, %add3A_583, %broadcast_in_dim3A_585 : vector<512x128xi1>, vector<512x128xi32>
    %reduce_min3A_587 = arith.constant dense<2147483647> : vector<512xi32>
    %reduce_min3A_588 = vector.multi_reduction <minsi>, %select_n3A_586, %reduce_min3A_587 [1] : vector<512x128xi32> to vector<512xi32>
    %broadcast_in_dim3A_589 = vector.shape_cast %reduce_min3A_588 : vector<512xi32> to vector<512x1xi32>
    %lt3A_590 = arith.constant 4.000000e-02 : f32
    %lt3A_591 = vector.broadcast %lt3A_590 : f32 to vector<512x1xf32>
    %lt3A_592 = arith.cmpf olt, %broadcast_in_dim3A_577, %lt3A_591 : vector<512x1xf32>
    %select_n3A_593 = arith.select %lt3A_592, %broadcast_in_dim3A_589, %add3A_83 : vector<512x1xi1>, vector<512x1xi32>
    %concatenate3A = tpu.concatenate %select_n3A_145, %select_n3A_209, %select_n3A_273, %select_n3A_337, %select_n3A_401, %select_n3A_465, %select_n3A_529, %select_n3A_593 in 1 : vector<512x1xi32>, vector<512x1xi32>, vector<512x1xi32>, vector<512x1xi32>, vector<512x1xi32>, vector<512x1xi32>, vector<512x1xi32>, vector<512x1xi32> -> vector<512x8xi32>
    %mul3A_594 = arith.constant 1024 : i32
    %mul3A_595 = arith.muli %arg0, %mul3A_594 : i32
    %add3A_596 = vector.broadcast %mul3A_595 : i32 to vector<512x8xi32>
    %add3A_597 = arith.addi %concatenate3A, %add3A_596 : vector<512x8xi32>
    %transpose3A = tpu.transpose %add3A_597, [1, 0] : vector<512x8xi32> -> vector<8x512xi32>
    %reshape3A = vector.shape_cast %transpose3A : vector<8x512xi32> to vector<8x4x128xi32>
    %transpose3A_598 = tpu.transpose %reshape3A, [1, 0, 2] : vector<8x4x128xi32> -> vector<4x8x128xi32>
    %swap3A = arith.constant 0 : index
    %swap3A_599 = arith.constant 0 : index
    %swap3A_600 = arith.constant 0 : index
    %swap3A_601 = vector.load %arg5[%swap3A, %swap3A_599, %swap3A_600] : memref<4x8x128xi32, #tpu.memory_space<vmem>>, vector<4x8x128xi32>
    tpu.vector_store %arg5[%swap3A, %swap3A_599, %swap3A_600], %transpose3A_598 {strides = array<i32>} : memref<4x8x128xi32, #tpu.memory_space<vmem>>, vector<4x8x128xi32>,
    %broadcast_in_dim3A_602 = arith.constant 0.000000e+00 : f32
    %broadcast_in_dim3A_603 = vector.broadcast %broadcast_in_dim3A_602 : f32 to vector<512x13xf32>
    %broadcast_in_dim3A_604 = arith.constant 0.000000e+00 : f32
    %broadcast_in_dim3A_605 = vector.broadcast %broadcast_in_dim3A_604 : f32 to vector<512x48xf32>
    %concatenate3A_606 = tpu.concatenate %get3A_3, %broadcast_in_dim3A_603 in 1 : vector<512x3xf32>, vector<512x13xf32> -> vector<512x16xf32>
    %swap3A_607 = arith.constant 0 : index
    %swap3A_608 = arith.constant 0 : index
    %swap3A_609 = vector.load %arg7[%swap3A_607, %swap3A_608] : memref<512x16xf32, #tpu.memory_space<vmem>>, vector<512x16xf32>
    tpu.vector_store %arg7[%swap3A_607, %swap3A_608], %concatenate3A_606 {strides = array<i32>} : memref<512x16xf32, #tpu.memory_space<vmem>>, vector<512x16xf32>,
    %get3A_610 = arith.constant 0 : index
    %get3A_611 = arith.constant 0 : index
    %get3A_612 = vector.load %arg4[%get3A_610, %get3A_611] : memref<512x64xf32, #tpu.memory_space<vmem>>, vector<512x64xf32>
    %concatenate3A_613 = tpu.concatenate %concatenate3A_606, %get3A_612, %broadcast_in_dim3A_605 in 1 : vector<512x16xf32>, vector<512x64xf32>, vector<512x48xf32> -> vector<512x128xf32>
    %swap3A_614 = arith.constant 0 : index
    %swap3A_615 = arith.constant 0 : index
    %swap3A_616 = vector.load %arg6[%swap3A_614, %swap3A_615] : memref<512x128xf32, #tpu.memory_space<vmem>>, vector<512x128xf32>
    tpu.vector_store %arg6[%swap3A_614, %swap3A_615], %concatenate3A_613 {strides = array<i32>} : memref<512x128xf32, #tpu.memory_space<vmem>>, vector<512x128xf32>,
    return
  }
  func.func @transform_0(%arg0: i32, %arg1: i32) -> (i32, i32, i32) {
    %add3A = arith.constant 0 : i32
    %add3A_0 = arith.addi %add3A, %arg0 : i32
    %c0_i32 = arith.constant 0 : i32
    %c0_i32_1 = arith.constant 0 : i32
    return %add3A_0, %arg1, %c0_i32 : i32, i32, i32
  }
  func.func @transform_1(%arg0: i32, %arg1: i32) -> (i32, i32, i32) {
    %add3A = arith.constant 0 : i32
    %add3A_0 = arith.addi %add3A, %arg0 : i32
    %c0_i32 = arith.constant 0 : i32
    %c0_i32_1 = arith.constant 0 : i32
    %c0_i32_2 = arith.constant 0 : i32
    return %add3A_0, %c0_i32, %c0_i32_1 : i32, i32, i32
  }
  func.func @transform_2(%arg0: i32, %arg1: i32) -> (i32, i32) {
    %add3A = arith.constant 0 : i32
    %add3A_0 = arith.addi %add3A, %arg0 : i32
    %mul3A = arith.constant 2 : i32
    %mul3A_1 = arith.muli %add3A_0, %mul3A : i32
    %add3A_2 = arith.addi %mul3A_1, %arg1 : i32
    %c0_i32 = arith.constant 0 : i32
    %c0_i32_3 = arith.constant 0 : i32
    return %add3A_2, %c0_i32 : i32, i32
  }
  func.func @transform_3(%arg0: i32, %arg1: i32) -> (i32, i32, i32) {
    %mul3A = arith.constant 2 : i32
    %mul3A_0 = arith.muli %arg0, %mul3A : i32
    %add3A = arith.addi %mul3A_0, %arg1 : i32
    %c0_i32 = arith.constant 0 : i32
    %c0_i32_1 = arith.constant 0 : i32
    %c0_i32_2 = arith.constant 0 : i32
    return %add3A, %c0_i32, %c0_i32_1 : i32, i32, i32
  }
  func.func @transform_4(%arg0: i32, %arg1: i32) -> (i32, i32) {
    %mul3A = arith.constant 2 : i32
    %mul3A_0 = arith.muli %arg0, %mul3A : i32
    %add3A = arith.addi %mul3A_0, %arg1 : i32
    %c0_i32 = arith.constant 0 : i32
    %c0_i32_1 = arith.constant 0 : i32
    return %add3A, %c0_i32 : i32, i32
  }
  func.func @transform_5(%arg0: i32, %arg1: i32) -> (i32, i32) {
    %mul3A = arith.constant 2 : i32
    %mul3A_0 = arith.muli %arg0, %mul3A : i32
    %add3A = arith.addi %mul3A_0, %arg1 : i32
    %c0_i32 = arith.constant 0 : i32
    %c0_i32_1 = arith.constant 0 : i32
    return %add3A, %c0_i32 : i32, i32
  }
}

module attributes {stable_mosaic.version = 14 : i64} {
  func.func @_select_body(%arg0: i32, %arg1: i32, %arg2: memref<1x512x3xf32, #tpu.memory_space<vmem>>, %arg3: memref<1x3x1024xf32, #tpu.memory_space<vmem>>, %arg4: memref<512x64xf32, #tpu.memory_space<vmem>>, %arg5: memref<4x8x128xi32, #tpu.memory_space<vmem>>, %arg6: memref<512x128xf32, #tpu.memory_space<vmem>>, %arg7: memref<512x16xf32, #tpu.memory_space<vmem>>) attributes {dimension_semantics = [#tpu.dimension_semantics<arbitrary>, #tpu.dimension_semantics<arbitrary>], iteration_bounds = array<i64: 2, 2>, scalar_prefetch = 0 : i64, scratch_operands = 0 : i64, tpu.core_type = #tpu.core_type<tc>, window_params = [{transform_indices = @transform_0, window_bounds = array<i64: 1, 512, 3>}, {transform_indices = @transform_1, window_bounds = array<i64: 1, 3, 1024>}, {transform_indices = @transform_2, window_bounds = array<i64: 512, 64>}, {transform_indices = @transform_3, window_bounds = array<i64: 4, 8, 128>}, {transform_indices = @transform_4, window_bounds = array<i64: 512, 128>}, {transform_indices = @transform_5, window_bounds = array<i64: 512, 16>}]} {
    %get3A = arith.constant 0 : index
    %get3A_0 = arith.constant 0 : index
    %get3A_1 = arith.constant 0 : index
    %get3A_2 = vector.load %arg2[%get3A, %get3A_0, %get3A_1] : memref<1x512x3xf32, #tpu.memory_space<vmem>>, vector<1x512x3xf32>
    %get3A_3 = vector.shape_cast %get3A_2 : vector<1x512x3xf32> to vector<512x3xf32>
    %get3A_4 = arith.constant 0 : index
    %get3A_5 = arith.constant 0 : index
    %get3A_6 = arith.constant 0 : index
    %get3A_7 = vector.load %arg3[%get3A_4, %get3A_5, %get3A_6] : memref<1x3x1024xf32, #tpu.memory_space<vmem>>, vector<1x3x1024xf32>
    %get3A_8 = vector.shape_cast %get3A_7 : vector<1x3x1024xf32> to vector<3x1024xf32>
    %slice3A = vector.extract_strided_slice %get3A_8 {offsets = [0, 0], sizes = [1, 1024], strides = [1, 1]} : vector<3x1024xf32> to vector<1x1024xf32>
    %slice3A_9 = vector.extract_strided_slice %get3A_3 {offsets = [0, 0], sizes = [512, 1], strides = [1, 1]} : vector<512x3xf32> to vector<512x1xf32>
    %sub3A = vector.broadcast %slice3A : vector<1x1024xf32> to vector<512x1024xf32>
    %sub3A_10 = vector.broadcast %slice3A_9 : vector<512x1xf32> to vector<512x1024xf32>
    %sub3A_11 = arith.subf %sub3A, %sub3A_10 : vector<512x1024xf32>
    %slice3A_12 = vector.extract_strided_slice %get3A_8 {offsets = [1, 0], sizes = [1, 1024], strides = [1, 1]} : vector<3x1024xf32> to vector<1x1024xf32>
    %slice3A_13 = vector.extract_strided_slice %get3A_3 {offsets = [0, 1], sizes = [512, 1], strides = [1, 1]} : vector<512x3xf32> to vector<512x1xf32>
    %sub3A_14 = vector.broadcast %slice3A_12 : vector<1x1024xf32> to vector<512x1024xf32>
    %sub3A_15 = vector.broadcast %slice3A_13 : vector<512x1xf32> to vector<512x1024xf32>
    %sub3A_16 = arith.subf %sub3A_14, %sub3A_15 : vector<512x1024xf32>
    %slice3A_17 = vector.extract_strided_slice %get3A_8 {offsets = [2, 0], sizes = [1, 1024], strides = [1, 1]} : vector<3x1024xf32> to vector<1x1024xf32>
    %slice3A_18 = vector.extract_strided_slice %get3A_3 {offsets = [0, 2], sizes = [512, 1], strides = [1, 1]} : vector<512x3xf32> to vector<512x1xf32>
    %sub3A_19 = vector.broadcast %slice3A_17 : vector<1x1024xf32> to vector<512x1024xf32>
    %sub3A_20 = vector.broadcast %slice3A_18 : vector<512x1xf32> to vector<512x1024xf32>
    %sub3A_21 = arith.subf %sub3A_19, %sub3A_20 : vector<512x1024xf32>
    %mul3A = arith.mulf %sub3A_11, %sub3A_11 : vector<512x1024xf32>
    %mul3A_22 = arith.mulf %sub3A_16, %sub3A_16 : vector<512x1024xf32>
    %add3A = arith.addf %mul3A, %mul3A_22 : vector<512x1024xf32>
    %mul3A_23 = arith.mulf %sub3A_21, %sub3A_21 : vector<512x1024xf32>
    %add3A_24 = arith.addf %add3A, %mul3A_23 : vector<512x1024xf32>
    %gt3A = arith.constant 1.000000e-10 : f32
    %gt3A_25 = vector.broadcast %gt3A : f32 to vector<512x1024xf32>
    %gt3A_26 = arith.cmpf ogt, %add3A_24, %gt3A_25 : vector<512x1024xf32>
    %lt3A = arith.constant 4.000000e-02 : f32
    %lt3A_27 = vector.broadcast %lt3A : f32 to vector<512x1024xf32>
    %lt3A_28 = arith.cmpf olt, %add3A_24, %lt3A_27 : vector<512x1024xf32>
    %and3A = arith.andi %gt3A_26, %lt3A_28 : vector<512x1024xi1>
    %jit3A = arith.constant 1.000000e+10 : f32
    %broadcast_in_dim3A = vector.broadcast %jit3A : f32 to vector<512x1024xf32>
    %select_n3A = arith.select %and3A, %add3A_24, %broadcast_in_dim3A : vector<512x1024xi1>, vector<512x1024xf32>
    %ge3A = arith.constant 0.000000e+00 : f32
    %ge3A_29 = vector.broadcast %ge3A : f32 to vector<512x1024xf32>
    %ge3A_30 = arith.cmpf oge, %sub3A_11, %ge3A_29 : vector<512x1024xf32>
    %ge3A_31 = arith.constant 0.000000e+00 : f32
    %ge3A_32 = vector.broadcast %ge3A_31 : f32 to vector<512x1024xf32>
    %ge3A_33 = arith.cmpf oge, %sub3A_16, %ge3A_32 : vector<512x1024xf32>
    %ge3A_34 = arith.constant 0.000000e+00 : f32
    %ge3A_35 = vector.broadcast %ge3A_34 : f32 to vector<512x1024xf32>
    %ge3A_36 = arith.cmpf oge, %sub3A_21, %ge3A_35 : vector<512x1024xf32>
    %jit3A_37 = arith.constant 1.000000e+10 : f32
    %broadcast_in_dim3A_38 = vector.broadcast %jit3A_37 : f32 to vector<512x1024xf32>
    %select_n3A_39 = arith.select %ge3A_30, %select_n3A, %broadcast_in_dim3A_38 : vector<512x1024xi1>, vector<512x1024xf32>
    %jit3A_40 = arith.constant 1.000000e+10 : f32
    %broadcast_in_dim3A_41 = vector.broadcast %jit3A_40 : f32 to vector<512x1024xf32>
    %select_n3A_42 = arith.select %ge3A_30, %broadcast_in_dim3A_41, %select_n3A : vector<512x1024xi1>, vector<512x1024xf32>
    %jit3A_43 = arith.constant 1.000000e+10 : f32
    %broadcast_in_dim3A_44 = vector.broadcast %jit3A_43 : f32 to vector<512x1024xf32>
    %select_n3A_45 = arith.select %ge3A_33, %broadcast_in_dim3A_44, %select_n3A_42 : vector<512x1024xi1>, vector<512x1024xf32>
    %jit3A_46 = arith.constant 1.000000e+10 : f32
    %broadcast_in_dim3A_47 = vector.broadcast %jit3A_46 : f32 to vector<512x1024xf32>
    %select_n3A_48 = arith.select %ge3A_33, %select_n3A_42, %broadcast_in_dim3A_47 : vector<512x1024xi1>, vector<512x1024xf32>
    %jit3A_49 = arith.constant 1.000000e+10 : f32
    %broadcast_in_dim3A_50 = vector.broadcast %jit3A_49 : f32 to vector<512x1024xf32>
    %select_n3A_51 = arith.select %ge3A_33, %broadcast_in_dim3A_50, %select_n3A_39 : vector<512x1024xi1>, vector<512x1024xf32>
    %jit3A_52 = arith.constant 1.000000e+10 : f32
    %broadcast_in_dim3A_53 = vector.broadcast %jit3A_52 : f32 to vector<512x1024xf32>
    %select_n3A_54 = arith.select %ge3A_33, %select_n3A_39, %broadcast_in_dim3A_53 : vector<512x1024xi1>, vector<512x1024xf32>
    %jit3A_55 = arith.constant 1.000000e+10 : f32
    %broadcast_in_dim3A_56 = vector.broadcast %jit3A_55 : f32 to vector<512x1024xf32>
    %select_n3A_57 = arith.select %ge3A_36, %broadcast_in_dim3A_56, %select_n3A_45 : vector<512x1024xi1>, vector<512x1024xf32>
    %jit3A_58 = arith.constant 1.000000e+10 : f32
    %broadcast_in_dim3A_59 = vector.broadcast %jit3A_58 : f32 to vector<512x1024xf32>
    %select_n3A_60 = arith.select %ge3A_36, %select_n3A_45, %broadcast_in_dim3A_59 : vector<512x1024xi1>, vector<512x1024xf32>
    %jit3A_61 = arith.constant 1.000000e+10 : f32
    %broadcast_in_dim3A_62 = vector.broadcast %jit3A_61 : f32 to vector<512x1024xf32>
    %select_n3A_63 = arith.select %ge3A_36, %broadcast_in_dim3A_62, %select_n3A_48 : vector<512x1024xi1>, vector<512x1024xf32>
    %jit3A_64 = arith.constant 1.000000e+10 : f32
    %broadcast_in_dim3A_65 = vector.broadcast %jit3A_64 : f32 to vector<512x1024xf32>
    %select_n3A_66 = arith.select %ge3A_36, %select_n3A_48, %broadcast_in_dim3A_65 : vector<512x1024xi1>, vector<512x1024xf32>
    %jit3A_67 = arith.constant 1.000000e+10 : f32
    %broadcast_in_dim3A_68 = vector.broadcast %jit3A_67 : f32 to vector<512x1024xf32>
    %select_n3A_69 = arith.select %ge3A_36, %broadcast_in_dim3A_68, %select_n3A_51 : vector<512x1024xi1>, vector<512x1024xf32>
    %jit3A_70 = arith.constant 1.000000e+10 : f32
    %broadcast_in_dim3A_71 = vector.broadcast %jit3A_70 : f32 to vector<512x1024xf32>
    %select_n3A_72 = arith.select %ge3A_36, %select_n3A_51, %broadcast_in_dim3A_71 : vector<512x1024xi1>, vector<512x1024xf32>
    %jit3A_73 = arith.constant 1.000000e+10 : f32
    %broadcast_in_dim3A_74 = vector.broadcast %jit3A_73 : f32 to vector<512x1024xf32>
    %select_n3A_75 = arith.select %ge3A_36, %broadcast_in_dim3A_74, %select_n3A_54 : vector<512x1024xi1>, vector<512x1024xf32>
    %jit3A_76 = arith.constant 1.000000e+10 : f32
    %broadcast_in_dim3A_77 = vector.broadcast %jit3A_76 : f32 to vector<512x1024xf32>
    %select_n3A_78 = arith.select %ge3A_36, %select_n3A_54, %broadcast_in_dim3A_77 : vector<512x1024xi1>, vector<512x1024xf32>
    %iota3A = tpu.iota {dimensions = array<i32: 1>} : vector<512x128xi32>
    %mul3A_79 = arith.constant 512 : i32
    %mul3A_80 = arith.muli %arg1, %mul3A_79 : i32
    %iota3A_81 = tpu.iota {dimensions = array<i32: 0>} : vector<512x1xi32>
    %add3A_82 = vector.broadcast %mul3A_80 : i32 to vector<512x1xi32>
    %add3A_83 = arith.addi %add3A_82, %iota3A_81 : vector<512x1xi32>
    %slice3A_84 = vector.extract_strided_slice %select_n3A_57 {offsets = [0, 0], sizes = [512, 128], strides = [1, 1]} : vector<512x1024xf32> to vector<512x128xf32>
    %broadcast_in_dim3A_85 = arith.constant 0 : i32
    %broadcast_in_dim3A_86 = vector.broadcast %broadcast_in_dim3A_85 : i32 to vector<512x128xi32>
    %slice3A_87 = vector.extract_strided_slice %select_n3A_57 {offsets = [0, 128], sizes = [512, 128], strides = [1, 1]} : vector<512x1024xf32> to vector<512x128xf32>
    %lt3A_88 = arith.cmpf olt, %slice3A_87, %slice3A_84 : vector<512x128xf32>
    %select_n3A_89 = arith.select %lt3A_88, %slice3A_87, %slice3A_84 : vector<512x128xi1>, vector<512x128xf32>
    %jit3A_90 = arith.constant 1 : i32
    %broadcast_in_dim3A_91 = vector.broadcast %jit3A_90 : i32 to vector<512x128xi32>
    %select_n3A_92 = arith.select %lt3A_88, %broadcast_in_dim3A_91, %broadcast_in_dim3A_86 : vector<512x128xi1>, vector<512x128xi32>
    %slice3A_93 = vector.extract_strided_slice %select_n3A_57 {offsets = [0, 256], sizes = [512, 128], strides = [1, 1]} : vector<512x1024xf32> to vector<512x128xf32>
    %lt3A_94 = arith.cmpf olt, %slice3A_93, %select_n3A_89 : vector<512x128xf32>
    %select_n3A_95 = arith.select %lt3A_94, %slice3A_93, %select_n3A_89 : vector<512x128xi1>, vector<512x128xf32>
    %jit3A_96 = arith.constant 2 : i32
    %broadcast_in_dim3A_97 = vector.broadcast %jit3A_96 : i32 to vector<512x128xi32>
    %select_n3A_98 = arith.select %lt3A_94, %broadcast_in_dim3A_97, %select_n3A_92 : vector<512x128xi1>, vector<512x128xi32>
    %slice3A_99 = vector.extract_strided_slice %select_n3A_57 {offsets = [0, 384], sizes = [512, 128], strides = [1, 1]} : vector<512x1024xf32> to vector<512x128xf32>
    %lt3A_100 = arith.cmpf olt, %slice3A_99, %select_n3A_95 : vector<512x128xf32>
    %select_n3A_101 = arith.select %lt3A_100, %slice3A_99, %select_n3A_95 : vector<512x128xi1>, vector<512x128xf32>
    %jit3A_102 = arith.constant 3 : i32
    %broadcast_in_dim3A_103 = vector.broadcast %jit3A_102 : i32 to vector<512x128xi32>
    %select_n3A_104 = arith.select %lt3A_100, %broadcast_in_dim3A_103, %select_n3A_98 : vector<512x128xi1>, vector<512x128xi32>
    %slice3A_105 = vector.extract_strided_slice %select_n3A_57 {offsets = [0, 512], sizes = [512, 128], strides = [1, 1]} : vector<512x1024xf32> to vector<512x128xf32>
    %lt3A_106 = arith.cmpf olt, %slice3A_105, %select_n3A_101 : vector<512x128xf32>
    %select_n3A_107 = arith.select %lt3A_106, %slice3A_105, %select_n3A_101 : vector<512x128xi1>, vector<512x128xf32>
    %jit3A_108 = arith.constant 4 : i32
    %broadcast_in_dim3A_109 = vector.broadcast %jit3A_108 : i32 to vector<512x128xi32>
    %select_n3A_110 = arith.select %lt3A_106, %broadcast_in_dim3A_109, %select_n3A_104 : vector<512x128xi1>, vector<512x128xi32>
    %slice3A_111 = vector.extract_strided_slice %select_n3A_57 {offsets = [0, 640], sizes = [512, 128], strides = [1, 1]} : vector<512x1024xf32> to vector<512x128xf32>
    %lt3A_112 = arith.cmpf olt, %slice3A_111, %select_n3A_107 : vector<512x128xf32>
    %select_n3A_113 = arith.select %lt3A_112, %slice3A_111, %select_n3A_107 : vector<512x128xi1>, vector<512x128xf32>
    %jit3A_114 = arith.constant 5 : i32
    %broadcast_in_dim3A_115 = vector.broadcast %jit3A_114 : i32 to vector<512x128xi32>
    %select_n3A_116 = arith.select %lt3A_112, %broadcast_in_dim3A_115, %select_n3A_110 : vector<512x128xi1>, vector<512x128xi32>
    %slice3A_117 = vector.extract_strided_slice %select_n3A_57 {offsets = [0, 768], sizes = [512, 128], strides = [1, 1]} : vector<512x1024xf32> to vector<512x128xf32>
    %lt3A_118 = arith.cmpf olt, %slice3A_117, %select_n3A_113 : vector<512x128xf32>
    %select_n3A_119 = arith.select %lt3A_118, %slice3A_117, %select_n3A_113 : vector<512x128xi1>, vector<512x128xf32>
    %jit3A_120 = arith.constant 6 : i32
    %broadcast_in_dim3A_121 = vector.broadcast %jit3A_120 : i32 to vector<512x128xi32>
    %select_n3A_122 = arith.select %lt3A_118, %broadcast_in_dim3A_121, %select_n3A_116 : vector<512x128xi1>, vector<512x128xi32>
    %slice3A_123 = vector.extract_strided_slice %select_n3A_57 {offsets = [0, 896], sizes = [512, 128], strides = [1, 1]} : vector<512x1024xf32> to vector<512x128xf32>
    %lt3A_124 = arith.cmpf olt, %slice3A_123, %select_n3A_119 : vector<512x128xf32>
    %select_n3A_125 = arith.select %lt3A_124, %slice3A_123, %select_n3A_119 : vector<512x128xi1>, vector<512x128xf32>
    %jit3A_126 = arith.constant 7 : i32
    %broadcast_in_dim3A_127 = vector.broadcast %jit3A_126 : i32 to vector<512x128xi32>
    %select_n3A_128 = arith.select %lt3A_124, %broadcast_in_dim3A_127, %select_n3A_122 : vector<512x128xi1>, vector<512x128xi32>
    %reduce_min3A = arith.constant dense<0x7F800000> : vector<512xf32>
    %reduce_min3A_129 = vector.multi_reduction <minimumf>, %select_n3A_125, %reduce_min3A [1] : vector<512x128xf32> to vector<512xf32>
    %broadcast_in_dim3A_130 = vector.shape_cast %reduce_min3A_129 : vector<512xf32> to vector<512x1xf32>
    %eq3A = vector.broadcast %broadcast_in_dim3A_130 : vector<512x1xf32> to vector<512x128xf32>
    %eq3A_131 = arith.cmpf oeq, %select_n3A_125, %eq3A : vector<512x128xf32>
    %mul3A_132 = arith.constant 128 : i32
    %mul3A_133 = vector.broadcast %mul3A_132 : i32 to vector<512x128xi32>
    %mul3A_134 = arith.muli %select_n3A_128, %mul3A_133 : vector<512x128xi32>
    %add3A_135 = arith.addi %mul3A_134, %iota3A : vector<512x128xi32>
    %jit3A_136 = arith.constant 1024 : i32
    %broadcast_in_dim3A_137 = vector.broadcast %jit3A_136 : i32 to vector<512x128xi32>
    %select_n3A_138 = arith.select %eq3A_131, %add3A_135, %broadcast_in_dim3A_137 : vector<512x128xi1>, vector<512x128xi32>
    %reduce_min3A_139 = arith.constant dense<2147483647> : vector<512xi32>
    %reduce_min3A_140 = vector.multi_reduction <minsi>, %select_n3A_138, %reduce_min3A_139 [1] : vector<512x128xi32> to vector<512xi32>
    %broadcast_in_dim3A_141 = vector.shape_cast %reduce_min3A_140 : vector<512xi32> to vector<512x1xi32>
    %lt3A_142 = arith.constant 4.000000e-02 : f32
    %lt3A_143 = vector.broadcast %lt3A_142 : f32 to vector<512x1xf32>
    %lt3A_144 = arith.cmpf olt, %broadcast_in_dim3A_130, %lt3A_143 : vector<512x1xf32>
    %select_n3A_145 = arith.select %lt3A_144, %broadcast_in_dim3A_141, %add3A_83 : vector<512x1xi1>, vector<512x1xi32>
    %slice3A_146 = vector.extract_strided_slice %select_n3A_60 {offsets = [0, 0], sizes = [512, 128], strides = [1, 1]} : vector<512x1024xf32> to vector<512x128xf32>
    %broadcast_in_dim3A_147 = arith.constant 0 : i32
    %broadcast_in_dim3A_148 = vector.broadcast %broadcast_in_dim3A_147 : i32 to vector<512x128xi32>
    %slice3A_149 = vector.extract_strided_slice %select_n3A_60 {offsets = [0, 128], sizes = [512, 128], strides = [1, 1]} : vector<512x1024xf32> to vector<512x128xf32>
    %lt3A_150 = arith.cmpf olt, %slice3A_149, %slice3A_146 : vector<512x128xf32>
    %select_n3A_151 = arith.select %lt3A_150, %slice3A_149, %slice3A_146 : vector<512x128xi1>, vector<512x128xf32>
    %jit3A_152 = arith.constant 1 : i32
    %broadcast_in_dim3A_153 = vector.broadcast %jit3A_152 : i32 to vector<512x128xi32>
    %select_n3A_154 = arith.select %lt3A_150, %broadcast_in_dim3A_153, %broadcast_in_dim3A_148 : vector<512x128xi1>, vector<512x128xi32>
    %slice3A_155 = vector.extract_strided_slice %select_n3A_60 {offsets = [0, 256], sizes = [512, 128], strides = [1, 1]} : vector<512x1024xf32> to vector<512x128xf32>
    %lt3A_156 = arith.cmpf olt, %slice3A_155, %select_n3A_151 : vector<512x128xf32>
    %select_n3A_157 = arith.select %lt3A_156, %slice3A_155, %select_n3A_151 : vector<512x128xi1>, vector<512x128xf32>
    %jit3A_158 = arith.constant 2 : i32
    %broadcast_in_dim3A_159 = vector.broadcast %jit3A_158 : i32 to vector<512x128xi32>
    %select_n3A_160 = arith.select %lt3A_156, %broadcast_in_dim3A_159, %select_n3A_154 : vector<512x128xi1>, vector<512x128xi32>
    %slice3A_161 = vector.extract_strided_slice %select_n3A_60 {offsets = [0, 384], sizes = [512, 128], strides = [1, 1]} : vector<512x1024xf32> to vector<512x128xf32>
    %lt3A_162 = arith.cmpf olt, %slice3A_161, %select_n3A_157 : vector<512x128xf32>
    %select_n3A_163 = arith.select %lt3A_162, %slice3A_161, %select_n3A_157 : vector<512x128xi1>, vector<512x128xf32>
    %jit3A_164 = arith.constant 3 : i32
    %broadcast_in_dim3A_165 = vector.broadcast %jit3A_164 : i32 to vector<512x128xi32>
    %select_n3A_166 = arith.select %lt3A_162, %broadcast_in_dim3A_165, %select_n3A_160 : vector<512x128xi1>, vector<512x128xi32>
    %slice3A_167 = vector.extract_strided_slice %select_n3A_60 {offsets = [0, 512], sizes = [512, 128], strides = [1, 1]} : vector<512x1024xf32> to vector<512x128xf32>
    %lt3A_168 = arith.cmpf olt, %slice3A_167, %select_n3A_163 : vector<512x128xf32>
    %select_n3A_169 = arith.select %lt3A_168, %slice3A_167, %select_n3A_163 : vector<512x128xi1>, vector<512x128xf32>
    %jit3A_170 = arith.constant 4 : i32
    %broadcast_in_dim3A_171 = vector.broadcast %jit3A_170 : i32 to vector<512x128xi32>
    %select_n3A_172 = arith.select %lt3A_168, %broadcast_in_dim3A_171, %select_n3A_166 : vector<512x128xi1>, vector<512x128xi32>
    %slice3A_173 = vector.extract_strided_slice %select_n3A_60 {offsets = [0, 640], sizes = [512, 128], strides = [1, 1]} : vector<512x1024xf32> to vector<512x128xf32>
    %lt3A_174 = arith.cmpf olt, %slice3A_173, %select_n3A_169 : vector<512x128xf32>
    %select_n3A_175 = arith.select %lt3A_174, %slice3A_173, %select_n3A_169 : vector<512x128xi1>, vector<512x128xf32>
    %jit3A_176 = arith.constant 5 : i32
    %broadcast_in_dim3A_177 = vector.broadcast %jit3A_176 : i32 to vector<512x128xi32>
    %select_n3A_178 = arith.select %lt3A_174, %broadcast_in_dim3A_177, %select_n3A_172 : vector<512x128xi1>, vector<512x128xi32>
    %slice3A_179 = vector.extract_strided_slice %select_n3A_60 {offsets = [0, 768], sizes = [512, 128], strides = [1, 1]} : vector<512x1024xf32> to vector<512x128xf32>
    %lt3A_180 = arith.cmpf olt, %slice3A_179, %select_n3A_175 : vector<512x128xf32>
    %select_n3A_181 = arith.select %lt3A_180, %slice3A_179, %select_n3A_175 : vector<512x128xi1>, vector<512x128xf32>
    %jit3A_182 = arith.constant 6 : i32
    %broadcast_in_dim3A_183 = vector.broadcast %jit3A_182 : i32 to vector<512x128xi32>
    %select_n3A_184 = arith.select %lt3A_180, %broadcast_in_dim3A_183, %select_n3A_178 : vector<512x128xi1>, vector<512x128xi32>
    %slice3A_185 = vector.extract_strided_slice %select_n3A_60 {offsets = [0, 896], sizes = [512, 128], strides = [1, 1]} : vector<512x1024xf32> to vector<512x128xf32>
    %lt3A_186 = arith.cmpf olt, %slice3A_185, %select_n3A_181 : vector<512x128xf32>
    %select_n3A_187 = arith.select %lt3A_186, %slice3A_185, %select_n3A_181 : vector<512x128xi1>, vector<512x128xf32>
    %jit3A_188 = arith.constant 7 : i32
    %broadcast_in_dim3A_189 = vector.broadcast %jit3A_188 : i32 to vector<512x128xi32>
    %select_n3A_190 = arith.select %lt3A_186, %broadcast_in_dim3A_189, %select_n3A_184 : vector<512x128xi1>, vector<512x128xi32>
    %reduce_min3A_191 = arith.constant dense<0x7F800000> : vector<512xf32>
    %reduce_min3A_192 = vector.multi_reduction <minimumf>, %select_n3A_187, %reduce_min3A_191 [1] : vector<512x128xf32> to vector<512xf32>
    %broadcast_in_dim3A_193 = vector.shape_cast %reduce_min3A_192 : vector<512xf32> to vector<512x1xf32>
    %eq3A_194 = vector.broadcast %broadcast_in_dim3A_193 : vector<512x1xf32> to vector<512x128xf32>
    %eq3A_195 = arith.cmpf oeq, %select_n3A_187, %eq3A_194 : vector<512x128xf32>
    %mul3A_196 = arith.constant 128 : i32
    %mul3A_197 = vector.broadcast %mul3A_196 : i32 to vector<512x128xi32>
    %mul3A_198 = arith.muli %select_n3A_190, %mul3A_197 : vector<512x128xi32>
    %add3A_199 = arith.addi %mul3A_198, %iota3A : vector<512x128xi32>
    %jit3A_200 = arith.constant 1024 : i32
    %broadcast_in_dim3A_201 = vector.broadcast %jit3A_200 : i32 to vector<512x128xi32>
    %select_n3A_202 = arith.select %eq3A_195, %add3A_199, %broadcast_in_dim3A_201 : vector<512x128xi1>, vector<512x128xi32>
    %reduce_min3A_203 = arith.constant dense<2147483647> : vector<512xi32>
    %reduce_min3A_204 = vector.multi_reduction <minsi>, %select_n3A_202, %reduce_min3A_203 [1] : vector<512x128xi32> to vector<512xi32>
    %broadcast_in_dim3A_205 = vector.shape_cast %reduce_min3A_204 : vector<512xi32> to vector<512x1xi32>
    %lt3A_206 = arith.constant 4.000000e-02 : f32
    %lt3A_207 = vector.broadcast %lt3A_206 : f32 to vector<512x1xf32>
    %lt3A_208 = arith.cmpf olt, %broadcast_in_dim3A_193, %lt3A_207 : vector<512x1xf32>
    %select_n3A_209 = arith.select %lt3A_208, %broadcast_in_dim3A_205, %add3A_83 : vector<512x1xi1>, vector<512x1xi32>
    %slice3A_210 = vector.extract_strided_slice %select_n3A_63 {offsets = [0, 0], sizes = [512, 128], strides = [1, 1]} : vector<512x1024xf32> to vector<512x128xf32>
    %broadcast_in_dim3A_211 = arith.constant 0 : i32
    %broadcast_in_dim3A_212 = vector.broadcast %broadcast_in_dim3A_211 : i32 to vector<512x128xi32>
    %slice3A_213 = vector.extract_strided_slice %select_n3A_63 {offsets = [0, 128], sizes = [512, 128], strides = [1, 1]} : vector<512x1024xf32> to vector<512x128xf32>
    %lt3A_214 = arith.cmpf olt, %slice3A_213, %slice3A_210 : vector<512x128xf32>
    %select_n3A_215 = arith.select %lt3A_214, %slice3A_213, %slice3A_210 : vector<512x128xi1>, vector<512x128xf32>
    %jit3A_216 = arith.constant 1 : i32
    %broadcast_in_dim3A_217 = vector.broadcast %jit3A_216 : i32 to vector<512x128xi32>
    %select_n3A_218 = arith.select %lt3A_214, %broadcast_in_dim3A_217, %broadcast_in_dim3A_212 : vector<512x128xi1>, vector<512x128xi32>
    %slice3A_219 = vector.extract_strided_slice %select_n3A_63 {offsets = [0, 256], sizes = [512, 128], strides = [1, 1]} : vector<512x1024xf32> to vector<512x128xf32>
    %lt3A_220 = arith.cmpf olt, %slice3A_219, %select_n3A_215 : vector<512x128xf32>
    %select_n3A_221 = arith.select %lt3A_220, %slice3A_219, %select_n3A_215 : vector<512x128xi1>, vector<512x128xf32>
    %jit3A_222 = arith.constant 2 : i32
    %broadcast_in_dim3A_223 = vector.broadcast %jit3A_222 : i32 to vector<512x128xi32>
    %select_n3A_224 = arith.select %lt3A_220, %broadcast_in_dim3A_223, %select_n3A_218 : vector<512x128xi1>, vector<512x128xi32>
    %slice3A_225 = vector.extract_strided_slice %select_n3A_63 {offsets = [0, 384], sizes = [512, 128], strides = [1, 1]} : vector<512x1024xf32> to vector<512x128xf32>
    %lt3A_226 = arith.cmpf olt, %slice3A_225, %select_n3A_221 : vector<512x128xf32>
    %select_n3A_227 = arith.select %lt3A_226, %slice3A_225, %select_n3A_221 : vector<512x128xi1>, vector<512x128xf32>
    %jit3A_228 = arith.constant 3 : i32
    %broadcast_in_dim3A_229 = vector.broadcast %jit3A_228 : i32 to vector<512x128xi32>
    %select_n3A_230 = arith.select %lt3A_226, %broadcast_in_dim3A_229, %select_n3A_224 : vector<512x128xi1>, vector<512x128xi32>
    %slice3A_231 = vector.extract_strided_slice %select_n3A_63 {offsets = [0, 512], sizes = [512, 128], strides = [1, 1]} : vector<512x1024xf32> to vector<512x128xf32>
    %lt3A_232 = arith.cmpf olt, %slice3A_231, %select_n3A_227 : vector<512x128xf32>
    %select_n3A_233 = arith.select %lt3A_232, %slice3A_231, %select_n3A_227 : vector<512x128xi1>, vector<512x128xf32>
    %jit3A_234 = arith.constant 4 : i32
    %broadcast_in_dim3A_235 = vector.broadcast %jit3A_234 : i32 to vector<512x128xi32>
    %select_n3A_236 = arith.select %lt3A_232, %broadcast_in_dim3A_235, %select_n3A_230 : vector<512x128xi1>, vector<512x128xi32>
    %slice3A_237 = vector.extract_strided_slice %select_n3A_63 {offsets = [0, 640], sizes = [512, 128], strides = [1, 1]} : vector<512x1024xf32> to vector<512x128xf32>
    %lt3A_238 = arith.cmpf olt, %slice3A_237, %select_n3A_233 : vector<512x128xf32>
    %select_n3A_239 = arith.select %lt3A_238, %slice3A_237, %select_n3A_233 : vector<512x128xi1>, vector<512x128xf32>
    %jit3A_240 = arith.constant 5 : i32
    %broadcast_in_dim3A_241 = vector.broadcast %jit3A_240 : i32 to vector<512x128xi32>
    %select_n3A_242 = arith.select %lt3A_238, %broadcast_in_dim3A_241, %select_n3A_236 : vector<512x128xi1>, vector<512x128xi32>
    %slice3A_243 = vector.extract_strided_slice %select_n3A_63 {offsets = [0, 768], sizes = [512, 128], strides = [1, 1]} : vector<512x1024xf32> to vector<512x128xf32>
    %lt3A_244 = arith.cmpf olt, %slice3A_243, %select_n3A_239 : vector<512x128xf32>
    %select_n3A_245 = arith.select %lt3A_244, %slice3A_243, %select_n3A_239 : vector<512x128xi1>, vector<512x128xf32>
    %jit3A_246 = arith.constant 6 : i32
    %broadcast_in_dim3A_247 = vector.broadcast %jit3A_246 : i32 to vector<512x128xi32>
    %select_n3A_248 = arith.select %lt3A_244, %broadcast_in_dim3A_247, %select_n3A_242 : vector<512x128xi1>, vector<512x128xi32>
    %slice3A_249 = vector.extract_strided_slice %select_n3A_63 {offsets = [0, 896], sizes = [512, 128], strides = [1, 1]} : vector<512x1024xf32> to vector<512x128xf32>
    %lt3A_250 = arith.cmpf olt, %slice3A_249, %select_n3A_245 : vector<512x128xf32>
    %select_n3A_251 = arith.select %lt3A_250, %slice3A_249, %select_n3A_245 : vector<512x128xi1>, vector<512x128xf32>
    %jit3A_252 = arith.constant 7 : i32
    %broadcast_in_dim3A_253 = vector.broadcast %jit3A_252 : i32 to vector<512x128xi32>
    %select_n3A_254 = arith.select %lt3A_250, %broadcast_in_dim3A_253, %select_n3A_248 : vector<512x128xi1>, vector<512x128xi32>
    %reduce_min3A_255 = arith.constant dense<0x7F800000> : vector<512xf32>
    %reduce_min3A_256 = vector.multi_reduction <minimumf>, %select_n3A_251, %reduce_min3A_255 [1] : vector<512x128xf32> to vector<512xf32>
    %broadcast_in_dim3A_257 = vector.shape_cast %reduce_min3A_256 : vector<512xf32> to vector<512x1xf32>
    %eq3A_258 = vector.broadcast %broadcast_in_dim3A_257 : vector<512x1xf32> to vector<512x128xf32>
    %eq3A_259 = arith.cmpf oeq, %select_n3A_251, %eq3A_258 : vector<512x128xf32>
    %mul3A_260 = arith.constant 128 : i32
    %mul3A_261 = vector.broadcast %mul3A_260 : i32 to vector<512x128xi32>
    %mul3A_262 = arith.muli %select_n3A_254, %mul3A_261 : vector<512x128xi32>
    %add3A_263 = arith.addi %mul3A_262, %iota3A : vector<512x128xi32>
    %jit3A_264 = arith.constant 1024 : i32
    %broadcast_in_dim3A_265 = vector.broadcast %jit3A_264 : i32 to vector<512x128xi32>
    %select_n3A_266 = arith.select %eq3A_259, %add3A_263, %broadcast_in_dim3A_265 : vector<512x128xi1>, vector<512x128xi32>
    %reduce_min3A_267 = arith.constant dense<2147483647> : vector<512xi32>
    %reduce_min3A_268 = vector.multi_reduction <minsi>, %select_n3A_266, %reduce_min3A_267 [1] : vector<512x128xi32> to vector<512xi32>
    %broadcast_in_dim3A_269 = vector.shape_cast %reduce_min3A_268 : vector<512xi32> to vector<512x1xi32>
    %lt3A_270 = arith.constant 4.000000e-02 : f32
    %lt3A_271 = vector.broadcast %lt3A_270 : f32 to vector<512x1xf32>
    %lt3A_272 = arith.cmpf olt, %broadcast_in_dim3A_257, %lt3A_271 : vector<512x1xf32>
    %select_n3A_273 = arith.select %lt3A_272, %broadcast_in_dim3A_269, %add3A_83 : vector<512x1xi1>, vector<512x1xi32>
    %slice3A_274 = vector.extract_strided_slice %select_n3A_66 {offsets = [0, 0], sizes = [512, 128], strides = [1, 1]} : vector<512x1024xf32> to vector<512x128xf32>
    %broadcast_in_dim3A_275 = arith.constant 0 : i32
    %broadcast_in_dim3A_276 = vector.broadcast %broadcast_in_dim3A_275 : i32 to vector<512x128xi32>
    %slice3A_277 = vector.extract_strided_slice %select_n3A_66 {offsets = [0, 128], sizes = [512, 128], strides = [1, 1]} : vector<512x1024xf32> to vector<512x128xf32>
    %lt3A_278 = arith.cmpf olt, %slice3A_277, %slice3A_274 : vector<512x128xf32>
    %select_n3A_279 = arith.select %lt3A_278, %slice3A_277, %slice3A_274 : vector<512x128xi1>, vector<512x128xf32>
    %jit3A_280 = arith.constant 1 : i32
    %broadcast_in_dim3A_281 = vector.broadcast %jit3A_280 : i32 to vector<512x128xi32>
    %select_n3A_282 = arith.select %lt3A_278, %broadcast_in_dim3A_281, %broadcast_in_dim3A_276 : vector<512x128xi1>, vector<512x128xi32>
    %slice3A_283 = vector.extract_strided_slice %select_n3A_66 {offsets = [0, 256], sizes = [512, 128], strides = [1, 1]} : vector<512x1024xf32> to vector<512x128xf32>
    %lt3A_284 = arith.cmpf olt, %slice3A_283, %select_n3A_279 : vector<512x128xf32>
    %select_n3A_285 = arith.select %lt3A_284, %slice3A_283, %select_n3A_279 : vector<512x128xi1>, vector<512x128xf32>
    %jit3A_286 = arith.constant 2 : i32
    %broadcast_in_dim3A_287 = vector.broadcast %jit3A_286 : i32 to vector<512x128xi32>
    %select_n3A_288 = arith.select %lt3A_284, %broadcast_in_dim3A_287, %select_n3A_282 : vector<512x128xi1>, vector<512x128xi32>
    %slice3A_289 = vector.extract_strided_slice %select_n3A_66 {offsets = [0, 384], sizes = [512, 128], strides = [1, 1]} : vector<512x1024xf32> to vector<512x128xf32>
    %lt3A_290 = arith.cmpf olt, %slice3A_289, %select_n3A_285 : vector<512x128xf32>
    %select_n3A_291 = arith.select %lt3A_290, %slice3A_289, %select_n3A_285 : vector<512x128xi1>, vector<512x128xf32>
    %jit3A_292 = arith.constant 3 : i32
    %broadcast_in_dim3A_293 = vector.broadcast %jit3A_292 : i32 to vector<512x128xi32>
    %select_n3A_294 = arith.select %lt3A_290, %broadcast_in_dim3A_293, %select_n3A_288 : vector<512x128xi1>, vector<512x128xi32>
    %slice3A_295 = vector.extract_strided_slice %select_n3A_66 {offsets = [0, 512], sizes = [512, 128], strides = [1, 1]} : vector<512x1024xf32> to vector<512x128xf32>
    %lt3A_296 = arith.cmpf olt, %slice3A_295, %select_n3A_291 : vector<512x128xf32>
    %select_n3A_297 = arith.select %lt3A_296, %slice3A_295, %select_n3A_291 : vector<512x128xi1>, vector<512x128xf32>
    %jit3A_298 = arith.constant 4 : i32
    %broadcast_in_dim3A_299 = vector.broadcast %jit3A_298 : i32 to vector<512x128xi32>
    %select_n3A_300 = arith.select %lt3A_296, %broadcast_in_dim3A_299, %select_n3A_294 : vector<512x128xi1>, vector<512x128xi32>
    %slice3A_301 = vector.extract_strided_slice %select_n3A_66 {offsets = [0, 640], sizes = [512, 128], strides = [1, 1]} : vector<512x1024xf32> to vector<512x128xf32>
    %lt3A_302 = arith.cmpf olt, %slice3A_301, %select_n3A_297 : vector<512x128xf32>
    %select_n3A_303 = arith.select %lt3A_302, %slice3A_301, %select_n3A_297 : vector<512x128xi1>, vector<512x128xf32>
    %jit3A_304 = arith.constant 5 : i32
    %broadcast_in_dim3A_305 = vector.broadcast %jit3A_304 : i32 to vector<512x128xi32>
    %select_n3A_306 = arith.select %lt3A_302, %broadcast_in_dim3A_305, %select_n3A_300 : vector<512x128xi1>, vector<512x128xi32>
    %slice3A_307 = vector.extract_strided_slice %select_n3A_66 {offsets = [0, 768], sizes = [512, 128], strides = [1, 1]} : vector<512x1024xf32> to vector<512x128xf32>
    %lt3A_308 = arith.cmpf olt, %slice3A_307, %select_n3A_303 : vector<512x128xf32>
    %select_n3A_309 = arith.select %lt3A_308, %slice3A_307, %select_n3A_303 : vector<512x128xi1>, vector<512x128xf32>
    %jit3A_310 = arith.constant 6 : i32
    %broadcast_in_dim3A_311 = vector.broadcast %jit3A_310 : i32 to vector<512x128xi32>
    %select_n3A_312 = arith.select %lt3A_308, %broadcast_in_dim3A_311, %select_n3A_306 : vector<512x128xi1>, vector<512x128xi32>
    %slice3A_313 = vector.extract_strided_slice %select_n3A_66 {offsets = [0, 896], sizes = [512, 128], strides = [1, 1]} : vector<512x1024xf32> to vector<512x128xf32>
    %lt3A_314 = arith.cmpf olt, %slice3A_313, %select_n3A_309 : vector<512x128xf32>
    %select_n3A_315 = arith.select %lt3A_314, %slice3A_313, %select_n3A_309 : vector<512x128xi1>, vector<512x128xf32>
    %jit3A_316 = arith.constant 7 : i32
    %broadcast_in_dim3A_317 = vector.broadcast %jit3A_316 : i32 to vector<512x128xi32>
    %select_n3A_318 = arith.select %lt3A_314, %broadcast_in_dim3A_317, %select_n3A_312 : vector<512x128xi1>, vector<512x128xi32>
    %reduce_min3A_319 = arith.constant dense<0x7F800000> : vector<512xf32>
    %reduce_min3A_320 = vector.multi_reduction <minimumf>, %select_n3A_315, %reduce_min3A_319 [1] : vector<512x128xf32> to vector<512xf32>
    %broadcast_in_dim3A_321 = vector.shape_cast %reduce_min3A_320 : vector<512xf32> to vector<512x1xf32>
    %eq3A_322 = vector.broadcast %broadcast_in_dim3A_321 : vector<512x1xf32> to vector<512x128xf32>
    %eq3A_323 = arith.cmpf oeq, %select_n3A_315, %eq3A_322 : vector<512x128xf32>
    %mul3A_324 = arith.constant 128 : i32
    %mul3A_325 = vector.broadcast %mul3A_324 : i32 to vector<512x128xi32>
    %mul3A_326 = arith.muli %select_n3A_318, %mul3A_325 : vector<512x128xi32>
    %add3A_327 = arith.addi %mul3A_326, %iota3A : vector<512x128xi32>
    %jit3A_328 = arith.constant 1024 : i32
    %broadcast_in_dim3A_329 = vector.broadcast %jit3A_328 : i32 to vector<512x128xi32>
    %select_n3A_330 = arith.select %eq3A_323, %add3A_327, %broadcast_in_dim3A_329 : vector<512x128xi1>, vector<512x128xi32>
    %reduce_min3A_331 = arith.constant dense<2147483647> : vector<512xi32>
    %reduce_min3A_332 = vector.multi_reduction <minsi>, %select_n3A_330, %reduce_min3A_331 [1] : vector<512x128xi32> to vector<512xi32>
    %broadcast_in_dim3A_333 = vector.shape_cast %reduce_min3A_332 : vector<512xi32> to vector<512x1xi32>
    %lt3A_334 = arith.constant 4.000000e-02 : f32
    %lt3A_335 = vector.broadcast %lt3A_334 : f32 to vector<512x1xf32>
    %lt3A_336 = arith.cmpf olt, %broadcast_in_dim3A_321, %lt3A_335 : vector<512x1xf32>
    %select_n3A_337 = arith.select %lt3A_336, %broadcast_in_dim3A_333, %add3A_83 : vector<512x1xi1>, vector<512x1xi32>
    %slice3A_338 = vector.extract_strided_slice %select_n3A_69 {offsets = [0, 0], sizes = [512, 128], strides = [1, 1]} : vector<512x1024xf32> to vector<512x128xf32>
    %broadcast_in_dim3A_339 = arith.constant 0 : i32
    %broadcast_in_dim3A_340 = vector.broadcast %broadcast_in_dim3A_339 : i32 to vector<512x128xi32>
    %slice3A_341 = vector.extract_strided_slice %select_n3A_69 {offsets = [0, 128], sizes = [512, 128], strides = [1, 1]} : vector<512x1024xf32> to vector<512x128xf32>
    %lt3A_342 = arith.cmpf olt, %slice3A_341, %slice3A_338 : vector<512x128xf32>
    %select_n3A_343 = arith.select %lt3A_342, %slice3A_341, %slice3A_338 : vector<512x128xi1>, vector<512x128xf32>
    %jit3A_344 = arith.constant 1 : i32
    %broadcast_in_dim3A_345 = vector.broadcast %jit3A_344 : i32 to vector<512x128xi32>
    %select_n3A_346 = arith.select %lt3A_342, %broadcast_in_dim3A_345, %broadcast_in_dim3A_340 : vector<512x128xi1>, vector<512x128xi32>
    %slice3A_347 = vector.extract_strided_slice %select_n3A_69 {offsets = [0, 256], sizes = [512, 128], strides = [1, 1]} : vector<512x1024xf32> to vector<512x128xf32>
    %lt3A_348 = arith.cmpf olt, %slice3A_347, %select_n3A_343 : vector<512x128xf32>
    %select_n3A_349 = arith.select %lt3A_348, %slice3A_347, %select_n3A_343 : vector<512x128xi1>, vector<512x128xf32>
    %jit3A_350 = arith.constant 2 : i32
    %broadcast_in_dim3A_351 = vector.broadcast %jit3A_350 : i32 to vector<512x128xi32>
    %select_n3A_352 = arith.select %lt3A_348, %broadcast_in_dim3A_351, %select_n3A_346 : vector<512x128xi1>, vector<512x128xi32>
    %slice3A_353 = vector.extract_strided_slice %select_n3A_69 {offsets = [0, 384], sizes = [512, 128], strides = [1, 1]} : vector<512x1024xf32> to vector<512x128xf32>
    %lt3A_354 = arith.cmpf olt, %slice3A_353, %select_n3A_349 : vector<512x128xf32>
    %select_n3A_355 = arith.select %lt3A_354, %slice3A_353, %select_n3A_349 : vector<512x128xi1>, vector<512x128xf32>
    %jit3A_356 = arith.constant 3 : i32
    %broadcast_in_dim3A_357 = vector.broadcast %jit3A_356 : i32 to vector<512x128xi32>
    %select_n3A_358 = arith.select %lt3A_354, %broadcast_in_dim3A_357, %select_n3A_352 : vector<512x128xi1>, vector<512x128xi32>
    %slice3A_359 = vector.extract_strided_slice %select_n3A_69 {offsets = [0, 512], sizes = [512, 128], strides = [1, 1]} : vector<512x1024xf32> to vector<512x128xf32>
    %lt3A_360 = arith.cmpf olt, %slice3A_359, %select_n3A_355 : vector<512x128xf32>
    %select_n3A_361 = arith.select %lt3A_360, %slice3A_359, %select_n3A_355 : vector<512x128xi1>, vector<512x128xf32>
    %jit3A_362 = arith.constant 4 : i32
    %broadcast_in_dim3A_363 = vector.broadcast %jit3A_362 : i32 to vector<512x128xi32>
    %select_n3A_364 = arith.select %lt3A_360, %broadcast_in_dim3A_363, %select_n3A_358 : vector<512x128xi1>, vector<512x128xi32>
    %slice3A_365 = vector.extract_strided_slice %select_n3A_69 {offsets = [0, 640], sizes = [512, 128], strides = [1, 1]} : vector<512x1024xf32> to vector<512x128xf32>
    %lt3A_366 = arith.cmpf olt, %slice3A_365, %select_n3A_361 : vector<512x128xf32>
    %select_n3A_367 = arith.select %lt3A_366, %slice3A_365, %select_n3A_361 : vector<512x128xi1>, vector<512x128xf32>
    %jit3A_368 = arith.constant 5 : i32
    %broadcast_in_dim3A_369 = vector.broadcast %jit3A_368 : i32 to vector<512x128xi32>
    %select_n3A_370 = arith.select %lt3A_366, %broadcast_in_dim3A_369, %select_n3A_364 : vector<512x128xi1>, vector<512x128xi32>
    %slice3A_371 = vector.extract_strided_slice %select_n3A_69 {offsets = [0, 768], sizes = [512, 128], strides = [1, 1]} : vector<512x1024xf32> to vector<512x128xf32>
    %lt3A_372 = arith.cmpf olt, %slice3A_371, %select_n3A_367 : vector<512x128xf32>
    %select_n3A_373 = arith.select %lt3A_372, %slice3A_371, %select_n3A_367 : vector<512x128xi1>, vector<512x128xf32>
    %jit3A_374 = arith.constant 6 : i32
    %broadcast_in_dim3A_375 = vector.broadcast %jit3A_374 : i32 to vector<512x128xi32>
    %select_n3A_376 = arith.select %lt3A_372, %broadcast_in_dim3A_375, %select_n3A_370 : vector<512x128xi1>, vector<512x128xi32>
    %slice3A_377 = vector.extract_strided_slice %select_n3A_69 {offsets = [0, 896], sizes = [512, 128], strides = [1, 1]} : vector<512x1024xf32> to vector<512x128xf32>
    %lt3A_378 = arith.cmpf olt, %slice3A_377, %select_n3A_373 : vector<512x128xf32>
    %select_n3A_379 = arith.select %lt3A_378, %slice3A_377, %select_n3A_373 : vector<512x128xi1>, vector<512x128xf32>
    %jit3A_380 = arith.constant 7 : i32
    %broadcast_in_dim3A_381 = vector.broadcast %jit3A_380 : i32 to vector<512x128xi32>
    %select_n3A_382 = arith.select %lt3A_378, %broadcast_in_dim3A_381, %select_n3A_376 : vector<512x128xi1>, vector<512x128xi32>
    %reduce_min3A_383 = arith.constant dense<0x7F800000> : vector<512xf32>
    %reduce_min3A_384 = vector.multi_reduction <minimumf>, %select_n3A_379, %reduce_min3A_383 [1] : vector<512x128xf32> to vector<512xf32>
    %broadcast_in_dim3A_385 = vector.shape_cast %reduce_min3A_384 : vector<512xf32> to vector<512x1xf32>
    %eq3A_386 = vector.broadcast %broadcast_in_dim3A_385 : vector<512x1xf32> to vector<512x128xf32>
    %eq3A_387 = arith.cmpf oeq, %select_n3A_379, %eq3A_386 : vector<512x128xf32>
    %mul3A_388 = arith.constant 128 : i32
    %mul3A_389 = vector.broadcast %mul3A_388 : i32 to vector<512x128xi32>
    %mul3A_390 = arith.muli %select_n3A_382, %mul3A_389 : vector<512x128xi32>
    %add3A_391 = arith.addi %mul3A_390, %iota3A : vector<512x128xi32>
    %jit3A_392 = arith.constant 1024 : i32
    %broadcast_in_dim3A_393 = vector.broadcast %jit3A_392 : i32 to vector<512x128xi32>
    %select_n3A_394 = arith.select %eq3A_387, %add3A_391, %broadcast_in_dim3A_393 : vector<512x128xi1>, vector<512x128xi32>
    %reduce_min3A_395 = arith.constant dense<2147483647> : vector<512xi32>
    %reduce_min3A_396 = vector.multi_reduction <minsi>, %select_n3A_394, %reduce_min3A_395 [1] : vector<512x128xi32> to vector<512xi32>
    %broadcast_in_dim3A_397 = vector.shape_cast %reduce_min3A_396 : vector<512xi32> to vector<512x1xi32>
    %lt3A_398 = arith.constant 4.000000e-02 : f32
    %lt3A_399 = vector.broadcast %lt3A_398 : f32 to vector<512x1xf32>
    %lt3A_400 = arith.cmpf olt, %broadcast_in_dim3A_385, %lt3A_399 : vector<512x1xf32>
    %select_n3A_401 = arith.select %lt3A_400, %broadcast_in_dim3A_397, %add3A_83 : vector<512x1xi1>, vector<512x1xi32>
    %slice3A_402 = vector.extract_strided_slice %select_n3A_72 {offsets = [0, 0], sizes = [512, 128], strides = [1, 1]} : vector<512x1024xf32> to vector<512x128xf32>
    %broadcast_in_dim3A_403 = arith.constant 0 : i32
    %broadcast_in_dim3A_404 = vector.broadcast %broadcast_in_dim3A_403 : i32 to vector<512x128xi32>
    %slice3A_405 = vector.extract_strided_slice %select_n3A_72 {offsets = [0, 128], sizes = [512, 128], strides = [1, 1]} : vector<512x1024xf32> to vector<512x128xf32>
    %lt3A_406 = arith.cmpf olt, %slice3A_405, %slice3A_402 : vector<512x128xf32>
    %select_n3A_407 = arith.select %lt3A_406, %slice3A_405, %slice3A_402 : vector<512x128xi1>, vector<512x128xf32>
    %jit3A_408 = arith.constant 1 : i32
    %broadcast_in_dim3A_409 = vector.broadcast %jit3A_408 : i32 to vector<512x128xi32>
    %select_n3A_410 = arith.select %lt3A_406, %broadcast_in_dim3A_409, %broadcast_in_dim3A_404 : vector<512x128xi1>, vector<512x128xi32>
    %slice3A_411 = vector.extract_strided_slice %select_n3A_72 {offsets = [0, 256], sizes = [512, 128], strides = [1, 1]} : vector<512x1024xf32> to vector<512x128xf32>
    %lt3A_412 = arith.cmpf olt, %slice3A_411, %select_n3A_407 : vector<512x128xf32>
    %select_n3A_413 = arith.select %lt3A_412, %slice3A_411, %select_n3A_407 : vector<512x128xi1>, vector<512x128xf32>
    %jit3A_414 = arith.constant 2 : i32
    %broadcast_in_dim3A_415 = vector.broadcast %jit3A_414 : i32 to vector<512x128xi32>
    %select_n3A_416 = arith.select %lt3A_412, %broadcast_in_dim3A_415, %select_n3A_410 : vector<512x128xi1>, vector<512x128xi32>
    %slice3A_417 = vector.extract_strided_slice %select_n3A_72 {offsets = [0, 384], sizes = [512, 128], strides = [1, 1]} : vector<512x1024xf32> to vector<512x128xf32>
    %lt3A_418 = arith.cmpf olt, %slice3A_417, %select_n3A_413 : vector<512x128xf32>
    %select_n3A_419 = arith.select %lt3A_418, %slice3A_417, %select_n3A_413 : vector<512x128xi1>, vector<512x128xf32>
    %jit3A_420 = arith.constant 3 : i32
    %broadcast_in_dim3A_421 = vector.broadcast %jit3A_420 : i32 to vector<512x128xi32>
    %select_n3A_422 = arith.select %lt3A_418, %broadcast_in_dim3A_421, %select_n3A_416 : vector<512x128xi1>, vector<512x128xi32>
    %slice3A_423 = vector.extract_strided_slice %select_n3A_72 {offsets = [0, 512], sizes = [512, 128], strides = [1, 1]} : vector<512x1024xf32> to vector<512x128xf32>
    %lt3A_424 = arith.cmpf olt, %slice3A_423, %select_n3A_419 : vector<512x128xf32>
    %select_n3A_425 = arith.select %lt3A_424, %slice3A_423, %select_n3A_419 : vector<512x128xi1>, vector<512x128xf32>
    %jit3A_426 = arith.constant 4 : i32
    %broadcast_in_dim3A_427 = vector.broadcast %jit3A_426 : i32 to vector<512x128xi32>
    %select_n3A_428 = arith.select %lt3A_424, %broadcast_in_dim3A_427, %select_n3A_422 : vector<512x128xi1>, vector<512x128xi32>
    %slice3A_429 = vector.extract_strided_slice %select_n3A_72 {offsets = [0, 640], sizes = [512, 128], strides = [1, 1]} : vector<512x1024xf32> to vector<512x128xf32>
    %lt3A_430 = arith.cmpf olt, %slice3A_429, %select_n3A_425 : vector<512x128xf32>
    %select_n3A_431 = arith.select %lt3A_430, %slice3A_429, %select_n3A_425 : vector<512x128xi1>, vector<512x128xf32>
    %jit3A_432 = arith.constant 5 : i32
    %broadcast_in_dim3A_433 = vector.broadcast %jit3A_432 : i32 to vector<512x128xi32>
    %select_n3A_434 = arith.select %lt3A_430, %broadcast_in_dim3A_433, %select_n3A_428 : vector<512x128xi1>, vector<512x128xi32>
    %slice3A_435 = vector.extract_strided_slice %select_n3A_72 {offsets = [0, 768], sizes = [512, 128], strides = [1, 1]} : vector<512x1024xf32> to vector<512x128xf32>
    %lt3A_436 = arith.cmpf olt, %slice3A_435, %select_n3A_431 : vector<512x128xf32>
    %select_n3A_437 = arith.select %lt3A_436, %slice3A_435, %select_n3A_431 : vector<512x128xi1>, vector<512x128xf32>
    %jit3A_438 = arith.constant 6 : i32
    %broadcast_in_dim3A_439 = vector.broadcast %jit3A_438 : i32 to vector<512x128xi32>
    %select_n3A_440 = arith.select %lt3A_436, %broadcast_in_dim3A_439, %select_n3A_434 : vector<512x128xi1>, vector<512x128xi32>
    %slice3A_441 = vector.extract_strided_slice %select_n3A_72 {offsets = [0, 896], sizes = [512, 128], strides = [1, 1]} : vector<512x1024xf32> to vector<512x128xf32>
    %lt3A_442 = arith.cmpf olt, %slice3A_441, %select_n3A_437 : vector<512x128xf32>
    %select_n3A_443 = arith.select %lt3A_442, %slice3A_441, %select_n3A_437 : vector<512x128xi1>, vector<512x128xf32>
    %jit3A_444 = arith.constant 7 : i32
    %broadcast_in_dim3A_445 = vector.broadcast %jit3A_444 : i32 to vector<512x128xi32>
    %select_n3A_446 = arith.select %lt3A_442, %broadcast_in_dim3A_445, %select_n3A_440 : vector<512x128xi1>, vector<512x128xi32>
    %reduce_min3A_447 = arith.constant dense<0x7F800000> : vector<512xf32>
    %reduce_min3A_448 = vector.multi_reduction <minimumf>, %select_n3A_443, %reduce_min3A_447 [1] : vector<512x128xf32> to vector<512xf32>
    %broadcast_in_dim3A_449 = vector.shape_cast %reduce_min3A_448 : vector<512xf32> to vector<512x1xf32>
    %eq3A_450 = vector.broadcast %broadcast_in_dim3A_449 : vector<512x1xf32> to vector<512x128xf32>
    %eq3A_451 = arith.cmpf oeq, %select_n3A_443, %eq3A_450 : vector<512x128xf32>
    %mul3A_452 = arith.constant 128 : i32
    %mul3A_453 = vector.broadcast %mul3A_452 : i32 to vector<512x128xi32>
    %mul3A_454 = arith.muli %select_n3A_446, %mul3A_453 : vector<512x128xi32>
    %add3A_455 = arith.addi %mul3A_454, %iota3A : vector<512x128xi32>
    %jit3A_456 = arith.constant 1024 : i32
    %broadcast_in_dim3A_457 = vector.broadcast %jit3A_456 : i32 to vector<512x128xi32>
    %select_n3A_458 = arith.select %eq3A_451, %add3A_455, %broadcast_in_dim3A_457 : vector<512x128xi1>, vector<512x128xi32>
    %reduce_min3A_459 = arith.constant dense<2147483647> : vector<512xi32>
    %reduce_min3A_460 = vector.multi_reduction <minsi>, %select_n3A_458, %reduce_min3A_459 [1] : vector<512x128xi32> to vector<512xi32>
    %broadcast_in_dim3A_461 = vector.shape_cast %reduce_min3A_460 : vector<512xi32> to vector<512x1xi32>
    %lt3A_462 = arith.constant 4.000000e-02 : f32
    %lt3A_463 = vector.broadcast %lt3A_462 : f32 to vector<512x1xf32>
    %lt3A_464 = arith.cmpf olt, %broadcast_in_dim3A_449, %lt3A_463 : vector<512x1xf32>
    %select_n3A_465 = arith.select %lt3A_464, %broadcast_in_dim3A_461, %add3A_83 : vector<512x1xi1>, vector<512x1xi32>
    %slice3A_466 = vector.extract_strided_slice %select_n3A_75 {offsets = [0, 0], sizes = [512, 128], strides = [1, 1]} : vector<512x1024xf32> to vector<512x128xf32>
    %broadcast_in_dim3A_467 = arith.constant 0 : i32
    %broadcast_in_dim3A_468 = vector.broadcast %broadcast_in_dim3A_467 : i32 to vector<512x128xi32>
    %slice3A_469 = vector.extract_strided_slice %select_n3A_75 {offsets = [0, 128], sizes = [512, 128], strides = [1, 1]} : vector<512x1024xf32> to vector<512x128xf32>
    %lt3A_470 = arith.cmpf olt, %slice3A_469, %slice3A_466 : vector<512x128xf32>
    %select_n3A_471 = arith.select %lt3A_470, %slice3A_469, %slice3A_466 : vector<512x128xi1>, vector<512x128xf32>
    %jit3A_472 = arith.constant 1 : i32
    %broadcast_in_dim3A_473 = vector.broadcast %jit3A_472 : i32 to vector<512x128xi32>
    %select_n3A_474 = arith.select %lt3A_470, %broadcast_in_dim3A_473, %broadcast_in_dim3A_468 : vector<512x128xi1>, vector<512x128xi32>
    %slice3A_475 = vector.extract_strided_slice %select_n3A_75 {offsets = [0, 256], sizes = [512, 128], strides = [1, 1]} : vector<512x1024xf32> to vector<512x128xf32>
    %lt3A_476 = arith.cmpf olt, %slice3A_475, %select_n3A_471 : vector<512x128xf32>
    %select_n3A_477 = arith.select %lt3A_476, %slice3A_475, %select_n3A_471 : vector<512x128xi1>, vector<512x128xf32>
    %jit3A_478 = arith.constant 2 : i32
    %broadcast_in_dim3A_479 = vector.broadcast %jit3A_478 : i32 to vector<512x128xi32>
    %select_n3A_480 = arith.select %lt3A_476, %broadcast_in_dim3A_479, %select_n3A_474 : vector<512x128xi1>, vector<512x128xi32>
    %slice3A_481 = vector.extract_strided_slice %select_n3A_75 {offsets = [0, 384], sizes = [512, 128], strides = [1, 1]} : vector<512x1024xf32> to vector<512x128xf32>
    %lt3A_482 = arith.cmpf olt, %slice3A_481, %select_n3A_477 : vector<512x128xf32>
    %select_n3A_483 = arith.select %lt3A_482, %slice3A_481, %select_n3A_477 : vector<512x128xi1>, vector<512x128xf32>
    %jit3A_484 = arith.constant 3 : i32
    %broadcast_in_dim3A_485 = vector.broadcast %jit3A_484 : i32 to vector<512x128xi32>
    %select_n3A_486 = arith.select %lt3A_482, %broadcast_in_dim3A_485, %select_n3A_480 : vector<512x128xi1>, vector<512x128xi32>
    %slice3A_487 = vector.extract_strided_slice %select_n3A_75 {offsets = [0, 512], sizes = [512, 128], strides = [1, 1]} : vector<512x1024xf32> to vector<512x128xf32>
    %lt3A_488 = arith.cmpf olt, %slice3A_487, %select_n3A_483 : vector<512x128xf32>
    %select_n3A_489 = arith.select %lt3A_488, %slice3A_487, %select_n3A_483 : vector<512x128xi1>, vector<512x128xf32>
    %jit3A_490 = arith.constant 4 : i32
    %broadcast_in_dim3A_491 = vector.broadcast %jit3A_490 : i32 to vector<512x128xi32>
    %select_n3A_492 = arith.select %lt3A_488, %broadcast_in_dim3A_491, %select_n3A_486 : vector<512x128xi1>, vector<512x128xi32>
    %slice3A_493 = vector.extract_strided_slice %select_n3A_75 {offsets = [0, 640], sizes = [512, 128], strides = [1, 1]} : vector<512x1024xf32> to vector<512x128xf32>
    %lt3A_494 = arith.cmpf olt, %slice3A_493, %select_n3A_489 : vector<512x128xf32>
    %select_n3A_495 = arith.select %lt3A_494, %slice3A_493, %select_n3A_489 : vector<512x128xi1>, vector<512x128xf32>
    %jit3A_496 = arith.constant 5 : i32
    %broadcast_in_dim3A_497 = vector.broadcast %jit3A_496 : i32 to vector<512x128xi32>
    %select_n3A_498 = arith.select %lt3A_494, %broadcast_in_dim3A_497, %select_n3A_492 : vector<512x128xi1>, vector<512x128xi32>
    %slice3A_499 = vector.extract_strided_slice %select_n3A_75 {offsets = [0, 768], sizes = [512, 128], strides = [1, 1]} : vector<512x1024xf32> to vector<512x128xf32>
    %lt3A_500 = arith.cmpf olt, %slice3A_499, %select_n3A_495 : vector<512x128xf32>
    %select_n3A_501 = arith.select %lt3A_500, %slice3A_499, %select_n3A_495 : vector<512x128xi1>, vector<512x128xf32>
    %jit3A_502 = arith.constant 6 : i32
    %broadcast_in_dim3A_503 = vector.broadcast %jit3A_502 : i32 to vector<512x128xi32>
    %select_n3A_504 = arith.select %lt3A_500, %broadcast_in_dim3A_503, %select_n3A_498 : vector<512x128xi1>, vector<512x128xi32>
    %slice3A_505 = vector.extract_strided_slice %select_n3A_75 {offsets = [0, 896], sizes = [512, 128], strides = [1, 1]} : vector<512x1024xf32> to vector<512x128xf32>
    %lt3A_506 = arith.cmpf olt, %slice3A_505, %select_n3A_501 : vector<512x128xf32>
    %select_n3A_507 = arith.select %lt3A_506, %slice3A_505, %select_n3A_501 : vector<512x128xi1>, vector<512x128xf32>
    %jit3A_508 = arith.constant 7 : i32
    %broadcast_in_dim3A_509 = vector.broadcast %jit3A_508 : i32 to vector<512x128xi32>
    %select_n3A_510 = arith.select %lt3A_506, %broadcast_in_dim3A_509, %select_n3A_504 : vector<512x128xi1>, vector<512x128xi32>
    %reduce_min3A_511 = arith.constant dense<0x7F800000> : vector<512xf32>
    %reduce_min3A_512 = vector.multi_reduction <minimumf>, %select_n3A_507, %reduce_min3A_511 [1] : vector<512x128xf32> to vector<512xf32>
    %broadcast_in_dim3A_513 = vector.shape_cast %reduce_min3A_512 : vector<512xf32> to vector<512x1xf32>
    %eq3A_514 = vector.broadcast %broadcast_in_dim3A_513 : vector<512x1xf32> to vector<512x128xf32>
    %eq3A_515 = arith.cmpf oeq, %select_n3A_507, %eq3A_514 : vector<512x128xf32>
    %mul3A_516 = arith.constant 128 : i32
    %mul3A_517 = vector.broadcast %mul3A_516 : i32 to vector<512x128xi32>
    %mul3A_518 = arith.muli %select_n3A_510, %mul3A_517 : vector<512x128xi32>
    %add3A_519 = arith.addi %mul3A_518, %iota3A : vector<512x128xi32>
    %jit3A_520 = arith.constant 1024 : i32
    %broadcast_in_dim3A_521 = vector.broadcast %jit3A_520 : i32 to vector<512x128xi32>
    %select_n3A_522 = arith.select %eq3A_515, %add3A_519, %broadcast_in_dim3A_521 : vector<512x128xi1>, vector<512x128xi32>
    %reduce_min3A_523 = arith.constant dense<2147483647> : vector<512xi32>
    %reduce_min3A_524 = vector.multi_reduction <minsi>, %select_n3A_522, %reduce_min3A_523 [1] : vector<512x128xi32> to vector<512xi32>
    %broadcast_in_dim3A_525 = vector.shape_cast %reduce_min3A_524 : vector<512xi32> to vector<512x1xi32>
    %lt3A_526 = arith.constant 4.000000e-02 : f32
    %lt3A_527 = vector.broadcast %lt3A_526 : f32 to vector<512x1xf32>
    %lt3A_528 = arith.cmpf olt, %broadcast_in_dim3A_513, %lt3A_527 : vector<512x1xf32>
    %select_n3A_529 = arith.select %lt3A_528, %broadcast_in_dim3A_525, %add3A_83 : vector<512x1xi1>, vector<512x1xi32>
    %slice3A_530 = vector.extract_strided_slice %select_n3A_78 {offsets = [0, 0], sizes = [512, 128], strides = [1, 1]} : vector<512x1024xf32> to vector<512x128xf32>
    %broadcast_in_dim3A_531 = arith.constant 0 : i32
    %broadcast_in_dim3A_532 = vector.broadcast %broadcast_in_dim3A_531 : i32 to vector<512x128xi32>
    %slice3A_533 = vector.extract_strided_slice %select_n3A_78 {offsets = [0, 128], sizes = [512, 128], strides = [1, 1]} : vector<512x1024xf32> to vector<512x128xf32>
    %lt3A_534 = arith.cmpf olt, %slice3A_533, %slice3A_530 : vector<512x128xf32>
    %select_n3A_535 = arith.select %lt3A_534, %slice3A_533, %slice3A_530 : vector<512x128xi1>, vector<512x128xf32>
    %jit3A_536 = arith.constant 1 : i32
    %broadcast_in_dim3A_537 = vector.broadcast %jit3A_536 : i32 to vector<512x128xi32>
    %select_n3A_538 = arith.select %lt3A_534, %broadcast_in_dim3A_537, %broadcast_in_dim3A_532 : vector<512x128xi1>, vector<512x128xi32>
    %slice3A_539 = vector.extract_strided_slice %select_n3A_78 {offsets = [0, 256], sizes = [512, 128], strides = [1, 1]} : vector<512x1024xf32> to vector<512x128xf32>
    %lt3A_540 = arith.cmpf olt, %slice3A_539, %select_n3A_535 : vector<512x128xf32>
    %select_n3A_541 = arith.select %lt3A_540, %slice3A_539, %select_n3A_535 : vector<512x128xi1>, vector<512x128xf32>
    %jit3A_542 = arith.constant 2 : i32
    %broadcast_in_dim3A_543 = vector.broadcast %jit3A_542 : i32 to vector<512x128xi32>
    %select_n3A_544 = arith.select %lt3A_540, %broadcast_in_dim3A_543, %select_n3A_538 : vector<512x128xi1>, vector<512x128xi32>
    %slice3A_545 = vector.extract_strided_slice %select_n3A_78 {offsets = [0, 384], sizes = [512, 128], strides = [1, 1]} : vector<512x1024xf32> to vector<512x128xf32>
    %lt3A_546 = arith.cmpf olt, %slice3A_545, %select_n3A_541 : vector<512x128xf32>
    %select_n3A_547 = arith.select %lt3A_546, %slice3A_545, %select_n3A_541 : vector<512x128xi1>, vector<512x128xf32>
    %jit3A_548 = arith.constant 3 : i32
    %broadcast_in_dim3A_549 = vector.broadcast %jit3A_548 : i32 to vector<512x128xi32>
    %select_n3A_550 = arith.select %lt3A_546, %broadcast_in_dim3A_549, %select_n3A_544 : vector<512x128xi1>, vector<512x128xi32>
    %slice3A_551 = vector.extract_strided_slice %select_n3A_78 {offsets = [0, 512], sizes = [512, 128], strides = [1, 1]} : vector<512x1024xf32> to vector<512x128xf32>
    %lt3A_552 = arith.cmpf olt, %slice3A_551, %select_n3A_547 : vector<512x128xf32>
    %select_n3A_553 = arith.select %lt3A_552, %slice3A_551, %select_n3A_547 : vector<512x128xi1>, vector<512x128xf32>
    %jit3A_554 = arith.constant 4 : i32
    %broadcast_in_dim3A_555 = vector.broadcast %jit3A_554 : i32 to vector<512x128xi32>
    %select_n3A_556 = arith.select %lt3A_552, %broadcast_in_dim3A_555, %select_n3A_550 : vector<512x128xi1>, vector<512x128xi32>
    %slice3A_557 = vector.extract_strided_slice %select_n3A_78 {offsets = [0, 640], sizes = [512, 128], strides = [1, 1]} : vector<512x1024xf32> to vector<512x128xf32>
    %lt3A_558 = arith.cmpf olt, %slice3A_557, %select_n3A_553 : vector<512x128xf32>
    %select_n3A_559 = arith.select %lt3A_558, %slice3A_557, %select_n3A_553 : vector<512x128xi1>, vector<512x128xf32>
    %jit3A_560 = arith.constant 5 : i32
    %broadcast_in_dim3A_561 = vector.broadcast %jit3A_560 : i32 to vector<512x128xi32>
    %select_n3A_562 = arith.select %lt3A_558, %broadcast_in_dim3A_561, %select_n3A_556 : vector<512x128xi1>, vector<512x128xi32>
    %slice3A_563 = vector.extract_strided_slice %select_n3A_78 {offsets = [0, 768], sizes = [512, 128], strides = [1, 1]} : vector<512x1024xf32> to vector<512x128xf32>
    %lt3A_564 = arith.cmpf olt, %slice3A_563, %select_n3A_559 : vector<512x128xf32>
    %select_n3A_565 = arith.select %lt3A_564, %slice3A_563, %select_n3A_559 : vector<512x128xi1>, vector<512x128xf32>
    %jit3A_566 = arith.constant 6 : i32
    %broadcast_in_dim3A_567 = vector.broadcast %jit3A_566 : i32 to vector<512x128xi32>
    %select_n3A_568 = arith.select %lt3A_564, %broadcast_in_dim3A_567, %select_n3A_562 : vector<512x128xi1>, vector<512x128xi32>
    %slice3A_569 = vector.extract_strided_slice %select_n3A_78 {offsets = [0, 896], sizes = [512, 128], strides = [1, 1]} : vector<512x1024xf32> to vector<512x128xf32>
    %lt3A_570 = arith.cmpf olt, %slice3A_569, %select_n3A_565 : vector<512x128xf32>
    %select_n3A_571 = arith.select %lt3A_570, %slice3A_569, %select_n3A_565 : vector<512x128xi1>, vector<512x128xf32>
    %jit3A_572 = arith.constant 7 : i32
    %broadcast_in_dim3A_573 = vector.broadcast %jit3A_572 : i32 to vector<512x128xi32>
    %select_n3A_574 = arith.select %lt3A_570, %broadcast_in_dim3A_573, %select_n3A_568 : vector<512x128xi1>, vector<512x128xi32>
    %reduce_min3A_575 = arith.constant dense<0x7F800000> : vector<512xf32>
    %reduce_min3A_576 = vector.multi_reduction <minimumf>, %select_n3A_571, %reduce_min3A_575 [1] : vector<512x128xf32> to vector<512xf32>
    %broadcast_in_dim3A_577 = vector.shape_cast %reduce_min3A_576 : vector<512xf32> to vector<512x1xf32>
    %eq3A_578 = vector.broadcast %broadcast_in_dim3A_577 : vector<512x1xf32> to vector<512x128xf32>
    %eq3A_579 = arith.cmpf oeq, %select_n3A_571, %eq3A_578 : vector<512x128xf32>
    %mul3A_580 = arith.constant 128 : i32
    %mul3A_581 = vector.broadcast %mul3A_580 : i32 to vector<512x128xi32>
    %mul3A_582 = arith.muli %select_n3A_574, %mul3A_581 : vector<512x128xi32>
    %add3A_583 = arith.addi %mul3A_582, %iota3A : vector<512x128xi32>
    %jit3A_584 = arith.constant 1024 : i32
    %broadcast_in_dim3A_585 = vector.broadcast %jit3A_584 : i32 to vector<512x128xi32>
    %select_n3A_586 = arith.select %eq3A_579, %add3A_583, %broadcast_in_dim3A_585 : vector<512x128xi1>, vector<512x128xi32>
    %reduce_min3A_587 = arith.constant dense<2147483647> : vector<512xi32>
    %reduce_min3A_588 = vector.multi_reduction <minsi>, %select_n3A_586, %reduce_min3A_587 [1] : vector<512x128xi32> to vector<512xi32>
    %broadcast_in_dim3A_589 = vector.shape_cast %reduce_min3A_588 : vector<512xi32> to vector<512x1xi32>
    %lt3A_590 = arith.constant 4.000000e-02 : f32
    %lt3A_591 = vector.broadcast %lt3A_590 : f32 to vector<512x1xf32>
    %lt3A_592 = arith.cmpf olt, %broadcast_in_dim3A_577, %lt3A_591 : vector<512x1xf32>
    %select_n3A_593 = arith.select %lt3A_592, %broadcast_in_dim3A_589, %add3A_83 : vector<512x1xi1>, vector<512x1xi32>
    %concatenate3A = tpu.concatenate %select_n3A_145, %select_n3A_209, %select_n3A_273, %select_n3A_337, %select_n3A_401, %select_n3A_465, %select_n3A_529, %select_n3A_593 in 1 : vector<512x1xi32>, vector<512x1xi32>, vector<512x1xi32>, vector<512x1xi32>, vector<512x1xi32>, vector<512x1xi32>, vector<512x1xi32>, vector<512x1xi32> -> vector<512x8xi32>
    %mul3A_594 = arith.constant 1024 : i32
    %mul3A_595 = arith.muli %arg0, %mul3A_594 : i32
    %add3A_596 = vector.broadcast %mul3A_595 : i32 to vector<512x8xi32>
    %add3A_597 = arith.addi %concatenate3A, %add3A_596 : vector<512x8xi32>
    %transpose3A = tpu.transpose %add3A_597, [1, 0] : vector<512x8xi32> -> vector<8x512xi32>
    %reshape3A = vector.shape_cast %transpose3A : vector<8x512xi32> to vector<8x4x128xi32>
    %transpose3A_598 = tpu.transpose %reshape3A, [1, 0, 2] : vector<8x4x128xi32> -> vector<4x8x128xi32>
    %swap3A = arith.constant 0 : index
    %swap3A_599 = arith.constant 0 : index
    %swap3A_600 = arith.constant 0 : index
    %swap3A_601 = vector.load %arg5[%swap3A, %swap3A_599, %swap3A_600] : memref<4x8x128xi32, #tpu.memory_space<vmem>>, vector<4x8x128xi32>
    tpu.vector_store %arg5[%swap3A, %swap3A_599, %swap3A_600], %transpose3A_598 {strides = array<i32>} : memref<4x8x128xi32, #tpu.memory_space<vmem>>, vector<4x8x128xi32>,
    %broadcast_in_dim3A_602 = arith.constant 0.000000e+00 : f32
    %broadcast_in_dim3A_603 = vector.broadcast %broadcast_in_dim3A_602 : f32 to vector<512x13xf32>
    %broadcast_in_dim3A_604 = arith.constant 0.000000e+00 : f32
    %broadcast_in_dim3A_605 = vector.broadcast %broadcast_in_dim3A_604 : f32 to vector<512x48xf32>
    %concatenate3A_606 = tpu.concatenate %get3A_3, %broadcast_in_dim3A_603 in 1 : vector<512x3xf32>, vector<512x13xf32> -> vector<512x16xf32>
    %swap3A_607 = arith.constant 0 : index
    %swap3A_608 = arith.constant 0 : index
    %swap3A_609 = vector.load %arg7[%swap3A_607, %swap3A_608] : memref<512x16xf32, #tpu.memory_space<vmem>>, vector<512x16xf32>
    tpu.vector_store %arg7[%swap3A_607, %swap3A_608], %concatenate3A_606 {strides = array<i32>} : memref<512x16xf32, #tpu.memory_space<vmem>>, vector<512x16xf32>,
    %get3A_610 = arith.constant 0 : index
    %get3A_611 = arith.constant 0 : index
    %get3A_612 = vector.load %arg4[%get3A_610, %get3A_611] : memref<512x64xf32, #tpu.memory_space<vmem>>, vector<512x64xf32>
    %concatenate3A_613 = tpu.concatenate %concatenate3A_606, %get3A_612, %broadcast_in_dim3A_605 in 1 : vector<512x16xf32>, vector<512x64xf32>, vector<512x48xf32> -> vector<512x128xf32>
    %swap3A_614 = arith.constant 0 : index
    %swap3A_615 = arith.constant 0 : index
    %swap3A_616 = vector.load %arg6[%swap3A_614, %swap3A_615] : memref<512x128xf32, #tpu.memory_space<vmem>>, vector<512x128xf32>
    tpu.vector_store %arg6[%swap3A_614, %swap3A_615], %concatenate3A_613 {strides = array<i32>} : memref<512x128xf32, #tpu.memory_space<vmem>>, vector<512x128xf32>,
    return
  }
  func.func @transform_0(%arg0: i32, %arg1: i32) -> (i32, i32, i32) {
    %add3A = arith.constant 2 : i32
    %add3A_0 = arith.addi %add3A, %arg0 : i32
    %c0_i32 = arith.constant 0 : i32
    %c0_i32_1 = arith.constant 0 : i32
    return %add3A_0, %arg1, %c0_i32 : i32, i32, i32
  }
  func.func @transform_1(%arg0: i32, %arg1: i32) -> (i32, i32, i32) {
    %add3A = arith.constant 2 : i32
    %add3A_0 = arith.addi %add3A, %arg0 : i32
    %c0_i32 = arith.constant 0 : i32
    %c0_i32_1 = arith.constant 0 : i32
    %c0_i32_2 = arith.constant 0 : i32
    return %add3A_0, %c0_i32, %c0_i32_1 : i32, i32, i32
  }
  func.func @transform_2(%arg0: i32, %arg1: i32) -> (i32, i32) {
    %add3A = arith.constant 2 : i32
    %add3A_0 = arith.addi %add3A, %arg0 : i32
    %mul3A = arith.constant 2 : i32
    %mul3A_1 = arith.muli %add3A_0, %mul3A : i32
    %add3A_2 = arith.addi %mul3A_1, %arg1 : i32
    %c0_i32 = arith.constant 0 : i32
    %c0_i32_3 = arith.constant 0 : i32
    return %add3A_2, %c0_i32 : i32, i32
  }
  func.func @transform_3(%arg0: i32, %arg1: i32) -> (i32, i32, i32) {
    %mul3A = arith.constant 2 : i32
    %mul3A_0 = arith.muli %arg0, %mul3A : i32
    %add3A = arith.addi %mul3A_0, %arg1 : i32
    %c0_i32 = arith.constant 0 : i32
    %c0_i32_1 = arith.constant 0 : i32
    %c0_i32_2 = arith.constant 0 : i32
    return %add3A, %c0_i32, %c0_i32_1 : i32, i32, i32
  }
  func.func @transform_4(%arg0: i32, %arg1: i32) -> (i32, i32) {
    %mul3A = arith.constant 2 : i32
    %mul3A_0 = arith.muli %arg0, %mul3A : i32
    %add3A = arith.addi %mul3A_0, %arg1 : i32
    %c0_i32 = arith.constant 0 : i32
    %c0_i32_1 = arith.constant 0 : i32
    return %add3A, %c0_i32 : i32, i32
  }
  func.func @transform_5(%arg0: i32, %arg1: i32) -> (i32, i32) {
    %mul3A = arith.constant 2 : i32
    %mul3A_0 = arith.muli %arg0, %mul3A : i32
    %add3A = arith.addi %mul3A_0, %arg1 : i32
    %c0_i32 = arith.constant 0 : i32
    %c0_i32_1 = arith.constant 0 : i32
    return %add3A, %c0_i32 : i32, i32
  }
}

module attributes {stable_mosaic.version = 14 : i64} {
  func.func @_chain2_body(%arg0: i32, %arg1: memref<8x8x128x128xf32, #tpu.memory_space<vmem>>, %arg2: memref<1024x16xf32, #tpu.memory_space<vmem>>, %arg3: memref<2x128x64xf32, #tpu.memory_space<vmem>>, %arg4: memref<2x64x64xf32, #tpu.memory_space<vmem>>, %arg5: memref<2x64x64xf32, #tpu.memory_space<vmem>>, %arg6: memref<1x64xf32, #tpu.memory_space<vmem>>, %arg7: memref<1x64xf32, #tpu.memory_space<vmem>>, %arg8: memref<1x64xf32, #tpu.memory_space<vmem>>, %arg9: memref<1024x64xf32, #tpu.memory_space<vmem>>, %arg10: memref<1024x128xf32, #tpu.memory_space<vmem>>) attributes {dimension_semantics = [#tpu.dimension_semantics<arbitrary>], iteration_bounds = array<i64: 2>, scalar_prefetch = 0 : i64, scratch_operands = 0 : i64, tpu.core_type = #tpu.core_type<tc>, window_params = [{transform_indices = @transform_0, window_bounds = array<i64: 8, 8, 128, 128>}, {transform_indices = @transform_1, window_bounds = array<i64: 1024, 16>}, {pipeline_mode = #tpu.pipeline_mode<synchronous>, transform_indices = @transform_2, window_bounds = array<i64: 2, 128, 64>}, {pipeline_mode = #tpu.pipeline_mode<synchronous>, transform_indices = @transform_3, window_bounds = array<i64: 2, 64, 64>}, {pipeline_mode = #tpu.pipeline_mode<synchronous>, transform_indices = @transform_4, window_bounds = array<i64: 2, 64, 64>}, {pipeline_mode = #tpu.pipeline_mode<synchronous>, transform_indices = @transform_5, window_bounds = array<i64: 1, 64>}, {pipeline_mode = #tpu.pipeline_mode<synchronous>, transform_indices = @transform_6, window_bounds = array<i64: 1, 64>}, {pipeline_mode = #tpu.pipeline_mode<synchronous>, transform_indices = @transform_7, window_bounds = array<i64: 1, 64>}, {transform_indices = @transform_8, window_bounds = array<i64: 1024, 64>}, {transform_indices = @transform_9, window_bounds = array<i64: 1024, 128>}]} {
    %get3A = arith.constant 0 : index
    %get3A_0 = arith.constant 0 : index
    %get3A_1 = vector.load %arg2[%get3A, %get3A_0] : memref<1024x16xf32, #tpu.memory_space<vmem>>, vector<1024x16xf32>
    %get3A_2 = arith.constant 0 : index
    %get3A_3 = arith.constant 0 : index
    %get3A_4 = vector.load %arg6[%get3A_2, %get3A_3] : memref<1x64xf32, #tpu.memory_space<vmem>>, vector<1x64xf32>
    %get3A_5 = arith.constant 0 : index
    %get3A_6 = arith.constant 0 : index
    %get3A_7 = arith.constant 0 : index
    %get3A_8 = vector.load %arg3[%get3A_5, %get3A_6, %get3A_7] : memref<2x128x64xf32, #tpu.memory_space<vmem>>, vector<1x16x64xf32>
    %get3A_9 = vector.shape_cast %get3A_8 : vector<1x16x64xf32> to vector<16x64xf32>
    %dot_general3A = arith.constant dense<0.000000e+00> : vector<1024x64xf32>
    %dot_general3A_10 = tpu.matmul %get3A_1, %get3A_9, %dot_general3A {dimension_numbers = #tpu.dot_dimension_numbers<[1], [0], [0], [1], [0, 0, 1, 1], [], []>, transpose_lhs_hint = false} : vector<1024x16xf32>, vector<16x64xf32>, vector<1024x64xf32> -> vector<1024x64xf32>
    %sub3A = vector.broadcast %get3A_4 : vector<1x64xf32> to vector<1024x64xf32>
    %sub3A_11 = arith.subf %sub3A, %dot_general3A_10 : vector<1024x64xf32>
    %get3A_12 = arith.constant 1 : index
    %get3A_13 = arith.constant 0 : index
    %get3A_14 = arith.constant 0 : index
    %get3A_15 = vector.load %arg3[%get3A_12, %get3A_13, %get3A_14] : memref<2x128x64xf32, #tpu.memory_space<vmem>>, vector<1x16x64xf32>
    %get3A_16 = vector.shape_cast %get3A_15 : vector<1x16x64xf32> to vector<16x64xf32>
    %dot_general3A_17 = arith.constant dense<0.000000e+00> : vector<1024x64xf32>
    %dot_general3A_18 = tpu.matmul %get3A_1, %get3A_16, %dot_general3A_17 {dimension_numbers = #tpu.dot_dimension_numbers<[1], [0], [0], [1], [0, 0, 1, 1], [], []>, transpose_lhs_hint = false} : vector<1024x16xf32>, vector<16x64xf32>, vector<1024x64xf32> -> vector<1024x64xf32>
    %sub3A_19 = arith.subf %sub3A_11, %dot_general3A_18 : vector<1024x64xf32>
    %get3A_20 = arith.constant 0 : index
    %get3A_21 = arith.constant 0 : index
    %get3A_22 = arith.constant 0 : index
    %get3A_23 = arith.constant 0 : index
    %get3A_24 = vector.load %arg1[%get3A_20, %get3A_21, %get3A_22, %get3A_23] : memref<8x8x128x128xf32, #tpu.memory_space<vmem>>, vector<1x1x128x128xf32>
    %get3A_25 = vector.shape_cast %get3A_24 : vector<1x1x128x128xf32> to vector<128x128xf32>
    %get3A_26 = arith.constant 1 : index
    %get3A_27 = arith.constant 0 : index
    %get3A_28 = arith.constant 0 : index
    %get3A_29 = arith.constant 0 : index
    %get3A_30 = vector.load %arg1[%get3A_26, %get3A_27, %get3A_28, %get3A_29] : memref<8x8x128x128xf32, #tpu.memory_space<vmem>>, vector<1x1x128x128xf32>
    %get3A_31 = vector.shape_cast %get3A_30 : vector<1x1x128x128xf32> to vector<128x128xf32>
    %get3A_32 = arith.constant 2 : index
    %get3A_33 = arith.constant 0 : index
    %get3A_34 = arith.constant 0 : index
    %get3A_35 = arith.constant 0 : index
    %get3A_36 = vector.load %arg1[%get3A_32, %get3A_33, %get3A_34, %get3A_35] : memref<8x8x128x128xf32, #tpu.memory_space<vmem>>, vector<1x1x128x128xf32>
    %get3A_37 = vector.shape_cast %get3A_36 : vector<1x1x128x128xf32> to vector<128x128xf32>
    %get3A_38 = arith.constant 3 : index
    %get3A_39 = arith.constant 0 : index
    %get3A_40 = arith.constant 0 : index
    %get3A_41 = arith.constant 0 : index
    %get3A_42 = vector.load %arg1[%get3A_38, %get3A_39, %get3A_40, %get3A_41] : memref<8x8x128x128xf32, #tpu.memory_space<vmem>>, vector<1x1x128x128xf32>
    %get3A_43 = vector.shape_cast %get3A_42 : vector<1x1x128x128xf32> to vector<128x128xf32>
    %get3A_44 = arith.constant 4 : index
    %get3A_45 = arith.constant 0 : index
    %get3A_46 = arith.constant 0 : index
    %get3A_47 = arith.constant 0 : index
    %get3A_48 = vector.load %arg1[%get3A_44, %get3A_45, %get3A_46, %get3A_47] : memref<8x8x128x128xf32, #tpu.memory_space<vmem>>, vector<1x1x128x128xf32>
    %get3A_49 = vector.shape_cast %get3A_48 : vector<1x1x128x128xf32> to vector<128x128xf32>
    %get3A_50 = arith.constant 5 : index
    %get3A_51 = arith.constant 0 : index
    %get3A_52 = arith.constant 0 : index
    %get3A_53 = arith.constant 0 : index
    %get3A_54 = vector.load %arg1[%get3A_50, %get3A_51, %get3A_52, %get3A_53] : memref<8x8x128x128xf32, #tpu.memory_space<vmem>>, vector<1x1x128x128xf32>
    %get3A_55 = vector.shape_cast %get3A_54 : vector<1x1x128x128xf32> to vector<128x128xf32>
    %get3A_56 = arith.constant 6 : index
    %get3A_57 = arith.constant 0 : index
    %get3A_58 = arith.constant 0 : index
    %get3A_59 = arith.constant 0 : index
    %get3A_60 = vector.load %arg1[%get3A_56, %get3A_57, %get3A_58, %get3A_59] : memref<8x8x128x128xf32, #tpu.memory_space<vmem>>, vector<1x1x128x128xf32>
    %get3A_61 = vector.shape_cast %get3A_60 : vector<1x1x128x128xf32> to vector<128x128xf32>
    %get3A_62 = arith.constant 7 : index
    %get3A_63 = arith.constant 0 : index
    %get3A_64 = arith.constant 0 : index
    %get3A_65 = arith.constant 0 : index
    %get3A_66 = vector.load %arg1[%get3A_62, %get3A_63, %get3A_64, %get3A_65] : memref<8x8x128x128xf32, #tpu.memory_space<vmem>>, vector<1x1x128x128xf32>
    %get3A_67 = vector.shape_cast %get3A_66 : vector<1x1x128x128xf32> to vector<128x128xf32>
    %concatenate3A = tpu.concatenate %get3A_25, %get3A_31, %get3A_37, %get3A_43, %get3A_49, %get3A_55, %get3A_61, %get3A_67 in 0 : vector<128x128xf32>, vector<128x128xf32>, vector<128x128xf32>, vector<128x128xf32>, vector<128x128xf32>, vector<128x128xf32>, vector<128x128xf32>, vector<128x128xf32> -> vector<1024x128xf32>
    %get3A_68 = arith.constant 0 : index
    %get3A_69 = arith.constant 1 : index
    %get3A_70 = arith.constant 0 : index
    %get3A_71 = arith.constant 0 : index
    %get3A_72 = vector.load %arg1[%get3A_68, %get3A_69, %get3A_70, %get3A_71] : memref<8x8x128x128xf32, #tpu.memory_space<vmem>>, vector<1x1x128x128xf32>
    %get3A_73 = vector.shape_cast %get3A_72 : vector<1x1x128x128xf32> to vector<128x128xf32>
    %get3A_74 = arith.constant 1 : index
    %get3A_75 = arith.constant 1 : index
    %get3A_76 = arith.constant 0 : index
    %get3A_77 = arith.constant 0 : index
    %get3A_78 = vector.load %arg1[%get3A_74, %get3A_75, %get3A_76, %get3A_77] : memref<8x8x128x128xf32, #tpu.memory_space<vmem>>, vector<1x1x128x128xf32>
    %get3A_79 = vector.shape_cast %get3A_78 : vector<1x1x128x128xf32> to vector<128x128xf32>
    %get3A_80 = arith.constant 2 : index
    %get3A_81 = arith.constant 1 : index
    %get3A_82 = arith.constant 0 : index
    %get3A_83 = arith.constant 0 : index
    %get3A_84 = vector.load %arg1[%get3A_80, %get3A_81, %get3A_82, %get3A_83] : memref<8x8x128x128xf32, #tpu.memory_space<vmem>>, vector<1x1x128x128xf32>
    %get3A_85 = vector.shape_cast %get3A_84 : vector<1x1x128x128xf32> to vector<128x128xf32>
    %get3A_86 = arith.constant 3 : index
    %get3A_87 = arith.constant 1 : index
    %get3A_88 = arith.constant 0 : index
    %get3A_89 = arith.constant 0 : index
    %get3A_90 = vector.load %arg1[%get3A_86, %get3A_87, %get3A_88, %get3A_89] : memref<8x8x128x128xf32, #tpu.memory_space<vmem>>, vector<1x1x128x128xf32>
    %get3A_91 = vector.shape_cast %get3A_90 : vector<1x1x128x128xf32> to vector<128x128xf32>
    %get3A_92 = arith.constant 4 : index
    %get3A_93 = arith.constant 1 : index
    %get3A_94 = arith.constant 0 : index
    %get3A_95 = arith.constant 0 : index
    %get3A_96 = vector.load %arg1[%get3A_92, %get3A_93, %get3A_94, %get3A_95] : memref<8x8x128x128xf32, #tpu.memory_space<vmem>>, vector<1x1x128x128xf32>
    %get3A_97 = vector.shape_cast %get3A_96 : vector<1x1x128x128xf32> to vector<128x128xf32>
    %get3A_98 = arith.constant 5 : index
    %get3A_99 = arith.constant 1 : index
    %get3A_100 = arith.constant 0 : index
    %get3A_101 = arith.constant 0 : index
    %get3A_102 = vector.load %arg1[%get3A_98, %get3A_99, %get3A_100, %get3A_101] : memref<8x8x128x128xf32, #tpu.memory_space<vmem>>, vector<1x1x128x128xf32>
    %get3A_103 = vector.shape_cast %get3A_102 : vector<1x1x128x128xf32> to vector<128x128xf32>
    %get3A_104 = arith.constant 6 : index
    %get3A_105 = arith.constant 1 : index
    %get3A_106 = arith.constant 0 : index
    %get3A_107 = arith.constant 0 : index
    %get3A_108 = vector.load %arg1[%get3A_104, %get3A_105, %get3A_106, %get3A_107] : memref<8x8x128x128xf32, #tpu.memory_space<vmem>>, vector<1x1x128x128xf32>
    %get3A_109 = vector.shape_cast %get3A_108 : vector<1x1x128x128xf32> to vector<128x128xf32>
    %get3A_110 = arith.constant 7 : index
    %get3A_111 = arith.constant 1 : index
    %get3A_112 = arith.constant 0 : index
    %get3A_113 = arith.constant 0 : index
    %get3A_114 = vector.load %arg1[%get3A_110, %get3A_111, %get3A_112, %get3A_113] : memref<8x8x128x128xf32, #tpu.memory_space<vmem>>, vector<1x1x128x128xf32>
    %get3A_115 = vector.shape_cast %get3A_114 : vector<1x1x128x128xf32> to vector<128x128xf32>
    %concatenate3A_116 = tpu.concatenate %get3A_73, %get3A_79, %get3A_85, %get3A_91, %get3A_97, %get3A_103, %get3A_109, %get3A_115 in 0 : vector<128x128xf32>, vector<128x128xf32>, vector<128x128xf32>, vector<128x128xf32>, vector<128x128xf32>, vector<128x128xf32>, vector<128x128xf32>, vector<128x128xf32> -> vector<1024x128xf32>
    %get3A_117 = arith.constant 0 : index
    %get3A_118 = arith.constant 0 : index
    %get3A_119 = arith.constant 0 : index
    %get3A_120 = vector.load %arg3[%get3A_117, %get3A_118, %get3A_119] : memref<2x128x64xf32, #tpu.memory_space<vmem>>, vector<1x128x64xf32>
    %get3A_121 = vector.shape_cast %get3A_120 : vector<1x128x64xf32> to vector<128x64xf32>
    %dot_general3A_122 = arith.constant dense<0.000000e+00> : vector<1024x64xf32>
    %dot_general3A_123 = tpu.matmul %concatenate3A, %get3A_121, %dot_general3A_122 {dimension_numbers = #tpu.dot_dimension_numbers<[1], [0], [0], [1], [0, 0, 1, 1], [], []>, transpose_lhs_hint = false} : vector<1024x128xf32>, vector<128x64xf32>, vector<1024x64xf32> -> vector<1024x64xf32>
    %get3A_124 = arith.constant 1 : index
    %get3A_125 = arith.constant 0 : index
    %get3A_126 = arith.constant 0 : index
    %get3A_127 = vector.load %arg3[%get3A_124, %get3A_125, %get3A_126] : memref<2x128x64xf32, #tpu.memory_space<vmem>>, vector<1x128x64xf32>
    %get3A_128 = vector.shape_cast %get3A_127 : vector<1x128x64xf32> to vector<128x64xf32>
    %dot_general3A_129 = arith.constant dense<0.000000e+00> : vector<1024x64xf32>
    %dot_general3A_130 = tpu.matmul %concatenate3A_116, %get3A_128, %dot_general3A_129 {dimension_numbers = #tpu.dot_dimension_numbers<[1], [0], [0], [1], [0, 0, 1, 1], [], []>, transpose_lhs_hint = false} : vector<1024x128xf32>, vector<128x64xf32>, vector<1024x64xf32> -> vector<1024x64xf32>
    %add3A = arith.addf %dot_general3A_123, %dot_general3A_130 : vector<1024x64xf32>
    %add3A_131 = arith.addf %add3A, %sub3A_19 : vector<1024x64xf32>
    %get3A_132 = arith.constant 0 : index
    %get3A_133 = arith.constant 2 : index
    %get3A_134 = arith.constant 0 : index
    %get3A_135 = arith.constant 0 : index
    %get3A_136 = vector.load %arg1[%get3A_132, %get3A_133, %get3A_134, %get3A_135] : memref<8x8x128x128xf32, #tpu.memory_space<vmem>>, vector<1x1x128x128xf32>
    %get3A_137 = vector.shape_cast %get3A_136 : vector<1x1x128x128xf32> to vector<128x128xf32>
    %get3A_138 = arith.constant 1 : index
    %get3A_139 = arith.constant 2 : index
    %get3A_140 = arith.constant 0 : index
    %get3A_141 = arith.constant 0 : index
    %get3A_142 = vector.load %arg1[%get3A_138, %get3A_139, %get3A_140, %get3A_141] : memref<8x8x128x128xf32, #tpu.memory_space<vmem>>, vector<1x1x128x128xf32>
    %get3A_143 = vector.shape_cast %get3A_142 : vector<1x1x128x128xf32> to vector<128x128xf32>
    %get3A_144 = arith.constant 2 : index
    %get3A_145 = arith.constant 2 : index
    %get3A_146 = arith.constant 0 : index
    %get3A_147 = arith.constant 0 : index
    %get3A_148 = vector.load %arg1[%get3A_144, %get3A_145, %get3A_146, %get3A_147] : memref<8x8x128x128xf32, #tpu.memory_space<vmem>>, vector<1x1x128x128xf32>
    %get3A_149 = vector.shape_cast %get3A_148 : vector<1x1x128x128xf32> to vector<128x128xf32>
    %get3A_150 = arith.constant 3 : index
    %get3A_151 = arith.constant 2 : index
    %get3A_152 = arith.constant 0 : index
    %get3A_153 = arith.constant 0 : index
    %get3A_154 = vector.load %arg1[%get3A_150, %get3A_151, %get3A_152, %get3A_153] : memref<8x8x128x128xf32, #tpu.memory_space<vmem>>, vector<1x1x128x128xf32>
    %get3A_155 = vector.shape_cast %get3A_154 : vector<1x1x128x128xf32> to vector<128x128xf32>
    %get3A_156 = arith.constant 4 : index
    %get3A_157 = arith.constant 2 : index
    %get3A_158 = arith.constant 0 : index
    %get3A_159 = arith.constant 0 : index
    %get3A_160 = vector.load %arg1[%get3A_156, %get3A_157, %get3A_158, %get3A_159] : memref<8x8x128x128xf32, #tpu.memory_space<vmem>>, vector<1x1x128x128xf32>
    %get3A_161 = vector.shape_cast %get3A_160 : vector<1x1x128x128xf32> to vector<128x128xf32>
    %get3A_162 = arith.constant 5 : index
    %get3A_163 = arith.constant 2 : index
    %get3A_164 = arith.constant 0 : index
    %get3A_165 = arith.constant 0 : index
    %get3A_166 = vector.load %arg1[%get3A_162, %get3A_163, %get3A_164, %get3A_165] : memref<8x8x128x128xf32, #tpu.memory_space<vmem>>, vector<1x1x128x128xf32>
    %get3A_167 = vector.shape_cast %get3A_166 : vector<1x1x128x128xf32> to vector<128x128xf32>
    %get3A_168 = arith.constant 6 : index
    %get3A_169 = arith.constant 2 : index
    %get3A_170 = arith.constant 0 : index
    %get3A_171 = arith.constant 0 : index
    %get3A_172 = vector.load %arg1[%get3A_168, %get3A_169, %get3A_170, %get3A_171] : memref<8x8x128x128xf32, #tpu.memory_space<vmem>>, vector<1x1x128x128xf32>
    %get3A_173 = vector.shape_cast %get3A_172 : vector<1x1x128x128xf32> to vector<128x128xf32>
    %get3A_174 = arith.constant 7 : index
    %get3A_175 = arith.constant 2 : index
    %get3A_176 = arith.constant 0 : index
    %get3A_177 = arith.constant 0 : index
    %get3A_178 = vector.load %arg1[%get3A_174, %get3A_175, %get3A_176, %get3A_177] : memref<8x8x128x128xf32, #tpu.memory_space<vmem>>, vector<1x1x128x128xf32>
    %get3A_179 = vector.shape_cast %get3A_178 : vector<1x1x128x128xf32> to vector<128x128xf32>
    %concatenate3A_180 = tpu.concatenate %get3A_137, %get3A_143, %get3A_149, %get3A_155, %get3A_161, %get3A_167, %get3A_173, %get3A_179 in 0 : vector<128x128xf32>, vector<128x128xf32>, vector<128x128xf32>, vector<128x128xf32>, vector<128x128xf32>, vector<128x128xf32>, vector<128x128xf32>, vector<128x128xf32> -> vector<1024x128xf32>
    %get3A_181 = arith.constant 0 : index
    %get3A_182 = arith.constant 3 : index
    %get3A_183 = arith.constant 0 : index
    %get3A_184 = arith.constant 0 : index
    %get3A_185 = vector.load %arg1[%get3A_181, %get3A_182, %get3A_183, %get3A_184] : memref<8x8x128x128xf32, #tpu.memory_space<vmem>>, vector<1x1x128x128xf32>
    %get3A_186 = vector.shape_cast %get3A_185 : vector<1x1x128x128xf32> to vector<128x128xf32>
    %get3A_187 = arith.constant 1 : index
    %get3A_188 = arith.constant 3 : index
    %get3A_189 = arith.constant 0 : index
    %get3A_190 = arith.constant 0 : index
    %get3A_191 = vector.load %arg1[%get3A_187, %get3A_188, %get3A_189, %get3A_190] : memref<8x8x128x128xf32, #tpu.memory_space<vmem>>, vector<1x1x128x128xf32>
    %get3A_192 = vector.shape_cast %get3A_191 : vector<1x1x128x128xf32> to vector<128x128xf32>
    %get3A_193 = arith.constant 2 : index
    %get3A_194 = arith.constant 3 : index
    %get3A_195 = arith.constant 0 : index
    %get3A_196 = arith.constant 0 : index
    %get3A_197 = vector.load %arg1[%get3A_193, %get3A_194, %get3A_195, %get3A_196] : memref<8x8x128x128xf32, #tpu.memory_space<vmem>>, vector<1x1x128x128xf32>
    %get3A_198 = vector.shape_cast %get3A_197 : vector<1x1x128x128xf32> to vector<128x128xf32>
    %get3A_199 = arith.constant 3 : index
    %get3A_200 = arith.constant 3 : index
    %get3A_201 = arith.constant 0 : index
    %get3A_202 = arith.constant 0 : index
    %get3A_203 = vector.load %arg1[%get3A_199, %get3A_200, %get3A_201, %get3A_202] : memref<8x8x128x128xf32, #tpu.memory_space<vmem>>, vector<1x1x128x128xf32>
    %get3A_204 = vector.shape_cast %get3A_203 : vector<1x1x128x128xf32> to vector<128x128xf32>
    %get3A_205 = arith.constant 4 : index
    %get3A_206 = arith.constant 3 : index
    %get3A_207 = arith.constant 0 : index
    %get3A_208 = arith.constant 0 : index
    %get3A_209 = vector.load %arg1[%get3A_205, %get3A_206, %get3A_207, %get3A_208] : memref<8x8x128x128xf32, #tpu.memory_space<vmem>>, vector<1x1x128x128xf32>
    %get3A_210 = vector.shape_cast %get3A_209 : vector<1x1x128x128xf32> to vector<128x128xf32>
    %get3A_211 = arith.constant 5 : index
    %get3A_212 = arith.constant 3 : index
    %get3A_213 = arith.constant 0 : index
    %get3A_214 = arith.constant 0 : index
    %get3A_215 = vector.load %arg1[%get3A_211, %get3A_212, %get3A_213, %get3A_214] : memref<8x8x128x128xf32, #tpu.memory_space<vmem>>, vector<1x1x128x128xf32>
    %get3A_216 = vector.shape_cast %get3A_215 : vector<1x1x128x128xf32> to vector<128x128xf32>
    %get3A_217 = arith.constant 6 : index
    %get3A_218 = arith.constant 3 : index
    %get3A_219 = arith.constant 0 : index
    %get3A_220 = arith.constant 0 : index
    %get3A_221 = vector.load %arg1[%get3A_217, %get3A_218, %get3A_219, %get3A_220] : memref<8x8x128x128xf32, #tpu.memory_space<vmem>>, vector<1x1x128x128xf32>
    %get3A_222 = vector.shape_cast %get3A_221 : vector<1x1x128x128xf32> to vector<128x128xf32>
    %get3A_223 = arith.constant 7 : index
    %get3A_224 = arith.constant 3 : index
    %get3A_225 = arith.constant 0 : index
    %get3A_226 = arith.constant 0 : index
    %get3A_227 = vector.load %arg1[%get3A_223, %get3A_224, %get3A_225, %get3A_226] : memref<8x8x128x128xf32, #tpu.memory_space<vmem>>, vector<1x1x128x128xf32>
    %get3A_228 = vector.shape_cast %get3A_227 : vector<1x1x128x128xf32> to vector<128x128xf32>
    %concatenate3A_229 = tpu.concatenate %get3A_186, %get3A_192, %get3A_198, %get3A_204, %get3A_210, %get3A_216, %get3A_222, %get3A_228 in 0 : vector<128x128xf32>, vector<128x128xf32>, vector<128x128xf32>, vector<128x128xf32>, vector<128x128xf32>, vector<128x128xf32>, vector<128x128xf32>, vector<128x128xf32> -> vector<1024x128xf32>
    %get3A_230 = arith.constant 0 : index
    %get3A_231 = arith.constant 0 : index
    %get3A_232 = arith.constant 0 : index
    %get3A_233 = vector.load %arg3[%get3A_230, %get3A_231, %get3A_232] : memref<2x128x64xf32, #tpu.memory_space<vmem>>, vector<1x128x64xf32>
    %get3A_234 = vector.shape_cast %get3A_233 : vector<1x128x64xf32> to vector<128x64xf32>
    %dot_general3A_235 = arith.constant dense<0.000000e+00> : vector<1024x64xf32>
    %dot_general3A_236 = tpu.matmul %concatenate3A_180, %get3A_234, %dot_general3A_235 {dimension_numbers = #tpu.dot_dimension_numbers<[1], [0], [0], [1], [0, 0, 1, 1], [], []>, transpose_lhs_hint = false} : vector<1024x128xf32>, vector<128x64xf32>, vector<1024x64xf32> -> vector<1024x64xf32>
    %get3A_237 = arith.constant 1 : index
    %get3A_238 = arith.constant 0 : index
    %get3A_239 = arith.constant 0 : index
    %get3A_240 = vector.load %arg3[%get3A_237, %get3A_238, %get3A_239] : memref<2x128x64xf32, #tpu.memory_space<vmem>>, vector<1x128x64xf32>
    %get3A_241 = vector.shape_cast %get3A_240 : vector<1x128x64xf32> to vector<128x64xf32>
    %dot_general3A_242 = arith.constant dense<0.000000e+00> : vector<1024x64xf32>
    %dot_general3A_243 = tpu.matmul %concatenate3A_229, %get3A_241, %dot_general3A_242 {dimension_numbers = #tpu.dot_dimension_numbers<[1], [0], [0], [1], [0, 0, 1, 1], [], []>, transpose_lhs_hint = false} : vector<1024x128xf32>, vector<128x64xf32>, vector<1024x64xf32> -> vector<1024x64xf32>
    %add3A_244 = arith.addf %dot_general3A_236, %dot_general3A_243 : vector<1024x64xf32>
    %add3A_245 = arith.addf %add3A_244, %sub3A_19 : vector<1024x64xf32>
    %get3A_246 = arith.constant 0 : index
    %get3A_247 = arith.constant 4 : index
    %get3A_248 = arith.constant 0 : index
    %get3A_249 = arith.constant 0 : index
    %get3A_250 = vector.load %arg1[%get3A_246, %get3A_247, %get3A_248, %get3A_249] : memref<8x8x128x128xf32, #tpu.memory_space<vmem>>, vector<1x1x128x128xf32>
    %get3A_251 = vector.shape_cast %get3A_250 : vector<1x1x128x128xf32> to vector<128x128xf32>
    %get3A_252 = arith.constant 1 : index
    %get3A_253 = arith.constant 4 : index
    %get3A_254 = arith.constant 0 : index
    %get3A_255 = arith.constant 0 : index
    %get3A_256 = vector.load %arg1[%get3A_252, %get3A_253, %get3A_254, %get3A_255] : memref<8x8x128x128xf32, #tpu.memory_space<vmem>>, vector<1x1x128x128xf32>
    %get3A_257 = vector.shape_cast %get3A_256 : vector<1x1x128x128xf32> to vector<128x128xf32>
    %get3A_258 = arith.constant 2 : index
    %get3A_259 = arith.constant 4 : index
    %get3A_260 = arith.constant 0 : index
    %get3A_261 = arith.constant 0 : index
    %get3A_262 = vector.load %arg1[%get3A_258, %get3A_259, %get3A_260, %get3A_261] : memref<8x8x128x128xf32, #tpu.memory_space<vmem>>, vector<1x1x128x128xf32>
    %get3A_263 = vector.shape_cast %get3A_262 : vector<1x1x128x128xf32> to vector<128x128xf32>
    %get3A_264 = arith.constant 3 : index
    %get3A_265 = arith.constant 4 : index
    %get3A_266 = arith.constant 0 : index
    %get3A_267 = arith.constant 0 : index
    %get3A_268 = vector.load %arg1[%get3A_264, %get3A_265, %get3A_266, %get3A_267] : memref<8x8x128x128xf32, #tpu.memory_space<vmem>>, vector<1x1x128x128xf32>
    %get3A_269 = vector.shape_cast %get3A_268 : vector<1x1x128x128xf32> to vector<128x128xf32>
    %get3A_270 = arith.constant 4 : index
    %get3A_271 = arith.constant 4 : index
    %get3A_272 = arith.constant 0 : index
    %get3A_273 = arith.constant 0 : index
    %get3A_274 = vector.load %arg1[%get3A_270, %get3A_271, %get3A_272, %get3A_273] : memref<8x8x128x128xf32, #tpu.memory_space<vmem>>, vector<1x1x128x128xf32>
    %get3A_275 = vector.shape_cast %get3A_274 : vector<1x1x128x128xf32> to vector<128x128xf32>
    %get3A_276 = arith.constant 5 : index
    %get3A_277 = arith.constant 4 : index
    %get3A_278 = arith.constant 0 : index
    %get3A_279 = arith.constant 0 : index
    %get3A_280 = vector.load %arg1[%get3A_276, %get3A_277, %get3A_278, %get3A_279] : memref<8x8x128x128xf32, #tpu.memory_space<vmem>>, vector<1x1x128x128xf32>
    %get3A_281 = vector.shape_cast %get3A_280 : vector<1x1x128x128xf32> to vector<128x128xf32>
    %get3A_282 = arith.constant 6 : index
    %get3A_283 = arith.constant 4 : index
    %get3A_284 = arith.constant 0 : index
    %get3A_285 = arith.constant 0 : index
    %get3A_286 = vector.load %arg1[%get3A_282, %get3A_283, %get3A_284, %get3A_285] : memref<8x8x128x128xf32, #tpu.memory_space<vmem>>, vector<1x1x128x128xf32>
    %get3A_287 = vector.shape_cast %get3A_286 : vector<1x1x128x128xf32> to vector<128x128xf32>
    %get3A_288 = arith.constant 7 : index
    %get3A_289 = arith.constant 4 : index
    %get3A_290 = arith.constant 0 : index
    %get3A_291 = arith.constant 0 : index
    %get3A_292 = vector.load %arg1[%get3A_288, %get3A_289, %get3A_290, %get3A_291] : memref<8x8x128x128xf32, #tpu.memory_space<vmem>>, vector<1x1x128x128xf32>
    %get3A_293 = vector.shape_cast %get3A_292 : vector<1x1x128x128xf32> to vector<128x128xf32>
    %concatenate3A_294 = tpu.concatenate %get3A_251, %get3A_257, %get3A_263, %get3A_269, %get3A_275, %get3A_281, %get3A_287, %get3A_293 in 0 : vector<128x128xf32>, vector<128x128xf32>, vector<128x128xf32>, vector<128x128xf32>, vector<128x128xf32>, vector<128x128xf32>, vector<128x128xf32>, vector<128x128xf32> -> vector<1024x128xf32>
    %get3A_295 = arith.constant 0 : index
    %get3A_296 = arith.constant 5 : index
    %get3A_297 = arith.constant 0 : index
    %get3A_298 = arith.constant 0 : index
    %get3A_299 = vector.load %arg1[%get3A_295, %get3A_296, %get3A_297, %get3A_298] : memref<8x8x128x128xf32, #tpu.memory_space<vmem>>, vector<1x1x128x128xf32>
    %get3A_300 = vector.shape_cast %get3A_299 : vector<1x1x128x128xf32> to vector<128x128xf32>
    %get3A_301 = arith.constant 1 : index
    %get3A_302 = arith.constant 5 : index
    %get3A_303 = arith.constant 0 : index
    %get3A_304 = arith.constant 0 : index
    %get3A_305 = vector.load %arg1[%get3A_301, %get3A_302, %get3A_303, %get3A_304] : memref<8x8x128x128xf32, #tpu.memory_space<vmem>>, vector<1x1x128x128xf32>
    %get3A_306 = vector.shape_cast %get3A_305 : vector<1x1x128x128xf32> to vector<128x128xf32>
    %get3A_307 = arith.constant 2 : index
    %get3A_308 = arith.constant 5 : index
    %get3A_309 = arith.constant 0 : index
    %get3A_310 = arith.constant 0 : index
    %get3A_311 = vector.load %arg1[%get3A_307, %get3A_308, %get3A_309, %get3A_310] : memref<8x8x128x128xf32, #tpu.memory_space<vmem>>, vector<1x1x128x128xf32>
    %get3A_312 = vector.shape_cast %get3A_311 : vector<1x1x128x128xf32> to vector<128x128xf32>
    %get3A_313 = arith.constant 3 : index
    %get3A_314 = arith.constant 5 : index
    %get3A_315 = arith.constant 0 : index
    %get3A_316 = arith.constant 0 : index
    %get3A_317 = vector.load %arg1[%get3A_313, %get3A_314, %get3A_315, %get3A_316] : memref<8x8x128x128xf32, #tpu.memory_space<vmem>>, vector<1x1x128x128xf32>
    %get3A_318 = vector.shape_cast %get3A_317 : vector<1x1x128x128xf32> to vector<128x128xf32>
    %get3A_319 = arith.constant 4 : index
    %get3A_320 = arith.constant 5 : index
    %get3A_321 = arith.constant 0 : index
    %get3A_322 = arith.constant 0 : index
    %get3A_323 = vector.load %arg1[%get3A_319, %get3A_320, %get3A_321, %get3A_322] : memref<8x8x128x128xf32, #tpu.memory_space<vmem>>, vector<1x1x128x128xf32>
    %get3A_324 = vector.shape_cast %get3A_323 : vector<1x1x128x128xf32> to vector<128x128xf32>
    %get3A_325 = arith.constant 5 : index
    %get3A_326 = arith.constant 5 : index
    %get3A_327 = arith.constant 0 : index
    %get3A_328 = arith.constant 0 : index
    %get3A_329 = vector.load %arg1[%get3A_325, %get3A_326, %get3A_327, %get3A_328] : memref<8x8x128x128xf32, #tpu.memory_space<vmem>>, vector<1x1x128x128xf32>
    %get3A_330 = vector.shape_cast %get3A_329 : vector<1x1x128x128xf32> to vector<128x128xf32>
    %get3A_331 = arith.constant 6 : index
    %get3A_332 = arith.constant 5 : index
    %get3A_333 = arith.constant 0 : index
    %get3A_334 = arith.constant 0 : index
    %get3A_335 = vector.load %arg1[%get3A_331, %get3A_332, %get3A_333, %get3A_334] : memref<8x8x128x128xf32, #tpu.memory_space<vmem>>, vector<1x1x128x128xf32>
    %get3A_336 = vector.shape_cast %get3A_335 : vector<1x1x128x128xf32> to vector<128x128xf32>
    %get3A_337 = arith.constant 7 : index
    %get3A_338 = arith.constant 5 : index
    %get3A_339 = arith.constant 0 : index
    %get3A_340 = arith.constant 0 : index
    %get3A_341 = vector.load %arg1[%get3A_337, %get3A_338, %get3A_339, %get3A_340] : memref<8x8x128x128xf32, #tpu.memory_space<vmem>>, vector<1x1x128x128xf32>
    %get3A_342 = vector.shape_cast %get3A_341 : vector<1x1x128x128xf32> to vector<128x128xf32>
    %concatenate3A_343 = tpu.concatenate %get3A_300, %get3A_306, %get3A_312, %get3A_318, %get3A_324, %get3A_330, %get3A_336, %get3A_342 in 0 : vector<128x128xf32>, vector<128x128xf32>, vector<128x128xf32>, vector<128x128xf32>, vector<128x128xf32>, vector<128x128xf32>, vector<128x128xf32>, vector<128x128xf32> -> vector<1024x128xf32>
    %get3A_344 = arith.constant 0 : index
    %get3A_345 = arith.constant 0 : index
    %get3A_346 = arith.constant 0 : index
    %get3A_347 = vector.load %arg3[%get3A_344, %get3A_345, %get3A_346] : memref<2x128x64xf32, #tpu.memory_space<vmem>>, vector<1x128x64xf32>
    %get3A_348 = vector.shape_cast %get3A_347 : vector<1x128x64xf32> to vector<128x64xf32>
    %dot_general3A_349 = arith.constant dense<0.000000e+00> : vector<1024x64xf32>
    %dot_general3A_350 = tpu.matmul %concatenate3A_294, %get3A_348, %dot_general3A_349 {dimension_numbers = #tpu.dot_dimension_numbers<[1], [0], [0], [1], [0, 0, 1, 1], [], []>, transpose_lhs_hint = false} : vector<1024x128xf32>, vector<128x64xf32>, vector<1024x64xf32> -> vector<1024x64xf32>
    %get3A_351 = arith.constant 1 : index
    %get3A_352 = arith.constant 0 : index
    %get3A_353 = arith.constant 0 : index
    %get3A_354 = vector.load %arg3[%get3A_351, %get3A_352, %get3A_353] : memref<2x128x64xf32, #tpu.memory_space<vmem>>, vector<1x128x64xf32>
    %get3A_355 = vector.shape_cast %get3A_354 : vector<1x128x64xf32> to vector<128x64xf32>
    %dot_general3A_356 = arith.constant dense<0.000000e+00> : vector<1024x64xf32>
    %dot_general3A_357 = tpu.matmul %concatenate3A_343, %get3A_355, %dot_general3A_356 {dimension_numbers = #tpu.dot_dimension_numbers<[1], [0], [0], [1], [0, 0, 1, 1], [], []>, transpose_lhs_hint = false} : vector<1024x128xf32>, vector<128x64xf32>, vector<1024x64xf32> -> vector<1024x64xf32>
    %add3A_358 = arith.addf %dot_general3A_350, %dot_general3A_357 : vector<1024x64xf32>
    %add3A_359 = arith.addf %add3A_358, %sub3A_19 : vector<1024x64xf32>
    %get3A_360 = arith.constant 0 : index
    %get3A_361 = arith.constant 6 : index
    %get3A_362 = arith.constant 0 : index
    %get3A_363 = arith.constant 0 : index
    %get3A_364 = vector.load %arg1[%get3A_360, %get3A_361, %get3A_362, %get3A_363] : memref<8x8x128x128xf32, #tpu.memory_space<vmem>>, vector<1x1x128x128xf32>
    %get3A_365 = vector.shape_cast %get3A_364 : vector<1x1x128x128xf32> to vector<128x128xf32>
    %get3A_366 = arith.constant 1 : index
    %get3A_367 = arith.constant 6 : index
    %get3A_368 = arith.constant 0 : index
    %get3A_369 = arith.constant 0 : index
    %get3A_370 = vector.load %arg1[%get3A_366, %get3A_367, %get3A_368, %get3A_369] : memref<8x8x128x128xf32, #tpu.memory_space<vmem>>, vector<1x1x128x128xf32>
    %get3A_371 = vector.shape_cast %get3A_370 : vector<1x1x128x128xf32> to vector<128x128xf32>
    %get3A_372 = arith.constant 2 : index
    %get3A_373 = arith.constant 6 : index
    %get3A_374 = arith.constant 0 : index
    %get3A_375 = arith.constant 0 : index
    %get3A_376 = vector.load %arg1[%get3A_372, %get3A_373, %get3A_374, %get3A_375] : memref<8x8x128x128xf32, #tpu.memory_space<vmem>>, vector<1x1x128x128xf32>
    %get3A_377 = vector.shape_cast %get3A_376 : vector<1x1x128x128xf32> to vector<128x128xf32>
    %get3A_378 = arith.constant 3 : index
    %get3A_379 = arith.constant 6 : index
    %get3A_380 = arith.constant 0 : index
    %get3A_381 = arith.constant 0 : index
    %get3A_382 = vector.load %arg1[%get3A_378, %get3A_379, %get3A_380, %get3A_381] : memref<8x8x128x128xf32, #tpu.memory_space<vmem>>, vector<1x1x128x128xf32>
    %get3A_383 = vector.shape_cast %get3A_382 : vector<1x1x128x128xf32> to vector<128x128xf32>
    %get3A_384 = arith.constant 4 : index
    %get3A_385 = arith.constant 6 : index
    %get3A_386 = arith.constant 0 : index
    %get3A_387 = arith.constant 0 : index
    %get3A_388 = vector.load %arg1[%get3A_384, %get3A_385, %get3A_386, %get3A_387] : memref<8x8x128x128xf32, #tpu.memory_space<vmem>>, vector<1x1x128x128xf32>
    %get3A_389 = vector.shape_cast %get3A_388 : vector<1x1x128x128xf32> to vector<128x128xf32>
    %get3A_390 = arith.constant 5 : index
    %get3A_391 = arith.constant 6 : index
    %get3A_392 = arith.constant 0 : index
    %get3A_393 = arith.constant 0 : index
    %get3A_394 = vector.load %arg1[%get3A_390, %get3A_391, %get3A_392, %get3A_393] : memref<8x8x128x128xf32, #tpu.memory_space<vmem>>, vector<1x1x128x128xf32>
    %get3A_395 = vector.shape_cast %get3A_394 : vector<1x1x128x128xf32> to vector<128x128xf32>
    %get3A_396 = arith.constant 6 : index
    %get3A_397 = arith.constant 6 : index
    %get3A_398 = arith.constant 0 : index
    %get3A_399 = arith.constant 0 : index
    %get3A_400 = vector.load %arg1[%get3A_396, %get3A_397, %get3A_398, %get3A_399] : memref<8x8x128x128xf32, #tpu.memory_space<vmem>>, vector<1x1x128x128xf32>
    %get3A_401 = vector.shape_cast %get3A_400 : vector<1x1x128x128xf32> to vector<128x128xf32>
    %get3A_402 = arith.constant 7 : index
    %get3A_403 = arith.constant 6 : index
    %get3A_404 = arith.constant 0 : index
    %get3A_405 = arith.constant 0 : index
    %get3A_406 = vector.load %arg1[%get3A_402, %get3A_403, %get3A_404, %get3A_405] : memref<8x8x128x128xf32, #tpu.memory_space<vmem>>, vector<1x1x128x128xf32>
    %get3A_407 = vector.shape_cast %get3A_406 : vector<1x1x128x128xf32> to vector<128x128xf32>
    %concatenate3A_408 = tpu.concatenate %get3A_365, %get3A_371, %get3A_377, %get3A_383, %get3A_389, %get3A_395, %get3A_401, %get3A_407 in 0 : vector<128x128xf32>, vector<128x128xf32>, vector<128x128xf32>, vector<128x128xf32>, vector<128x128xf32>, vector<128x128xf32>, vector<128x128xf32>, vector<128x128xf32> -> vector<1024x128xf32>
    %get3A_409 = arith.constant 0 : index
    %get3A_410 = arith.constant 7 : index
    %get3A_411 = arith.constant 0 : index
    %get3A_412 = arith.constant 0 : index
    %get3A_413 = vector.load %arg1[%get3A_409, %get3A_410, %get3A_411, %get3A_412] : memref<8x8x128x128xf32, #tpu.memory_space<vmem>>, vector<1x1x128x128xf32>
    %get3A_414 = vector.shape_cast %get3A_413 : vector<1x1x128x128xf32> to vector<128x128xf32>
    %get3A_415 = arith.constant 1 : index
    %get3A_416 = arith.constant 7 : index
    %get3A_417 = arith.constant 0 : index
    %get3A_418 = arith.constant 0 : index
    %get3A_419 = vector.load %arg1[%get3A_415, %get3A_416, %get3A_417, %get3A_418] : memref<8x8x128x128xf32, #tpu.memory_space<vmem>>, vector<1x1x128x128xf32>
    %get3A_420 = vector.shape_cast %get3A_419 : vector<1x1x128x128xf32> to vector<128x128xf32>
    %get3A_421 = arith.constant 2 : index
    %get3A_422 = arith.constant 7 : index
    %get3A_423 = arith.constant 0 : index
    %get3A_424 = arith.constant 0 : index
    %get3A_425 = vector.load %arg1[%get3A_421, %get3A_422, %get3A_423, %get3A_424] : memref<8x8x128x128xf32, #tpu.memory_space<vmem>>, vector<1x1x128x128xf32>
    %get3A_426 = vector.shape_cast %get3A_425 : vector<1x1x128x128xf32> to vector<128x128xf32>
    %get3A_427 = arith.constant 3 : index
    %get3A_428 = arith.constant 7 : index
    %get3A_429 = arith.constant 0 : index
    %get3A_430 = arith.constant 0 : index
    %get3A_431 = vector.load %arg1[%get3A_427, %get3A_428, %get3A_429, %get3A_430] : memref<8x8x128x128xf32, #tpu.memory_space<vmem>>, vector<1x1x128x128xf32>
    %get3A_432 = vector.shape_cast %get3A_431 : vector<1x1x128x128xf32> to vector<128x128xf32>
    %get3A_433 = arith.constant 4 : index
    %get3A_434 = arith.constant 7 : index
    %get3A_435 = arith.constant 0 : index
    %get3A_436 = arith.constant 0 : index
    %get3A_437 = vector.load %arg1[%get3A_433, %get3A_434, %get3A_435, %get3A_436] : memref<8x8x128x128xf32, #tpu.memory_space<vmem>>, vector<1x1x128x128xf32>
    %get3A_438 = vector.shape_cast %get3A_437 : vector<1x1x128x128xf32> to vector<128x128xf32>
    %get3A_439 = arith.constant 5 : index
    %get3A_440 = arith.constant 7 : index
    %get3A_441 = arith.constant 0 : index
    %get3A_442 = arith.constant 0 : index
    %get3A_443 = vector.load %arg1[%get3A_439, %get3A_440, %get3A_441, %get3A_442] : memref<8x8x128x128xf32, #tpu.memory_space<vmem>>, vector<1x1x128x128xf32>
    %get3A_444 = vector.shape_cast %get3A_443 : vector<1x1x128x128xf32> to vector<128x128xf32>
    %get3A_445 = arith.constant 6 : index
    %get3A_446 = arith.constant 7 : index
    %get3A_447 = arith.constant 0 : index
    %get3A_448 = arith.constant 0 : index
    %get3A_449 = vector.load %arg1[%get3A_445, %get3A_446, %get3A_447, %get3A_448] : memref<8x8x128x128xf32, #tpu.memory_space<vmem>>, vector<1x1x128x128xf32>
    %get3A_450 = vector.shape_cast %get3A_449 : vector<1x1x128x128xf32> to vector<128x128xf32>
    %get3A_451 = arith.constant 7 : index
    %get3A_452 = arith.constant 7 : index
    %get3A_453 = arith.constant 0 : index
    %get3A_454 = arith.constant 0 : index
    %get3A_455 = vector.load %arg1[%get3A_451, %get3A_452, %get3A_453, %get3A_454] : memref<8x8x128x128xf32, #tpu.memory_space<vmem>>, vector<1x1x128x128xf32>
    %get3A_456 = vector.shape_cast %get3A_455 : vector<1x1x128x128xf32> to vector<128x128xf32>
    %concatenate3A_457 = tpu.concatenate %get3A_414, %get3A_420, %get3A_426, %get3A_432, %get3A_438, %get3A_444, %get3A_450, %get3A_456 in 0 : vector<128x128xf32>, vector<128x128xf32>, vector<128x128xf32>, vector<128x128xf32>, vector<128x128xf32>, vector<128x128xf32>, vector<128x128xf32>, vector<128x128xf32> -> vector<1024x128xf32>
    %get3A_458 = arith.constant 0 : index
    %get3A_459 = arith.constant 0 : index
    %get3A_460 = arith.constant 0 : index
    %get3A_461 = vector.load %arg3[%get3A_458, %get3A_459, %get3A_460] : memref<2x128x64xf32, #tpu.memory_space<vmem>>, vector<1x128x64xf32>
    %get3A_462 = vector.shape_cast %get3A_461 : vector<1x128x64xf32> to vector<128x64xf32>
    %dot_general3A_463 = arith.constant dense<0.000000e+00> : vector<1024x64xf32>
    %dot_general3A_464 = tpu.matmul %concatenate3A_408, %get3A_462, %dot_general3A_463 {dimension_numbers = #tpu.dot_dimension_numbers<[1], [0], [0], [1], [0, 0, 1, 1], [], []>, transpose_lhs_hint = false} : vector<1024x128xf32>, vector<128x64xf32>, vector<1024x64xf32> -> vector<1024x64xf32>
    %get3A_465 = arith.constant 1 : index
    %get3A_466 = arith.constant 0 : index
    %get3A_467 = arith.constant 0 : index
    %get3A_468 = vector.load %arg3[%get3A_465, %get3A_466, %get3A_467] : memref<2x128x64xf32, #tpu.memory_space<vmem>>, vector<1x128x64xf32>
    %get3A_469 = vector.shape_cast %get3A_468 : vector<1x128x64xf32> to vector<128x64xf32>
    %dot_general3A_470 = arith.constant dense<0.000000e+00> : vector<1024x64xf32>
    %dot_general3A_471 = tpu.matmul %concatenate3A_457, %get3A_469, %dot_general3A_470 {dimension_numbers = #tpu.dot_dimension_numbers<[1], [0], [0], [1], [0, 0, 1, 1], [], []>, transpose_lhs_hint = false} : vector<1024x128xf32>, vector<128x64xf32>, vector<1024x64xf32> -> vector<1024x64xf32>
    %add3A_472 = arith.addf %dot_general3A_464, %dot_general3A_471 : vector<1024x64xf32>
    %add3A_473 = arith.addf %add3A_472, %sub3A_19 : vector<1024x64xf32>
    %get3A_474 = arith.constant 0 : index
    %get3A_475 = arith.constant 0 : index
    %get3A_476 = arith.constant 0 : index
    %get3A_477 = vector.load %arg4[%get3A_474, %get3A_475, %get3A_476] : memref<2x64x64xf32, #tpu.memory_space<vmem>>, vector<1x64x64xf32>
    %get3A_478 = vector.shape_cast %get3A_477 : vector<1x64x64xf32> to vector<64x64xf32>
    %dot_general3A_479 = arith.constant dense<0.000000e+00> : vector<1024x64xf32>
    %dot_general3A_480 = tpu.matmul %add3A_131, %get3A_478, %dot_general3A_479 {dimension_numbers = #tpu.dot_dimension_numbers<[1], [0], [0], [1], [0, 0, 1, 1], [], []>, transpose_lhs_hint = false} : vector<1024x64xf32>, vector<64x64xf32>, vector<1024x64xf32> -> vector<1024x64xf32>
    %get3A_481 = arith.constant 1 : index
    %get3A_482 = arith.constant 0 : index
    %get3A_483 = arith.constant 0 : index
    %get3A_484 = vector.load %arg4[%get3A_481, %get3A_482, %get3A_483] : memref<2x64x64xf32, #tpu.memory_space<vmem>>, vector<1x64x64xf32>
    %get3A_485 = vector.shape_cast %get3A_484 : vector<1x64x64xf32> to vector<64x64xf32>
    %dot_general3A_486 = arith.constant dense<0.000000e+00> : vector<1024x64xf32>
    %dot_general3A_487 = tpu.matmul %add3A_245, %get3A_485, %dot_general3A_486 {dimension_numbers = #tpu.dot_dimension_numbers<[1], [0], [0], [1], [0, 0, 1, 1], [], []>, transpose_lhs_hint = false} : vector<1024x64xf32>, vector<64x64xf32>, vector<1024x64xf32> -> vector<1024x64xf32>
    %add3A_488 = arith.addf %dot_general3A_480, %dot_general3A_487 : vector<1024x64xf32>
    %get3A_489 = arith.constant 0 : index
    %get3A_490 = arith.constant 0 : index
    %get3A_491 = vector.load %arg7[%get3A_489, %get3A_490] : memref<1x64xf32, #tpu.memory_space<vmem>>, vector<1x64xf32>
    %add3A_492 = vector.broadcast %get3A_491 : vector<1x64xf32> to vector<1024x64xf32>
    %add3A_493 = arith.addf %add3A_488, %add3A_492 : vector<1024x64xf32>
    %get3A_494 = arith.constant 0 : index
    %get3A_495 = arith.constant 0 : index
    %get3A_496 = arith.constant 0 : index
    %get3A_497 = vector.load %arg4[%get3A_494, %get3A_495, %get3A_496] : memref<2x64x64xf32, #tpu.memory_space<vmem>>, vector<1x64x64xf32>
    %get3A_498 = vector.shape_cast %get3A_497 : vector<1x64x64xf32> to vector<64x64xf32>
    %dot_general3A_499 = arith.constant dense<0.000000e+00> : vector<1024x64xf32>
    %dot_general3A_500 = tpu.matmul %add3A_359, %get3A_498, %dot_general3A_499 {dimension_numbers = #tpu.dot_dimension_numbers<[1], [0], [0], [1], [0, 0, 1, 1], [], []>, transpose_lhs_hint = false} : vector<1024x64xf32>, vector<64x64xf32>, vector<1024x64xf32> -> vector<1024x64xf32>
    %get3A_501 = arith.constant 1 : index
    %get3A_502 = arith.constant 0 : index
    %get3A_503 = arith.constant 0 : index
    %get3A_504 = vector.load %arg4[%get3A_501, %get3A_502, %get3A_503] : memref<2x64x64xf32, #tpu.memory_space<vmem>>, vector<1x64x64xf32>
    %get3A_505 = vector.shape_cast %get3A_504 : vector<1x64x64xf32> to vector<64x64xf32>
    %dot_general3A_506 = arith.constant dense<0.000000e+00> : vector<1024x64xf32>
    %dot_general3A_507 = tpu.matmul %add3A_473, %get3A_505, %dot_general3A_506 {dimension_numbers = #tpu.dot_dimension_numbers<[1], [0], [0], [1], [0, 0, 1, 1], [], []>, transpose_lhs_hint = false} : vector<1024x64xf32>, vector<64x64xf32>, vector<1024x64xf32> -> vector<1024x64xf32>
    %add3A_508 = arith.addf %dot_general3A_500, %dot_general3A_507 : vector<1024x64xf32>
    %get3A_509 = arith.constant 0 : index
    %get3A_510 = arith.constant 0 : index
    %get3A_511 = vector.load %arg7[%get3A_509, %get3A_510] : memref<1x64xf32, #tpu.memory_space<vmem>>, vector<1x64xf32>
    %add3A_512 = vector.broadcast %get3A_511 : vector<1x64xf32> to vector<1024x64xf32>
    %add3A_513 = arith.addf %add3A_508, %add3A_512 : vector<1024x64xf32>
    %get3A_514 = arith.constant 0 : index
    %get3A_515 = arith.constant 0 : index
    %get3A_516 = arith.constant 0 : index
    %get3A_517 = vector.load %arg5[%get3A_514, %get3A_515, %get3A_516] : memref<2x64x64xf32, #tpu.memory_space<vmem>>, vector<1x64x64xf32>
    %get3A_518 = vector.shape_cast %get3A_517 : vector<1x64x64xf32> to vector<64x64xf32>
    %dot_general3A_519 = arith.constant dense<0.000000e+00> : vector<1024x64xf32>
    %dot_general3A_520 = tpu.matmul %add3A_493, %get3A_518, %dot_general3A_519 {dimension_numbers = #tpu.dot_dimension_numbers<[1], [0], [0], [1], [0, 0, 1, 1], [], []>, transpose_lhs_hint = false} : vector<1024x64xf32>, vector<64x64xf32>, vector<1024x64xf32> -> vector<1024x64xf32>
    %get3A_521 = arith.constant 1 : index
    %get3A_522 = arith.constant 0 : index
    %get3A_523 = arith.constant 0 : index
    %get3A_524 = vector.load %arg5[%get3A_521, %get3A_522, %get3A_523] : memref<2x64x64xf32, #tpu.memory_space<vmem>>, vector<1x64x64xf32>
    %get3A_525 = vector.shape_cast %get3A_524 : vector<1x64x64xf32> to vector<64x64xf32>
    %dot_general3A_526 = arith.constant dense<0.000000e+00> : vector<1024x64xf32>
    %dot_general3A_527 = tpu.matmul %add3A_513, %get3A_525, %dot_general3A_526 {dimension_numbers = #tpu.dot_dimension_numbers<[1], [0], [0], [1], [0, 0, 1, 1], [], []>, transpose_lhs_hint = false} : vector<1024x64xf32>, vector<64x64xf32>, vector<1024x64xf32> -> vector<1024x64xf32>
    %add3A_528 = arith.addf %dot_general3A_520, %dot_general3A_527 : vector<1024x64xf32>
    %get3A_529 = arith.constant 0 : index
    %get3A_530 = arith.constant 0 : index
    %get3A_531 = vector.load %arg8[%get3A_529, %get3A_530] : memref<1x64xf32, #tpu.memory_space<vmem>>, vector<1x64xf32>
    %add3A_532 = vector.broadcast %get3A_531 : vector<1x64xf32> to vector<1024x64xf32>
    %add3A_533 = arith.addf %add3A_528, %add3A_532 : vector<1024x64xf32>
    %get3A_534 = arith.constant 0 : index
    %get3A_535 = arith.constant 0 : index
    %get3A_536 = vector.load %arg9[%get3A_534, %get3A_535] : memref<1024x64xf32, #tpu.memory_space<vmem>>, vector<1024x64xf32>
    %concatenate3A_537 = tpu.concatenate %add3A_533, %get3A_536 in 1 : vector<1024x64xf32>, vector<1024x64xf32> -> vector<1024x128xf32>
    %max3A = arith.constant 0.000000e+00 : f32
    %max3A_538 = vector.broadcast %max3A : f32 to vector<1024x128xf32>
    %max3A_539 = arith.maximumf %concatenate3A_537, %max3A_538 : vector<1024x128xf32>
    %swap3A = arith.constant 0 : index
    %swap3A_540 = arith.constant 0 : index
    %swap3A_541 = vector.load %arg10[%swap3A, %swap3A_540] : memref<1024x128xf32, #tpu.memory_space<vmem>>, vector<1024x128xf32>
    tpu.vector_store %arg10[%swap3A, %swap3A_540], %max3A_539 {strides = array<i32>} : memref<1024x128xf32, #tpu.memory_space<vmem>>, vector<1024x128xf32>,
    return
  }
  func.func @transform_0(%arg0: i32) -> (i32, i32, i32, i32) {
    %c0_i32 = arith.constant 0 : i32
    %c0_i32_0 = arith.constant 0 : i32
    %c0_i32_1 = arith.constant 0 : i32
    %c0_i32_2 = arith.constant 0 : i32
    return %arg0, %c0_i32, %c0_i32_0, %c0_i32_1 : i32, i32, i32, i32
  }
  func.func @transform_1(%arg0: i32) -> (i32, i32) {
    %c0_i32 = arith.constant 0 : i32
    %c0_i32_0 = arith.constant 0 : i32
    return %arg0, %c0_i32 : i32, i32
  }
  func.func @transform_2(%arg0: i32) -> (i32, i32, i32) {
    %c0_i32 = arith.constant 0 : i32
    %c0_i32_0 = arith.constant 0 : i32
    %c0_i32_1 = arith.constant 0 : i32
    %c0_i32_2 = arith.constant 0 : i32
    return %c0_i32, %c0_i32_0, %c0_i32_1 : i32, i32, i32
  }
  func.func @transform_3(%arg0: i32) -> (i32, i32, i32) {
    %c0_i32 = arith.constant 0 : i32
    %c0_i32_0 = arith.constant 0 : i32
    %c0_i32_1 = arith.constant 0 : i32
    %c0_i32_2 = arith.constant 0 : i32
    return %c0_i32, %c0_i32_0, %c0_i32_1 : i32, i32, i32
  }
  func.func @transform_4(%arg0: i32) -> (i32, i32, i32) {
    %c0_i32 = arith.constant 0 : i32
    %c0_i32_0 = arith.constant 0 : i32
    %c0_i32_1 = arith.constant 0 : i32
    %c0_i32_2 = arith.constant 0 : i32
    return %c0_i32, %c0_i32_0, %c0_i32_1 : i32, i32, i32
  }
  func.func @transform_5(%arg0: i32) -> (i32, i32) {
    %c0_i32 = arith.constant 0 : i32
    %c0_i32_0 = arith.constant 0 : i32
    %c0_i32_1 = arith.constant 0 : i32
    return %c0_i32, %c0_i32_0 : i32, i32
  }
  func.func @transform_6(%arg0: i32) -> (i32, i32) {
    %c0_i32 = arith.constant 0 : i32
    %c0_i32_0 = arith.constant 0 : i32
    %c0_i32_1 = arith.constant 0 : i32
    return %c0_i32, %c0_i32_0 : i32, i32
  }
  func.func @transform_7(%arg0: i32) -> (i32, i32) {
    %c0_i32 = arith.constant 0 : i32
    %c0_i32_0 = arith.constant 0 : i32
    %c0_i32_1 = arith.constant 0 : i32
    return %c0_i32, %c0_i32_0 : i32, i32
  }
  func.func @transform_8(%arg0: i32) -> (i32, i32) {
    %add3A = arith.constant 0 : i32
    %add3A_0 = arith.addi %add3A, %arg0 : i32
    %c0_i32 = arith.constant 0 : i32
    %c0_i32_1 = arith.constant 0 : i32
    return %add3A_0, %c0_i32 : i32, i32
  }
  func.func @transform_9(%arg0: i32) -> (i32, i32) {
    %c0_i32 = arith.constant 0 : i32
    %c0_i32_0 = arith.constant 0 : i32
    return %arg0, %c0_i32 : i32, i32
  }
}

module attributes {stable_mosaic.version = 14 : i64} {
  func.func @_chain1_body(%arg0: i32, %arg1: memref<8x8x128x128xf32, #tpu.memory_space<vmem>>, %arg2: memref<1024x16xf32, #tpu.memory_space<vmem>>, %arg3: memref<2x128x64xf32, #tpu.memory_space<vmem>>, %arg4: memref<2x64x64xf32, #tpu.memory_space<vmem>>, %arg5: memref<2x64x64xf32, #tpu.memory_space<vmem>>, %arg6: memref<1x64xf32, #tpu.memory_space<vmem>>, %arg7: memref<1x64xf32, #tpu.memory_space<vmem>>, %arg8: memref<1x64xf32, #tpu.memory_space<vmem>>, %arg9: memref<1024x128xf32, #tpu.memory_space<vmem>>) attributes {dimension_semantics = [#tpu.dimension_semantics<arbitrary>], iteration_bounds = array<i64: 2>, scalar_prefetch = 0 : i64, scratch_operands = 0 : i64, tpu.core_type = #tpu.core_type<tc>, window_params = [{transform_indices = @transform_0, window_bounds = array<i64: 8, 8, 128, 128>}, {transform_indices = @transform_1, window_bounds = array<i64: 1024, 16>}, {pipeline_mode = #tpu.pipeline_mode<synchronous>, transform_indices = @transform_2, window_bounds = array<i64: 2, 128, 64>}, {pipeline_mode = #tpu.pipeline_mode<synchronous>, transform_indices = @transform_3, window_bounds = array<i64: 2, 64, 64>}, {pipeline_mode = #tpu.pipeline_mode<synchronous>, transform_indices = @transform_4, window_bounds = array<i64: 2, 64, 64>}, {pipeline_mode = #tpu.pipeline_mode<synchronous>, transform_indices = @transform_5, window_bounds = array<i64: 1, 64>}, {pipeline_mode = #tpu.pipeline_mode<synchronous>, transform_indices = @transform_6, window_bounds = array<i64: 1, 64>}, {pipeline_mode = #tpu.pipeline_mode<synchronous>, transform_indices = @transform_7, window_bounds = array<i64: 1, 64>}, {transform_indices = @transform_8, window_bounds = array<i64: 1024, 128>}]} {
    %get3A = arith.constant 0 : index
    %get3A_0 = arith.constant 0 : index
    %get3A_1 = vector.load %arg2[%get3A, %get3A_0] : memref<1024x16xf32, #tpu.memory_space<vmem>>, vector<1024x16xf32>
    %get3A_2 = arith.constant 0 : index
    %get3A_3 = arith.constant 0 : index
    %get3A_4 = vector.load %arg6[%get3A_2, %get3A_3] : memref<1x64xf32, #tpu.memory_space<vmem>>, vector<1x64xf32>
    %get3A_5 = arith.constant 0 : index
    %get3A_6 = arith.constant 0 : index
    %get3A_7 = arith.constant 0 : index
    %get3A_8 = vector.load %arg3[%get3A_5, %get3A_6, %get3A_7] : memref<2x128x64xf32, #tpu.memory_space<vmem>>, vector<1x16x64xf32>
    %get3A_9 = vector.shape_cast %get3A_8 : vector<1x16x64xf32> to vector<16x64xf32>
    %dot_general3A = arith.constant dense<0.000000e+00> : vector<1024x64xf32>
    %dot_general3A_10 = tpu.matmul %get3A_1, %get3A_9, %dot_general3A {dimension_numbers = #tpu.dot_dimension_numbers<[1], [0], [0], [1], [0, 0, 1, 1], [], []>, transpose_lhs_hint = false} : vector<1024x16xf32>, vector<16x64xf32>, vector<1024x64xf32> -> vector<1024x64xf32>
    %sub3A = vector.broadcast %get3A_4 : vector<1x64xf32> to vector<1024x64xf32>
    %sub3A_11 = arith.subf %sub3A, %dot_general3A_10 : vector<1024x64xf32>
    %get3A_12 = arith.constant 1 : index
    %get3A_13 = arith.constant 0 : index
    %get3A_14 = arith.constant 0 : index
    %get3A_15 = vector.load %arg3[%get3A_12, %get3A_13, %get3A_14] : memref<2x128x64xf32, #tpu.memory_space<vmem>>, vector<1x16x64xf32>
    %get3A_16 = vector.shape_cast %get3A_15 : vector<1x16x64xf32> to vector<16x64xf32>
    %dot_general3A_17 = arith.constant dense<0.000000e+00> : vector<1024x64xf32>
    %dot_general3A_18 = tpu.matmul %get3A_1, %get3A_16, %dot_general3A_17 {dimension_numbers = #tpu.dot_dimension_numbers<[1], [0], [0], [1], [0, 0, 1, 1], [], []>, transpose_lhs_hint = false} : vector<1024x16xf32>, vector<16x64xf32>, vector<1024x64xf32> -> vector<1024x64xf32>
    %sub3A_19 = arith.subf %sub3A_11, %dot_general3A_18 : vector<1024x64xf32>
    %get3A_20 = arith.constant 0 : index
    %get3A_21 = arith.constant 0 : index
    %get3A_22 = arith.constant 0 : index
    %get3A_23 = arith.constant 0 : index
    %get3A_24 = vector.load %arg1[%get3A_20, %get3A_21, %get3A_22, %get3A_23] : memref<8x8x128x128xf32, #tpu.memory_space<vmem>>, vector<1x1x128x128xf32>
    %get3A_25 = vector.shape_cast %get3A_24 : vector<1x1x128x128xf32> to vector<128x128xf32>
    %get3A_26 = arith.constant 1 : index
    %get3A_27 = arith.constant 0 : index
    %get3A_28 = arith.constant 0 : index
    %get3A_29 = arith.constant 0 : index
    %get3A_30 = vector.load %arg1[%get3A_26, %get3A_27, %get3A_28, %get3A_29] : memref<8x8x128x128xf32, #tpu.memory_space<vmem>>, vector<1x1x128x128xf32>
    %get3A_31 = vector.shape_cast %get3A_30 : vector<1x1x128x128xf32> to vector<128x128xf32>
    %get3A_32 = arith.constant 2 : index
    %get3A_33 = arith.constant 0 : index
    %get3A_34 = arith.constant 0 : index
    %get3A_35 = arith.constant 0 : index
    %get3A_36 = vector.load %arg1[%get3A_32, %get3A_33, %get3A_34, %get3A_35] : memref<8x8x128x128xf32, #tpu.memory_space<vmem>>, vector<1x1x128x128xf32>
    %get3A_37 = vector.shape_cast %get3A_36 : vector<1x1x128x128xf32> to vector<128x128xf32>
    %get3A_38 = arith.constant 3 : index
    %get3A_39 = arith.constant 0 : index
    %get3A_40 = arith.constant 0 : index
    %get3A_41 = arith.constant 0 : index
    %get3A_42 = vector.load %arg1[%get3A_38, %get3A_39, %get3A_40, %get3A_41] : memref<8x8x128x128xf32, #tpu.memory_space<vmem>>, vector<1x1x128x128xf32>
    %get3A_43 = vector.shape_cast %get3A_42 : vector<1x1x128x128xf32> to vector<128x128xf32>
    %get3A_44 = arith.constant 4 : index
    %get3A_45 = arith.constant 0 : index
    %get3A_46 = arith.constant 0 : index
    %get3A_47 = arith.constant 0 : index
    %get3A_48 = vector.load %arg1[%get3A_44, %get3A_45, %get3A_46, %get3A_47] : memref<8x8x128x128xf32, #tpu.memory_space<vmem>>, vector<1x1x128x128xf32>
    %get3A_49 = vector.shape_cast %get3A_48 : vector<1x1x128x128xf32> to vector<128x128xf32>
    %get3A_50 = arith.constant 5 : index
    %get3A_51 = arith.constant 0 : index
    %get3A_52 = arith.constant 0 : index
    %get3A_53 = arith.constant 0 : index
    %get3A_54 = vector.load %arg1[%get3A_50, %get3A_51, %get3A_52, %get3A_53] : memref<8x8x128x128xf32, #tpu.memory_space<vmem>>, vector<1x1x128x128xf32>
    %get3A_55 = vector.shape_cast %get3A_54 : vector<1x1x128x128xf32> to vector<128x128xf32>
    %get3A_56 = arith.constant 6 : index
    %get3A_57 = arith.constant 0 : index
    %get3A_58 = arith.constant 0 : index
    %get3A_59 = arith.constant 0 : index
    %get3A_60 = vector.load %arg1[%get3A_56, %get3A_57, %get3A_58, %get3A_59] : memref<8x8x128x128xf32, #tpu.memory_space<vmem>>, vector<1x1x128x128xf32>
    %get3A_61 = vector.shape_cast %get3A_60 : vector<1x1x128x128xf32> to vector<128x128xf32>
    %get3A_62 = arith.constant 7 : index
    %get3A_63 = arith.constant 0 : index
    %get3A_64 = arith.constant 0 : index
    %get3A_65 = arith.constant 0 : index
    %get3A_66 = vector.load %arg1[%get3A_62, %get3A_63, %get3A_64, %get3A_65] : memref<8x8x128x128xf32, #tpu.memory_space<vmem>>, vector<1x1x128x128xf32>
    %get3A_67 = vector.shape_cast %get3A_66 : vector<1x1x128x128xf32> to vector<128x128xf32>
    %concatenate3A = tpu.concatenate %get3A_25, %get3A_31, %get3A_37, %get3A_43, %get3A_49, %get3A_55, %get3A_61, %get3A_67 in 0 : vector<128x128xf32>, vector<128x128xf32>, vector<128x128xf32>, vector<128x128xf32>, vector<128x128xf32>, vector<128x128xf32>, vector<128x128xf32>, vector<128x128xf32> -> vector<1024x128xf32>
    %get3A_68 = arith.constant 0 : index
    %get3A_69 = arith.constant 1 : index
    %get3A_70 = arith.constant 0 : index
    %get3A_71 = arith.constant 0 : index
    %get3A_72 = vector.load %arg1[%get3A_68, %get3A_69, %get3A_70, %get3A_71] : memref<8x8x128x128xf32, #tpu.memory_space<vmem>>, vector<1x1x128x128xf32>
    %get3A_73 = vector.shape_cast %get3A_72 : vector<1x1x128x128xf32> to vector<128x128xf32>
    %get3A_74 = arith.constant 1 : index
    %get3A_75 = arith.constant 1 : index
    %get3A_76 = arith.constant 0 : index
    %get3A_77 = arith.constant 0 : index
    %get3A_78 = vector.load %arg1[%get3A_74, %get3A_75, %get3A_76, %get3A_77] : memref<8x8x128x128xf32, #tpu.memory_space<vmem>>, vector<1x1x128x128xf32>
    %get3A_79 = vector.shape_cast %get3A_78 : vector<1x1x128x128xf32> to vector<128x128xf32>
    %get3A_80 = arith.constant 2 : index
    %get3A_81 = arith.constant 1 : index
    %get3A_82 = arith.constant 0 : index
    %get3A_83 = arith.constant 0 : index
    %get3A_84 = vector.load %arg1[%get3A_80, %get3A_81, %get3A_82, %get3A_83] : memref<8x8x128x128xf32, #tpu.memory_space<vmem>>, vector<1x1x128x128xf32>
    %get3A_85 = vector.shape_cast %get3A_84 : vector<1x1x128x128xf32> to vector<128x128xf32>
    %get3A_86 = arith.constant 3 : index
    %get3A_87 = arith.constant 1 : index
    %get3A_88 = arith.constant 0 : index
    %get3A_89 = arith.constant 0 : index
    %get3A_90 = vector.load %arg1[%get3A_86, %get3A_87, %get3A_88, %get3A_89] : memref<8x8x128x128xf32, #tpu.memory_space<vmem>>, vector<1x1x128x128xf32>
    %get3A_91 = vector.shape_cast %get3A_90 : vector<1x1x128x128xf32> to vector<128x128xf32>
    %get3A_92 = arith.constant 4 : index
    %get3A_93 = arith.constant 1 : index
    %get3A_94 = arith.constant 0 : index
    %get3A_95 = arith.constant 0 : index
    %get3A_96 = vector.load %arg1[%get3A_92, %get3A_93, %get3A_94, %get3A_95] : memref<8x8x128x128xf32, #tpu.memory_space<vmem>>, vector<1x1x128x128xf32>
    %get3A_97 = vector.shape_cast %get3A_96 : vector<1x1x128x128xf32> to vector<128x128xf32>
    %get3A_98 = arith.constant 5 : index
    %get3A_99 = arith.constant 1 : index
    %get3A_100 = arith.constant 0 : index
    %get3A_101 = arith.constant 0 : index
    %get3A_102 = vector.load %arg1[%get3A_98, %get3A_99, %get3A_100, %get3A_101] : memref<8x8x128x128xf32, #tpu.memory_space<vmem>>, vector<1x1x128x128xf32>
    %get3A_103 = vector.shape_cast %get3A_102 : vector<1x1x128x128xf32> to vector<128x128xf32>
    %get3A_104 = arith.constant 6 : index
    %get3A_105 = arith.constant 1 : index
    %get3A_106 = arith.constant 0 : index
    %get3A_107 = arith.constant 0 : index
    %get3A_108 = vector.load %arg1[%get3A_104, %get3A_105, %get3A_106, %get3A_107] : memref<8x8x128x128xf32, #tpu.memory_space<vmem>>, vector<1x1x128x128xf32>
    %get3A_109 = vector.shape_cast %get3A_108 : vector<1x1x128x128xf32> to vector<128x128xf32>
    %get3A_110 = arith.constant 7 : index
    %get3A_111 = arith.constant 1 : index
    %get3A_112 = arith.constant 0 : index
    %get3A_113 = arith.constant 0 : index
    %get3A_114 = vector.load %arg1[%get3A_110, %get3A_111, %get3A_112, %get3A_113] : memref<8x8x128x128xf32, #tpu.memory_space<vmem>>, vector<1x1x128x128xf32>
    %get3A_115 = vector.shape_cast %get3A_114 : vector<1x1x128x128xf32> to vector<128x128xf32>
    %concatenate3A_116 = tpu.concatenate %get3A_73, %get3A_79, %get3A_85, %get3A_91, %get3A_97, %get3A_103, %get3A_109, %get3A_115 in 0 : vector<128x128xf32>, vector<128x128xf32>, vector<128x128xf32>, vector<128x128xf32>, vector<128x128xf32>, vector<128x128xf32>, vector<128x128xf32>, vector<128x128xf32> -> vector<1024x128xf32>
    %get3A_117 = arith.constant 0 : index
    %get3A_118 = arith.constant 0 : index
    %get3A_119 = arith.constant 0 : index
    %get3A_120 = vector.load %arg3[%get3A_117, %get3A_118, %get3A_119] : memref<2x128x64xf32, #tpu.memory_space<vmem>>, vector<1x128x64xf32>
    %get3A_121 = vector.shape_cast %get3A_120 : vector<1x128x64xf32> to vector<128x64xf32>
    %dot_general3A_122 = arith.constant dense<0.000000e+00> : vector<1024x64xf32>
    %dot_general3A_123 = tpu.matmul %concatenate3A, %get3A_121, %dot_general3A_122 {dimension_numbers = #tpu.dot_dimension_numbers<[1], [0], [0], [1], [0, 0, 1, 1], [], []>, transpose_lhs_hint = false} : vector<1024x128xf32>, vector<128x64xf32>, vector<1024x64xf32> -> vector<1024x64xf32>
    %get3A_124 = arith.constant 1 : index
    %get3A_125 = arith.constant 0 : index
    %get3A_126 = arith.constant 0 : index
    %get3A_127 = vector.load %arg3[%get3A_124, %get3A_125, %get3A_126] : memref<2x128x64xf32, #tpu.memory_space<vmem>>, vector<1x128x64xf32>
    %get3A_128 = vector.shape_cast %get3A_127 : vector<1x128x64xf32> to vector<128x64xf32>
    %dot_general3A_129 = arith.constant dense<0.000000e+00> : vector<1024x64xf32>
    %dot_general3A_130 = tpu.matmul %concatenate3A_116, %get3A_128, %dot_general3A_129 {dimension_numbers = #tpu.dot_dimension_numbers<[1], [0], [0], [1], [0, 0, 1, 1], [], []>, transpose_lhs_hint = false} : vector<1024x128xf32>, vector<128x64xf32>, vector<1024x64xf32> -> vector<1024x64xf32>
    %add3A = arith.addf %dot_general3A_123, %dot_general3A_130 : vector<1024x64xf32>
    %add3A_131 = arith.addf %add3A, %sub3A_19 : vector<1024x64xf32>
    %get3A_132 = arith.constant 0 : index
    %get3A_133 = arith.constant 2 : index
    %get3A_134 = arith.constant 0 : index
    %get3A_135 = arith.constant 0 : index
    %get3A_136 = vector.load %arg1[%get3A_132, %get3A_133, %get3A_134, %get3A_135] : memref<8x8x128x128xf32, #tpu.memory_space<vmem>>, vector<1x1x128x128xf32>
    %get3A_137 = vector.shape_cast %get3A_136 : vector<1x1x128x128xf32> to vector<128x128xf32>
    %get3A_138 = arith.constant 1 : index
    %get3A_139 = arith.constant 2 : index
    %get3A_140 = arith.constant 0 : index
    %get3A_141 = arith.constant 0 : index
    %get3A_142 = vector.load %arg1[%get3A_138, %get3A_139, %get3A_140, %get3A_141] : memref<8x8x128x128xf32, #tpu.memory_space<vmem>>, vector<1x1x128x128xf32>
    %get3A_143 = vector.shape_cast %get3A_142 : vector<1x1x128x128xf32> to vector<128x128xf32>
    %get3A_144 = arith.constant 2 : index
    %get3A_145 = arith.constant 2 : index
    %get3A_146 = arith.constant 0 : index
    %get3A_147 = arith.constant 0 : index
    %get3A_148 = vector.load %arg1[%get3A_144, %get3A_145, %get3A_146, %get3A_147] : memref<8x8x128x128xf32, #tpu.memory_space<vmem>>, vector<1x1x128x128xf32>
    %get3A_149 = vector.shape_cast %get3A_148 : vector<1x1x128x128xf32> to vector<128x128xf32>
    %get3A_150 = arith.constant 3 : index
    %get3A_151 = arith.constant 2 : index
    %get3A_152 = arith.constant 0 : index
    %get3A_153 = arith.constant 0 : index
    %get3A_154 = vector.load %arg1[%get3A_150, %get3A_151, %get3A_152, %get3A_153] : memref<8x8x128x128xf32, #tpu.memory_space<vmem>>, vector<1x1x128x128xf32>
    %get3A_155 = vector.shape_cast %get3A_154 : vector<1x1x128x128xf32> to vector<128x128xf32>
    %get3A_156 = arith.constant 4 : index
    %get3A_157 = arith.constant 2 : index
    %get3A_158 = arith.constant 0 : index
    %get3A_159 = arith.constant 0 : index
    %get3A_160 = vector.load %arg1[%get3A_156, %get3A_157, %get3A_158, %get3A_159] : memref<8x8x128x128xf32, #tpu.memory_space<vmem>>, vector<1x1x128x128xf32>
    %get3A_161 = vector.shape_cast %get3A_160 : vector<1x1x128x128xf32> to vector<128x128xf32>
    %get3A_162 = arith.constant 5 : index
    %get3A_163 = arith.constant 2 : index
    %get3A_164 = arith.constant 0 : index
    %get3A_165 = arith.constant 0 : index
    %get3A_166 = vector.load %arg1[%get3A_162, %get3A_163, %get3A_164, %get3A_165] : memref<8x8x128x128xf32, #tpu.memory_space<vmem>>, vector<1x1x128x128xf32>
    %get3A_167 = vector.shape_cast %get3A_166 : vector<1x1x128x128xf32> to vector<128x128xf32>
    %get3A_168 = arith.constant 6 : index
    %get3A_169 = arith.constant 2 : index
    %get3A_170 = arith.constant 0 : index
    %get3A_171 = arith.constant 0 : index
    %get3A_172 = vector.load %arg1[%get3A_168, %get3A_169, %get3A_170, %get3A_171] : memref<8x8x128x128xf32, #tpu.memory_space<vmem>>, vector<1x1x128x128xf32>
    %get3A_173 = vector.shape_cast %get3A_172 : vector<1x1x128x128xf32> to vector<128x128xf32>
    %get3A_174 = arith.constant 7 : index
    %get3A_175 = arith.constant 2 : index
    %get3A_176 = arith.constant 0 : index
    %get3A_177 = arith.constant 0 : index
    %get3A_178 = vector.load %arg1[%get3A_174, %get3A_175, %get3A_176, %get3A_177] : memref<8x8x128x128xf32, #tpu.memory_space<vmem>>, vector<1x1x128x128xf32>
    %get3A_179 = vector.shape_cast %get3A_178 : vector<1x1x128x128xf32> to vector<128x128xf32>
    %concatenate3A_180 = tpu.concatenate %get3A_137, %get3A_143, %get3A_149, %get3A_155, %get3A_161, %get3A_167, %get3A_173, %get3A_179 in 0 : vector<128x128xf32>, vector<128x128xf32>, vector<128x128xf32>, vector<128x128xf32>, vector<128x128xf32>, vector<128x128xf32>, vector<128x128xf32>, vector<128x128xf32> -> vector<1024x128xf32>
    %get3A_181 = arith.constant 0 : index
    %get3A_182 = arith.constant 3 : index
    %get3A_183 = arith.constant 0 : index
    %get3A_184 = arith.constant 0 : index
    %get3A_185 = vector.load %arg1[%get3A_181, %get3A_182, %get3A_183, %get3A_184] : memref<8x8x128x128xf32, #tpu.memory_space<vmem>>, vector<1x1x128x128xf32>
    %get3A_186 = vector.shape_cast %get3A_185 : vector<1x1x128x128xf32> to vector<128x128xf32>
    %get3A_187 = arith.constant 1 : index
    %get3A_188 = arith.constant 3 : index
    %get3A_189 = arith.constant 0 : index
    %get3A_190 = arith.constant 0 : index
    %get3A_191 = vector.load %arg1[%get3A_187, %get3A_188, %get3A_189, %get3A_190] : memref<8x8x128x128xf32, #tpu.memory_space<vmem>>, vector<1x1x128x128xf32>
    %get3A_192 = vector.shape_cast %get3A_191 : vector<1x1x128x128xf32> to vector<128x128xf32>
    %get3A_193 = arith.constant 2 : index
    %get3A_194 = arith.constant 3 : index
    %get3A_195 = arith.constant 0 : index
    %get3A_196 = arith.constant 0 : index
    %get3A_197 = vector.load %arg1[%get3A_193, %get3A_194, %get3A_195, %get3A_196] : memref<8x8x128x128xf32, #tpu.memory_space<vmem>>, vector<1x1x128x128xf32>
    %get3A_198 = vector.shape_cast %get3A_197 : vector<1x1x128x128xf32> to vector<128x128xf32>
    %get3A_199 = arith.constant 3 : index
    %get3A_200 = arith.constant 3 : index
    %get3A_201 = arith.constant 0 : index
    %get3A_202 = arith.constant 0 : index
    %get3A_203 = vector.load %arg1[%get3A_199, %get3A_200, %get3A_201, %get3A_202] : memref<8x8x128x128xf32, #tpu.memory_space<vmem>>, vector<1x1x128x128xf32>
    %get3A_204 = vector.shape_cast %get3A_203 : vector<1x1x128x128xf32> to vector<128x128xf32>
    %get3A_205 = arith.constant 4 : index
    %get3A_206 = arith.constant 3 : index
    %get3A_207 = arith.constant 0 : index
    %get3A_208 = arith.constant 0 : index
    %get3A_209 = vector.load %arg1[%get3A_205, %get3A_206, %get3A_207, %get3A_208] : memref<8x8x128x128xf32, #tpu.memory_space<vmem>>, vector<1x1x128x128xf32>
    %get3A_210 = vector.shape_cast %get3A_209 : vector<1x1x128x128xf32> to vector<128x128xf32>
    %get3A_211 = arith.constant 5 : index
    %get3A_212 = arith.constant 3 : index
    %get3A_213 = arith.constant 0 : index
    %get3A_214 = arith.constant 0 : index
    %get3A_215 = vector.load %arg1[%get3A_211, %get3A_212, %get3A_213, %get3A_214] : memref<8x8x128x128xf32, #tpu.memory_space<vmem>>, vector<1x1x128x128xf32>
    %get3A_216 = vector.shape_cast %get3A_215 : vector<1x1x128x128xf32> to vector<128x128xf32>
    %get3A_217 = arith.constant 6 : index
    %get3A_218 = arith.constant 3 : index
    %get3A_219 = arith.constant 0 : index
    %get3A_220 = arith.constant 0 : index
    %get3A_221 = vector.load %arg1[%get3A_217, %get3A_218, %get3A_219, %get3A_220] : memref<8x8x128x128xf32, #tpu.memory_space<vmem>>, vector<1x1x128x128xf32>
    %get3A_222 = vector.shape_cast %get3A_221 : vector<1x1x128x128xf32> to vector<128x128xf32>
    %get3A_223 = arith.constant 7 : index
    %get3A_224 = arith.constant 3 : index
    %get3A_225 = arith.constant 0 : index
    %get3A_226 = arith.constant 0 : index
    %get3A_227 = vector.load %arg1[%get3A_223, %get3A_224, %get3A_225, %get3A_226] : memref<8x8x128x128xf32, #tpu.memory_space<vmem>>, vector<1x1x128x128xf32>
    %get3A_228 = vector.shape_cast %get3A_227 : vector<1x1x128x128xf32> to vector<128x128xf32>
    %concatenate3A_229 = tpu.concatenate %get3A_186, %get3A_192, %get3A_198, %get3A_204, %get3A_210, %get3A_216, %get3A_222, %get3A_228 in 0 : vector<128x128xf32>, vector<128x128xf32>, vector<128x128xf32>, vector<128x128xf32>, vector<128x128xf32>, vector<128x128xf32>, vector<128x128xf32>, vector<128x128xf32> -> vector<1024x128xf32>
    %get3A_230 = arith.constant 0 : index
    %get3A_231 = arith.constant 0 : index
    %get3A_232 = arith.constant 0 : index
    %get3A_233 = vector.load %arg3[%get3A_230, %get3A_231, %get3A_232] : memref<2x128x64xf32, #tpu.memory_space<vmem>>, vector<1x128x64xf32>
    %get3A_234 = vector.shape_cast %get3A_233 : vector<1x128x64xf32> to vector<128x64xf32>
    %dot_general3A_235 = arith.constant dense<0.000000e+00> : vector<1024x64xf32>
    %dot_general3A_236 = tpu.matmul %concatenate3A_180, %get3A_234, %dot_general3A_235 {dimension_numbers = #tpu.dot_dimension_numbers<[1], [0], [0], [1], [0, 0, 1, 1], [], []>, transpose_lhs_hint = false} : vector<1024x128xf32>, vector<128x64xf32>, vector<1024x64xf32> -> vector<1024x64xf32>
    %get3A_237 = arith.constant 1 : index
    %get3A_238 = arith.constant 0 : index
    %get3A_239 = arith.constant 0 : index
    %get3A_240 = vector.load %arg3[%get3A_237, %get3A_238, %get3A_239] : memref<2x128x64xf32, #tpu.memory_space<vmem>>, vector<1x128x64xf32>
    %get3A_241 = vector.shape_cast %get3A_240 : vector<1x128x64xf32> to vector<128x64xf32>
    %dot_general3A_242 = arith.constant dense<0.000000e+00> : vector<1024x64xf32>
    %dot_general3A_243 = tpu.matmul %concatenate3A_229, %get3A_241, %dot_general3A_242 {dimension_numbers = #tpu.dot_dimension_numbers<[1], [0], [0], [1], [0, 0, 1, 1], [], []>, transpose_lhs_hint = false} : vector<1024x128xf32>, vector<128x64xf32>, vector<1024x64xf32> -> vector<1024x64xf32>
    %add3A_244 = arith.addf %dot_general3A_236, %dot_general3A_243 : vector<1024x64xf32>
    %add3A_245 = arith.addf %add3A_244, %sub3A_19 : vector<1024x64xf32>
    %get3A_246 = arith.constant 0 : index
    %get3A_247 = arith.constant 4 : index
    %get3A_248 = arith.constant 0 : index
    %get3A_249 = arith.constant 0 : index
    %get3A_250 = vector.load %arg1[%get3A_246, %get3A_247, %get3A_248, %get3A_249] : memref<8x8x128x128xf32, #tpu.memory_space<vmem>>, vector<1x1x128x128xf32>
    %get3A_251 = vector.shape_cast %get3A_250 : vector<1x1x128x128xf32> to vector<128x128xf32>
    %get3A_252 = arith.constant 1 : index
    %get3A_253 = arith.constant 4 : index
    %get3A_254 = arith.constant 0 : index
    %get3A_255 = arith.constant 0 : index
    %get3A_256 = vector.load %arg1[%get3A_252, %get3A_253, %get3A_254, %get3A_255] : memref<8x8x128x128xf32, #tpu.memory_space<vmem>>, vector<1x1x128x128xf32>
    %get3A_257 = vector.shape_cast %get3A_256 : vector<1x1x128x128xf32> to vector<128x128xf32>
    %get3A_258 = arith.constant 2 : index
    %get3A_259 = arith.constant 4 : index
    %get3A_260 = arith.constant 0 : index
    %get3A_261 = arith.constant 0 : index
    %get3A_262 = vector.load %arg1[%get3A_258, %get3A_259, %get3A_260, %get3A_261] : memref<8x8x128x128xf32, #tpu.memory_space<vmem>>, vector<1x1x128x128xf32>
    %get3A_263 = vector.shape_cast %get3A_262 : vector<1x1x128x128xf32> to vector<128x128xf32>
    %get3A_264 = arith.constant 3 : index
    %get3A_265 = arith.constant 4 : index
    %get3A_266 = arith.constant 0 : index
    %get3A_267 = arith.constant 0 : index
    %get3A_268 = vector.load %arg1[%get3A_264, %get3A_265, %get3A_266, %get3A_267] : memref<8x8x128x128xf32, #tpu.memory_space<vmem>>, vector<1x1x128x128xf32>
    %get3A_269 = vector.shape_cast %get3A_268 : vector<1x1x128x128xf32> to vector<128x128xf32>
    %get3A_270 = arith.constant 4 : index
    %get3A_271 = arith.constant 4 : index
    %get3A_272 = arith.constant 0 : index
    %get3A_273 = arith.constant 0 : index
    %get3A_274 = vector.load %arg1[%get3A_270, %get3A_271, %get3A_272, %get3A_273] : memref<8x8x128x128xf32, #tpu.memory_space<vmem>>, vector<1x1x128x128xf32>
    %get3A_275 = vector.shape_cast %get3A_274 : vector<1x1x128x128xf32> to vector<128x128xf32>
    %get3A_276 = arith.constant 5 : index
    %get3A_277 = arith.constant 4 : index
    %get3A_278 = arith.constant 0 : index
    %get3A_279 = arith.constant 0 : index
    %get3A_280 = vector.load %arg1[%get3A_276, %get3A_277, %get3A_278, %get3A_279] : memref<8x8x128x128xf32, #tpu.memory_space<vmem>>, vector<1x1x128x128xf32>
    %get3A_281 = vector.shape_cast %get3A_280 : vector<1x1x128x128xf32> to vector<128x128xf32>
    %get3A_282 = arith.constant 6 : index
    %get3A_283 = arith.constant 4 : index
    %get3A_284 = arith.constant 0 : index
    %get3A_285 = arith.constant 0 : index
    %get3A_286 = vector.load %arg1[%get3A_282, %get3A_283, %get3A_284, %get3A_285] : memref<8x8x128x128xf32, #tpu.memory_space<vmem>>, vector<1x1x128x128xf32>
    %get3A_287 = vector.shape_cast %get3A_286 : vector<1x1x128x128xf32> to vector<128x128xf32>
    %get3A_288 = arith.constant 7 : index
    %get3A_289 = arith.constant 4 : index
    %get3A_290 = arith.constant 0 : index
    %get3A_291 = arith.constant 0 : index
    %get3A_292 = vector.load %arg1[%get3A_288, %get3A_289, %get3A_290, %get3A_291] : memref<8x8x128x128xf32, #tpu.memory_space<vmem>>, vector<1x1x128x128xf32>
    %get3A_293 = vector.shape_cast %get3A_292 : vector<1x1x128x128xf32> to vector<128x128xf32>
    %concatenate3A_294 = tpu.concatenate %get3A_251, %get3A_257, %get3A_263, %get3A_269, %get3A_275, %get3A_281, %get3A_287, %get3A_293 in 0 : vector<128x128xf32>, vector<128x128xf32>, vector<128x128xf32>, vector<128x128xf32>, vector<128x128xf32>, vector<128x128xf32>, vector<128x128xf32>, vector<128x128xf32> -> vector<1024x128xf32>
    %get3A_295 = arith.constant 0 : index
    %get3A_296 = arith.constant 5 : index
    %get3A_297 = arith.constant 0 : index
    %get3A_298 = arith.constant 0 : index
    %get3A_299 = vector.load %arg1[%get3A_295, %get3A_296, %get3A_297, %get3A_298] : memref<8x8x128x128xf32, #tpu.memory_space<vmem>>, vector<1x1x128x128xf32>
    %get3A_300 = vector.shape_cast %get3A_299 : vector<1x1x128x128xf32> to vector<128x128xf32>
    %get3A_301 = arith.constant 1 : index
    %get3A_302 = arith.constant 5 : index
    %get3A_303 = arith.constant 0 : index
    %get3A_304 = arith.constant 0 : index
    %get3A_305 = vector.load %arg1[%get3A_301, %get3A_302, %get3A_303, %get3A_304] : memref<8x8x128x128xf32, #tpu.memory_space<vmem>>, vector<1x1x128x128xf32>
    %get3A_306 = vector.shape_cast %get3A_305 : vector<1x1x128x128xf32> to vector<128x128xf32>
    %get3A_307 = arith.constant 2 : index
    %get3A_308 = arith.constant 5 : index
    %get3A_309 = arith.constant 0 : index
    %get3A_310 = arith.constant 0 : index
    %get3A_311 = vector.load %arg1[%get3A_307, %get3A_308, %get3A_309, %get3A_310] : memref<8x8x128x128xf32, #tpu.memory_space<vmem>>, vector<1x1x128x128xf32>
    %get3A_312 = vector.shape_cast %get3A_311 : vector<1x1x128x128xf32> to vector<128x128xf32>
    %get3A_313 = arith.constant 3 : index
    %get3A_314 = arith.constant 5 : index
    %get3A_315 = arith.constant 0 : index
    %get3A_316 = arith.constant 0 : index
    %get3A_317 = vector.load %arg1[%get3A_313, %get3A_314, %get3A_315, %get3A_316] : memref<8x8x128x128xf32, #tpu.memory_space<vmem>>, vector<1x1x128x128xf32>
    %get3A_318 = vector.shape_cast %get3A_317 : vector<1x1x128x128xf32> to vector<128x128xf32>
    %get3A_319 = arith.constant 4 : index
    %get3A_320 = arith.constant 5 : index
    %get3A_321 = arith.constant 0 : index
    %get3A_322 = arith.constant 0 : index
    %get3A_323 = vector.load %arg1[%get3A_319, %get3A_320, %get3A_321, %get3A_322] : memref<8x8x128x128xf32, #tpu.memory_space<vmem>>, vector<1x1x128x128xf32>
    %get3A_324 = vector.shape_cast %get3A_323 : vector<1x1x128x128xf32> to vector<128x128xf32>
    %get3A_325 = arith.constant 5 : index
    %get3A_326 = arith.constant 5 : index
    %get3A_327 = arith.constant 0 : index
    %get3A_328 = arith.constant 0 : index
    %get3A_329 = vector.load %arg1[%get3A_325, %get3A_326, %get3A_327, %get3A_328] : memref<8x8x128x128xf32, #tpu.memory_space<vmem>>, vector<1x1x128x128xf32>
    %get3A_330 = vector.shape_cast %get3A_329 : vector<1x1x128x128xf32> to vector<128x128xf32>
    %get3A_331 = arith.constant 6 : index
    %get3A_332 = arith.constant 5 : index
    %get3A_333 = arith.constant 0 : index
    %get3A_334 = arith.constant 0 : index
    %get3A_335 = vector.load %arg1[%get3A_331, %get3A_332, %get3A_333, %get3A_334] : memref<8x8x128x128xf32, #tpu.memory_space<vmem>>, vector<1x1x128x128xf32>
    %get3A_336 = vector.shape_cast %get3A_335 : vector<1x1x128x128xf32> to vector<128x128xf32>
    %get3A_337 = arith.constant 7 : index
    %get3A_338 = arith.constant 5 : index
    %get3A_339 = arith.constant 0 : index
    %get3A_340 = arith.constant 0 : index
    %get3A_341 = vector.load %arg1[%get3A_337, %get3A_338, %get3A_339, %get3A_340] : memref<8x8x128x128xf32, #tpu.memory_space<vmem>>, vector<1x1x128x128xf32>
    %get3A_342 = vector.shape_cast %get3A_341 : vector<1x1x128x128xf32> to vector<128x128xf32>
    %concatenate3A_343 = tpu.concatenate %get3A_300, %get3A_306, %get3A_312, %get3A_318, %get3A_324, %get3A_330, %get3A_336, %get3A_342 in 0 : vector<128x128xf32>, vector<128x128xf32>, vector<128x128xf32>, vector<128x128xf32>, vector<128x128xf32>, vector<128x128xf32>, vector<128x128xf32>, vector<128x128xf32> -> vector<1024x128xf32>
    %get3A_344 = arith.constant 0 : index
    %get3A_345 = arith.constant 0 : index
    %get3A_346 = arith.constant 0 : index
    %get3A_347 = vector.load %arg3[%get3A_344, %get3A_345, %get3A_346] : memref<2x128x64xf32, #tpu.memory_space<vmem>>, vector<1x128x64xf32>
    %get3A_348 = vector.shape_cast %get3A_347 : vector<1x128x64xf32> to vector<128x64xf32>
    %dot_general3A_349 = arith.constant dense<0.000000e+00> : vector<1024x64xf32>
    %dot_general3A_350 = tpu.matmul %concatenate3A_294, %get3A_348, %dot_general3A_349 {dimension_numbers = #tpu.dot_dimension_numbers<[1], [0], [0], [1], [0, 0, 1, 1], [], []>, transpose_lhs_hint = false} : vector<1024x128xf32>, vector<128x64xf32>, vector<1024x64xf32> -> vector<1024x64xf32>
    %get3A_351 = arith.constant 1 : index
    %get3A_352 = arith.constant 0 : index
    %get3A_353 = arith.constant 0 : index
    %get3A_354 = vector.load %arg3[%get3A_351, %get3A_352, %get3A_353] : memref<2x128x64xf32, #tpu.memory_space<vmem>>, vector<1x128x64xf32>
    %get3A_355 = vector.shape_cast %get3A_354 : vector<1x128x64xf32> to vector<128x64xf32>
    %dot_general3A_356 = arith.constant dense<0.000000e+00> : vector<1024x64xf32>
    %dot_general3A_357 = tpu.matmul %concatenate3A_343, %get3A_355, %dot_general3A_356 {dimension_numbers = #tpu.dot_dimension_numbers<[1], [0], [0], [1], [0, 0, 1, 1], [], []>, transpose_lhs_hint = false} : vector<1024x128xf32>, vector<128x64xf32>, vector<1024x64xf32> -> vector<1024x64xf32>
    %add3A_358 = arith.addf %dot_general3A_350, %dot_general3A_357 : vector<1024x64xf32>
    %add3A_359 = arith.addf %add3A_358, %sub3A_19 : vector<1024x64xf32>
    %get3A_360 = arith.constant 0 : index
    %get3A_361 = arith.constant 6 : index
    %get3A_362 = arith.constant 0 : index
    %get3A_363 = arith.constant 0 : index
    %get3A_364 = vector.load %arg1[%get3A_360, %get3A_361, %get3A_362, %get3A_363] : memref<8x8x128x128xf32, #tpu.memory_space<vmem>>, vector<1x1x128x128xf32>
    %get3A_365 = vector.shape_cast %get3A_364 : vector<1x1x128x128xf32> to vector<128x128xf32>
    %get3A_366 = arith.constant 1 : index
    %get3A_367 = arith.constant 6 : index
    %get3A_368 = arith.constant 0 : index
    %get3A_369 = arith.constant 0 : index
    %get3A_370 = vector.load %arg1[%get3A_366, %get3A_367, %get3A_368, %get3A_369] : memref<8x8x128x128xf32, #tpu.memory_space<vmem>>, vector<1x1x128x128xf32>
    %get3A_371 = vector.shape_cast %get3A_370 : vector<1x1x128x128xf32> to vector<128x128xf32>
    %get3A_372 = arith.constant 2 : index
    %get3A_373 = arith.constant 6 : index
    %get3A_374 = arith.constant 0 : index
    %get3A_375 = arith.constant 0 : index
    %get3A_376 = vector.load %arg1[%get3A_372, %get3A_373, %get3A_374, %get3A_375] : memref<8x8x128x128xf32, #tpu.memory_space<vmem>>, vector<1x1x128x128xf32>
    %get3A_377 = vector.shape_cast %get3A_376 : vector<1x1x128x128xf32> to vector<128x128xf32>
    %get3A_378 = arith.constant 3 : index
    %get3A_379 = arith.constant 6 : index
    %get3A_380 = arith.constant 0 : index
    %get3A_381 = arith.constant 0 : index
    %get3A_382 = vector.load %arg1[%get3A_378, %get3A_379, %get3A_380, %get3A_381] : memref<8x8x128x128xf32, #tpu.memory_space<vmem>>, vector<1x1x128x128xf32>
    %get3A_383 = vector.shape_cast %get3A_382 : vector<1x1x128x128xf32> to vector<128x128xf32>
    %get3A_384 = arith.constant 4 : index
    %get3A_385 = arith.constant 6 : index
    %get3A_386 = arith.constant 0 : index
    %get3A_387 = arith.constant 0 : index
    %get3A_388 = vector.load %arg1[%get3A_384, %get3A_385, %get3A_386, %get3A_387] : memref<8x8x128x128xf32, #tpu.memory_space<vmem>>, vector<1x1x128x128xf32>
    %get3A_389 = vector.shape_cast %get3A_388 : vector<1x1x128x128xf32> to vector<128x128xf32>
    %get3A_390 = arith.constant 5 : index
    %get3A_391 = arith.constant 6 : index
    %get3A_392 = arith.constant 0 : index
    %get3A_393 = arith.constant 0 : index
    %get3A_394 = vector.load %arg1[%get3A_390, %get3A_391, %get3A_392, %get3A_393] : memref<8x8x128x128xf32, #tpu.memory_space<vmem>>, vector<1x1x128x128xf32>
    %get3A_395 = vector.shape_cast %get3A_394 : vector<1x1x128x128xf32> to vector<128x128xf32>
    %get3A_396 = arith.constant 6 : index
    %get3A_397 = arith.constant 6 : index
    %get3A_398 = arith.constant 0 : index
    %get3A_399 = arith.constant 0 : index
    %get3A_400 = vector.load %arg1[%get3A_396, %get3A_397, %get3A_398, %get3A_399] : memref<8x8x128x128xf32, #tpu.memory_space<vmem>>, vector<1x1x128x128xf32>
    %get3A_401 = vector.shape_cast %get3A_400 : vector<1x1x128x128xf32> to vector<128x128xf32>
    %get3A_402 = arith.constant 7 : index
    %get3A_403 = arith.constant 6 : index
    %get3A_404 = arith.constant 0 : index
    %get3A_405 = arith.constant 0 : index
    %get3A_406 = vector.load %arg1[%get3A_402, %get3A_403, %get3A_404, %get3A_405] : memref<8x8x128x128xf32, #tpu.memory_space<vmem>>, vector<1x1x128x128xf32>
    %get3A_407 = vector.shape_cast %get3A_406 : vector<1x1x128x128xf32> to vector<128x128xf32>
    %concatenate3A_408 = tpu.concatenate %get3A_365, %get3A_371, %get3A_377, %get3A_383, %get3A_389, %get3A_395, %get3A_401, %get3A_407 in 0 : vector<128x128xf32>, vector<128x128xf32>, vector<128x128xf32>, vector<128x128xf32>, vector<128x128xf32>, vector<128x128xf32>, vector<128x128xf32>, vector<128x128xf32> -> vector<1024x128xf32>
    %get3A_409 = arith.constant 0 : index
    %get3A_410 = arith.constant 7 : index
    %get3A_411 = arith.constant 0 : index
    %get3A_412 = arith.constant 0 : index
    %get3A_413 = vector.load %arg1[%get3A_409, %get3A_410, %get3A_411, %get3A_412] : memref<8x8x128x128xf32, #tpu.memory_space<vmem>>, vector<1x1x128x128xf32>
    %get3A_414 = vector.shape_cast %get3A_413 : vector<1x1x128x128xf32> to vector<128x128xf32>
    %get3A_415 = arith.constant 1 : index
    %get3A_416 = arith.constant 7 : index
    %get3A_417 = arith.constant 0 : index
    %get3A_418 = arith.constant 0 : index
    %get3A_419 = vector.load %arg1[%get3A_415, %get3A_416, %get3A_417, %get3A_418] : memref<8x8x128x128xf32, #tpu.memory_space<vmem>>, vector<1x1x128x128xf32>
    %get3A_420 = vector.shape_cast %get3A_419 : vector<1x1x128x128xf32> to vector<128x128xf32>
    %get3A_421 = arith.constant 2 : index
    %get3A_422 = arith.constant 7 : index
    %get3A_423 = arith.constant 0 : index
    %get3A_424 = arith.constant 0 : index
    %get3A_425 = vector.load %arg1[%get3A_421, %get3A_422, %get3A_423, %get3A_424] : memref<8x8x128x128xf32, #tpu.memory_space<vmem>>, vector<1x1x128x128xf32>
    %get3A_426 = vector.shape_cast %get3A_425 : vector<1x1x128x128xf32> to vector<128x128xf32>
    %get3A_427 = arith.constant 3 : index
    %get3A_428 = arith.constant 7 : index
    %get3A_429 = arith.constant 0 : index
    %get3A_430 = arith.constant 0 : index
    %get3A_431 = vector.load %arg1[%get3A_427, %get3A_428, %get3A_429, %get3A_430] : memref<8x8x128x128xf32, #tpu.memory_space<vmem>>, vector<1x1x128x128xf32>
    %get3A_432 = vector.shape_cast %get3A_431 : vector<1x1x128x128xf32> to vector<128x128xf32>
    %get3A_433 = arith.constant 4 : index
    %get3A_434 = arith.constant 7 : index
    %get3A_435 = arith.constant 0 : index
    %get3A_436 = arith.constant 0 : index
    %get3A_437 = vector.load %arg1[%get3A_433, %get3A_434, %get3A_435, %get3A_436] : memref<8x8x128x128xf32, #tpu.memory_space<vmem>>, vector<1x1x128x128xf32>
    %get3A_438 = vector.shape_cast %get3A_437 : vector<1x1x128x128xf32> to vector<128x128xf32>
    %get3A_439 = arith.constant 5 : index
    %get3A_440 = arith.constant 7 : index
    %get3A_441 = arith.constant 0 : index
    %get3A_442 = arith.constant 0 : index
    %get3A_443 = vector.load %arg1[%get3A_439, %get3A_440, %get3A_441, %get3A_442] : memref<8x8x128x128xf32, #tpu.memory_space<vmem>>, vector<1x1x128x128xf32>
    %get3A_444 = vector.shape_cast %get3A_443 : vector<1x1x128x128xf32> to vector<128x128xf32>
    %get3A_445 = arith.constant 6 : index
    %get3A_446 = arith.constant 7 : index
    %get3A_447 = arith.constant 0 : index
    %get3A_448 = arith.constant 0 : index
    %get3A_449 = vector.load %arg1[%get3A_445, %get3A_446, %get3A_447, %get3A_448] : memref<8x8x128x128xf32, #tpu.memory_space<vmem>>, vector<1x1x128x128xf32>
    %get3A_450 = vector.shape_cast %get3A_449 : vector<1x1x128x128xf32> to vector<128x128xf32>
    %get3A_451 = arith.constant 7 : index
    %get3A_452 = arith.constant 7 : index
    %get3A_453 = arith.constant 0 : index
    %get3A_454 = arith.constant 0 : index
    %get3A_455 = vector.load %arg1[%get3A_451, %get3A_452, %get3A_453, %get3A_454] : memref<8x8x128x128xf32, #tpu.memory_space<vmem>>, vector<1x1x128x128xf32>
    %get3A_456 = vector.shape_cast %get3A_455 : vector<1x1x128x128xf32> to vector<128x128xf32>
    %concatenate3A_457 = tpu.concatenate %get3A_414, %get3A_420, %get3A_426, %get3A_432, %get3A_438, %get3A_444, %get3A_450, %get3A_456 in 0 : vector<128x128xf32>, vector<128x128xf32>, vector<128x128xf32>, vector<128x128xf32>, vector<128x128xf32>, vector<128x128xf32>, vector<128x128xf32>, vector<128x128xf32> -> vector<1024x128xf32>
    %get3A_458 = arith.constant 0 : index
    %get3A_459 = arith.constant 0 : index
    %get3A_460 = arith.constant 0 : index
    %get3A_461 = vector.load %arg3[%get3A_458, %get3A_459, %get3A_460] : memref<2x128x64xf32, #tpu.memory_space<vmem>>, vector<1x128x64xf32>
    %get3A_462 = vector.shape_cast %get3A_461 : vector<1x128x64xf32> to vector<128x64xf32>
    %dot_general3A_463 = arith.constant dense<0.000000e+00> : vector<1024x64xf32>
    %dot_general3A_464 = tpu.matmul %concatenate3A_408, %get3A_462, %dot_general3A_463 {dimension_numbers = #tpu.dot_dimension_numbers<[1], [0], [0], [1], [0, 0, 1, 1], [], []>, transpose_lhs_hint = false} : vector<1024x128xf32>, vector<128x64xf32>, vector<1024x64xf32> -> vector<1024x64xf32>
    %get3A_465 = arith.constant 1 : index
    %get3A_466 = arith.constant 0 : index
    %get3A_467 = arith.constant 0 : index
    %get3A_468 = vector.load %arg3[%get3A_465, %get3A_466, %get3A_467] : memref<2x128x64xf32, #tpu.memory_space<vmem>>, vector<1x128x64xf32>
    %get3A_469 = vector.shape_cast %get3A_468 : vector<1x128x64xf32> to vector<128x64xf32>
    %dot_general3A_470 = arith.constant dense<0.000000e+00> : vector<1024x64xf32>
    %dot_general3A_471 = tpu.matmul %concatenate3A_457, %get3A_469, %dot_general3A_470 {dimension_numbers = #tpu.dot_dimension_numbers<[1], [0], [0], [1], [0, 0, 1, 1], [], []>, transpose_lhs_hint = false} : vector<1024x128xf32>, vector<128x64xf32>, vector<1024x64xf32> -> vector<1024x64xf32>
    %add3A_472 = arith.addf %dot_general3A_464, %dot_general3A_471 : vector<1024x64xf32>
    %add3A_473 = arith.addf %add3A_472, %sub3A_19 : vector<1024x64xf32>
    %get3A_474 = arith.constant 0 : index
    %get3A_475 = arith.constant 0 : index
    %get3A_476 = arith.constant 0 : index
    %get3A_477 = vector.load %arg4[%get3A_474, %get3A_475, %get3A_476] : memref<2x64x64xf32, #tpu.memory_space<vmem>>, vector<1x64x64xf32>
    %get3A_478 = vector.shape_cast %get3A_477 : vector<1x64x64xf32> to vector<64x64xf32>
    %dot_general3A_479 = arith.constant dense<0.000000e+00> : vector<1024x64xf32>
    %dot_general3A_480 = tpu.matmul %add3A_131, %get3A_478, %dot_general3A_479 {dimension_numbers = #tpu.dot_dimension_numbers<[1], [0], [0], [1], [0, 0, 1, 1], [], []>, transpose_lhs_hint = false} : vector<1024x64xf32>, vector<64x64xf32>, vector<1024x64xf32> -> vector<1024x64xf32>
    %get3A_481 = arith.constant 1 : index
    %get3A_482 = arith.constant 0 : index
    %get3A_483 = arith.constant 0 : index
    %get3A_484 = vector.load %arg4[%get3A_481, %get3A_482, %get3A_483] : memref<2x64x64xf32, #tpu.memory_space<vmem>>, vector<1x64x64xf32>
    %get3A_485 = vector.shape_cast %get3A_484 : vector<1x64x64xf32> to vector<64x64xf32>
    %dot_general3A_486 = arith.constant dense<0.000000e+00> : vector<1024x64xf32>
    %dot_general3A_487 = tpu.matmul %add3A_245, %get3A_485, %dot_general3A_486 {dimension_numbers = #tpu.dot_dimension_numbers<[1], [0], [0], [1], [0, 0, 1, 1], [], []>, transpose_lhs_hint = false} : vector<1024x64xf32>, vector<64x64xf32>, vector<1024x64xf32> -> vector<1024x64xf32>
    %add3A_488 = arith.addf %dot_general3A_480, %dot_general3A_487 : vector<1024x64xf32>
    %get3A_489 = arith.constant 0 : index
    %get3A_490 = arith.constant 0 : index
    %get3A_491 = vector.load %arg7[%get3A_489, %get3A_490] : memref<1x64xf32, #tpu.memory_space<vmem>>, vector<1x64xf32>
    %add3A_492 = vector.broadcast %get3A_491 : vector<1x64xf32> to vector<1024x64xf32>
    %add3A_493 = arith.addf %add3A_488, %add3A_492 : vector<1024x64xf32>
    %get3A_494 = arith.constant 0 : index
    %get3A_495 = arith.constant 0 : index
    %get3A_496 = arith.constant 0 : index
    %get3A_497 = vector.load %arg4[%get3A_494, %get3A_495, %get3A_496] : memref<2x64x64xf32, #tpu.memory_space<vmem>>, vector<1x64x64xf32>
    %get3A_498 = vector.shape_cast %get3A_497 : vector<1x64x64xf32> to vector<64x64xf32>
    %dot_general3A_499 = arith.constant dense<0.000000e+00> : vector<1024x64xf32>
    %dot_general3A_500 = tpu.matmul %add3A_359, %get3A_498, %dot_general3A_499 {dimension_numbers = #tpu.dot_dimension_numbers<[1], [0], [0], [1], [0, 0, 1, 1], [], []>, transpose_lhs_hint = false} : vector<1024x64xf32>, vector<64x64xf32>, vector<1024x64xf32> -> vector<1024x64xf32>
    %get3A_501 = arith.constant 1 : index
    %get3A_502 = arith.constant 0 : index
    %get3A_503 = arith.constant 0 : index
    %get3A_504 = vector.load %arg4[%get3A_501, %get3A_502, %get3A_503] : memref<2x64x64xf32, #tpu.memory_space<vmem>>, vector<1x64x64xf32>
    %get3A_505 = vector.shape_cast %get3A_504 : vector<1x64x64xf32> to vector<64x64xf32>
    %dot_general3A_506 = arith.constant dense<0.000000e+00> : vector<1024x64xf32>
    %dot_general3A_507 = tpu.matmul %add3A_473, %get3A_505, %dot_general3A_506 {dimension_numbers = #tpu.dot_dimension_numbers<[1], [0], [0], [1], [0, 0, 1, 1], [], []>, transpose_lhs_hint = false} : vector<1024x64xf32>, vector<64x64xf32>, vector<1024x64xf32> -> vector<1024x64xf32>
    %add3A_508 = arith.addf %dot_general3A_500, %dot_general3A_507 : vector<1024x64xf32>
    %get3A_509 = arith.constant 0 : index
    %get3A_510 = arith.constant 0 : index
    %get3A_511 = vector.load %arg7[%get3A_509, %get3A_510] : memref<1x64xf32, #tpu.memory_space<vmem>>, vector<1x64xf32>
    %add3A_512 = vector.broadcast %get3A_511 : vector<1x64xf32> to vector<1024x64xf32>
    %add3A_513 = arith.addf %add3A_508, %add3A_512 : vector<1024x64xf32>
    %get3A_514 = arith.constant 0 : index
    %get3A_515 = arith.constant 0 : index
    %get3A_516 = arith.constant 0 : index
    %get3A_517 = vector.load %arg5[%get3A_514, %get3A_515, %get3A_516] : memref<2x64x64xf32, #tpu.memory_space<vmem>>, vector<1x64x64xf32>
    %get3A_518 = vector.shape_cast %get3A_517 : vector<1x64x64xf32> to vector<64x64xf32>
    %dot_general3A_519 = arith.constant dense<0.000000e+00> : vector<1024x64xf32>
    %dot_general3A_520 = tpu.matmul %add3A_493, %get3A_518, %dot_general3A_519 {dimension_numbers = #tpu.dot_dimension_numbers<[1], [0], [0], [1], [0, 0, 1, 1], [], []>, transpose_lhs_hint = false} : vector<1024x64xf32>, vector<64x64xf32>, vector<1024x64xf32> -> vector<1024x64xf32>
    %get3A_521 = arith.constant 1 : index
    %get3A_522 = arith.constant 0 : index
    %get3A_523 = arith.constant 0 : index
    %get3A_524 = vector.load %arg5[%get3A_521, %get3A_522, %get3A_523] : memref<2x64x64xf32, #tpu.memory_space<vmem>>, vector<1x64x64xf32>
    %get3A_525 = vector.shape_cast %get3A_524 : vector<1x64x64xf32> to vector<64x64xf32>
    %dot_general3A_526 = arith.constant dense<0.000000e+00> : vector<1024x64xf32>
    %dot_general3A_527 = tpu.matmul %add3A_513, %get3A_525, %dot_general3A_526 {dimension_numbers = #tpu.dot_dimension_numbers<[1], [0], [0], [1], [0, 0, 1, 1], [], []>, transpose_lhs_hint = false} : vector<1024x64xf32>, vector<64x64xf32>, vector<1024x64xf32> -> vector<1024x64xf32>
    %add3A_528 = arith.addf %dot_general3A_520, %dot_general3A_527 : vector<1024x64xf32>
    %get3A_529 = arith.constant 0 : index
    %get3A_530 = arith.constant 0 : index
    %get3A_531 = vector.load %arg8[%get3A_529, %get3A_530] : memref<1x64xf32, #tpu.memory_space<vmem>>, vector<1x64xf32>
    %add3A_532 = vector.broadcast %get3A_531 : vector<1x64xf32> to vector<1024x64xf32>
    %add3A_533 = arith.addf %add3A_528, %add3A_532 : vector<1024x64xf32>
    %broadcast_in_dim3A = arith.constant 0.000000e+00 : f32
    %broadcast_in_dim3A_534 = vector.broadcast %broadcast_in_dim3A : f32 to vector<1024x48xf32>
    %get3A_535 = arith.constant 0 : index
    %get3A_536 = arith.constant 0 : index
    %get3A_537 = vector.load %arg2[%get3A_535, %get3A_536] : memref<1024x16xf32, #tpu.memory_space<vmem>>, vector<1024x16xf32>
    %concatenate3A_538 = tpu.concatenate %get3A_537, %add3A_533, %broadcast_in_dim3A_534 in 1 : vector<1024x16xf32>, vector<1024x64xf32>, vector<1024x48xf32> -> vector<1024x128xf32>
    %swap3A = arith.constant 0 : index
    %swap3A_539 = arith.constant 0 : index
    %swap3A_540 = vector.load %arg9[%swap3A, %swap3A_539] : memref<1024x128xf32, #tpu.memory_space<vmem>>, vector<1024x128xf32>
    tpu.vector_store %arg9[%swap3A, %swap3A_539], %concatenate3A_538 {strides = array<i32>} : memref<1024x128xf32, #tpu.memory_space<vmem>>, vector<1024x128xf32>,
    return
  }
  func.func @transform_0(%arg0: i32) -> (i32, i32, i32, i32) {
    %c0_i32 = arith.constant 0 : i32
    %c0_i32_0 = arith.constant 0 : i32
    %c0_i32_1 = arith.constant 0 : i32
    %c0_i32_2 = arith.constant 0 : i32
    return %arg0, %c0_i32, %c0_i32_0, %c0_i32_1 : i32, i32, i32, i32
  }
  func.func @transform_1(%arg0: i32) -> (i32, i32) {
    %c0_i32 = arith.constant 0 : i32
    %c0_i32_0 = arith.constant 0 : i32
    return %arg0, %c0_i32 : i32, i32
  }
  func.func @transform_2(%arg0: i32) -> (i32, i32, i32) {
    %c0_i32 = arith.constant 0 : i32
    %c0_i32_0 = arith.constant 0 : i32
    %c0_i32_1 = arith.constant 0 : i32
    %c0_i32_2 = arith.constant 0 : i32
    return %c0_i32, %c0_i32_0, %c0_i32_1 : i32, i32, i32
  }
  func.func @transform_3(%arg0: i32) -> (i32, i32, i32) {
    %c0_i32 = arith.constant 0 : i32
    %c0_i32_0 = arith.constant 0 : i32
    %c0_i32_1 = arith.constant 0 : i32
    %c0_i32_2 = arith.constant 0 : i32
    return %c0_i32, %c0_i32_0, %c0_i32_1 : i32, i32, i32
  }
  func.func @transform_4(%arg0: i32) -> (i32, i32, i32) {
    %c0_i32 = arith.constant 0 : i32
    %c0_i32_0 = arith.constant 0 : i32
    %c0_i32_1 = arith.constant 0 : i32
    %c0_i32_2 = arith.constant 0 : i32
    return %c0_i32, %c0_i32_0, %c0_i32_1 : i32, i32, i32
  }
  func.func @transform_5(%arg0: i32) -> (i32, i32) {
    %c0_i32 = arith.constant 0 : i32
    %c0_i32_0 = arith.constant 0 : i32
    %c0_i32_1 = arith.constant 0 : i32
    return %c0_i32, %c0_i32_0 : i32, i32
  }
  func.func @transform_6(%arg0: i32) -> (i32, i32) {
    %c0_i32 = arith.constant 0 : i32
    %c0_i32_0 = arith.constant 0 : i32
    %c0_i32_1 = arith.constant 0 : i32
    return %c0_i32, %c0_i32_0 : i32, i32
  }
  func.func @transform_7(%arg0: i32) -> (i32, i32) {
    %c0_i32 = arith.constant 0 : i32
    %c0_i32_0 = arith.constant 0 : i32
    %c0_i32_1 = arith.constant 0 : i32
    return %c0_i32, %c0_i32_0 : i32, i32
  }
  func.func @transform_8(%arg0: i32) -> (i32, i32) {
    %c0_i32 = arith.constant 0 : i32
    %c0_i32_0 = arith.constant 0 : i32
    return %arg0, %c0_i32 : i32, i32
  }
}

module attributes {stable_mosaic.version = 14 : i64} {
  func.func @_chain2_body(%arg0: i32, %arg1: memref<8x8x128x128xf32, #tpu.memory_space<vmem>>, %arg2: memref<1024x16xf32, #tpu.memory_space<vmem>>, %arg3: memref<2x128x64xf32, #tpu.memory_space<vmem>>, %arg4: memref<2x64x64xf32, #tpu.memory_space<vmem>>, %arg5: memref<2x64x64xf32, #tpu.memory_space<vmem>>, %arg6: memref<1x64xf32, #tpu.memory_space<vmem>>, %arg7: memref<1x64xf32, #tpu.memory_space<vmem>>, %arg8: memref<1x64xf32, #tpu.memory_space<vmem>>, %arg9: memref<1024x64xf32, #tpu.memory_space<vmem>>, %arg10: memref<1024x128xf32, #tpu.memory_space<vmem>>) attributes {dimension_semantics = [#tpu.dimension_semantics<arbitrary>], iteration_bounds = array<i64: 2>, scalar_prefetch = 0 : i64, scratch_operands = 0 : i64, tpu.core_type = #tpu.core_type<tc>, window_params = [{transform_indices = @transform_0, window_bounds = array<i64: 8, 8, 128, 128>}, {transform_indices = @transform_1, window_bounds = array<i64: 1024, 16>}, {pipeline_mode = #tpu.pipeline_mode<synchronous>, transform_indices = @transform_2, window_bounds = array<i64: 2, 128, 64>}, {pipeline_mode = #tpu.pipeline_mode<synchronous>, transform_indices = @transform_3, window_bounds = array<i64: 2, 64, 64>}, {pipeline_mode = #tpu.pipeline_mode<synchronous>, transform_indices = @transform_4, window_bounds = array<i64: 2, 64, 64>}, {pipeline_mode = #tpu.pipeline_mode<synchronous>, transform_indices = @transform_5, window_bounds = array<i64: 1, 64>}, {pipeline_mode = #tpu.pipeline_mode<synchronous>, transform_indices = @transform_6, window_bounds = array<i64: 1, 64>}, {pipeline_mode = #tpu.pipeline_mode<synchronous>, transform_indices = @transform_7, window_bounds = array<i64: 1, 64>}, {transform_indices = @transform_8, window_bounds = array<i64: 1024, 64>}, {transform_indices = @transform_9, window_bounds = array<i64: 1024, 128>}]} {
    %get3A = arith.constant 0 : index
    %get3A_0 = arith.constant 0 : index
    %get3A_1 = vector.load %arg2[%get3A, %get3A_0] : memref<1024x16xf32, #tpu.memory_space<vmem>>, vector<1024x16xf32>
    %get3A_2 = arith.constant 0 : index
    %get3A_3 = arith.constant 0 : index
    %get3A_4 = vector.load %arg6[%get3A_2, %get3A_3] : memref<1x64xf32, #tpu.memory_space<vmem>>, vector<1x64xf32>
    %get3A_5 = arith.constant 0 : index
    %get3A_6 = arith.constant 0 : index
    %get3A_7 = arith.constant 0 : index
    %get3A_8 = vector.load %arg3[%get3A_5, %get3A_6, %get3A_7] : memref<2x128x64xf32, #tpu.memory_space<vmem>>, vector<1x16x64xf32>
    %get3A_9 = vector.shape_cast %get3A_8 : vector<1x16x64xf32> to vector<16x64xf32>
    %dot_general3A = arith.constant dense<0.000000e+00> : vector<1024x64xf32>
    %dot_general3A_10 = tpu.matmul %get3A_1, %get3A_9, %dot_general3A {dimension_numbers = #tpu.dot_dimension_numbers<[1], [0], [0], [1], [0, 0, 1, 1], [], []>, transpose_lhs_hint = false} : vector<1024x16xf32>, vector<16x64xf32>, vector<1024x64xf32> -> vector<1024x64xf32>
    %sub3A = vector.broadcast %get3A_4 : vector<1x64xf32> to vector<1024x64xf32>
    %sub3A_11 = arith.subf %sub3A, %dot_general3A_10 : vector<1024x64xf32>
    %get3A_12 = arith.constant 1 : index
    %get3A_13 = arith.constant 0 : index
    %get3A_14 = arith.constant 0 : index
    %get3A_15 = vector.load %arg3[%get3A_12, %get3A_13, %get3A_14] : memref<2x128x64xf32, #tpu.memory_space<vmem>>, vector<1x16x64xf32>
    %get3A_16 = vector.shape_cast %get3A_15 : vector<1x16x64xf32> to vector<16x64xf32>
    %dot_general3A_17 = arith.constant dense<0.000000e+00> : vector<1024x64xf32>
    %dot_general3A_18 = tpu.matmul %get3A_1, %get3A_16, %dot_general3A_17 {dimension_numbers = #tpu.dot_dimension_numbers<[1], [0], [0], [1], [0, 0, 1, 1], [], []>, transpose_lhs_hint = false} : vector<1024x16xf32>, vector<16x64xf32>, vector<1024x64xf32> -> vector<1024x64xf32>
    %sub3A_19 = arith.subf %sub3A_11, %dot_general3A_18 : vector<1024x64xf32>
    %get3A_20 = arith.constant 0 : index
    %get3A_21 = arith.constant 0 : index
    %get3A_22 = arith.constant 0 : index
    %get3A_23 = arith.constant 0 : index
    %get3A_24 = vector.load %arg1[%get3A_20, %get3A_21, %get3A_22, %get3A_23] : memref<8x8x128x128xf32, #tpu.memory_space<vmem>>, vector<1x1x128x128xf32>
    %get3A_25 = vector.shape_cast %get3A_24 : vector<1x1x128x128xf32> to vector<128x128xf32>
    %get3A_26 = arith.constant 1 : index
    %get3A_27 = arith.constant 0 : index
    %get3A_28 = arith.constant 0 : index
    %get3A_29 = arith.constant 0 : index
    %get3A_30 = vector.load %arg1[%get3A_26, %get3A_27, %get3A_28, %get3A_29] : memref<8x8x128x128xf32, #tpu.memory_space<vmem>>, vector<1x1x128x128xf32>
    %get3A_31 = vector.shape_cast %get3A_30 : vector<1x1x128x128xf32> to vector<128x128xf32>
    %get3A_32 = arith.constant 2 : index
    %get3A_33 = arith.constant 0 : index
    %get3A_34 = arith.constant 0 : index
    %get3A_35 = arith.constant 0 : index
    %get3A_36 = vector.load %arg1[%get3A_32, %get3A_33, %get3A_34, %get3A_35] : memref<8x8x128x128xf32, #tpu.memory_space<vmem>>, vector<1x1x128x128xf32>
    %get3A_37 = vector.shape_cast %get3A_36 : vector<1x1x128x128xf32> to vector<128x128xf32>
    %get3A_38 = arith.constant 3 : index
    %get3A_39 = arith.constant 0 : index
    %get3A_40 = arith.constant 0 : index
    %get3A_41 = arith.constant 0 : index
    %get3A_42 = vector.load %arg1[%get3A_38, %get3A_39, %get3A_40, %get3A_41] : memref<8x8x128x128xf32, #tpu.memory_space<vmem>>, vector<1x1x128x128xf32>
    %get3A_43 = vector.shape_cast %get3A_42 : vector<1x1x128x128xf32> to vector<128x128xf32>
    %get3A_44 = arith.constant 4 : index
    %get3A_45 = arith.constant 0 : index
    %get3A_46 = arith.constant 0 : index
    %get3A_47 = arith.constant 0 : index
    %get3A_48 = vector.load %arg1[%get3A_44, %get3A_45, %get3A_46, %get3A_47] : memref<8x8x128x128xf32, #tpu.memory_space<vmem>>, vector<1x1x128x128xf32>
    %get3A_49 = vector.shape_cast %get3A_48 : vector<1x1x128x128xf32> to vector<128x128xf32>
    %get3A_50 = arith.constant 5 : index
    %get3A_51 = arith.constant 0 : index
    %get3A_52 = arith.constant 0 : index
    %get3A_53 = arith.constant 0 : index
    %get3A_54 = vector.load %arg1[%get3A_50, %get3A_51, %get3A_52, %get3A_53] : memref<8x8x128x128xf32, #tpu.memory_space<vmem>>, vector<1x1x128x128xf32>
    %get3A_55 = vector.shape_cast %get3A_54 : vector<1x1x128x128xf32> to vector<128x128xf32>
    %get3A_56 = arith.constant 6 : index
    %get3A_57 = arith.constant 0 : index
    %get3A_58 = arith.constant 0 : index
    %get3A_59 = arith.constant 0 : index
    %get3A_60 = vector.load %arg1[%get3A_56, %get3A_57, %get3A_58, %get3A_59] : memref<8x8x128x128xf32, #tpu.memory_space<vmem>>, vector<1x1x128x128xf32>
    %get3A_61 = vector.shape_cast %get3A_60 : vector<1x1x128x128xf32> to vector<128x128xf32>
    %get3A_62 = arith.constant 7 : index
    %get3A_63 = arith.constant 0 : index
    %get3A_64 = arith.constant 0 : index
    %get3A_65 = arith.constant 0 : index
    %get3A_66 = vector.load %arg1[%get3A_62, %get3A_63, %get3A_64, %get3A_65] : memref<8x8x128x128xf32, #tpu.memory_space<vmem>>, vector<1x1x128x128xf32>
    %get3A_67 = vector.shape_cast %get3A_66 : vector<1x1x128x128xf32> to vector<128x128xf32>
    %concatenate3A = tpu.concatenate %get3A_25, %get3A_31, %get3A_37, %get3A_43, %get3A_49, %get3A_55, %get3A_61, %get3A_67 in 0 : vector<128x128xf32>, vector<128x128xf32>, vector<128x128xf32>, vector<128x128xf32>, vector<128x128xf32>, vector<128x128xf32>, vector<128x128xf32>, vector<128x128xf32> -> vector<1024x128xf32>
    %get3A_68 = arith.constant 0 : index
    %get3A_69 = arith.constant 1 : index
    %get3A_70 = arith.constant 0 : index
    %get3A_71 = arith.constant 0 : index
    %get3A_72 = vector.load %arg1[%get3A_68, %get3A_69, %get3A_70, %get3A_71] : memref<8x8x128x128xf32, #tpu.memory_space<vmem>>, vector<1x1x128x128xf32>
    %get3A_73 = vector.shape_cast %get3A_72 : vector<1x1x128x128xf32> to vector<128x128xf32>
    %get3A_74 = arith.constant 1 : index
    %get3A_75 = arith.constant 1 : index
    %get3A_76 = arith.constant 0 : index
    %get3A_77 = arith.constant 0 : index
    %get3A_78 = vector.load %arg1[%get3A_74, %get3A_75, %get3A_76, %get3A_77] : memref<8x8x128x128xf32, #tpu.memory_space<vmem>>, vector<1x1x128x128xf32>
    %get3A_79 = vector.shape_cast %get3A_78 : vector<1x1x128x128xf32> to vector<128x128xf32>
    %get3A_80 = arith.constant 2 : index
    %get3A_81 = arith.constant 1 : index
    %get3A_82 = arith.constant 0 : index
    %get3A_83 = arith.constant 0 : index
    %get3A_84 = vector.load %arg1[%get3A_80, %get3A_81, %get3A_82, %get3A_83] : memref<8x8x128x128xf32, #tpu.memory_space<vmem>>, vector<1x1x128x128xf32>
    %get3A_85 = vector.shape_cast %get3A_84 : vector<1x1x128x128xf32> to vector<128x128xf32>
    %get3A_86 = arith.constant 3 : index
    %get3A_87 = arith.constant 1 : index
    %get3A_88 = arith.constant 0 : index
    %get3A_89 = arith.constant 0 : index
    %get3A_90 = vector.load %arg1[%get3A_86, %get3A_87, %get3A_88, %get3A_89] : memref<8x8x128x128xf32, #tpu.memory_space<vmem>>, vector<1x1x128x128xf32>
    %get3A_91 = vector.shape_cast %get3A_90 : vector<1x1x128x128xf32> to vector<128x128xf32>
    %get3A_92 = arith.constant 4 : index
    %get3A_93 = arith.constant 1 : index
    %get3A_94 = arith.constant 0 : index
    %get3A_95 = arith.constant 0 : index
    %get3A_96 = vector.load %arg1[%get3A_92, %get3A_93, %get3A_94, %get3A_95] : memref<8x8x128x128xf32, #tpu.memory_space<vmem>>, vector<1x1x128x128xf32>
    %get3A_97 = vector.shape_cast %get3A_96 : vector<1x1x128x128xf32> to vector<128x128xf32>
    %get3A_98 = arith.constant 5 : index
    %get3A_99 = arith.constant 1 : index
    %get3A_100 = arith.constant 0 : index
    %get3A_101 = arith.constant 0 : index
    %get3A_102 = vector.load %arg1[%get3A_98, %get3A_99, %get3A_100, %get3A_101] : memref<8x8x128x128xf32, #tpu.memory_space<vmem>>, vector<1x1x128x128xf32>
    %get3A_103 = vector.shape_cast %get3A_102 : vector<1x1x128x128xf32> to vector<128x128xf32>
    %get3A_104 = arith.constant 6 : index
    %get3A_105 = arith.constant 1 : index
    %get3A_106 = arith.constant 0 : index
    %get3A_107 = arith.constant 0 : index
    %get3A_108 = vector.load %arg1[%get3A_104, %get3A_105, %get3A_106, %get3A_107] : memref<8x8x128x128xf32, #tpu.memory_space<vmem>>, vector<1x1x128x128xf32>
    %get3A_109 = vector.shape_cast %get3A_108 : vector<1x1x128x128xf32> to vector<128x128xf32>
    %get3A_110 = arith.constant 7 : index
    %get3A_111 = arith.constant 1 : index
    %get3A_112 = arith.constant 0 : index
    %get3A_113 = arith.constant 0 : index
    %get3A_114 = vector.load %arg1[%get3A_110, %get3A_111, %get3A_112, %get3A_113] : memref<8x8x128x128xf32, #tpu.memory_space<vmem>>, vector<1x1x128x128xf32>
    %get3A_115 = vector.shape_cast %get3A_114 : vector<1x1x128x128xf32> to vector<128x128xf32>
    %concatenate3A_116 = tpu.concatenate %get3A_73, %get3A_79, %get3A_85, %get3A_91, %get3A_97, %get3A_103, %get3A_109, %get3A_115 in 0 : vector<128x128xf32>, vector<128x128xf32>, vector<128x128xf32>, vector<128x128xf32>, vector<128x128xf32>, vector<128x128xf32>, vector<128x128xf32>, vector<128x128xf32> -> vector<1024x128xf32>
    %get3A_117 = arith.constant 0 : index
    %get3A_118 = arith.constant 0 : index
    %get3A_119 = arith.constant 0 : index
    %get3A_120 = vector.load %arg3[%get3A_117, %get3A_118, %get3A_119] : memref<2x128x64xf32, #tpu.memory_space<vmem>>, vector<1x128x64xf32>
    %get3A_121 = vector.shape_cast %get3A_120 : vector<1x128x64xf32> to vector<128x64xf32>
    %dot_general3A_122 = arith.constant dense<0.000000e+00> : vector<1024x64xf32>
    %dot_general3A_123 = tpu.matmul %concatenate3A, %get3A_121, %dot_general3A_122 {dimension_numbers = #tpu.dot_dimension_numbers<[1], [0], [0], [1], [0, 0, 1, 1], [], []>, transpose_lhs_hint = false} : vector<1024x128xf32>, vector<128x64xf32>, vector<1024x64xf32> -> vector<1024x64xf32>
    %get3A_124 = arith.constant 1 : index
    %get3A_125 = arith.constant 0 : index
    %get3A_126 = arith.constant 0 : index
    %get3A_127 = vector.load %arg3[%get3A_124, %get3A_125, %get3A_126] : memref<2x128x64xf32, #tpu.memory_space<vmem>>, vector<1x128x64xf32>
    %get3A_128 = vector.shape_cast %get3A_127 : vector<1x128x64xf32> to vector<128x64xf32>
    %dot_general3A_129 = arith.constant dense<0.000000e+00> : vector<1024x64xf32>
    %dot_general3A_130 = tpu.matmul %concatenate3A_116, %get3A_128, %dot_general3A_129 {dimension_numbers = #tpu.dot_dimension_numbers<[1], [0], [0], [1], [0, 0, 1, 1], [], []>, transpose_lhs_hint = false} : vector<1024x128xf32>, vector<128x64xf32>, vector<1024x64xf32> -> vector<1024x64xf32>
    %add3A = arith.addf %dot_general3A_123, %dot_general3A_130 : vector<1024x64xf32>
    %add3A_131 = arith.addf %add3A, %sub3A_19 : vector<1024x64xf32>
    %get3A_132 = arith.constant 0 : index
    %get3A_133 = arith.constant 2 : index
    %get3A_134 = arith.constant 0 : index
    %get3A_135 = arith.constant 0 : index
    %get3A_136 = vector.load %arg1[%get3A_132, %get3A_133, %get3A_134, %get3A_135] : memref<8x8x128x128xf32, #tpu.memory_space<vmem>>, vector<1x1x128x128xf32>
    %get3A_137 = vector.shape_cast %get3A_136 : vector<1x1x128x128xf32> to vector<128x128xf32>
    %get3A_138 = arith.constant 1 : index
    %get3A_139 = arith.constant 2 : index
    %get3A_140 = arith.constant 0 : index
    %get3A_141 = arith.constant 0 : index
    %get3A_142 = vector.load %arg1[%get3A_138, %get3A_139, %get3A_140, %get3A_141] : memref<8x8x128x128xf32, #tpu.memory_space<vmem>>, vector<1x1x128x128xf32>
    %get3A_143 = vector.shape_cast %get3A_142 : vector<1x1x128x128xf32> to vector<128x128xf32>
    %get3A_144 = arith.constant 2 : index
    %get3A_145 = arith.constant 2 : index
    %get3A_146 = arith.constant 0 : index
    %get3A_147 = arith.constant 0 : index
    %get3A_148 = vector.load %arg1[%get3A_144, %get3A_145, %get3A_146, %get3A_147] : memref<8x8x128x128xf32, #tpu.memory_space<vmem>>, vector<1x1x128x128xf32>
    %get3A_149 = vector.shape_cast %get3A_148 : vector<1x1x128x128xf32> to vector<128x128xf32>
    %get3A_150 = arith.constant 3 : index
    %get3A_151 = arith.constant 2 : index
    %get3A_152 = arith.constant 0 : index
    %get3A_153 = arith.constant 0 : index
    %get3A_154 = vector.load %arg1[%get3A_150, %get3A_151, %get3A_152, %get3A_153] : memref<8x8x128x128xf32, #tpu.memory_space<vmem>>, vector<1x1x128x128xf32>
    %get3A_155 = vector.shape_cast %get3A_154 : vector<1x1x128x128xf32> to vector<128x128xf32>
    %get3A_156 = arith.constant 4 : index
    %get3A_157 = arith.constant 2 : index
    %get3A_158 = arith.constant 0 : index
    %get3A_159 = arith.constant 0 : index
    %get3A_160 = vector.load %arg1[%get3A_156, %get3A_157, %get3A_158, %get3A_159] : memref<8x8x128x128xf32, #tpu.memory_space<vmem>>, vector<1x1x128x128xf32>
    %get3A_161 = vector.shape_cast %get3A_160 : vector<1x1x128x128xf32> to vector<128x128xf32>
    %get3A_162 = arith.constant 5 : index
    %get3A_163 = arith.constant 2 : index
    %get3A_164 = arith.constant 0 : index
    %get3A_165 = arith.constant 0 : index
    %get3A_166 = vector.load %arg1[%get3A_162, %get3A_163, %get3A_164, %get3A_165] : memref<8x8x128x128xf32, #tpu.memory_space<vmem>>, vector<1x1x128x128xf32>
    %get3A_167 = vector.shape_cast %get3A_166 : vector<1x1x128x128xf32> to vector<128x128xf32>
    %get3A_168 = arith.constant 6 : index
    %get3A_169 = arith.constant 2 : index
    %get3A_170 = arith.constant 0 : index
    %get3A_171 = arith.constant 0 : index
    %get3A_172 = vector.load %arg1[%get3A_168, %get3A_169, %get3A_170, %get3A_171] : memref<8x8x128x128xf32, #tpu.memory_space<vmem>>, vector<1x1x128x128xf32>
    %get3A_173 = vector.shape_cast %get3A_172 : vector<1x1x128x128xf32> to vector<128x128xf32>
    %get3A_174 = arith.constant 7 : index
    %get3A_175 = arith.constant 2 : index
    %get3A_176 = arith.constant 0 : index
    %get3A_177 = arith.constant 0 : index
    %get3A_178 = vector.load %arg1[%get3A_174, %get3A_175, %get3A_176, %get3A_177] : memref<8x8x128x128xf32, #tpu.memory_space<vmem>>, vector<1x1x128x128xf32>
    %get3A_179 = vector.shape_cast %get3A_178 : vector<1x1x128x128xf32> to vector<128x128xf32>
    %concatenate3A_180 = tpu.concatenate %get3A_137, %get3A_143, %get3A_149, %get3A_155, %get3A_161, %get3A_167, %get3A_173, %get3A_179 in 0 : vector<128x128xf32>, vector<128x128xf32>, vector<128x128xf32>, vector<128x128xf32>, vector<128x128xf32>, vector<128x128xf32>, vector<128x128xf32>, vector<128x128xf32> -> vector<1024x128xf32>
    %get3A_181 = arith.constant 0 : index
    %get3A_182 = arith.constant 3 : index
    %get3A_183 = arith.constant 0 : index
    %get3A_184 = arith.constant 0 : index
    %get3A_185 = vector.load %arg1[%get3A_181, %get3A_182, %get3A_183, %get3A_184] : memref<8x8x128x128xf32, #tpu.memory_space<vmem>>, vector<1x1x128x128xf32>
    %get3A_186 = vector.shape_cast %get3A_185 : vector<1x1x128x128xf32> to vector<128x128xf32>
    %get3A_187 = arith.constant 1 : index
    %get3A_188 = arith.constant 3 : index
    %get3A_189 = arith.constant 0 : index
    %get3A_190 = arith.constant 0 : index
    %get3A_191 = vector.load %arg1[%get3A_187, %get3A_188, %get3A_189, %get3A_190] : memref<8x8x128x128xf32, #tpu.memory_space<vmem>>, vector<1x1x128x128xf32>
    %get3A_192 = vector.shape_cast %get3A_191 : vector<1x1x128x128xf32> to vector<128x128xf32>
    %get3A_193 = arith.constant 2 : index
    %get3A_194 = arith.constant 3 : index
    %get3A_195 = arith.constant 0 : index
    %get3A_196 = arith.constant 0 : index
    %get3A_197 = vector.load %arg1[%get3A_193, %get3A_194, %get3A_195, %get3A_196] : memref<8x8x128x128xf32, #tpu.memory_space<vmem>>, vector<1x1x128x128xf32>
    %get3A_198 = vector.shape_cast %get3A_197 : vector<1x1x128x128xf32> to vector<128x128xf32>
    %get3A_199 = arith.constant 3 : index
    %get3A_200 = arith.constant 3 : index
    %get3A_201 = arith.constant 0 : index
    %get3A_202 = arith.constant 0 : index
    %get3A_203 = vector.load %arg1[%get3A_199, %get3A_200, %get3A_201, %get3A_202] : memref<8x8x128x128xf32, #tpu.memory_space<vmem>>, vector<1x1x128x128xf32>
    %get3A_204 = vector.shape_cast %get3A_203 : vector<1x1x128x128xf32> to vector<128x128xf32>
    %get3A_205 = arith.constant 4 : index
    %get3A_206 = arith.constant 3 : index
    %get3A_207 = arith.constant 0 : index
    %get3A_208 = arith.constant 0 : index
    %get3A_209 = vector.load %arg1[%get3A_205, %get3A_206, %get3A_207, %get3A_208] : memref<8x8x128x128xf32, #tpu.memory_space<vmem>>, vector<1x1x128x128xf32>
    %get3A_210 = vector.shape_cast %get3A_209 : vector<1x1x128x128xf32> to vector<128x128xf32>
    %get3A_211 = arith.constant 5 : index
    %get3A_212 = arith.constant 3 : index
    %get3A_213 = arith.constant 0 : index
    %get3A_214 = arith.constant 0 : index
    %get3A_215 = vector.load %arg1[%get3A_211, %get3A_212, %get3A_213, %get3A_214] : memref<8x8x128x128xf32, #tpu.memory_space<vmem>>, vector<1x1x128x128xf32>
    %get3A_216 = vector.shape_cast %get3A_215 : vector<1x1x128x128xf32> to vector<128x128xf32>
    %get3A_217 = arith.constant 6 : index
    %get3A_218 = arith.constant 3 : index
    %get3A_219 = arith.constant 0 : index
    %get3A_220 = arith.constant 0 : index
    %get3A_221 = vector.load %arg1[%get3A_217, %get3A_218, %get3A_219, %get3A_220] : memref<8x8x128x128xf32, #tpu.memory_space<vmem>>, vector<1x1x128x128xf32>
    %get3A_222 = vector.shape_cast %get3A_221 : vector<1x1x128x128xf32> to vector<128x128xf32>
    %get3A_223 = arith.constant 7 : index
    %get3A_224 = arith.constant 3 : index
    %get3A_225 = arith.constant 0 : index
    %get3A_226 = arith.constant 0 : index
    %get3A_227 = vector.load %arg1[%get3A_223, %get3A_224, %get3A_225, %get3A_226] : memref<8x8x128x128xf32, #tpu.memory_space<vmem>>, vector<1x1x128x128xf32>
    %get3A_228 = vector.shape_cast %get3A_227 : vector<1x1x128x128xf32> to vector<128x128xf32>
    %concatenate3A_229 = tpu.concatenate %get3A_186, %get3A_192, %get3A_198, %get3A_204, %get3A_210, %get3A_216, %get3A_222, %get3A_228 in 0 : vector<128x128xf32>, vector<128x128xf32>, vector<128x128xf32>, vector<128x128xf32>, vector<128x128xf32>, vector<128x128xf32>, vector<128x128xf32>, vector<128x128xf32> -> vector<1024x128xf32>
    %get3A_230 = arith.constant 0 : index
    %get3A_231 = arith.constant 0 : index
    %get3A_232 = arith.constant 0 : index
    %get3A_233 = vector.load %arg3[%get3A_230, %get3A_231, %get3A_232] : memref<2x128x64xf32, #tpu.memory_space<vmem>>, vector<1x128x64xf32>
    %get3A_234 = vector.shape_cast %get3A_233 : vector<1x128x64xf32> to vector<128x64xf32>
    %dot_general3A_235 = arith.constant dense<0.000000e+00> : vector<1024x64xf32>
    %dot_general3A_236 = tpu.matmul %concatenate3A_180, %get3A_234, %dot_general3A_235 {dimension_numbers = #tpu.dot_dimension_numbers<[1], [0], [0], [1], [0, 0, 1, 1], [], []>, transpose_lhs_hint = false} : vector<1024x128xf32>, vector<128x64xf32>, vector<1024x64xf32> -> vector<1024x64xf32>
    %get3A_237 = arith.constant 1 : index
    %get3A_238 = arith.constant 0 : index
    %get3A_239 = arith.constant 0 : index
    %get3A_240 = vector.load %arg3[%get3A_237, %get3A_238, %get3A_239] : memref<2x128x64xf32, #tpu.memory_space<vmem>>, vector<1x128x64xf32>
    %get3A_241 = vector.shape_cast %get3A_240 : vector<1x128x64xf32> to vector<128x64xf32>
    %dot_general3A_242 = arith.constant dense<0.000000e+00> : vector<1024x64xf32>
    %dot_general3A_243 = tpu.matmul %concatenate3A_229, %get3A_241, %dot_general3A_242 {dimension_numbers = #tpu.dot_dimension_numbers<[1], [0], [0], [1], [0, 0, 1, 1], [], []>, transpose_lhs_hint = false} : vector<1024x128xf32>, vector<128x64xf32>, vector<1024x64xf32> -> vector<1024x64xf32>
    %add3A_244 = arith.addf %dot_general3A_236, %dot_general3A_243 : vector<1024x64xf32>
    %add3A_245 = arith.addf %add3A_244, %sub3A_19 : vector<1024x64xf32>
    %get3A_246 = arith.constant 0 : index
    %get3A_247 = arith.constant 4 : index
    %get3A_248 = arith.constant 0 : index
    %get3A_249 = arith.constant 0 : index
    %get3A_250 = vector.load %arg1[%get3A_246, %get3A_247, %get3A_248, %get3A_249] : memref<8x8x128x128xf32, #tpu.memory_space<vmem>>, vector<1x1x128x128xf32>
    %get3A_251 = vector.shape_cast %get3A_250 : vector<1x1x128x128xf32> to vector<128x128xf32>
    %get3A_252 = arith.constant 1 : index
    %get3A_253 = arith.constant 4 : index
    %get3A_254 = arith.constant 0 : index
    %get3A_255 = arith.constant 0 : index
    %get3A_256 = vector.load %arg1[%get3A_252, %get3A_253, %get3A_254, %get3A_255] : memref<8x8x128x128xf32, #tpu.memory_space<vmem>>, vector<1x1x128x128xf32>
    %get3A_257 = vector.shape_cast %get3A_256 : vector<1x1x128x128xf32> to vector<128x128xf32>
    %get3A_258 = arith.constant 2 : index
    %get3A_259 = arith.constant 4 : index
    %get3A_260 = arith.constant 0 : index
    %get3A_261 = arith.constant 0 : index
    %get3A_262 = vector.load %arg1[%get3A_258, %get3A_259, %get3A_260, %get3A_261] : memref<8x8x128x128xf32, #tpu.memory_space<vmem>>, vector<1x1x128x128xf32>
    %get3A_263 = vector.shape_cast %get3A_262 : vector<1x1x128x128xf32> to vector<128x128xf32>
    %get3A_264 = arith.constant 3 : index
    %get3A_265 = arith.constant 4 : index
    %get3A_266 = arith.constant 0 : index
    %get3A_267 = arith.constant 0 : index
    %get3A_268 = vector.load %arg1[%get3A_264, %get3A_265, %get3A_266, %get3A_267] : memref<8x8x128x128xf32, #tpu.memory_space<vmem>>, vector<1x1x128x128xf32>
    %get3A_269 = vector.shape_cast %get3A_268 : vector<1x1x128x128xf32> to vector<128x128xf32>
    %get3A_270 = arith.constant 4 : index
    %get3A_271 = arith.constant 4 : index
    %get3A_272 = arith.constant 0 : index
    %get3A_273 = arith.constant 0 : index
    %get3A_274 = vector.load %arg1[%get3A_270, %get3A_271, %get3A_272, %get3A_273] : memref<8x8x128x128xf32, #tpu.memory_space<vmem>>, vector<1x1x128x128xf32>
    %get3A_275 = vector.shape_cast %get3A_274 : vector<1x1x128x128xf32> to vector<128x128xf32>
    %get3A_276 = arith.constant 5 : index
    %get3A_277 = arith.constant 4 : index
    %get3A_278 = arith.constant 0 : index
    %get3A_279 = arith.constant 0 : index
    %get3A_280 = vector.load %arg1[%get3A_276, %get3A_277, %get3A_278, %get3A_279] : memref<8x8x128x128xf32, #tpu.memory_space<vmem>>, vector<1x1x128x128xf32>
    %get3A_281 = vector.shape_cast %get3A_280 : vector<1x1x128x128xf32> to vector<128x128xf32>
    %get3A_282 = arith.constant 6 : index
    %get3A_283 = arith.constant 4 : index
    %get3A_284 = arith.constant 0 : index
    %get3A_285 = arith.constant 0 : index
    %get3A_286 = vector.load %arg1[%get3A_282, %get3A_283, %get3A_284, %get3A_285] : memref<8x8x128x128xf32, #tpu.memory_space<vmem>>, vector<1x1x128x128xf32>
    %get3A_287 = vector.shape_cast %get3A_286 : vector<1x1x128x128xf32> to vector<128x128xf32>
    %get3A_288 = arith.constant 7 : index
    %get3A_289 = arith.constant 4 : index
    %get3A_290 = arith.constant 0 : index
    %get3A_291 = arith.constant 0 : index
    %get3A_292 = vector.load %arg1[%get3A_288, %get3A_289, %get3A_290, %get3A_291] : memref<8x8x128x128xf32, #tpu.memory_space<vmem>>, vector<1x1x128x128xf32>
    %get3A_293 = vector.shape_cast %get3A_292 : vector<1x1x128x128xf32> to vector<128x128xf32>
    %concatenate3A_294 = tpu.concatenate %get3A_251, %get3A_257, %get3A_263, %get3A_269, %get3A_275, %get3A_281, %get3A_287, %get3A_293 in 0 : vector<128x128xf32>, vector<128x128xf32>, vector<128x128xf32>, vector<128x128xf32>, vector<128x128xf32>, vector<128x128xf32>, vector<128x128xf32>, vector<128x128xf32> -> vector<1024x128xf32>
    %get3A_295 = arith.constant 0 : index
    %get3A_296 = arith.constant 5 : index
    %get3A_297 = arith.constant 0 : index
    %get3A_298 = arith.constant 0 : index
    %get3A_299 = vector.load %arg1[%get3A_295, %get3A_296, %get3A_297, %get3A_298] : memref<8x8x128x128xf32, #tpu.memory_space<vmem>>, vector<1x1x128x128xf32>
    %get3A_300 = vector.shape_cast %get3A_299 : vector<1x1x128x128xf32> to vector<128x128xf32>
    %get3A_301 = arith.constant 1 : index
    %get3A_302 = arith.constant 5 : index
    %get3A_303 = arith.constant 0 : index
    %get3A_304 = arith.constant 0 : index
    %get3A_305 = vector.load %arg1[%get3A_301, %get3A_302, %get3A_303, %get3A_304] : memref<8x8x128x128xf32, #tpu.memory_space<vmem>>, vector<1x1x128x128xf32>
    %get3A_306 = vector.shape_cast %get3A_305 : vector<1x1x128x128xf32> to vector<128x128xf32>
    %get3A_307 = arith.constant 2 : index
    %get3A_308 = arith.constant 5 : index
    %get3A_309 = arith.constant 0 : index
    %get3A_310 = arith.constant 0 : index
    %get3A_311 = vector.load %arg1[%get3A_307, %get3A_308, %get3A_309, %get3A_310] : memref<8x8x128x128xf32, #tpu.memory_space<vmem>>, vector<1x1x128x128xf32>
    %get3A_312 = vector.shape_cast %get3A_311 : vector<1x1x128x128xf32> to vector<128x128xf32>
    %get3A_313 = arith.constant 3 : index
    %get3A_314 = arith.constant 5 : index
    %get3A_315 = arith.constant 0 : index
    %get3A_316 = arith.constant 0 : index
    %get3A_317 = vector.load %arg1[%get3A_313, %get3A_314, %get3A_315, %get3A_316] : memref<8x8x128x128xf32, #tpu.memory_space<vmem>>, vector<1x1x128x128xf32>
    %get3A_318 = vector.shape_cast %get3A_317 : vector<1x1x128x128xf32> to vector<128x128xf32>
    %get3A_319 = arith.constant 4 : index
    %get3A_320 = arith.constant 5 : index
    %get3A_321 = arith.constant 0 : index
    %get3A_322 = arith.constant 0 : index
    %get3A_323 = vector.load %arg1[%get3A_319, %get3A_320, %get3A_321, %get3A_322] : memref<8x8x128x128xf32, #tpu.memory_space<vmem>>, vector<1x1x128x128xf32>
    %get3A_324 = vector.shape_cast %get3A_323 : vector<1x1x128x128xf32> to vector<128x128xf32>
    %get3A_325 = arith.constant 5 : index
    %get3A_326 = arith.constant 5 : index
    %get3A_327 = arith.constant 0 : index
    %get3A_328 = arith.constant 0 : index
    %get3A_329 = vector.load %arg1[%get3A_325, %get3A_326, %get3A_327, %get3A_328] : memref<8x8x128x128xf32, #tpu.memory_space<vmem>>, vector<1x1x128x128xf32>
    %get3A_330 = vector.shape_cast %get3A_329 : vector<1x1x128x128xf32> to vector<128x128xf32>
    %get3A_331 = arith.constant 6 : index
    %get3A_332 = arith.constant 5 : index
    %get3A_333 = arith.constant 0 : index
    %get3A_334 = arith.constant 0 : index
    %get3A_335 = vector.load %arg1[%get3A_331, %get3A_332, %get3A_333, %get3A_334] : memref<8x8x128x128xf32, #tpu.memory_space<vmem>>, vector<1x1x128x128xf32>
    %get3A_336 = vector.shape_cast %get3A_335 : vector<1x1x128x128xf32> to vector<128x128xf32>
    %get3A_337 = arith.constant 7 : index
    %get3A_338 = arith.constant 5 : index
    %get3A_339 = arith.constant 0 : index
    %get3A_340 = arith.constant 0 : index
    %get3A_341 = vector.load %arg1[%get3A_337, %get3A_338, %get3A_339, %get3A_340] : memref<8x8x128x128xf32, #tpu.memory_space<vmem>>, vector<1x1x128x128xf32>
    %get3A_342 = vector.shape_cast %get3A_341 : vector<1x1x128x128xf32> to vector<128x128xf32>
    %concatenate3A_343 = tpu.concatenate %get3A_300, %get3A_306, %get3A_312, %get3A_318, %get3A_324, %get3A_330, %get3A_336, %get3A_342 in 0 : vector<128x128xf32>, vector<128x128xf32>, vector<128x128xf32>, vector<128x128xf32>, vector<128x128xf32>, vector<128x128xf32>, vector<128x128xf32>, vector<128x128xf32> -> vector<1024x128xf32>
    %get3A_344 = arith.constant 0 : index
    %get3A_345 = arith.constant 0 : index
    %get3A_346 = arith.constant 0 : index
    %get3A_347 = vector.load %arg3[%get3A_344, %get3A_345, %get3A_346] : memref<2x128x64xf32, #tpu.memory_space<vmem>>, vector<1x128x64xf32>
    %get3A_348 = vector.shape_cast %get3A_347 : vector<1x128x64xf32> to vector<128x64xf32>
    %dot_general3A_349 = arith.constant dense<0.000000e+00> : vector<1024x64xf32>
    %dot_general3A_350 = tpu.matmul %concatenate3A_294, %get3A_348, %dot_general3A_349 {dimension_numbers = #tpu.dot_dimension_numbers<[1], [0], [0], [1], [0, 0, 1, 1], [], []>, transpose_lhs_hint = false} : vector<1024x128xf32>, vector<128x64xf32>, vector<1024x64xf32> -> vector<1024x64xf32>
    %get3A_351 = arith.constant 1 : index
    %get3A_352 = arith.constant 0 : index
    %get3A_353 = arith.constant 0 : index
    %get3A_354 = vector.load %arg3[%get3A_351, %get3A_352, %get3A_353] : memref<2x128x64xf32, #tpu.memory_space<vmem>>, vector<1x128x64xf32>
    %get3A_355 = vector.shape_cast %get3A_354 : vector<1x128x64xf32> to vector<128x64xf32>
    %dot_general3A_356 = arith.constant dense<0.000000e+00> : vector<1024x64xf32>
    %dot_general3A_357 = tpu.matmul %concatenate3A_343, %get3A_355, %dot_general3A_356 {dimension_numbers = #tpu.dot_dimension_numbers<[1], [0], [0], [1], [0, 0, 1, 1], [], []>, transpose_lhs_hint = false} : vector<1024x128xf32>, vector<128x64xf32>, vector<1024x64xf32> -> vector<1024x64xf32>
    %add3A_358 = arith.addf %dot_general3A_350, %dot_general3A_357 : vector<1024x64xf32>
    %add3A_359 = arith.addf %add3A_358, %sub3A_19 : vector<1024x64xf32>
    %get3A_360 = arith.constant 0 : index
    %get3A_361 = arith.constant 6 : index
    %get3A_362 = arith.constant 0 : index
    %get3A_363 = arith.constant 0 : index
    %get3A_364 = vector.load %arg1[%get3A_360, %get3A_361, %get3A_362, %get3A_363] : memref<8x8x128x128xf32, #tpu.memory_space<vmem>>, vector<1x1x128x128xf32>
    %get3A_365 = vector.shape_cast %get3A_364 : vector<1x1x128x128xf32> to vector<128x128xf32>
    %get3A_366 = arith.constant 1 : index
    %get3A_367 = arith.constant 6 : index
    %get3A_368 = arith.constant 0 : index
    %get3A_369 = arith.constant 0 : index
    %get3A_370 = vector.load %arg1[%get3A_366, %get3A_367, %get3A_368, %get3A_369] : memref<8x8x128x128xf32, #tpu.memory_space<vmem>>, vector<1x1x128x128xf32>
    %get3A_371 = vector.shape_cast %get3A_370 : vector<1x1x128x128xf32> to vector<128x128xf32>
    %get3A_372 = arith.constant 2 : index
    %get3A_373 = arith.constant 6 : index
    %get3A_374 = arith.constant 0 : index
    %get3A_375 = arith.constant 0 : index
    %get3A_376 = vector.load %arg1[%get3A_372, %get3A_373, %get3A_374, %get3A_375] : memref<8x8x128x128xf32, #tpu.memory_space<vmem>>, vector<1x1x128x128xf32>
    %get3A_377 = vector.shape_cast %get3A_376 : vector<1x1x128x128xf32> to vector<128x128xf32>
    %get3A_378 = arith.constant 3 : index
    %get3A_379 = arith.constant 6 : index
    %get3A_380 = arith.constant 0 : index
    %get3A_381 = arith.constant 0 : index
    %get3A_382 = vector.load %arg1[%get3A_378, %get3A_379, %get3A_380, %get3A_381] : memref<8x8x128x128xf32, #tpu.memory_space<vmem>>, vector<1x1x128x128xf32>
    %get3A_383 = vector.shape_cast %get3A_382 : vector<1x1x128x128xf32> to vector<128x128xf32>
    %get3A_384 = arith.constant 4 : index
    %get3A_385 = arith.constant 6 : index
    %get3A_386 = arith.constant 0 : index
    %get3A_387 = arith.constant 0 : index
    %get3A_388 = vector.load %arg1[%get3A_384, %get3A_385, %get3A_386, %get3A_387] : memref<8x8x128x128xf32, #tpu.memory_space<vmem>>, vector<1x1x128x128xf32>
    %get3A_389 = vector.shape_cast %get3A_388 : vector<1x1x128x128xf32> to vector<128x128xf32>
    %get3A_390 = arith.constant 5 : index
    %get3A_391 = arith.constant 6 : index
    %get3A_392 = arith.constant 0 : index
    %get3A_393 = arith.constant 0 : index
    %get3A_394 = vector.load %arg1[%get3A_390, %get3A_391, %get3A_392, %get3A_393] : memref<8x8x128x128xf32, #tpu.memory_space<vmem>>, vector<1x1x128x128xf32>
    %get3A_395 = vector.shape_cast %get3A_394 : vector<1x1x128x128xf32> to vector<128x128xf32>
    %get3A_396 = arith.constant 6 : index
    %get3A_397 = arith.constant 6 : index
    %get3A_398 = arith.constant 0 : index
    %get3A_399 = arith.constant 0 : index
    %get3A_400 = vector.load %arg1[%get3A_396, %get3A_397, %get3A_398, %get3A_399] : memref<8x8x128x128xf32, #tpu.memory_space<vmem>>, vector<1x1x128x128xf32>
    %get3A_401 = vector.shape_cast %get3A_400 : vector<1x1x128x128xf32> to vector<128x128xf32>
    %get3A_402 = arith.constant 7 : index
    %get3A_403 = arith.constant 6 : index
    %get3A_404 = arith.constant 0 : index
    %get3A_405 = arith.constant 0 : index
    %get3A_406 = vector.load %arg1[%get3A_402, %get3A_403, %get3A_404, %get3A_405] : memref<8x8x128x128xf32, #tpu.memory_space<vmem>>, vector<1x1x128x128xf32>
    %get3A_407 = vector.shape_cast %get3A_406 : vector<1x1x128x128xf32> to vector<128x128xf32>
    %concatenate3A_408 = tpu.concatenate %get3A_365, %get3A_371, %get3A_377, %get3A_383, %get3A_389, %get3A_395, %get3A_401, %get3A_407 in 0 : vector<128x128xf32>, vector<128x128xf32>, vector<128x128xf32>, vector<128x128xf32>, vector<128x128xf32>, vector<128x128xf32>, vector<128x128xf32>, vector<128x128xf32> -> vector<1024x128xf32>
    %get3A_409 = arith.constant 0 : index
    %get3A_410 = arith.constant 7 : index
    %get3A_411 = arith.constant 0 : index
    %get3A_412 = arith.constant 0 : index
    %get3A_413 = vector.load %arg1[%get3A_409, %get3A_410, %get3A_411, %get3A_412] : memref<8x8x128x128xf32, #tpu.memory_space<vmem>>, vector<1x1x128x128xf32>
    %get3A_414 = vector.shape_cast %get3A_413 : vector<1x1x128x128xf32> to vector<128x128xf32>
    %get3A_415 = arith.constant 1 : index
    %get3A_416 = arith.constant 7 : index
    %get3A_417 = arith.constant 0 : index
    %get3A_418 = arith.constant 0 : index
    %get3A_419 = vector.load %arg1[%get3A_415, %get3A_416, %get3A_417, %get3A_418] : memref<8x8x128x128xf32, #tpu.memory_space<vmem>>, vector<1x1x128x128xf32>
    %get3A_420 = vector.shape_cast %get3A_419 : vector<1x1x128x128xf32> to vector<128x128xf32>
    %get3A_421 = arith.constant 2 : index
    %get3A_422 = arith.constant 7 : index
    %get3A_423 = arith.constant 0 : index
    %get3A_424 = arith.constant 0 : index
    %get3A_425 = vector.load %arg1[%get3A_421, %get3A_422, %get3A_423, %get3A_424] : memref<8x8x128x128xf32, #tpu.memory_space<vmem>>, vector<1x1x128x128xf32>
    %get3A_426 = vector.shape_cast %get3A_425 : vector<1x1x128x128xf32> to vector<128x128xf32>
    %get3A_427 = arith.constant 3 : index
    %get3A_428 = arith.constant 7 : index
    %get3A_429 = arith.constant 0 : index
    %get3A_430 = arith.constant 0 : index
    %get3A_431 = vector.load %arg1[%get3A_427, %get3A_428, %get3A_429, %get3A_430] : memref<8x8x128x128xf32, #tpu.memory_space<vmem>>, vector<1x1x128x128xf32>
    %get3A_432 = vector.shape_cast %get3A_431 : vector<1x1x128x128xf32> to vector<128x128xf32>
    %get3A_433 = arith.constant 4 : index
    %get3A_434 = arith.constant 7 : index
    %get3A_435 = arith.constant 0 : index
    %get3A_436 = arith.constant 0 : index
    %get3A_437 = vector.load %arg1[%get3A_433, %get3A_434, %get3A_435, %get3A_436] : memref<8x8x128x128xf32, #tpu.memory_space<vmem>>, vector<1x1x128x128xf32>
    %get3A_438 = vector.shape_cast %get3A_437 : vector<1x1x128x128xf32> to vector<128x128xf32>
    %get3A_439 = arith.constant 5 : index
    %get3A_440 = arith.constant 7 : index
    %get3A_441 = arith.constant 0 : index
    %get3A_442 = arith.constant 0 : index
    %get3A_443 = vector.load %arg1[%get3A_439, %get3A_440, %get3A_441, %get3A_442] : memref<8x8x128x128xf32, #tpu.memory_space<vmem>>, vector<1x1x128x128xf32>
    %get3A_444 = vector.shape_cast %get3A_443 : vector<1x1x128x128xf32> to vector<128x128xf32>
    %get3A_445 = arith.constant 6 : index
    %get3A_446 = arith.constant 7 : index
    %get3A_447 = arith.constant 0 : index
    %get3A_448 = arith.constant 0 : index
    %get3A_449 = vector.load %arg1[%get3A_445, %get3A_446, %get3A_447, %get3A_448] : memref<8x8x128x128xf32, #tpu.memory_space<vmem>>, vector<1x1x128x128xf32>
    %get3A_450 = vector.shape_cast %get3A_449 : vector<1x1x128x128xf32> to vector<128x128xf32>
    %get3A_451 = arith.constant 7 : index
    %get3A_452 = arith.constant 7 : index
    %get3A_453 = arith.constant 0 : index
    %get3A_454 = arith.constant 0 : index
    %get3A_455 = vector.load %arg1[%get3A_451, %get3A_452, %get3A_453, %get3A_454] : memref<8x8x128x128xf32, #tpu.memory_space<vmem>>, vector<1x1x128x128xf32>
    %get3A_456 = vector.shape_cast %get3A_455 : vector<1x1x128x128xf32> to vector<128x128xf32>
    %concatenate3A_457 = tpu.concatenate %get3A_414, %get3A_420, %get3A_426, %get3A_432, %get3A_438, %get3A_444, %get3A_450, %get3A_456 in 0 : vector<128x128xf32>, vector<128x128xf32>, vector<128x128xf32>, vector<128x128xf32>, vector<128x128xf32>, vector<128x128xf32>, vector<128x128xf32>, vector<128x128xf32> -> vector<1024x128xf32>
    %get3A_458 = arith.constant 0 : index
    %get3A_459 = arith.constant 0 : index
    %get3A_460 = arith.constant 0 : index
    %get3A_461 = vector.load %arg3[%get3A_458, %get3A_459, %get3A_460] : memref<2x128x64xf32, #tpu.memory_space<vmem>>, vector<1x128x64xf32>
    %get3A_462 = vector.shape_cast %get3A_461 : vector<1x128x64xf32> to vector<128x64xf32>
    %dot_general3A_463 = arith.constant dense<0.000000e+00> : vector<1024x64xf32>
    %dot_general3A_464 = tpu.matmul %concatenate3A_408, %get3A_462, %dot_general3A_463 {dimension_numbers = #tpu.dot_dimension_numbers<[1], [0], [0], [1], [0, 0, 1, 1], [], []>, transpose_lhs_hint = false} : vector<1024x128xf32>, vector<128x64xf32>, vector<1024x64xf32> -> vector<1024x64xf32>
    %get3A_465 = arith.constant 1 : index
    %get3A_466 = arith.constant 0 : index
    %get3A_467 = arith.constant 0 : index
    %get3A_468 = vector.load %arg3[%get3A_465, %get3A_466, %get3A_467] : memref<2x128x64xf32, #tpu.memory_space<vmem>>, vector<1x128x64xf32>
    %get3A_469 = vector.shape_cast %get3A_468 : vector<1x128x64xf32> to vector<128x64xf32>
    %dot_general3A_470 = arith.constant dense<0.000000e+00> : vector<1024x64xf32>
    %dot_general3A_471 = tpu.matmul %concatenate3A_457, %get3A_469, %dot_general3A_470 {dimension_numbers = #tpu.dot_dimension_numbers<[1], [0], [0], [1], [0, 0, 1, 1], [], []>, transpose_lhs_hint = false} : vector<1024x128xf32>, vector<128x64xf32>, vector<1024x64xf32> -> vector<1024x64xf32>
    %add3A_472 = arith.addf %dot_general3A_464, %dot_general3A_471 : vector<1024x64xf32>
    %add3A_473 = arith.addf %add3A_472, %sub3A_19 : vector<1024x64xf32>
    %get3A_474 = arith.constant 0 : index
    %get3A_475 = arith.constant 0 : index
    %get3A_476 = arith.constant 0 : index
    %get3A_477 = vector.load %arg4[%get3A_474, %get3A_475, %get3A_476] : memref<2x64x64xf32, #tpu.memory_space<vmem>>, vector<1x64x64xf32>
    %get3A_478 = vector.shape_cast %get3A_477 : vector<1x64x64xf32> to vector<64x64xf32>
    %dot_general3A_479 = arith.constant dense<0.000000e+00> : vector<1024x64xf32>
    %dot_general3A_480 = tpu.matmul %add3A_131, %get3A_478, %dot_general3A_479 {dimension_numbers = #tpu.dot_dimension_numbers<[1], [0], [0], [1], [0, 0, 1, 1], [], []>, transpose_lhs_hint = false} : vector<1024x64xf32>, vector<64x64xf32>, vector<1024x64xf32> -> vector<1024x64xf32>
    %get3A_481 = arith.constant 1 : index
    %get3A_482 = arith.constant 0 : index
    %get3A_483 = arith.constant 0 : index
    %get3A_484 = vector.load %arg4[%get3A_481, %get3A_482, %get3A_483] : memref<2x64x64xf32, #tpu.memory_space<vmem>>, vector<1x64x64xf32>
    %get3A_485 = vector.shape_cast %get3A_484 : vector<1x64x64xf32> to vector<64x64xf32>
    %dot_general3A_486 = arith.constant dense<0.000000e+00> : vector<1024x64xf32>
    %dot_general3A_487 = tpu.matmul %add3A_245, %get3A_485, %dot_general3A_486 {dimension_numbers = #tpu.dot_dimension_numbers<[1], [0], [0], [1], [0, 0, 1, 1], [], []>, transpose_lhs_hint = false} : vector<1024x64xf32>, vector<64x64xf32>, vector<1024x64xf32> -> vector<1024x64xf32>
    %add3A_488 = arith.addf %dot_general3A_480, %dot_general3A_487 : vector<1024x64xf32>
    %get3A_489 = arith.constant 0 : index
    %get3A_490 = arith.constant 0 : index
    %get3A_491 = vector.load %arg7[%get3A_489, %get3A_490] : memref<1x64xf32, #tpu.memory_space<vmem>>, vector<1x64xf32>
    %add3A_492 = vector.broadcast %get3A_491 : vector<1x64xf32> to vector<1024x64xf32>
    %add3A_493 = arith.addf %add3A_488, %add3A_492 : vector<1024x64xf32>
    %get3A_494 = arith.constant 0 : index
    %get3A_495 = arith.constant 0 : index
    %get3A_496 = arith.constant 0 : index
    %get3A_497 = vector.load %arg4[%get3A_494, %get3A_495, %get3A_496] : memref<2x64x64xf32, #tpu.memory_space<vmem>>, vector<1x64x64xf32>
    %get3A_498 = vector.shape_cast %get3A_497 : vector<1x64x64xf32> to vector<64x64xf32>
    %dot_general3A_499 = arith.constant dense<0.000000e+00> : vector<1024x64xf32>
    %dot_general3A_500 = tpu.matmul %add3A_359, %get3A_498, %dot_general3A_499 {dimension_numbers = #tpu.dot_dimension_numbers<[1], [0], [0], [1], [0, 0, 1, 1], [], []>, transpose_lhs_hint = false} : vector<1024x64xf32>, vector<64x64xf32>, vector<1024x64xf32> -> vector<1024x64xf32>
    %get3A_501 = arith.constant 1 : index
    %get3A_502 = arith.constant 0 : index
    %get3A_503 = arith.constant 0 : index
    %get3A_504 = vector.load %arg4[%get3A_501, %get3A_502, %get3A_503] : memref<2x64x64xf32, #tpu.memory_space<vmem>>, vector<1x64x64xf32>
    %get3A_505 = vector.shape_cast %get3A_504 : vector<1x64x64xf32> to vector<64x64xf32>
    %dot_general3A_506 = arith.constant dense<0.000000e+00> : vector<1024x64xf32>
    %dot_general3A_507 = tpu.matmul %add3A_473, %get3A_505, %dot_general3A_506 {dimension_numbers = #tpu.dot_dimension_numbers<[1], [0], [0], [1], [0, 0, 1, 1], [], []>, transpose_lhs_hint = false} : vector<1024x64xf32>, vector<64x64xf32>, vector<1024x64xf32> -> vector<1024x64xf32>
    %add3A_508 = arith.addf %dot_general3A_500, %dot_general3A_507 : vector<1024x64xf32>
    %get3A_509 = arith.constant 0 : index
    %get3A_510 = arith.constant 0 : index
    %get3A_511 = vector.load %arg7[%get3A_509, %get3A_510] : memref<1x64xf32, #tpu.memory_space<vmem>>, vector<1x64xf32>
    %add3A_512 = vector.broadcast %get3A_511 : vector<1x64xf32> to vector<1024x64xf32>
    %add3A_513 = arith.addf %add3A_508, %add3A_512 : vector<1024x64xf32>
    %get3A_514 = arith.constant 0 : index
    %get3A_515 = arith.constant 0 : index
    %get3A_516 = arith.constant 0 : index
    %get3A_517 = vector.load %arg5[%get3A_514, %get3A_515, %get3A_516] : memref<2x64x64xf32, #tpu.memory_space<vmem>>, vector<1x64x64xf32>
    %get3A_518 = vector.shape_cast %get3A_517 : vector<1x64x64xf32> to vector<64x64xf32>
    %dot_general3A_519 = arith.constant dense<0.000000e+00> : vector<1024x64xf32>
    %dot_general3A_520 = tpu.matmul %add3A_493, %get3A_518, %dot_general3A_519 {dimension_numbers = #tpu.dot_dimension_numbers<[1], [0], [0], [1], [0, 0, 1, 1], [], []>, transpose_lhs_hint = false} : vector<1024x64xf32>, vector<64x64xf32>, vector<1024x64xf32> -> vector<1024x64xf32>
    %get3A_521 = arith.constant 1 : index
    %get3A_522 = arith.constant 0 : index
    %get3A_523 = arith.constant 0 : index
    %get3A_524 = vector.load %arg5[%get3A_521, %get3A_522, %get3A_523] : memref<2x64x64xf32, #tpu.memory_space<vmem>>, vector<1x64x64xf32>
    %get3A_525 = vector.shape_cast %get3A_524 : vector<1x64x64xf32> to vector<64x64xf32>
    %dot_general3A_526 = arith.constant dense<0.000000e+00> : vector<1024x64xf32>
    %dot_general3A_527 = tpu.matmul %add3A_513, %get3A_525, %dot_general3A_526 {dimension_numbers = #tpu.dot_dimension_numbers<[1], [0], [0], [1], [0, 0, 1, 1], [], []>, transpose_lhs_hint = false} : vector<1024x64xf32>, vector<64x64xf32>, vector<1024x64xf32> -> vector<1024x64xf32>
    %add3A_528 = arith.addf %dot_general3A_520, %dot_general3A_527 : vector<1024x64xf32>
    %get3A_529 = arith.constant 0 : index
    %get3A_530 = arith.constant 0 : index
    %get3A_531 = vector.load %arg8[%get3A_529, %get3A_530] : memref<1x64xf32, #tpu.memory_space<vmem>>, vector<1x64xf32>
    %add3A_532 = vector.broadcast %get3A_531 : vector<1x64xf32> to vector<1024x64xf32>
    %add3A_533 = arith.addf %add3A_528, %add3A_532 : vector<1024x64xf32>
    %get3A_534 = arith.constant 0 : index
    %get3A_535 = arith.constant 0 : index
    %get3A_536 = vector.load %arg9[%get3A_534, %get3A_535] : memref<1024x64xf32, #tpu.memory_space<vmem>>, vector<1024x64xf32>
    %concatenate3A_537 = tpu.concatenate %add3A_533, %get3A_536 in 1 : vector<1024x64xf32>, vector<1024x64xf32> -> vector<1024x128xf32>
    %max3A = arith.constant 0.000000e+00 : f32
    %max3A_538 = vector.broadcast %max3A : f32 to vector<1024x128xf32>
    %max3A_539 = arith.maximumf %concatenate3A_537, %max3A_538 : vector<1024x128xf32>
    %swap3A = arith.constant 0 : index
    %swap3A_540 = arith.constant 0 : index
    %swap3A_541 = vector.load %arg10[%swap3A, %swap3A_540] : memref<1024x128xf32, #tpu.memory_space<vmem>>, vector<1024x128xf32>
    tpu.vector_store %arg10[%swap3A, %swap3A_540], %max3A_539 {strides = array<i32>} : memref<1024x128xf32, #tpu.memory_space<vmem>>, vector<1024x128xf32>,
    return
  }
  func.func @transform_0(%arg0: i32) -> (i32, i32, i32, i32) {
    %c0_i32 = arith.constant 0 : i32
    %c0_i32_0 = arith.constant 0 : i32
    %c0_i32_1 = arith.constant 0 : i32
    %c0_i32_2 = arith.constant 0 : i32
    return %arg0, %c0_i32, %c0_i32_0, %c0_i32_1 : i32, i32, i32, i32
  }
  func.func @transform_1(%arg0: i32) -> (i32, i32) {
    %c0_i32 = arith.constant 0 : i32
    %c0_i32_0 = arith.constant 0 : i32
    return %arg0, %c0_i32 : i32, i32
  }
  func.func @transform_2(%arg0: i32) -> (i32, i32, i32) {
    %c0_i32 = arith.constant 0 : i32
    %c0_i32_0 = arith.constant 0 : i32
    %c0_i32_1 = arith.constant 0 : i32
    %c0_i32_2 = arith.constant 0 : i32
    return %c0_i32, %c0_i32_0, %c0_i32_1 : i32, i32, i32
  }
  func.func @transform_3(%arg0: i32) -> (i32, i32, i32) {
    %c0_i32 = arith.constant 0 : i32
    %c0_i32_0 = arith.constant 0 : i32
    %c0_i32_1 = arith.constant 0 : i32
    %c0_i32_2 = arith.constant 0 : i32
    return %c0_i32, %c0_i32_0, %c0_i32_1 : i32, i32, i32
  }
  func.func @transform_4(%arg0: i32) -> (i32, i32, i32) {
    %c0_i32 = arith.constant 0 : i32
    %c0_i32_0 = arith.constant 0 : i32
    %c0_i32_1 = arith.constant 0 : i32
    %c0_i32_2 = arith.constant 0 : i32
    return %c0_i32, %c0_i32_0, %c0_i32_1 : i32, i32, i32
  }
  func.func @transform_5(%arg0: i32) -> (i32, i32) {
    %c0_i32 = arith.constant 0 : i32
    %c0_i32_0 = arith.constant 0 : i32
    %c0_i32_1 = arith.constant 0 : i32
    return %c0_i32, %c0_i32_0 : i32, i32
  }
  func.func @transform_6(%arg0: i32) -> (i32, i32) {
    %c0_i32 = arith.constant 0 : i32
    %c0_i32_0 = arith.constant 0 : i32
    %c0_i32_1 = arith.constant 0 : i32
    return %c0_i32, %c0_i32_0 : i32, i32
  }
  func.func @transform_7(%arg0: i32) -> (i32, i32) {
    %c0_i32 = arith.constant 0 : i32
    %c0_i32_0 = arith.constant 0 : i32
    %c0_i32_1 = arith.constant 0 : i32
    return %c0_i32, %c0_i32_0 : i32, i32
  }
  func.func @transform_8(%arg0: i32) -> (i32, i32) {
    %add3A = arith.constant 2 : i32
    %add3A_0 = arith.addi %add3A, %arg0 : i32
    %c0_i32 = arith.constant 0 : i32
    %c0_i32_1 = arith.constant 0 : i32
    return %add3A_0, %c0_i32 : i32, i32
  }
  func.func @transform_9(%arg0: i32) -> (i32, i32) {
    %c0_i32 = arith.constant 0 : i32
    %c0_i32_0 = arith.constant 0 : i32
    return %arg0, %c0_i32 : i32, i32
  }
}

</mosaic_0001>

<sc_bundles>
// kernel: kernel.12.cloned.1.call-start
scs
__scs_entry_jumppad:
0x0: {  	(pc) =	sbr.rel $0x88, $3  }
0x1: {  	(tag) =	ssettag $0x0;
	lr =	simm.s32 $0x1  }
0x2: {  	[smem:$0x3F93] =	sst lr;
	_ =	strace $0xD0000000  }
0x3: {  	_ = 	snop  }
0x4: {  	_ = 	snop  }
0x5: {  	_ = 	snop  }
0x6: {  	_ = 	snop  }
0x7: {  	_ = 	snop  }
__scs_overlays_trampoline_lowered:
0x8: {  	[smem:$0x3FA2] =	sst s0  }
0x9: {  	[smem:$0x3FA3] =	sst s1  }
0xa: {  	[smem:$0x3FA4] =	sst s2  }
0xb: {  	[smem:$0x3FA5] =	sst s3  }
0xc: {  	[smem:$0x3FA6] =	sst s4  }
0xd: {  	[smem:$0x3FA7] =	sst s5  }
0xe: {  	[smem:$0x3FA8] =	sst s6  }
0xf: {  	[smem:$0x3FA9] =	sst s7  }
0x10: {  	[smem:$0x3FAA] =	sst s8  }
0x11: {  	[smem:$0x3FAB] =	sst s9;
	s0 =	simm.s32 @!p0 $0x0  }
0x12: {  	s1 =	sld [smem:$0x3F91];
	s0 =	simm.s32 @p0 $0x1  }
0x13: {  	[smem:$0x3FAC] =	sst s0;
	s0 =	simm.s32 @!p1 $0x0  }
0x14: {  	s2 =	sld [smem:$0x3F90];
	s0 =	simm.s32 @p1 $0x1  }
0x15: {  	[smem:$0x3FAD] =	sst s0;
	s0 =	simm.s32 @!p2 $0x0  }
0x16: {  	s3 =	sld [smem:$0x3FDB];
	s0 =	simm.s32 @p2 $0x1  }
0x17: {  	s4 =	simm.s32 $0x1BF5;
	[smem:$0x3FAF] =	sst s0  }
0x18: {  	s0 =	sld [smem:$0x3F92];
	_ =	swait.ge [sflag:s4], $0x0  }
0x19: {  	s7 =	sld [smem:$0x3F93]  }
0x1a: {  	s8 =	sadd.s32 $0xFFFFE003, lr  }
0x1b: {  	s9 =	sadd.s32 $0xFFFFFEF7, lr;
	s5 =	simm.s32 $0xFFFFFFFF;
	p2 =	slt.u32 s8, $0xFFFFF086  }
0x1c: {  	p1 =	slt.u32 s9, $0xF7A;
	s5 =	simm.s32 @!p2 $0x0  }
0x1d: {  	s5 =	simm.s32 @p1 $0x1;
	p0 =	seq.s32 s7, s2  }
0x1e: {  	s7 =	smul.u32 @!p0 $0xF7A, s2;
	p2 =	seq.s32 @!p0 s5, $0x0  }
0x1f: {  	s9 =	smul.u32 $0xF7A, s1;
	s8 =	simm.s32 @!p0 $0x1BF5;
	p2 =	por !p2, p0  }
0x20: {  	[sflag:s8] =	ssyncset.s32 @!p0 $0xFFFFF086;
	s6 =	sadd.s32 @!p0 s3, s7;
	s7 =	simm.s32 @!p0 $0x108  }
0x21: {  	s3 =	sadd.s32 s3, s9;
	s6 =	sadd.s32 @!p0 $0x88, s6;
	s7 =	simm.s32 @p2 $0x1082  }
0x22: {  	[simem:s7], [sflag:s8] =	dma.local @!p0 [hbm:s6], $0xF7A  }
0x23: {  	s9 =	sor.u32 $0xD0000000, s2;
	s6 =	simm.s32 $0x108;
	_ =	swait.ge @!p0 [sflag:s8], $0x0  }
0x24: {  	s3 =	sadd.s32 $0x88, s3;
	s6 =	simm.s32 @!p1 $0x1082;
	[sflag:s4] =	ssyncset.s32 $0xFFFFF086  }
0x25: {  	[simem:s6], [sflag:s4] =	dma.local [hbm:s3], $0xF7A  }
0x26: {  	[smem:$0x3F93] =	sst s1;
	(tag) =	ssettag s2;
	_ =	strace s9  }
0x27: {  	s1 =	sld [smem:$0x3FA3]  }
0x28: {  	s2 =	sld [smem:$0x3FA4]  }
0x29: {  	s4 =	sld [smem:$0x3FA6]  }
0x2a: {  	p0 =	seq.s32 s5, $0x0;
	s5 =	sld [smem:$0x3FA7]  }
0x2b: {  	s6 =	sld [smem:$0x3FA8]  }
0x2c: {  	s7 =	sld [smem:$0x3FA9]  }
0x2d: {  	s3 =	simm.s32 $0x108;
	s8 =	sld [smem:$0x3FAA]  }
0x2e: {  	s3 =	simm.s32 @!p0 $0x1082;
	s9 =	sld [smem:$0x3FAB]  }
0x2f: {  	lr =	sadd.s32 s0, s3;
	s0 =	sld [smem:$0x3FA2]  }
0x30: {  	s3 =	sld [smem:$0x3FA5]  }
0x31: {  	[smem:$0x3FAE] =	sst s10  }
0x32: {  	s10 =	sld [smem:$0x3FAC];
	_ =	sdelay $0x3  }
0x33: {  	p0 =	seq.s32 s10, $0x1;
	s10 =	sld [smem:$0x3FAE];
	_ =	sdelay $0x3  }
0x34: {  	[smem:$0x3FAE] =	sst s10  }
0x35: {  	s10 =	sld [smem:$0x3FAD];
	_ =	sdelay $0x3  }
0x36: {  	p1 =	seq.s32 s10, $0x1;
	s10 =	sld [smem:$0x3FAE];
	_ =	sdelay $0x3  }
0x37: {  	[smem:$0x3FAE] =	sst s10  }
0x38: {  	s10 =	sld [smem:$0x3FAF]  }
0x39: {  	_ = 	snop;
	(pc) =	sbr.ind lr, $3  }
0x3a: {  	_ = 	snop  }
0x3b: {  	_ = 	snop  }
0x3c: {  	p2 =	seq.s32 s10, $0x1;
	s10 =	sld [smem:$0x3FAE]  }
0x3d: {  	_ =	shalt  }
0x3e: {  	_ =	shalt  }
0x3f: {  	_ =	shalt  }
0x40: {  	_ =	shalt  }
0x41: {  	_ =	shalt  }
0x42: {  	_ =	shalt  }
0x43: {  	_ =	shalt  }
0x44: {  	_ =	shalt  }
0x45: {  	_ =	shalt  }
0x46: {  	_ =	shalt  }
0x47: {  	_ =	shalt  }
0x48: {  	_ =	shalt  }
0x49: {  	_ =	shalt  }
0x4a: {  	_ =	shalt  }
0x4b: {  	_ =	shalt  }
0x4c: {  	_ =	shalt  }
0x4d: {  	_ =	shalt  }
0x4e: {  	_ =	shalt  }
0x4f: {  	_ =	shalt  }
0x50: {  	_ =	shalt  }
0x51: {  	_ =	shalt  }
0x52: {  	_ =	shalt  }
0x53: {  	_ =	shalt  }
0x54: {  	_ =	shalt  }
0x55: {  	_ =	shalt  }
0x56: {  	_ =	shalt  }
0x57: {  	_ =	shalt  }
0x58: {  	_ =	shalt  }
0x59: {  	_ =	shalt  }
0x5a: {  	_ =	shalt  }
0x5b: {  	_ =	shalt  }
0x5c: {  	_ =	shalt  }
0x5d: {  	_ =	shalt  }
0x5e: {  	_ =	shalt  }
0x5f: {  	_ =	shalt  }
0x60: {  	_ =	shalt  }
0x61: {  	_ =	shalt  }
0x62: {  	_ =	shalt  }
0x63: {  	_ =	shalt  }
0x64: {  	_ =	shalt  }
0x65: {  	_ =	shalt  }
0x66: {  	_ =	shalt  }
0x67: {  	_ =	shalt  }
0x68: {  	_ =	shalt  }
0x69: {  	_ =	shalt  }
0x6a: {  	_ =	shalt  }
0x6b: {  	_ =	shalt  }
0x6c: {  	_ =	shalt  }
0x6d: {  	_ =	shalt  }
0x6e: {  	_ =	shalt  }
0x6f: {  	_ =	shalt  }
0x70: {  	_ =	shalt  }
0x71: {  	_ =	shalt  }
0x72: {  	_ =	shalt  }
0x73: {  	_ =	shalt  }
0x74: {  	_ =	shalt  }
0x75: {  	_ =	shalt  }
0x76: {  	_ =	shalt  }
0x77: {  	_ =	shalt  }
0x78: {  	_ =	shalt  }
0x79: {  	_ =	shalt  }
0x7a: {  	_ =	shalt  }
0x7b: {  	_ =	shalt  }
0x7c: {  	_ =	shalt  }
0x7d: {  	_ =	shalt  }
0x7e: {  	_ =	shalt  }
0x7f: {  	_ =	shalt  }
0x80: {  	_ =	shalt  }
0x81: {  	_ =	shalt  }
0x82: {  	_ =	shalt  }
0x83: {  	_ =	shalt  }
0x84: {  	_ =	shalt  }
0x85: {  	_ =	shalt  }
0x86: {  	_ =	shalt  }
0x87: {  	_ =	shalt  }
.Lfunc_end0:
.L_simem_size_0:
called_computation_lowered:
.L_overlay_start_0:
0x88: {  	s2 =	sld [smem:$0x3FD9]  }
0x89: {  	s3 =	sld [smem:$0x3FFE];
	_ =	sdelay $0x1  }
0x8a: {  	s1 =	srdreg.scid  }
0x8b: {  	s0 =	sand.u32 $0x1, s1  }
0x8c: {  	s16 =	sshll.u32 s0, $0xA;
	s2 =	sadd.s32 s3, s2  }
0x8d: {  	s2 =	sadd.s32 s2, s16  }
0x8e: {  	[smem:$0x3FBA] =	sst s2  }
0x8f: {  	_ = 	snop  }
0x90: {  	(tm) =	ssettm $0x1  }
0x91: {  	s17 =	sld [smem:$0x3FFB];
	_ =	sdelay $0x3  }
0x92: {  	_ =	strace s17  }
0x93: {  	s2 =	sld [smem:$0x3FFC];
	_ =	sdelay $0x3  }
0x94: {  	_ =	strace s2  }
0x95: {  	s2 =	sld [smem:$0x3FFD];
	_ =	sdelay $0x3  }
0x96: {  	_ =	strace s2  }
0x97: {  	_ =	strace $0x8FFFFFFF  }
0x98: {  	s18 =	sld [smem:$0x3FDB];
	_ =	sdelay $0x1  }
0x99: {  	s19 =	simm.s32 $_scs_section_size  }
0x9a: {  	s4 =	simm.s32 $_size__tile_overlayer_lowered;
	s5 =	simm.s32 $_tile_overlayer_lowered  }
0x9b: {  	s22 =	simm.s32 $0x1BFF;
	s21 =	sshll.u32 s5, $0x1;
	s2 =	sadd.s32 s19, s18  }
0x9c: {  	s6 =	simm.s32 $0x0;
	s20 =	sshll.u32 s4, $0x1;
	s4 =	sadd.s32 s21, s2  }
0x9d: {  	[timem:s6], [sflag:s22] =	dma.local [hbm:s4], s20  }
0x9e: {  	_ =	swait.ge [sflag:s22], s20  }
0x9f: {  	s3 =	ssub.s32 $0x0, s20;
	[sflag:s22] =	ssyncset.done $0x0  }
0xa0: {  	[sflag:s22] =	ssyncadd.s32 s3;
	_ =	sdelay $0x1  }
0xa1: {  	s23 =	simm.s32 $0x1B8B  }
0xa2: {  	_ =	swait.ge [sflag:s23], $0x1  }
0xa3: {  	[sflag:s23] =	ssyncset.done $0x0  }
0xa4: {  	s25 =	simm.s32 $0x1B8E;
	s24 =	sld [smem:$0x3FFE];
	[sflag:s23] =	ssyncadd.s32 $0xFFFFFFFF  }
0xa5: {  	s26 =	simm.s32 $execute0_lowered;
	[smem:$0x3FD2] =	sst s25  }
0xa6: {  	s4 =	sshll.u32 s26, $0x1;
	_ =	strace $0x80000046;
	[dreg:$0x1] =	wrdreg $0xFFFFFFFF  }
0xa7: {  	s28 =	simm.s32 $_size_execute0_lowered;
	s2 =	sadd.s32 s2, s4;
	[dreg:$0x0] =	wrdreg $0x0  }
0xa8: {  	s4 =	sshll.u32 s28, $0x1;
	[dreg:$0x2] =	wrdreg s2  }
0xa9: {  	[dreg:$0x3] =	wrdreg s4  }
0xaa: {  	[dreg:$0x4] =	wrdreg $0xC0  }
0xab: {  	_ =	task [dreg:s6], $0x5FFFF  }
0xac: {  	[dreg:$0x1] =	wrdreg $0xFFFFFFFF  }
0xad: {  	[dreg:$0x0] =	wrdreg $0x60  }
0xae: {  	[dreg:$0x2] =	wrdreg s24  }
0xaf: {  	[dreg:$0x3] =	wrdreg $0x9  }
0xb0: {  	_ =	task.clear_ibuf [dreg:s6], $0x4FFFF;
	_ =	strace $0x90000046  }
0xb1: {  	s29 =	simm.s32 $0x9;
	_ =	strace $0x80000048  }
0xb2: {  	_ =	swait.ge [sflag:s29], $0x1  }
0xb3: {  	[sflag:s29] =	ssyncadd.s32 $0xFFFFFFFF  }
0xb4: {  	_ =	strace $0x90000048  }
0xb5: {  	_ =	sfence  }
0xb6: {  	s30 =	sld [smem:$0x0];
	_ =	sdelay $0x2  }
0xb7: {  	s31 =	sshll.u32 s1, $0xD;
	s1 =	sshrl.u32 s1, $0x2  }
0xb8: {  	s3 =	sand.u32 $0x4000, s31;
	s1 =	sadd.s32 s1, s30  }
0xb9: {  	s0 =	sor.u32 s3, s0;
	s1 =	sshll.u32 s1, $0x11  }
0xba: {  	s0 =	sor.u32 s1, s0  }
0xbb: {  	s0 =	sadd.s32 $0x8F2B, s0  }
0xbc: {  	[sflag:s0] =	ssyncadd.remote.s32 $0x1  }
0xbd: {  	_ =	sfence.sel $0xFFFF  }
0xbe: {  	[dreg:$0x0] =	wrdreg $0xFFFFFFFF;
	(pc) =	sbr.abs _section_cstart, $3  }
0xbf: {  	[dreg:$0x1] =	wrdreg $0xFFFFFFFF  }
0xc0: {  	_ =	task.clear_ibuf [dreg:s6], $0x2FFFF;
	_ =	strace $0x9FFFFFFF  }
0xc1: {  	(tm) =	ssettm $0x7FFFFFFF  }
tec
execute0_lowered:
.L_overlay_start_1:
0x0: {  	(tag) =	ssettag $0x1  }
0x1: {  	s0 =	srdreg.scid  }
0x2: {  	s14 =	rddreg [dreg:$0x0];
	s15 =	sand.u32 $0x1, s0  }
0x3: {  	s1 =	stileid.u32;
	s2 =	simm.s32 $0x0;
	s3 =	sshll.u32 s15, $0x6  }
0x4: {  	s0 =	rddreg [dreg:$0x1];
	s4 =	sshll.u32 s1, $0x7;
	s3 =	sadd.s32 s3, s14  }
0x5: {  	[smem:$0x7FF] =	sst s2;
	s3 =	sadd.s32 s4, s3  }
0x6: {  	_ =	strace $0x80000047;
	s4 =	sadd.s32 $0xC200, s3;
	s3 =	simm.s32 $0x2  }
0x7: {  	[tilespmem:s2], [sflag:$0x2] =	stream.linear.gather [hbm4b:s4+s2], $0x200, $0x38;
	[tilespmem:$0x10200] =	vst v63  }
0x8: {  	_ =	swait.ge [sflag:s3], $0x200  }
0x9: {  	s6 =	simm.s32 $0x80;
	[sflag:s3] =	ssyncset.done $0x0  }
0xa: {  	s7 =	simm.s32 $0x200;
	s5 =	sadd.s32 $0x4200, s14;
	[sflag:s3] =	ssyncadd.s32 $0xFFFFFE00  }
0xb: {  	[tilespmem:s7], [sflag:$0x1] =	stream.indirect.gather [hbm4b:s5+s6], $0x80, s2, s6, $0xb8;
	[tilespmem:$0x10200] =	vst v63  }
0xc: {  	s8 =	simm.s32 $0x4200  }
0xd: {  	[tilespmem:s8], [sflag:$0x1] =	stream.indirect.gather [hbm4b:s5+s6], $0x80, s6, s6, $0xb8;
	[tilespmem:$0x10200] =	vst v63  }
0xe: {  	s9 =	simm.s32 $0x100;
	s10 =	simm.s32 $0x8200  }
0xf: {  	[tilespmem:s10], [sflag:$0x1] =	stream.indirect.gather [hbm4b:s5+s6], $0x80, s9, s6, $0xb8;
	[tilespmem:$0x10200] =	vst v63  }
0x10: {  	s11 =	simm.s32 $0x180;
	s12 =	simm.s32 $0xC200;
	s13 =	simm.s32 $0x1  }
0x11: {  	[tilespmem:s12], [sflag:$0x1] =	stream.indirect.gather [hbm4b:s5+s6], $0x80, s11, s6, $0xb8;
	[tilespmem:$0x10200] =	vst v63  }
0x12: {  	_ =	swait.ge [sflag:s13], $0x4000  }
0x13: {  	[sflag:s13] =	ssyncset.done $0x0  }
0x14: {  	[sflag:s13] =	ssyncadd.s32 $0xFFFFC000  }
0x15: {  	_ =	swait.ge [sflag:s13], $0x4000  }
0x16: {  	[sflag:s13] =	ssyncset.done $0x0  }
0x17: {  	s16 =	sshll.u32 s15, $0xD;
	s15 =	ssub.s32 $0x2, s15;
	[sflag:s13] =	ssyncadd.s32 $0xFFFFC000  }
0x18: {  	s31 =	sshrl.u32 s15, $0x1;
	_ =	swait.ge [sflag:s13], $0x4000  }
0x19: {  	s15 =	ssub.s32 s15, s31;
	[sflag:s13] =	ssyncset.done $0x0  }
0x1a: {  	s17 =	sshll.u32 s1, $0xE;
	s15 =	smax.u32 s15, $0x1;
	[sflag:s13] =	ssyncadd.s32 $0xFFFFC000  }
0x1b: {  	s14 =	sadd.s32 s16, s14;
	p0 =	sne.s32 s15, $0x1;
	_ =	swait.ge [sflag:s13], $0x4000  }
.Ltmp0:
0x1c: {  	s14 =	sadd.s32 s17, s14;
	[sflag:s13] =	ssyncset.done $0x0;
	(pc) =	sbr.rel @!p0 .LBB2_2-.Ltmp0, $4  }
0x1d: {  	s14 =	sadd.s32 $0xCA00, s14;
	[sflag:s13] =	ssyncadd.s32 $0xFFFFC000  }
0x1e: {  	[hbm4b:s14+s2] =	stream.linear.scatter [tilespmem:s7], [sflag:$0x2], $0x10000, $0x38;
	[tilespmem:$0x10200] =	vst v63  }
0x1f: {  	_ =	swait.ge [sflag:s3], $0x10000  }
0x20: {  	s15 =	sadd.s32 $0xFFFFFFFF, s15;
	[sflag:s3] =	ssyncset.done $0x0  }
.LBB2_1:
0x21: {  	p0 =	sne.s32 s15, $0x1;
	s15 =	sadd.s32 $0xFFFFFFFF, s15;
	[sflag:s3] =	ssyncadd.s32 $0xFFFF0000  }
0x22: {  	[tilespmem:s2], [sflag:$0x2] =	stream.linear.gather [hbm4b:s4+s2], $0x200, $0x38;
	[tilespmem:$0x10200] =	vst v63  }
0x23: {  	_ =	swait.ge [sflag:s3], $0x200  }
0x24: {  	[sflag:s3] =	ssyncset.done $0x0  }
0x25: {  	[sflag:s3] =	ssyncadd.s32 $0xFFFFFE00  }
0x26: {  	[tilespmem:s7], [sflag:$0x1] =	stream.indirect.gather [hbm4b:s5+s6], $0x80, s2, s6, $0xb8;
	[tilespmem:$0x10200] =	vst v63  }
0x27: {  	_ = 	snop  }
0x28: {  	[tilespmem:s8], [sflag:$0x1] =	stream.indirect.gather [hbm4b:s5+s6], $0x80, s6, s6, $0xb8;
	[tilespmem:$0x10200] =	vst v63  }
0x29: {  	_ = 	snop  }
0x2a: {  	[tilespmem:s10], [sflag:$0x1] =	stream.indirect.gather [hbm4b:s5+s6], $0x80, s9, s6, $0xb8;
	[tilespmem:$0x10200] =	vst v63  }
0x2b: {  	_ = 	snop  }
0x2c: {  	[tilespmem:s12], [sflag:$0x1] =	stream.indirect.gather [hbm4b:s5+s6], $0x80, s11, s6, $0xb8;
	[tilespmem:$0x10200] =	vst v63  }
0x2d: {  	_ =	swait.ge [sflag:s13], $0x4000  }
0x2e: {  	[sflag:s13] =	ssyncset.done $0x0  }
0x2f: {  	[sflag:s13] =	ssyncadd.s32 $0xFFFFC000  }
0x30: {  	_ =	swait.ge [sflag:s13], $0x4000  }
0x31: {  	[sflag:s13] =	ssyncset.done $0x0  }
0x32: {  	[sflag:s13] =	ssyncadd.s32 $0xFFFFC000  }
0x33: {  	_ =	swait.ge [sflag:s13], $0x4000  }
0x34: {  	[sflag:s13] =	ssyncset.done $0x0  }
0x35: {  	[sflag:s13] =	ssyncadd.s32 $0xFFFFC000  }
0x36: {  	_ =	swait.ge [sflag:s13], $0x4000  }
.Ltmp1:
0x37: {  	[sflag:s13] =	ssyncset.done $0x0;
	(pc) =	sbr.rel @p0 .LBB2_1-.Ltmp1, $4  }
0x38: {  	[sflag:s13] =	ssyncadd.s32 $0xFFFFC000  }
0x39: {  	[hbm4b:s14+s2] =	stream.linear.scatter [tilespmem:s7], [sflag:$0x2], $0x10000, $0x38;
	[tilespmem:$0x10200] =	vst v63  }
0x3a: {  	_ =	swait.ge [sflag:s3], $0x10000  }
0x3b: {  	[sflag:s3] =	ssyncset.done $0x0  }
.LBB2_2:
0x3c: {  	[sflag:s3] =	ssyncadd.s32 $0xFFFF0000  }
0x3d: {  	_ =	sfence.sel $0x180000  }
0x3e: {  	[bflag:$0x0] =	sbarrier.arrive $0xFFFF  }
0x3f: {  	p0 =	sne.s32 s1, $0x0;
	_ =	strace $0x90000047  }
0x40: {  	s0 =	sadd.s32 @!p0 $0x100000, s0;
	[bflag:$0x2] =	sbarrier.arrive $0xFFFF  }
0x41: {  	[sflag:s0] =	ssyncadd.tile.s32 @!p0 $0x1;
	_ =	shalt  }
.Lfunc_end2:
_tile_overlayer_lowered:
.L_overlay_start_2:
0x42: {  	(tag) =	ssettag $0x2  }
0x43: {  	s0 =	rddreg [dreg:$0x0];
	s2 =	stileid.u32  }
0x44: {  	s1 =	rddreg [dreg:$0x1];
	p0 =	sne.s32 s2, $0x0  }
0x45: {  	s3 =	rddreg [dreg:$0x2];
	[bflag:$0x3] =	sbarrier.arrive $0xFFFF;
	s2 =	simm.s32 @!p0 $0x1C02  }
0x46: {  	[timem:s3], [sflag:s2] =	dma.local @!p0 [hbm:s0], s1  }
0x47: {  	s0 =	simm.s32 @!p0 $0x2  }
0x48: {  	_ =	swait.ge @!p0 [sflag:s0], s1  }
0x49: {  	s1 =	ssub.s32 @!p0 $0x0, s1;
	[sflag:s0] =	ssyncset.done @!p0 $0x0  }
0x4a: {  	[sflag:s0] =	ssyncadd.s32 @!p0 s1  }
0x4b: {  	[bflag:$0x3] =	sbarrier.arrive $0xFFFF  }
0x4c: {  	_ =	shalt  }

// kernel: kernel.15.cloned.1.call-start
scs
__scs_entry_jumppad:
0x0: {  	(pc) =	sbr.rel $0x88, $3  }
0x1: {  	(tag) =	ssettag $0x0;
	lr =	simm.s32 $0x1  }
0x2: {  	[smem:$0x3F93] =	sst lr;
	_ =	strace $0xD0000000  }
0x3: {  	_ = 	snop  }
0x4: {  	_ = 	snop  }
0x5: {  	_ = 	snop  }
0x6: {  	_ = 	snop  }
0x7: {  	_ = 	snop  }
__scs_overlays_trampoline_lowered:
0x8: {  	[smem:$0x3FA2] =	sst s0  }
0x9: {  	[smem:$0x3FA3] =	sst s1  }
0xa: {  	[smem:$0x3FA4] =	sst s2  }
0xb: {  	[smem:$0x3FA5] =	sst s3  }
0xc: {  	[smem:$0x3FA6] =	sst s4  }
0xd: {  	[smem:$0x3FA7] =	sst s5  }
0xe: {  	[smem:$0x3FA8] =	sst s6  }
0xf: {  	[smem:$0x3FA9] =	sst s7  }
0x10: {  	[smem:$0x3FAA] =	sst s8  }
0x11: {  	[smem:$0x3FAB] =	sst s9;
	s0 =	simm.s32 @!p0 $0x0  }
0x12: {  	s1 =	sld [smem:$0x3F91];
	s0 =	simm.s32 @p0 $0x1  }
0x13: {  	[smem:$0x3FAC] =	sst s0;
	s0 =	simm.s32 @!p1 $0x0  }
0x14: {  	s2 =	sld [smem:$0x3F90];
	s0 =	simm.s32 @p1 $0x1  }
0x15: {  	[smem:$0x3FAD] =	sst s0;
	s0 =	simm.s32 @!p2 $0x0  }
0x16: {  	s3 =	sld [smem:$0x3FDB];
	s0 =	simm.s32 @p2 $0x1  }
0x17: {  	s4 =	simm.s32 $0x1BF5;
	[smem:$0x3FAF] =	sst s0  }
0x18: {  	s0 =	sld [smem:$0x3F92];
	_ =	swait.ge [sflag:s4], $0x0  }
0x19: {  	s7 =	sld [smem:$0x3F93]  }
0x1a: {  	s8 =	sadd.s32 $0xFFFFE003, lr  }
0x1b: {  	s9 =	sadd.s32 $0xFFFFFEF7, lr;
	s5 =	simm.s32 $0xFFFFFFFF;
	p2 =	slt.u32 s8, $0xFFFFF086  }
0x1c: {  	p1 =	slt.u32 s9, $0xF7A;
	s5 =	simm.s32 @!p2 $0x0  }
0x1d: {  	s5 =	simm.s32 @p1 $0x1;
	p0 =	seq.s32 s7, s2  }
0x1e: {  	s7 =	smul.u32 @!p0 $0xF7A, s2;
	p2 =	seq.s32 @!p0 s5, $0x0  }
0x1f: {  	s9 =	smul.u32 $0xF7A, s1;
	s8 =	simm.s32 @!p0 $0x1BF5;
	p2 =	por !p2, p0  }
0x20: {  	[sflag:s8] =	ssyncset.s32 @!p0 $0xFFFFF086;
	s6 =	sadd.s32 @!p0 s3, s7;
	s7 =	simm.s32 @!p0 $0x108  }
0x21: {  	s3 =	sadd.s32 s3, s9;
	s6 =	sadd.s32 @!p0 $0x88, s6;
	s7 =	simm.s32 @p2 $0x1082  }
0x22: {  	[simem:s7], [sflag:s8] =	dma.local @!p0 [hbm:s6], $0xF7A  }
0x23: {  	s9 =	sor.u32 $0xD0000000, s2;
	s6 =	simm.s32 $0x108;
	_ =	swait.ge @!p0 [sflag:s8], $0x0  }
0x24: {  	s3 =	sadd.s32 $0x88, s3;
	s6 =	simm.s32 @!p1 $0x1082;
	[sflag:s4] =	ssyncset.s32 $0xFFFFF086  }
0x25: {  	[simem:s6], [sflag:s4] =	dma.local [hbm:s3], $0xF7A  }
0x26: {  	[smem:$0x3F93] =	sst s1;
	(tag) =	ssettag s2;
	_ =	strace s9  }
0x27: {  	s1 =	sld [smem:$0x3FA3]  }
0x28: {  	s2 =	sld [smem:$0x3FA4]  }
0x29: {  	s4 =	sld [smem:$0x3FA6]  }
0x2a: {  	p0 =	seq.s32 s5, $0x0;
	s5 =	sld [smem:$0x3FA7]  }
0x2b: {  	s6 =	sld [smem:$0x3FA8]  }
0x2c: {  	s7 =	sld [smem:$0x3FA9]  }
0x2d: {  	s3 =	simm.s32 $0x108;
	s8 =	sld [smem:$0x3FAA]  }
0x2e: {  	s3 =	simm.s32 @!p0 $0x1082;
	s9 =	sld [smem:$0x3FAB]  }
0x2f: {  	lr =	sadd.s32 s0, s3;
	s0 =	sld [smem:$0x3FA2]  }
0x30: {  	s3 =	sld [smem:$0x3FA5]  }
0x31: {  	[smem:$0x3FAE] =	sst s10  }
0x32: {  	s10 =	sld [smem:$0x3FAC];
	_ =	sdelay $0x3  }
0x33: {  	p0 =	seq.s32 s10, $0x1;
	s10 =	sld [smem:$0x3FAE];
	_ =	sdelay $0x3  }
0x34: {  	[smem:$0x3FAE] =	sst s10  }
0x35: {  	s10 =	sld [smem:$0x3FAD];
	_ =	sdelay $0x3  }
0x36: {  	p1 =	seq.s32 s10, $0x1;
	s10 =	sld [smem:$0x3FAE];
	_ =	sdelay $0x3  }
0x37: {  	[smem:$0x3FAE] =	sst s10  }
0x38: {  	s10 =	sld [smem:$0x3FAF]  }
0x39: {  	_ = 	snop;
	(pc) =	sbr.ind lr, $3  }
0x3a: {  	_ = 	snop  }
0x3b: {  	_ = 	snop  }
0x3c: {  	p2 =	seq.s32 s10, $0x1;
	s10 =	sld [smem:$0x3FAE]  }
0x3d: {  	_ =	shalt  }
0x3e: {  	_ =	shalt  }
0x3f: {  	_ =	shalt  }
0x40: {  	_ =	shalt  }
0x41: {  	_ =	shalt  }
0x42: {  	_ =	shalt  }
0x43: {  	_ =	shalt  }
0x44: {  	_ =	shalt  }
0x45: {  	_ =	shalt  }
0x46: {  	_ =	shalt  }
0x47: {  	_ =	shalt  }
0x48: {  	_ =	shalt  }
0x49: {  	_ =	shalt  }
0x4a: {  	_ =	shalt  }
0x4b: {  	_ =	shalt  }
0x4c: {  	_ =	shalt  }
0x4d: {  	_ =	shalt  }
0x4e: {  	_ =	shalt  }
0x4f: {  	_ =	shalt  }
0x50: {  	_ =	shalt  }
0x51: {  	_ =	shalt  }
0x52: {  	_ =	shalt  }
0x53: {  	_ =	shalt  }
0x54: {  	_ =	shalt  }
0x55: {  	_ =	shalt  }
0x56: {  	_ =	shalt  }
0x57: {  	_ =	shalt  }
0x58: {  	_ =	shalt  }
0x59: {  	_ =	shalt  }
0x5a: {  	_ =	shalt  }
0x5b: {  	_ =	shalt  }
0x5c: {  	_ =	shalt  }
0x5d: {  	_ =	shalt  }
0x5e: {  	_ =	shalt  }
0x5f: {  	_ =	shalt  }
0x60: {  	_ =	shalt  }
0x61: {  	_ =	shalt  }
0x62: {  	_ =	shalt  }
0x63: {  	_ =	shalt  }
0x64: {  	_ =	shalt  }
0x65: {  	_ =	shalt  }
0x66: {  	_ =	shalt  }
0x67: {  	_ =	shalt  }
0x68: {  	_ =	shalt  }
0x69: {  	_ =	shalt  }
0x6a: {  	_ =	shalt  }
0x6b: {  	_ =	shalt  }
0x6c: {  	_ =	shalt  }
0x6d: {  	_ =	shalt  }
0x6e: {  	_ =	shalt  }
0x6f: {  	_ =	shalt  }
0x70: {  	_ =	shalt  }
0x71: {  	_ =	shalt  }
0x72: {  	_ =	shalt  }
0x73: {  	_ =	shalt  }
0x74: {  	_ =	shalt  }
0x75: {  	_ =	shalt  }
0x76: {  	_ =	shalt  }
0x77: {  	_ =	shalt  }
0x78: {  	_ =	shalt  }
0x79: {  	_ =	shalt  }
0x7a: {  	_ =	shalt  }
0x7b: {  	_ =	shalt  }
0x7c: {  	_ =	shalt  }
0x7d: {  	_ =	shalt  }
0x7e: {  	_ =	shalt  }
0x7f: {  	_ =	shalt  }
0x80: {  	_ =	shalt  }
0x81: {  	_ =	shalt  }
0x82: {  	_ =	shalt  }
0x83: {  	_ =	shalt  }
0x84: {  	_ =	shalt  }
0x85: {  	_ =	shalt  }
0x86: {  	_ =	shalt  }
0x87: {  	_ =	shalt  }
.Lfunc_end0:
.L_simem_size_0:
called_computation.1_lowered:
.L_overlay_start_0:
0x88: {  	s2 =	sld [smem:$0x3FD9]  }
0x89: {  	s3 =	sld [smem:$0x3FFE];
	_ =	sdelay $0x1  }
0x8a: {  	s1 =	srdreg.scid  }
0x8b: {  	s0 =	sand.u32 $0x1, s1  }
0x8c: {  	s17 =	sshll.u32 s0, $0xA;
	s2 =	sadd.s32 s3, s2  }
0x8d: {  	s2 =	sadd.s32 s2, s17  }
0x8e: {  	[smem:$0x3FBA] =	sst s2  }
0x8f: {  	_ = 	snop  }
0x90: {  	(tm) =	ssettm $0x1  }
0x91: {  	s18 =	sld [smem:$0x3FFB];
	_ =	sdelay $0x3  }
0x92: {  	_ =	strace s18  }
0x93: {  	s2 =	sld [smem:$0x3FFC];
	_ =	sdelay $0x3  }
0x94: {  	_ =	strace s2  }
0x95: {  	s2 =	sld [smem:$0x3FFD];
	_ =	sdelay $0x3  }
0x96: {  	_ =	strace s2  }
0x97: {  	_ =	strace $0x8FFFFFFF  }
0x98: {  	s19 =	sld [smem:$0x3FDB];
	_ =	sdelay $0x1  }
0x99: {  	s20 =	simm.s32 $_scs_section_size  }
0x9a: {  	s4 =	simm.s32 $_size__tile_overlayer_lowered;
	s5 =	simm.s32 $_tile_overlayer_lowered  }
0x9b: {  	s6 =	simm.s32 $0x1BFF;
	s21 =	sshll.u32 s5, $0x1;
	s3 =	sadd.s32 s20, s19  }
0x9c: {  	s22 =	simm.s32 $0x0;
	s4 =	sshll.u32 s4, $0x1;
	s5 =	sadd.s32 s21, s3  }
0x9d: {  	[timem:s22], [sflag:s6] =	dma.local [hbm:s5], s4  }
0x9e: {  	_ =	swait.ge [sflag:s6], s4  }
0x9f: {  	s4 =	ssub.s32 $0x0, s4;
	[sflag:s6] =	ssyncset.done $0x0  }
0xa0: {  	[sflag:s6] =	ssyncadd.s32 s4;
	_ =	sdelay $0x1  }
0xa1: {  	s23 =	simm.s32 $0x1B8B  }
0xa2: {  	_ =	swait.ge [sflag:s23], $0x1  }
0xa3: {  	[sflag:s23] =	ssyncset.done $0x0  }
0xa4: {  	[sflag:s23] =	ssyncadd.s32 $0xFFFFFFFF  }
0xa5: {  	s4 =	sld [smem:$0x0]  }
0xa6: {  	s5 =	sand.u32 $0xFFFFFFFE, s1  }
0xa7: {  	p0 =	sne.s32 s1, s5  }
0xa8: {  	s5 =	sshll.u32 @p0 s5, $0xE  }
0xa9: {  	s5 =	sadd.s32 @p0 $0x11B8D, s5;
	s6 =	sshll.u32 @p0 s4, $0x11  }
0xaa: {  	s5 =	sor.u32 @p0 s6, s5  }
0xab: {  	[sflag:s5] =	ssyncadd.remote.s32 @p0 $0x1;
	_ =	sdelay $0x1  }
0xac: {  	s5 =	simm.s32 @p0 $0x1B8D  }
0xad: {  	_ =	swait.eq @p0 [sflag:s5], $0x1  }
0xae: {  	[sflag:s5] =	ssyncadd.s32 @p0 $0xFFFFFFFF  }
0xaf: {  	s6 =	sshll.u32 @!p0 s1, $0xE  }
0xb0: {  	s6 =	sor.u32 @!p0 $0x4000, s6;
	s5 =	simm.s32 @!p0 $0x1B8D  }
0xb1: {  	s4 =	sshll.u32 @!p0 s4, $0x11;
	s6 =	sadd.s32 @!p0 $0x11B8D, s6;
	_ =	swait.eq @!p0 [sflag:s5], $0x1  }
0xb2: {  	s4 =	sor.u32 @!p0 s4, s6;
	[sflag:s5] =	ssyncadd.s32 @!p0 $0xFFFFFFFF  }
0xb3: {  	s25 =	simm.s32 $0x1B8E;
	s24 =	sld [smem:$0x3FFE];
	[sflag:s4] =	ssyncadd.remote.s32 @!p0 $0x1  }
0xb4: {  	s26 =	simm.s32 $execute0_lowered;
	[smem:$0x3FD2] =	sst s25  }
0xb5: {  	s5 =	sshll.u32 s26, $0x1;
	_ =	strace $0x8000004C;
	[dreg:$0x1] =	wrdreg $0xFFFFFFFF  }
0xb6: {  	s28 =	simm.s32 $_size_execute0_lowered;
	s3 =	sadd.s32 s3, s5;
	[dreg:$0x0] =	wrdreg $0x0  }
0xb7: {  	s5 =	sshll.u32 s28, $0x1;
	[dreg:$0x2] =	wrdreg s3  }
0xb8: {  	[dreg:$0x3] =	wrdreg s5  }
0xb9: {  	[dreg:$0x4] =	wrdreg $0xC0  }
0xba: {  	_ =	task [dreg:s22], $0x5FFFF  }
0xbb: {  	[dreg:$0x1] =	wrdreg $0xFFFFFFFF  }
0xbc: {  	[dreg:$0x0] =	wrdreg $0x60  }
0xbd: {  	[dreg:$0x2] =	wrdreg s24  }
0xbe: {  	[dreg:$0x3] =	wrdreg $0x9  }
0xbf: {  	_ =	task.clear_ibuf [dreg:s22], $0x4FFFF;
	_ =	strace $0x9000004C  }
0xc0: {  	s29 =	simm.s32 $0x9;
	_ =	strace $0x8000004E  }
0xc1: {  	_ =	swait.ge [sflag:s29], $0x1  }
0xc2: {  	[sflag:s29] =	ssyncadd.s32 $0xFFFFFFFF  }
0xc3: {  	_ =	strace $0x9000004E  }
0xc4: {  	_ =	sfence  }
0xc5: {  	s30 =	sld [smem:$0x0];
	_ =	sdelay $0x2  }
0xc6: {  	s31 =	sshll.u32 s1, $0xD;
	s1 =	sshrl.u32 s1, $0x2  }
0xc7: {  	s4 =	sand.u32 $0x4000, s31;
	s1 =	sadd.s32 s1, s30  }
0xc8: {  	s0 =	sor.u32 s4, s0;
	s1 =	sshll.u32 s1, $0x11  }
0xc9: {  	s0 =	sor.u32 s1, s0  }
0xca: {  	s0 =	sadd.s32 $0x8F2B, s0  }
0xcb: {  	[sflag:s0] =	ssyncadd.remote.s32 $0x1  }
0xcc: {  	_ =	sfence.sel $0xFFFF  }
0xcd: {  	[dreg:$0x0] =	wrdreg $0xFFFFFFFF;
	(pc) =	sbr.abs _section_cstart, $3  }
0xce: {  	[dreg:$0x1] =	wrdreg $0xFFFFFFFF  }
0xcf: {  	_ =	task.clear_ibuf [dreg:s22], $0x2FFFF;
	_ =	strace $0x9FFFFFFF  }
0xd0: {  	(tm) =	ssettm $0x7FFFFFFF  }
0xd1: {  	_ =	shalt  }
tec
execute0_lowered:
.L_overlay_start_1:
0x0: {  	(tag) =	ssettag $0x1  }
0x1: {  	s0 =	srdreg.scid  }
0x2: {  	s14 =	rddreg [dreg:$0x0];
	s15 =	sand.u32 $0x1, s0  }
0x3: {  	s1 =	stileid.u32;
	s2 =	simm.s32 $0x0;
	s3 =	sshll.u32 s15, $0x6  }
0x4: {  	s0 =	rddreg [dreg:$0x1];
	s4 =	sshll.u32 s1, $0x7;
	s3 =	sadd.s32 s3, s14  }
0x5: {  	[smem:$0x7FF] =	sst s2;
	s3 =	sadd.s32 s4, s3  }
0x6: {  	_ =	strace $0x8000004D;
	s4 =	sadd.s32 $0xC200, s3;
	s3 =	simm.s32 $0x2  }
0x7: {  	[tilespmem:s2], [sflag:$0x2] =	stream.linear.gather [hbm4b:s4+s2], $0x200, $0x38;
	[tilespmem:$0x10200] =	vst v63  }
0x8: {  	_ =	swait.ge [sflag:s3], $0x200  }
0x9: {  	s6 =	simm.s32 $0x80;
	[sflag:s3] =	ssyncset.done $0x0  }
0xa: {  	s7 =	simm.s32 $0x200;
	s5 =	sadd.s32 $0x4200, s14;
	[sflag:s3] =	ssyncadd.s32 $0xFFFFFE00  }
0xb: {  	[tilespmem:s7], [sflag:$0x1] =	stream.indirect.gather [hbm4b:s5+s6], $0x80, s2, s6, $0xb8;
	[tilespmem:$0x10200] =	vst v63  }
0xc: {  	s8 =	simm.s32 $0x4200  }
0xd: {  	[tilespmem:s8], [sflag:$0x1] =	stream.indirect.gather [hbm4b:s5+s6], $0x80, s6, s6, $0xb8;
	[tilespmem:$0x10200] =	vst v63  }
0xe: {  	s9 =	simm.s32 $0x100;
	s10 =	simm.s32 $0x8200  }
0xf: {  	[tilespmem:s10], [sflag:$0x1] =	stream.indirect.gather [hbm4b:s5+s6], $0x80, s9, s6, $0xb8;
	[tilespmem:$0x10200] =	vst v63  }
0x10: {  	s11 =	simm.s32 $0x180;
	s12 =	simm.s32 $0xC200;
	s13 =	simm.s32 $0x1  }
0x11: {  	[tilespmem:s12], [sflag:$0x1] =	stream.indirect.gather [hbm4b:s5+s6], $0x80, s11, s6, $0xb8;
	[tilespmem:$0x10200] =	vst v63  }
0x12: {  	_ =	swait.ge [sflag:s13], $0x4000  }
0x13: {  	[sflag:s13] =	ssyncset.done $0x0  }
0x14: {  	[sflag:s13] =	ssyncadd.s32 $0xFFFFC000  }
0x15: {  	_ =	swait.ge [sflag:s13], $0x4000  }
0x16: {  	[sflag:s13] =	ssyncset.done $0x0  }
0x17: {  	s16 =	sshll.u32 s15, $0xD;
	s15 =	ssub.s32 $0x2, s15;
	[sflag:s13] =	ssyncadd.s32 $0xFFFFC000  }
0x18: {  	s31 =	sshrl.u32 s15, $0x1;
	_ =	swait.ge [sflag:s13], $0x4000  }
0x19: {  	s15 =	ssub.s32 s15, s31;
	[sflag:s13] =	ssyncset.done $0x0  }
0x1a: {  	s17 =	sshll.u32 s1, $0xE;
	s15 =	smax.u32 s15, $0x1;
	[sflag:s13] =	ssyncadd.s32 $0xFFFFC000  }
0x1b: {  	s14 =	sadd.s32 s16, s14;
	p0 =	sne.s32 s15, $0x1;
	_ =	swait.ge [sflag:s13], $0x4000  }
.Ltmp0:
0x1c: {  	s14 =	sadd.s32 s17, s14;
	[sflag:s13] =	ssyncset.done $0x0;
	(pc) =	sbr.rel @!p0 .LBB2_2-.Ltmp0, $4  }
0x1d: {  	s14 =	sadd.s32 $0xCA00, s14;
	[sflag:s13] =	ssyncadd.s32 $0xFFFFC000  }
0x1e: {  	[hbm4b:s14+s2] =	stream.linear.scatter [tilespmem:s7], [sflag:$0x2], $0x10000, $0x38;
	[tilespmem:$0x10200] =	vst v63  }
0x1f: {  	_ =	swait.ge [sflag:s3], $0x10000  }
0x20: {  	s15 =	sadd.s32 $0xFFFFFFFF, s15;
	[sflag:s3] =	ssyncset.done $0x0  }
.LBB2_1:
0x21: {  	p0 =	sne.s32 s15, $0x1;
	s15 =	sadd.s32 $0xFFFFFFFF, s15;
	[sflag:s3] =	ssyncadd.s32 $0xFFFF0000  }
0x22: {  	[tilespmem:s2], [sflag:$0x2] =	stream.linear.gather [hbm4b:s4+s2], $0x200, $0x38;
	[tilespmem:$0x10200] =	vst v63  }
0x23: {  	_ =	swait.ge [sflag:s3], $0x200  }
0x24: {  	[sflag:s3] =	ssyncset.done $0x0  }
0x25: {  	[sflag:s3] =	ssyncadd.s32 $0xFFFFFE00  }
0x26: {  	[tilespmem:s7], [sflag:$0x1] =	stream.indirect.gather [hbm4b:s5+s6], $0x80, s2, s6, $0xb8;
	[tilespmem:$0x10200] =	vst v63  }
0x27: {  	_ = 	snop  }
0x28: {  	[tilespmem:s8], [sflag:$0x1] =	stream.indirect.gather [hbm4b:s5+s6], $0x80, s6, s6, $0xb8;
	[tilespmem:$0x10200] =	vst v63  }
0x29: {  	_ = 	snop  }
0x2a: {  	[tilespmem:s10], [sflag:$0x1] =	stream.indirect.gather [hbm4b:s5+s6], $0x80, s9, s6, $0xb8;
	[tilespmem:$0x10200] =	vst v63  }
0x2b: {  	_ = 	snop  }
0x2c: {  	[tilespmem:s12], [sflag:$0x1] =	stream.indirect.gather [hbm4b:s5+s6], $0x80, s11, s6, $0xb8;
	[tilespmem:$0x10200] =	vst v63  }
0x2d: {  	_ =	swait.ge [sflag:s13], $0x4000  }
0x2e: {  	[sflag:s13] =	ssyncset.done $0x0  }
0x2f: {  	[sflag:s13] =	ssyncadd.s32 $0xFFFFC000  }
0x30: {  	_ =	swait.ge [sflag:s13], $0x4000  }
0x31: {  	[sflag:s13] =	ssyncset.done $0x0  }
0x32: {  	[sflag:s13] =	ssyncadd.s32 $0xFFFFC000  }
0x33: {  	_ =	swait.ge [sflag:s13], $0x4000  }
0x34: {  	[sflag:s13] =	ssyncset.done $0x0  }
0x35: {  	[sflag:s13] =	ssyncadd.s32 $0xFFFFC000  }
0x36: {  	_ =	swait.ge [sflag:s13], $0x4000  }
.Ltmp1:
0x37: {  	[sflag:s13] =	ssyncset.done $0x0;
	(pc) =	sbr.rel @p0 .LBB2_1-.Ltmp1, $4  }
0x38: {  	[sflag:s13] =	ssyncadd.s32 $0xFFFFC000  }
0x39: {  	[hbm4b:s14+s2] =	stream.linear.scatter [tilespmem:s7], [sflag:$0x2], $0x10000, $0x38;
	[tilespmem:$0x10200] =	vst v63  }
0x3a: {  	_ =	swait.ge [sflag:s3], $0x10000  }
0x3b: {  	[sflag:s3] =	ssyncset.done $0x0  }
.LBB2_2:
0x3c: {  	[sflag:s3] =	ssyncadd.s32 $0xFFFF0000  }
0x3d: {  	_ =	sfence.sel $0x180000  }
0x3e: {  	[bflag:$0x0] =	sbarrier.arrive $0xFFFF  }
0x3f: {  	p0 =	sne.s32 s1, $0x0;
	_ =	strace $0x9000004D  }
0x40: {  	s0 =	sadd.s32 @!p0 $0x100000, s0;
	[bflag:$0x2] =	sbarrier.arrive $0xFFFF  }
0x41: {  	[sflag:s0] =	ssyncadd.tile.s32 @!p0 $0x1;
	_ =	shalt  }
.Lfunc_end2:
_tile_overlayer_lowered:
.L_overlay_start_2:
0x42: {  	(tag) =	ssettag $0x2  }
0x43: {  	s0 =	rddreg [dreg:$0x0];
	s2 =	stileid.u32  }
0x44: {  	s1 =	rddreg [dreg:$0x1];
	p0 =	sne.s32 s2, $0x0  }
0x45: {  	s3 =	rddreg [dreg:$0x2];
	[bflag:$0x3] =	sbarrier.arrive $0xFFFF;
	s2 =	simm.s32 @!p0 $0x1C02  }
0x46: {  	[timem:s3], [sflag:s2] =	dma.local @!p0 [hbm:s0], s1  }
0x47: {  	s0 =	simm.s32 @!p0 $0x2  }
0x48: {  	_ =	swait.ge @!p0 [sflag:s0], s1  }
0x49: {  	s1 =	ssub.s32 @!p0 $0x0, s1;
	[sflag:s0] =	ssyncset.done @!p0 $0x0  }
0x4a: {  	[sflag:s0] =	ssyncadd.s32 @!p0 s1  }
0x4b: {  	[bflag:$0x3] =	sbarrier.arrive $0xFFFF  }
0x4c: {  	_ =	shalt  }

// kernel: kernel.18.cloned.1.call-start
scs
__scs_entry_jumppad:
0x0: {  	(pc) =	sbr.rel $0x88, $3  }
0x1: {  	(tag) =	ssettag $0x0;
	lr =	simm.s32 $0x1  }
0x2: {  	[smem:$0x3F93] =	sst lr;
	_ =	strace $0xD0000000  }
0x3: {  	_ = 	snop  }
0x4: {  	_ = 	snop  }
0x5: {  	_ = 	snop  }
0x6: {  	_ = 	snop  }
0x7: {  	_ = 	snop  }
__scs_overlays_trampoline_lowered:
0x8: {  	[smem:$0x3FA2] =	sst s0  }
0x9: {  	[smem:$0x3FA3] =	sst s1  }
0xa: {  	[smem:$0x3FA4] =	sst s2  }
0xb: {  	[smem:$0x3FA5] =	sst s3  }
0xc: {  	[smem:$0x3FA6] =	sst s4  }
0xd: {  	[smem:$0x3FA7] =	sst s5  }
0xe: {  	[smem:$0x3FA8] =	sst s6  }
0xf: {  	[smem:$0x3FA9] =	sst s7  }
0x10: {  	[smem:$0x3FAA] =	sst s8  }
0x11: {  	[smem:$0x3FAB] =	sst s9;
	s0 =	simm.s32 @!p0 $0x0  }
0x12: {  	s1 =	sld [smem:$0x3F91];
	s0 =	simm.s32 @p0 $0x1  }
0x13: {  	[smem:$0x3FAC] =	sst s0;
	s0 =	simm.s32 @!p1 $0x0  }
0x14: {  	s2 =	sld [smem:$0x3F90];
	s0 =	simm.s32 @p1 $0x1  }
0x15: {  	[smem:$0x3FAD] =	sst s0;
	s0 =	simm.s32 @!p2 $0x0  }
0x16: {  	s3 =	sld [smem:$0x3FDB];
	s0 =	simm.s32 @p2 $0x1  }
0x17: {  	s4 =	simm.s32 $0x1BF5;
	[smem:$0x3FAF] =	sst s0  }
0x18: {  	s0 =	sld [smem:$0x3F92];
	_ =	swait.ge [sflag:s4], $0x0  }
0x19: {  	s7 =	sld [smem:$0x3F93]  }
0x1a: {  	s8 =	sadd.s32 $0xFFFFE003, lr  }
0x1b: {  	s9 =	sadd.s32 $0xFFFFFEF7, lr;
	s5 =	simm.s32 $0xFFFFFFFF;
	p2 =	slt.u32 s8, $0xFFFFF086  }
0x1c: {  	p1 =	slt.u32 s9, $0xF7A;
	s5 =	simm.s32 @!p2 $0x0  }
0x1d: {  	s5 =	simm.s32 @p1 $0x1;
	p0 =	seq.s32 s7, s2  }
0x1e: {  	s7 =	smul.u32 @!p0 $0xF7A, s2;
	p2 =	seq.s32 @!p0 s5, $0x0  }
0x1f: {  	s9 =	smul.u32 $0xF7A, s1;
	s8 =	simm.s32 @!p0 $0x1BF5;
	p2 =	por !p2, p0  }
0x20: {  	[sflag:s8] =	ssyncset.s32 @!p0 $0xFFFFF086;
	s6 =	sadd.s32 @!p0 s3, s7;
	s7 =	simm.s32 @!p0 $0x108  }
0x21: {  	s3 =	sadd.s32 s3, s9;
	s6 =	sadd.s32 @!p0 $0x88, s6;
	s7 =	simm.s32 @p2 $0x1082  }
0x22: {  	[simem:s7], [sflag:s8] =	dma.local @!p0 [hbm:s6], $0xF7A  }
0x23: {  	s9 =	sor.u32 $0xD0000000, s2;
	s6 =	simm.s32 $0x108;
	_ =	swait.ge @!p0 [sflag:s8], $0x0  }
0x24: {  	s3 =	sadd.s32 $0x88, s3;
	s6 =	simm.s32 @!p1 $0x1082;
	[sflag:s4] =	ssyncset.s32 $0xFFFFF086  }
0x25: {  	[simem:s6], [sflag:s4] =	dma.local [hbm:s3], $0xF7A  }
0x26: {  	[smem:$0x3F93] =	sst s1;
	(tag) =	ssettag s2;
	_ =	strace s9  }
0x27: {  	s1 =	sld [smem:$0x3FA3]  }
0x28: {  	s2 =	sld [smem:$0x3FA4]  }
0x29: {  	s4 =	sld [smem:$0x3FA6]  }
0x2a: {  	p0 =	seq.s32 s5, $0x0;
	s5 =	sld [smem:$0x3FA7]  }
0x2b: {  	s6 =	sld [smem:$0x3FA8]  }
0x2c: {  	s7 =	sld [smem:$0x3FA9]  }
0x2d: {  	s3 =	simm.s32 $0x108;
	s8 =	sld [smem:$0x3FAA]  }
0x2e: {  	s3 =	simm.s32 @!p0 $0x1082;
	s9 =	sld [smem:$0x3FAB]  }
0x2f: {  	lr =	sadd.s32 s0, s3;
	s0 =	sld [smem:$0x3FA2]  }
0x30: {  	s3 =	sld [smem:$0x3FA5]  }
0x31: {  	[smem:$0x3FAE] =	sst s10  }
0x32: {  	s10 =	sld [smem:$0x3FAC];
	_ =	sdelay $0x3  }
0x33: {  	p0 =	seq.s32 s10, $0x1;
	s10 =	sld [smem:$0x3FAE];
	_ =	sdelay $0x3  }
0x34: {  	[smem:$0x3FAE] =	sst s10  }
0x35: {  	s10 =	sld [smem:$0x3FAD];
	_ =	sdelay $0x3  }
0x36: {  	p1 =	seq.s32 s10, $0x1;
	s10 =	sld [smem:$0x3FAE];
	_ =	sdelay $0x3  }
0x37: {  	[smem:$0x3FAE] =	sst s10  }
0x38: {  	s10 =	sld [smem:$0x3FAF]  }
0x39: {  	_ = 	snop;
	(pc) =	sbr.ind lr, $3  }
0x3a: {  	_ = 	snop  }
0x3b: {  	_ = 	snop  }
0x3c: {  	p2 =	seq.s32 s10, $0x1;
	s10 =	sld [smem:$0x3FAE]  }
0x3d: {  	_ =	shalt  }
0x3e: {  	_ =	shalt  }
0x3f: {  	_ =	shalt  }
0x40: {  	_ =	shalt  }
0x41: {  	_ =	shalt  }
0x42: {  	_ =	shalt  }
0x43: {  	_ =	shalt  }
0x44: {  	_ =	shalt  }
0x45: {  	_ =	shalt  }
0x46: {  	_ =	shalt  }
0x47: {  	_ =	shalt  }
0x48: {  	_ =	shalt  }
0x49: {  	_ =	shalt  }
0x4a: {  	_ =	shalt  }
0x4b: {  	_ =	shalt  }
0x4c: {  	_ =	shalt  }
0x4d: {  	_ =	shalt  }
0x4e: {  	_ =	shalt  }
0x4f: {  	_ =	shalt  }
0x50: {  	_ =	shalt  }
0x51: {  	_ =	shalt  }
0x52: {  	_ =	shalt  }
0x53: {  	_ =	shalt  }
0x54: {  	_ =	shalt  }
0x55: {  	_ =	shalt  }
0x56: {  	_ =	shalt  }
0x57: {  	_ =	shalt  }
0x58: {  	_ =	shalt  }
0x59: {  	_ =	shalt  }
0x5a: {  	_ =	shalt  }
0x5b: {  	_ =	shalt  }
0x5c: {  	_ =	shalt  }
0x5d: {  	_ =	shalt  }
0x5e: {  	_ =	shalt  }
0x5f: {  	_ =	shalt  }
0x60: {  	_ =	shalt  }
0x61: {  	_ =	shalt  }
0x62: {  	_ =	shalt  }
0x63: {  	_ =	shalt  }
0x64: {  	_ =	shalt  }
0x65: {  	_ =	shalt  }
0x66: {  	_ =	shalt  }
0x67: {  	_ =	shalt  }
0x68: {  	_ =	shalt  }
0x69: {  	_ =	shalt  }
0x6a: {  	_ =	shalt  }
0x6b: {  	_ =	shalt  }
0x6c: {  	_ =	shalt  }
0x6d: {  	_ =	shalt  }
0x6e: {  	_ =	shalt  }
0x6f: {  	_ =	shalt  }
0x70: {  	_ =	shalt  }
0x71: {  	_ =	shalt  }
0x72: {  	_ =	shalt  }
0x73: {  	_ =	shalt  }
0x74: {  	_ =	shalt  }
0x75: {  	_ =	shalt  }
0x76: {  	_ =	shalt  }
0x77: {  	_ =	shalt  }
0x78: {  	_ =	shalt  }
0x79: {  	_ =	shalt  }
0x7a: {  	_ =	shalt  }
0x7b: {  	_ =	shalt  }
0x7c: {  	_ =	shalt  }
0x7d: {  	_ =	shalt  }
0x7e: {  	_ =	shalt  }
0x7f: {  	_ =	shalt  }
0x80: {  	_ =	shalt  }
0x81: {  	_ =	shalt  }
0x82: {  	_ =	shalt  }
0x83: {  	_ =	shalt  }
0x84: {  	_ =	shalt  }
0x85: {  	_ =	shalt  }
0x86: {  	_ =	shalt  }
0x87: {  	_ =	shalt  }
.Lfunc_end0:
.L_simem_size_0:
called_computation.2_lowered:
.L_overlay_start_0:
0x88: {  	s2 =	sld [smem:$0x3FD9]  }
0x89: {  	s3 =	sld [smem:$0x3FFE];
	_ =	sdelay $0x1  }
0x8a: {  	s1 =	srdreg.scid  }
0x8b: {  	s0 =	sand.u32 $0x1, s1  }
0x8c: {  	s15 =	sshll.u32 s0, $0xA;
	s2 =	sadd.s32 s3, s2  }
0x8d: {  	s2 =	sadd.s32 s2, s15  }
0x8e: {  	[smem:$0x3FBA] =	sst s2  }
0x8f: {  	_ = 	snop  }
0x90: {  	s2 =	sld [smem:$0x3FD0];
	_ =	sdelay $0x2  }
0x91: {  	s16 =	simm.s32 $0xB;
	s4 =	simm.s32 $0x10  }
0x92: {  	[smem:s4], [sflag:s16] =	dma.local [hbm:s2], $0x1  }
0x93: {  	_ =	swait.eq [sflag:s16], $0x1  }
0x94: {  	[sflag:s16] =	ssyncset.done $0x0  }
0x95: {  	[sflag:s16] =	ssyncadd.s32 $0xFFFFFFFF  }
0x96: {  	s17 =	sld [smem:$0x11];
	(tm) =	ssettm $0x1  }
0x97: {  	s18 =	sld [smem:$0x3FFB];
	_ =	sdelay $0x3  }
0x98: {  	_ =	strace s18  }
0x99: {  	s2 =	sld [smem:$0x3FFC];
	_ =	sdelay $0x3  }
0x9a: {  	_ =	strace s2  }
0x9b: {  	s2 =	sld [smem:$0x3FFD];
	_ =	sdelay $0x3  }
0x9c: {  	_ =	strace s2  }
0x9d: {  	_ =	strace $0x8FFFFFFF  }
0x9e: {  	s19 =	sld [smem:$0x3FDB];
	_ =	sdelay $0x1  }
0x9f: {  	s20 =	simm.s32 $_scs_section_size  }
0xa0: {  	s5 =	simm.s32 $_size__tile_overlayer_lowered;
	s6 =	simm.s32 $_tile_overlayer_lowered  }
0xa1: {  	s7 =	simm.s32 $0x1BFF;
	s21 =	sshll.u32 s6, $0x1;
	s4 =	sadd.s32 s20, s19  }
0xa2: {  	s22 =	simm.s32 $0x0;
	s5 =	sshll.u32 s5, $0x1;
	s6 =	sadd.s32 s21, s4  }
0xa3: {  	[timem:s22], [sflag:s7] =	dma.local [hbm:s6], s5  }
0xa4: {  	_ =	swait.ge [sflag:s7], s5  }
0xa5: {  	s5 =	ssub.s32 $0x0, s5;
	[sflag:s7] =	ssyncset.done $0x0  }
0xa6: {  	[sflag:s7] =	ssyncadd.s32 s5;
	_ =	sdelay $0x1  }
0xa7: {  	s23 =	simm.s32 $0x1B8B  }
0xa8: {  	_ =	swait.ge [sflag:s23], $0x1  }
0xa9: {  	[sflag:s23] =	ssyncset.done $0x0  }
0xaa: {  	[sflag:s23] =	ssyncadd.s32 $0xFFFFFFFF  }
0xab: {  	s5 =	sld [smem:$0x0]  }
0xac: {  	s6 =	sand.u32 $0xFFFFFFFE, s1  }
0xad: {  	p0 =	sne.s32 s1, s6  }
0xae: {  	s6 =	sshll.u32 @p0 s6, $0xE  }
0xaf: {  	s6 =	sadd.s32 @p0 $0x11B8D, s6;
	s7 =	sshll.u32 @p0 s5, $0x11  }
0xb0: {  	s6 =	sor.u32 @p0 s7, s6  }
0xb1: {  	[sflag:s6] =	ssyncadd.remote.s32 @p0 $0x1;
	_ =	sdelay $0x1  }
0xb2: {  	s6 =	simm.s32 @p0 $0x1B8D  }
0xb3: {  	_ =	swait.eq @p0 [sflag:s6], $0x1  }
0xb4: {  	[sflag:s6] =	ssyncadd.s32 @p0 $0xFFFFFFFF  }
0xb5: {  	s7 =	sshll.u32 @!p0 s1, $0xE  }
0xb6: {  	s7 =	sor.u32 @!p0 $0x4000, s7;
	s6 =	simm.s32 @!p0 $0x1B8D  }
0xb7: {  	s5 =	sshll.u32 @!p0 s5, $0x11;
	s7 =	sadd.s32 @!p0 $0x11B8D, s7;
	_ =	swait.eq @!p0 [sflag:s6], $0x1  }
0xb8: {  	s5 =	sor.u32 @!p0 s5, s7;
	[sflag:s6] =	ssyncadd.s32 @!p0 $0xFFFFFFFF  }
0xb9: {  	s25 =	simm.s32 $0x1B8E;
	s24 =	sld [smem:$0x3FFE];
	[sflag:s5] =	ssyncadd.remote.s32 @!p0 $0x1  }
0xba: {  	s26 =	simm.s32 $execute0_lowered;
	[smem:$0x3FD2] =	sst s25  }
0xbb: {  	s6 =	sshll.u32 s26, $0x1;
	_ =	strace $0x80000049;
	[dreg:$0x1] =	wrdreg $0xFFFFFFFF  }
0xbc: {  	s28 =	simm.s32 $_size_execute0_lowered;
	s4 =	sadd.s32 s4, s6;
	[dreg:$0x0] =	wrdreg $0x0  }
0xbd: {  	s6 =	sshll.u32 s28, $0x1;
	[dreg:$0x2] =	wrdreg s4  }
0xbe: {  	[dreg:$0x3] =	wrdreg s6  }
0xbf: {  	[dreg:$0x4] =	wrdreg $0xC0  }
0xc0: {  	_ =	task [dreg:s22], $0x5FFFF  }
0xc1: {  	[dreg:$0x1] =	wrdreg $0xFFFFFFFF  }
0xc2: {  	[dreg:$0x0] =	wrdreg $0x60  }
0xc3: {  	[dreg:$0x2] =	wrdreg s24  }
0xc4: {  	[dreg:$0x3] =	wrdreg s17  }
0xc5: {  	[dreg:$0x4] =	wrdreg $0xA  }
0xc6: {  	_ =	task.clear_ibuf [dreg:s22], $0x5FFFF;
	_ =	strace $0x90000049  }
0xc7: {  	s29 =	simm.s32 $0xA;
	_ =	strace $0x8000004B  }
0xc8: {  	_ =	swait.ge [sflag:s29], $0x1  }
0xc9: {  	[sflag:s29] =	ssyncadd.s32 $0xFFFFFFFF  }
0xca: {  	_ =	strace $0x9000004B  }
0xcb: {  	_ =	sfence  }
0xcc: {  	s30 =	sld [smem:$0x0];
	_ =	sdelay $0x2  }
0xcd: {  	s31 =	sshll.u32 s1, $0xD;
	s1 =	sshrl.u32 s1, $0x2  }
0xce: {  	s4 =	sand.u32 $0x4000, s31;
	s1 =	sadd.s32 s1, s30  }
0xcf: {  	s0 =	sor.u32 s4, s0;
	s1 =	sshll.u32 s1, $0x11  }
0xd0: {  	s0 =	sor.u32 s1, s0  }
0xd1: {  	s0 =	sadd.s32 $0x8F2B, s0  }
0xd2: {  	[sflag:s0] =	ssyncadd.remote.s32 $0x1  }
0xd3: {  	_ =	sfence.sel $0xFFFF  }
0xd4: {  	[dreg:$0x0] =	wrdreg $0xFFFFFFFF;
	(pc) =	sbr.abs _section_cstart, $3  }
0xd5: {  	[dreg:$0x1] =	wrdreg $0xFFFFFFFF  }
0xd6: {  	_ =	task.clear_ibuf [dreg:s22], $0x2FFFF;
	_ =	strace $0x9FFFFFFF  }
0xd7: {  	(tm) =	ssettm $0x7FFFFFFF  }
tec
execute0_lowered:
.L_overlay_start_1:
0x0: {  	(tag) =	ssettag $0x1  }
0x1: {  	s14 =	rddreg [dreg:$0x0];
	s0 =	srdreg.scid  }
0x2: {  	s2 =	rddreg [dreg:$0x1];
	s15 =	sand.u32 $0x1, s0  }
0x3: {  	s1 =	stileid.u32;
	s3 =	simm.s32 $0x0;
	s4 =	sshll.u32 s15, $0x6  }
0x4: {  	s0 =	rddreg [dreg:$0x2];
	s5 =	sshll.u32 s1, $0x7;
	s4 =	sadd.s32 s4, s14  }
0x5: {  	[smem:$0x7FF] =	sst s3;
	s4 =	sadd.s32 s5, s4  }
0x6: {  	_ =	strace $0x8000004A;
	s5 =	sadd.s32 $0x4CA00, s4;
	s4 =	simm.s32 $0x2  }
0x7: {  	[tilespmem:s3], [sflag:$0x2] =	stream.linear.gather [hbm4b:s5+s3], $0x200, $0x38;
	[tilespmem:$0x10200] =	vst v63  }
0x8: {  	_ =	swait.ge [sflag:s4], $0x200  }
0x9: {  	[sflag:s4] =	ssyncset.done $0x0  }
0xa: {  	s6 =	simm.s32 $0x80;
	s7 =	simm.s32 $0x200;
	[sflag:s4] =	ssyncadd.s32 $0xFFFFFE00  }
0xb: {  	[tilespmem:s7], [sflag:$0x1] =	stream.indirect.gather [hbm4b:s2+s6], $0x80, s3, s6, $0xb8;
	[tilespmem:$0x10200] =	vst v63  }
0xc: {  	s8 =	simm.s32 $0x4200  }
0xd: {  	[tilespmem:s8], [sflag:$0x1] =	stream.indirect.gather [hbm4b:s2+s6], $0x80, s6, s6, $0xb8;
	[tilespmem:$0x10200] =	vst v63  }
0xe: {  	s9 =	simm.s32 $0x100;
	s10 =	simm.s32 $0x8200  }
0xf: {  	[tilespmem:s10], [sflag:$0x1] =	stream.indirect.gather [hbm4b:s2+s6], $0x80, s9, s6, $0xb8;
	[tilespmem:$0x10200] =	vst v63  }
0x10: {  	s11 =	simm.s32 $0x180;
	s12 =	simm.s32 $0xC200;
	s13 =	simm.s32 $0x1  }
0x11: {  	[tilespmem:s12], [sflag:$0x1] =	stream.indirect.gather [hbm4b:s2+s6], $0x80, s11, s6, $0xb8;
	[tilespmem:$0x10200] =	vst v63  }
0x12: {  	_ =	swait.ge [sflag:s13], $0x4000  }
0x13: {  	[sflag:s13] =	ssyncset.done $0x0  }
0x14: {  	[sflag:s13] =	ssyncadd.s32 $0xFFFFC000  }
0x15: {  	_ =	swait.ge [sflag:s13], $0x4000  }
0x16: {  	[sflag:s13] =	ssyncset.done $0x0  }
0x17: {  	s16 =	sshll.u32 s15, $0xD;
	s15 =	ssub.s32 $0x2, s15;
	[sflag:s13] =	ssyncadd.s32 $0xFFFFC000  }
0x18: {  	s31 =	sshrl.u32 s15, $0x1;
	_ =	swait.ge [sflag:s13], $0x4000  }
0x19: {  	s15 =	ssub.s32 s15, s31;
	[sflag:s13] =	ssyncset.done $0x0  }
0x1a: {  	s17 =	sshll.u32 s1, $0xE;
	s15 =	smax.u32 s15, $0x1;
	[sflag:s13] =	ssyncadd.s32 $0xFFFFC000  }
0x1b: {  	s14 =	sadd.s32 s16, s14;
	p0 =	sne.s32 s15, $0x1;
	_ =	swait.ge [sflag:s13], $0x4000  }
.Ltmp0:
0x1c: {  	s14 =	sadd.s32 s17, s14;
	[sflag:s13] =	ssyncset.done $0x0;
	(pc) =	sbr.rel @!p0 .LBB2_2-.Ltmp0, $4  }
0x1d: {  	s14 =	sadd.s32 $0x4D200, s14;
	[sflag:s13] =	ssyncadd.s32 $0xFFFFC000  }
0x1e: {  	[hbm4b:s14+s3] =	stream.linear.scatter [tilespmem:s7], [sflag:$0x2], $0x10000, $0x38;
	[tilespmem:$0x10200] =	vst v63  }
0x1f: {  	_ =	swait.ge [sflag:s4], $0x10000  }
0x20: {  	s15 =	sadd.s32 $0xFFFFFFFF, s15;
	[sflag:s4] =	ssyncset.done $0x0  }
.LBB2_1:
0x21: {  	p0 =	sne.s32 s15, $0x1;
	s15 =	sadd.s32 $0xFFFFFFFF, s15;
	[sflag:s4] =	ssyncadd.s32 $0xFFFF0000  }
0x22: {  	[tilespmem:s3], [sflag:$0x2] =	stream.linear.gather [hbm4b:s5+s3], $0x200, $0x38;
	[tilespmem:$0x10200] =	vst v63  }
0x23: {  	_ =	swait.ge [sflag:s4], $0x200  }
0x24: {  	[sflag:s4] =	ssyncset.done $0x0  }
0x25: {  	[sflag:s4] =	ssyncadd.s32 $0xFFFFFE00  }
0x26: {  	[tilespmem:s7], [sflag:$0x1] =	stream.indirect.gather [hbm4b:s2+s6], $0x80, s3, s6, $0xb8;
	[tilespmem:$0x10200] =	vst v63  }
0x27: {  	_ = 	snop  }
0x28: {  	[tilespmem:s8], [sflag:$0x1] =	stream.indirect.gather [hbm4b:s2+s6], $0x80, s6, s6, $0xb8;
	[tilespmem:$0x10200] =	vst v63  }
0x29: {  	_ = 	snop  }
0x2a: {  	[tilespmem:s10], [sflag:$0x1] =	stream.indirect.gather [hbm4b:s2+s6], $0x80, s9, s6, $0xb8;
	[tilespmem:$0x10200] =	vst v63  }
0x2b: {  	_ = 	snop  }
0x2c: {  	[tilespmem:s12], [sflag:$0x1] =	stream.indirect.gather [hbm4b:s2+s6], $0x80, s11, s6, $0xb8;
	[tilespmem:$0x10200] =	vst v63  }
0x2d: {  	_ =	swait.ge [sflag:s13], $0x4000  }
0x2e: {  	[sflag:s13] =	ssyncset.done $0x0  }
0x2f: {  	[sflag:s13] =	ssyncadd.s32 $0xFFFFC000  }
0x30: {  	_ =	swait.ge [sflag:s13], $0x4000  }
0x31: {  	[sflag:s13] =	ssyncset.done $0x0  }
0x32: {  	[sflag:s13] =	ssyncadd.s32 $0xFFFFC000  }
0x33: {  	_ =	swait.ge [sflag:s13], $0x4000  }
0x34: {  	[sflag:s13] =	ssyncset.done $0x0  }
0x35: {  	[sflag:s13] =	ssyncadd.s32 $0xFFFFC000  }
0x36: {  	_ =	swait.ge [sflag:s13], $0x4000  }
.Ltmp1:
0x37: {  	[sflag:s13] =	ssyncset.done $0x0;
	(pc) =	sbr.rel @p0 .LBB2_1-.Ltmp1, $4  }
0x38: {  	[sflag:s13] =	ssyncadd.s32 $0xFFFFC000  }
0x39: {  	[hbm4b:s14+s3] =	stream.linear.scatter [tilespmem:s7], [sflag:$0x2], $0x10000, $0x38;
	[tilespmem:$0x10200] =	vst v63  }
0x3a: {  	_ =	swait.ge [sflag:s4], $0x10000  }
0x3b: {  	[sflag:s4] =	ssyncset.done $0x0  }
.LBB2_2:
0x3c: {  	[sflag:s4] =	ssyncadd.s32 $0xFFFF0000  }
0x3d: {  	_ =	sfence.sel $0x180000  }
0x3e: {  	[bflag:$0x0] =	sbarrier.arrive $0xFFFF  }
0x3f: {  	p0 =	sne.s32 s1, $0x0;
	_ =	strace $0x9000004A  }
0x40: {  	s0 =	sadd.s32 @!p0 $0x100000, s0;
	[bflag:$0x2] =	sbarrier.arrive $0xFFFF  }
0x41: {  	[sflag:s0] =	ssyncadd.tile.s32 @!p0 $0x1;
	_ =	shalt  }
.Lfunc_end2:
_tile_overlayer_lowered:
.L_overlay_start_2:
0x42: {  	(tag) =	ssettag $0x2  }
0x43: {  	s0 =	rddreg [dreg:$0x0];
	s2 =	stileid.u32  }
0x44: {  	s1 =	rddreg [dreg:$0x1];
	p0 =	sne.s32 s2, $0x0  }
0x45: {  	s3 =	rddreg [dreg:$0x2];
	[bflag:$0x3] =	sbarrier.arrive $0xFFFF;
	s2 =	simm.s32 @!p0 $0x1C02  }
0x46: {  	[timem:s3], [sflag:s2] =	dma.local @!p0 [hbm:s0], s1  }
0x47: {  	s0 =	simm.s32 @!p0 $0x2  }
0x48: {  	_ =	swait.ge @!p0 [sflag:s0], s1  }
0x49: {  	s1 =	ssub.s32 @!p0 $0x0, s1;
	[sflag:s0] =	ssyncset.done @!p0 $0x0  }
0x4a: {  	[sflag:s0] =	ssyncadd.s32 @!p0 s1  }
0x4b: {  	[bflag:$0x3] =	sbarrier.arrive $0xFFFF  }
0x4c: {  	_ =	shalt  }

// kernel: kernel.21.cloned.1.call-start
scs
__scs_entry_jumppad:
0x0: {  	(pc) =	sbr.rel $0x88, $3  }
0x1: {  	(tag) =	ssettag $0x0;
	lr =	simm.s32 $0x1  }
0x2: {  	[smem:$0x3F93] =	sst lr;
	_ =	strace $0xD0000000  }
0x3: {  	_ = 	snop  }
0x4: {  	_ = 	snop  }
0x5: {  	_ = 	snop  }
0x6: {  	_ = 	snop  }
0x7: {  	_ = 	snop  }
__scs_overlays_trampoline_lowered:
0x8: {  	[smem:$0x3FA2] =	sst s0  }
0x9: {  	[smem:$0x3FA3] =	sst s1  }
0xa: {  	[smem:$0x3FA4] =	sst s2  }
0xb: {  	[smem:$0x3FA5] =	sst s3  }
0xc: {  	[smem:$0x3FA6] =	sst s4  }
0xd: {  	[smem:$0x3FA7] =	sst s5  }
0xe: {  	[smem:$0x3FA8] =	sst s6  }
0xf: {  	[smem:$0x3FA9] =	sst s7  }
0x10: {  	[smem:$0x3FAA] =	sst s8  }
0x11: {  	[smem:$0x3FAB] =	sst s9;
	s0 =	simm.s32 @!p0 $0x0  }
0x12: {  	s1 =	sld [smem:$0x3F91];
	s0 =	simm.s32 @p0 $0x1  }
0x13: {  	[smem:$0x3FAC] =	sst s0;
	s0 =	simm.s32 @!p1 $0x0  }
0x14: {  	s2 =	sld [smem:$0x3F90];
	s0 =	simm.s32 @p1 $0x1  }
0x15: {  	[smem:$0x3FAD] =	sst s0;
	s0 =	simm.s32 @!p2 $0x0  }
0x16: {  	s3 =	sld [smem:$0x3FDB];
	s0 =	simm.s32 @p2 $0x1  }
0x17: {  	s4 =	simm.s32 $0x1BF5;
	[smem:$0x3FAF] =	sst s0  }
0x18: {  	s0 =	sld [smem:$0x3F92];
	_ =	swait.ge [sflag:s4], $0x0  }
0x19: {  	s7 =	sld [smem:$0x3F93]  }
0x1a: {  	s8 =	sadd.s32 $0xFFFFE003, lr  }
0x1b: {  	s9 =	sadd.s32 $0xFFFFFEF7, lr;
	s5 =	simm.s32 $0xFFFFFFFF;
	p2 =	slt.u32 s8, $0xFFFFF086  }
0x1c: {  	p1 =	slt.u32 s9, $0xF7A;
	s5 =	simm.s32 @!p2 $0x0  }
0x1d: {  	s5 =	simm.s32 @p1 $0x1;
	p0 =	seq.s32 s7, s2  }
0x1e: {  	s7 =	smul.u32 @!p0 $0xF7A, s2;
	p2 =	seq.s32 @!p0 s5, $0x0  }
0x1f: {  	s9 =	smul.u32 $0xF7A, s1;
	s8 =	simm.s32 @!p0 $0x1BF5;
	p2 =	por !p2, p0  }
0x20: {  	[sflag:s8] =	ssyncset.s32 @!p0 $0xFFFFF086;
	s6 =	sadd.s32 @!p0 s3, s7;
	s7 =	simm.s32 @!p0 $0x108  }
0x21: {  	s3 =	sadd.s32 s3, s9;
	s6 =	sadd.s32 @!p0 $0x88, s6;
	s7 =	simm.s32 @p2 $0x1082  }
0x22: {  	[simem:s7], [sflag:s8] =	dma.local @!p0 [hbm:s6], $0xF7A  }
0x23: {  	s9 =	sor.u32 $0xD0000000, s2;
	s6 =	simm.s32 $0x108;
	_ =	swait.ge @!p0 [sflag:s8], $0x0  }
0x24: {  	s3 =	sadd.s32 $0x88, s3;
	s6 =	simm.s32 @!p1 $0x1082;
	[sflag:s4] =	ssyncset.s32 $0xFFFFF086  }
0x25: {  	[simem:s6], [sflag:s4] =	dma.local [hbm:s3], $0xF7A  }
0x26: {  	[smem:$0x3F93] =	sst s1;
	(tag) =	ssettag s2;
	_ =	strace s9  }
0x27: {  	s1 =	sld [smem:$0x3FA3]  }
0x28: {  	s2 =	sld [smem:$0x3FA4]  }
0x29: {  	s4 =	sld [smem:$0x3FA6]  }
0x2a: {  	p0 =	seq.s32 s5, $0x0;
	s5 =	sld [smem:$0x3FA7]  }
0x2b: {  	s6 =	sld [smem:$0x3FA8]  }
0x2c: {  	s7 =	sld [smem:$0x3FA9]  }
0x2d: {  	s3 =	simm.s32 $0x108;
	s8 =	sld [smem:$0x3FAA]  }
0x2e: {  	s3 =	simm.s32 @!p0 $0x1082;
	s9 =	sld [smem:$0x3FAB]  }
0x2f: {  	lr =	sadd.s32 s0, s3;
	s0 =	sld [smem:$0x3FA2]  }
0x30: {  	s3 =	sld [smem:$0x3FA5]  }
0x31: {  	[smem:$0x3FAE] =	sst s10  }
0x32: {  	s10 =	sld [smem:$0x3FAC];
	_ =	sdelay $0x3  }
0x33: {  	p0 =	seq.s32 s10, $0x1;
	s10 =	sld [smem:$0x3FAE];
	_ =	sdelay $0x3  }
0x34: {  	[smem:$0x3FAE] =	sst s10  }
0x35: {  	s10 =	sld [smem:$0x3FAD];
	_ =	sdelay $0x3  }
0x36: {  	p1 =	seq.s32 s10, $0x1;
	s10 =	sld [smem:$0x3FAE];
	_ =	sdelay $0x3  }
0x37: {  	[smem:$0x3FAE] =	sst s10  }
0x38: {  	s10 =	sld [smem:$0x3FAF]  }
0x39: {  	_ = 	snop;
	(pc) =	sbr.ind lr, $3  }
0x3a: {  	_ = 	snop  }
0x3b: {  	_ = 	snop  }
0x3c: {  	p2 =	seq.s32 s10, $0x1;
	s10 =	sld [smem:$0x3FAE]  }
0x3d: {  	_ =	shalt  }
0x3e: {  	_ =	shalt  }
0x3f: {  	_ =	shalt  }
0x40: {  	_ =	shalt  }
0x41: {  	_ =	shalt  }
0x42: {  	_ =	shalt  }
0x43: {  	_ =	shalt  }
0x44: {  	_ =	shalt  }
0x45: {  	_ =	shalt  }
0x46: {  	_ =	shalt  }
0x47: {  	_ =	shalt  }
0x48: {  	_ =	shalt  }
0x49: {  	_ =	shalt  }
0x4a: {  	_ =	shalt  }
0x4b: {  	_ =	shalt  }
0x4c: {  	_ =	shalt  }
0x4d: {  	_ =	shalt  }
0x4e: {  	_ =	shalt  }
0x4f: {  	_ =	shalt  }
0x50: {  	_ =	shalt  }
0x51: {  	_ =	shalt  }
0x52: {  	_ =	shalt  }
0x53: {  	_ =	shalt  }
0x54: {  	_ =	shalt  }
0x55: {  	_ =	shalt  }
0x56: {  	_ =	shalt  }
0x57: {  	_ =	shalt  }
0x58: {  	_ =	shalt  }
0x59: {  	_ =	shalt  }
0x5a: {  	_ =	shalt  }
0x5b: {  	_ =	shalt  }
0x5c: {  	_ =	shalt  }
0x5d: {  	_ =	shalt  }
0x5e: {  	_ =	shalt  }
0x5f: {  	_ =	shalt  }
0x60: {  	_ =	shalt  }
0x61: {  	_ =	shalt  }
0x62: {  	_ =	shalt  }
0x63: {  	_ =	shalt  }
0x64: {  	_ =	shalt  }
0x65: {  	_ =	shalt  }
0x66: {  	_ =	shalt  }
0x67: {  	_ =	shalt  }
0x68: {  	_ =	shalt  }
0x69: {  	_ =	shalt  }
0x6a: {  	_ =	shalt  }
0x6b: {  	_ =	shalt  }
0x6c: {  	_ =	shalt  }
0x6d: {  	_ =	shalt  }
0x6e: {  	_ =	shalt  }
0x6f: {  	_ =	shalt  }
0x70: {  	_ =	shalt  }
0x71: {  	_ =	shalt  }
0x72: {  	_ =	shalt  }
0x73: {  	_ =	shalt  }
0x74: {  	_ =	shalt  }
0x75: {  	_ =	shalt  }
0x76: {  	_ =	shalt  }
0x77: {  	_ =	shalt  }
0x78: {  	_ =	shalt  }
0x79: {  	_ =	shalt  }
0x7a: {  	_ =	shalt  }
0x7b: {  	_ =	shalt  }
0x7c: {  	_ =	shalt  }
0x7d: {  	_ =	shalt  }
0x7e: {  	_ =	shalt  }
0x7f: {  	_ =	shalt  }
0x80: {  	_ =	shalt  }
0x81: {  	_ =	shalt  }
0x82: {  	_ =	shalt  }
0x83: {  	_ =	shalt  }
0x84: {  	_ =	shalt  }
0x85: {  	_ =	shalt  }
0x86: {  	_ =	shalt  }
0x87: {  	_ =	shalt  }
.Lfunc_end0:
.L_simem_size_0:
called_computation.3_lowered:
.L_overlay_start_0:
0x88: {  	s2 =	sld [smem:$0x3FD9]  }
0x89: {  	s3 =	sld [smem:$0x3FFE];
	_ =	sdelay $0x1  }
0x8a: {  	s1 =	srdreg.scid  }
0x8b: {  	s0 =	sand.u32 $0x1, s1  }
0x8c: {  	s15 =	sshll.u32 s0, $0xA;
	s2 =	sadd.s32 s3, s2  }
0x8d: {  	s2 =	sadd.s32 s2, s15  }
0x8e: {  	[smem:$0x3FBA] =	sst s2  }
0x8f: {  	_ = 	snop  }
0x90: {  	s2 =	sld [smem:$0x3FD0];
	_ =	sdelay $0x2  }
0x91: {  	s16 =	simm.s32 $0xB;
	s4 =	simm.s32 $0x10  }
0x92: {  	[smem:s4], [sflag:s16] =	dma.local [hbm:s2], $0x1  }
0x93: {  	_ =	swait.eq [sflag:s16], $0x1  }
0x94: {  	[sflag:s16] =	ssyncset.done $0x0  }
0x95: {  	[sflag:s16] =	ssyncadd.s32 $0xFFFFFFFF  }
0x96: {  	s17 =	sld [smem:$0x11];
	(tm) =	ssettm $0x1  }
0x97: {  	s18 =	sld [smem:$0x3FFB];
	_ =	sdelay $0x3  }
0x98: {  	_ =	strace s18  }
0x99: {  	s2 =	sld [smem:$0x3FFC];
	_ =	sdelay $0x3  }
0x9a: {  	_ =	strace s2  }
0x9b: {  	s2 =	sld [smem:$0x3FFD];
	_ =	sdelay $0x3  }
0x9c: {  	_ =	strace s2  }
0x9d: {  	_ =	strace $0x8FFFFFFF  }
0x9e: {  	s19 =	sld [smem:$0x3FDB];
	_ =	sdelay $0x1  }
0x9f: {  	s20 =	simm.s32 $_scs_section_size  }
0xa0: {  	s5 =	simm.s32 $_size__tile_overlayer_lowered;
	s6 =	simm.s32 $_tile_overlayer_lowered  }
0xa1: {  	s7 =	simm.s32 $0x1BFF;
	s21 =	sshll.u32 s6, $0x1;
	s4 =	sadd.s32 s20, s19  }
0xa2: {  	s22 =	simm.s32 $0x0;
	s5 =	sshll.u32 s5, $0x1;
	s6 =	sadd.s32 s21, s4  }
0xa3: {  	[timem:s22], [sflag:s7] =	dma.local [hbm:s6], s5  }
0xa4: {  	_ =	swait.ge [sflag:s7], s5  }
0xa5: {  	s5 =	ssub.s32 $0x0, s5;
	[sflag:s7] =	ssyncset.done $0x0  }
0xa6: {  	[sflag:s7] =	ssyncadd.s32 s5;
	_ =	sdelay $0x1  }
0xa7: {  	s23 =	simm.s32 $0x1B8B  }
0xa8: {  	_ =	swait.ge [sflag:s23], $0x1  }
0xa9: {  	[sflag:s23] =	ssyncset.done $0x0  }
0xaa: {  	[sflag:s23] =	ssyncadd.s32 $0xFFFFFFFF  }
0xab: {  	s5 =	sld [smem:$0x0]  }
0xac: {  	s6 =	sand.u32 $0xFFFFFFFE, s1  }
0xad: {  	p0 =	sne.s32 s1, s6  }
0xae: {  	s6 =	sshll.u32 @p0 s6, $0xE  }
0xaf: {  	s6 =	sadd.s32 @p0 $0x11B8D, s6;
	s7 =	sshll.u32 @p0 s5, $0x11  }
0xb0: {  	s6 =	sor.u32 @p0 s7, s6  }
0xb1: {  	[sflag:s6] =	ssyncadd.remote.s32 @p0 $0x1;
	_ =	sdelay $0x1  }
0xb2: {  	s6 =	simm.s32 @p0 $0x1B8D  }
0xb3: {  	_ =	swait.eq @p0 [sflag:s6], $0x1  }
0xb4: {  	[sflag:s6] =	ssyncadd.s32 @p0 $0xFFFFFFFF  }
0xb5: {  	s7 =	sshll.u32 @!p0 s1, $0xE  }
0xb6: {  	s7 =	sor.u32 @!p0 $0x4000, s7;
	s6 =	simm.s32 @!p0 $0x1B8D  }
0xb7: {  	s5 =	sshll.u32 @!p0 s5, $0x11;
	s7 =	sadd.s32 @!p0 $0x11B8D, s7;
	_ =	swait.eq @!p0 [sflag:s6], $0x1  }
0xb8: {  	s5 =	sor.u32 @!p0 s5, s7;
	[sflag:s6] =	ssyncadd.s32 @!p0 $0xFFFFFFFF  }
0xb9: {  	s25 =	simm.s32 $0x1B8E;
	s24 =	sld [smem:$0x3FFE];
	[sflag:s5] =	ssyncadd.remote.s32 @!p0 $0x1  }
0xba: {  	s26 =	simm.s32 $execute0_lowered;
	[smem:$0x3FD2] =	sst s25  }
0xbb: {  	s6 =	sshll.u32 s26, $0x1;
	_ =	strace $0x8000004F;
	[dreg:$0x1] =	wrdreg $0xFFFFFFFF  }
0xbc: {  	s28 =	simm.s32 $_size_execute0_lowered;
	s4 =	sadd.s32 s4, s6;
	[dreg:$0x0] =	wrdreg $0x0  }
0xbd: {  	s6 =	sshll.u32 s28, $0x1;
	[dreg:$0x2] =	wrdreg s4  }
0xbe: {  	[dreg:$0x3] =	wrdreg s6  }
0xbf: {  	[dreg:$0x4] =	wrdreg $0xC0  }
0xc0: {  	_ =	task [dreg:s22], $0x5FFFF  }
0xc1: {  	[dreg:$0x1] =	wrdreg $0xFFFFFFFF  }
0xc2: {  	[dreg:$0x0] =	wrdreg $0x60  }
0xc3: {  	[dreg:$0x2] =	wrdreg s24  }
0xc4: {  	[dreg:$0x3] =	wrdreg s17  }
0xc5: {  	[dreg:$0x4] =	wrdreg $0xA  }
0xc6: {  	_ =	task.clear_ibuf [dreg:s22], $0x5FFFF;
	_ =	strace $0x9000004F  }
0xc7: {  	s29 =	simm.s32 $0xA;
	_ =	strace $0x80000051  }
0xc8: {  	_ =	swait.ge [sflag:s29], $0x1  }
0xc9: {  	[sflag:s29] =	ssyncadd.s32 $0xFFFFFFFF  }
0xca: {  	_ =	strace $0x90000051  }
0xcb: {  	_ =	sfence  }
0xcc: {  	s30 =	sld [smem:$0x0];
	_ =	sdelay $0x2  }
0xcd: {  	s31 =	sshll.u32 s1, $0xD;
	s1 =	sshrl.u32 s1, $0x2  }
0xce: {  	s4 =	sand.u32 $0x4000, s31;
	s1 =	sadd.s32 s1, s30  }
0xcf: {  	s0 =	sor.u32 s4, s0;
	s1 =	sshll.u32 s1, $0x11  }
0xd0: {  	s0 =	sor.u32 s1, s0  }
0xd1: {  	s0 =	sadd.s32 $0x8F2B, s0  }
0xd2: {  	[sflag:s0] =	ssyncadd.remote.s32 $0x1  }
0xd3: {  	_ =	sfence.sel $0xFFFF  }
0xd4: {  	[dreg:$0x0] =	wrdreg $0xFFFFFFFF;
	(pc) =	sbr.abs _section_cstart, $3  }
0xd5: {  	[dreg:$0x1] =	wrdreg $0xFFFFFFFF  }
0xd6: {  	_ =	task.clear_ibuf [dreg:s22], $0x2FFFF;
	_ =	strace $0x9FFFFFFF  }
0xd7: {  	(tm) =	ssettm $0x7FFFFFFF  }
tec
execute0_lowered:
.L_overlay_start_1:
0x0: {  	(tag) =	ssettag $0x1  }
0x1: {  	s14 =	rddreg [dreg:$0x0];
	s0 =	srdreg.scid  }
0x2: {  	s2 =	rddreg [dreg:$0x1];
	s15 =	sand.u32 $0x1, s0  }
0x3: {  	s1 =	stileid.u32;
	s3 =	simm.s32 $0x0;
	s4 =	sshll.u32 s15, $0x6  }
0x4: {  	s0 =	rddreg [dreg:$0x2];
	s5 =	sshll.u32 s1, $0x7;
	s4 =	sadd.s32 s4, s14  }
0x5: {  	[smem:$0x7FF] =	sst s3;
	s4 =	sadd.s32 s5, s4  }
0x6: {  	_ =	strace $0x80000050;
	s5 =	sadd.s32 $0x4CA00, s4;
	s4 =	simm.s32 $0x2  }
0x7: {  	[tilespmem:s3], [sflag:$0x2] =	stream.linear.gather [hbm4b:s5+s3], $0x200, $0x38;
	[tilespmem:$0x10200] =	vst v63  }
0x8: {  	_ =	swait.ge [sflag:s4], $0x200  }
0x9: {  	[sflag:s4] =	ssyncset.done $0x0  }
0xa: {  	s6 =	simm.s32 $0x80;
	s7 =	simm.s32 $0x200;
	[sflag:s4] =	ssyncadd.s32 $0xFFFFFE00  }
0xb: {  	[tilespmem:s7], [sflag:$0x1] =	stream.indirect.gather [hbm4b:s2+s6], $0x80, s3, s6, $0xb8;
	[tilespmem:$0x10200] =	vst v63  }
0xc: {  	s8 =	simm.s32 $0x4200  }
0xd: {  	[tilespmem:s8], [sflag:$0x1] =	stream.indirect.gather [hbm4b:s2+s6], $0x80, s6, s6, $0xb8;
	[tilespmem:$0x10200] =	vst v63  }
0xe: {  	s9 =	simm.s32 $0x100;
	s10 =	simm.s32 $0x8200  }
0xf: {  	[tilespmem:s10], [sflag:$0x1] =	stream.indirect.gather [hbm4b:s2+s6], $0x80, s9, s6, $0xb8;
	[tilespmem:$0x10200] =	vst v63  }
0x10: {  	s11 =	simm.s32 $0x180;
	s12 =	simm.s32 $0xC200;
	s13 =	simm.s32 $0x1  }
0x11: {  	[tilespmem:s12], [sflag:$0x1] =	stream.indirect.gather [hbm4b:s2+s6], $0x80, s11, s6, $0xb8;
	[tilespmem:$0x10200] =	vst v63  }
0x12: {  	_ =	swait.ge [sflag:s13], $0x4000  }
0x13: {  	[sflag:s13] =	ssyncset.done $0x0  }
0x14: {  	[sflag:s13] =	ssyncadd.s32 $0xFFFFC000  }
0x15: {  	_ =	swait.ge [sflag:s13], $0x4000  }
0x16: {  	[sflag:s13] =	ssyncset.done $0x0  }
0x17: {  	s16 =	sshll.u32 s15, $0xD;
	s15 =	ssub.s32 $0x2, s15;
	[sflag:s13] =	ssyncadd.s32 $0xFFFFC000  }
0x18: {  	s31 =	sshrl.u32 s15, $0x1;
	_ =	swait.ge [sflag:s13], $0x4000  }
0x19: {  	s15 =	ssub.s32 s15, s31;
	[sflag:s13] =	ssyncset.done $0x0  }
0x1a: {  	s17 =	sshll.u32 s1, $0xE;
	s15 =	smax.u32 s15, $0x1;
	[sflag:s13] =	ssyncadd.s32 $0xFFFFC000  }
0x1b: {  	s14 =	sadd.s32 s16, s14;
	p0 =	sne.s32 s15, $0x1;
	_ =	swait.ge [sflag:s13], $0x4000  }
.Ltmp0:
0x1c: {  	s14 =	sadd.s32 s17, s14;
	[sflag:s13] =	ssyncset.done $0x0;
	(pc) =	sbr.rel @!p0 .LBB2_2-.Ltmp0, $4  }
0x1d: {  	s14 =	sadd.s32 $0x4D200, s14;
	[sflag:s13] =	ssyncadd.s32 $0xFFFFC000  }
0x1e: {  	[hbm4b:s14+s3] =	stream.linear.scatter [tilespmem:s7], [sflag:$0x2], $0x10000, $0x38;
	[tilespmem:$0x10200] =	vst v63  }
0x1f: {  	_ =	swait.ge [sflag:s4], $0x10000  }
0x20: {  	s15 =	sadd.s32 $0xFFFFFFFF, s15;
	[sflag:s4] =	ssyncset.done $0x0  }
.LBB2_1:
0x21: {  	p0 =	sne.s32 s15, $0x1;
	s15 =	sadd.s32 $0xFFFFFFFF, s15;
	[sflag:s4] =	ssyncadd.s32 $0xFFFF0000  }
0x22: {  	[tilespmem:s3], [sflag:$0x2] =	stream.linear.gather [hbm4b:s5+s3], $0x200, $0x38;
	[tilespmem:$0x10200] =	vst v63  }
0x23: {  	_ =	swait.ge [sflag:s4], $0x200  }
0x24: {  	[sflag:s4] =	ssyncset.done $0x0  }
0x25: {  	[sflag:s4] =	ssyncadd.s32 $0xFFFFFE00  }
0x26: {  	[tilespmem:s7], [sflag:$0x1] =	stream.indirect.gather [hbm4b:s2+s6], $0x80, s3, s6, $0xb8;
	[tilespmem:$0x10200] =	vst v63  }
0x27: {  	_ = 	snop  }
0x28: {  	[tilespmem:s8], [sflag:$0x1] =	stream.indirect.gather [hbm4b:s2+s6], $0x80, s6, s6, $0xb8;
	[tilespmem:$0x10200] =	vst v63  }
0x29: {  	_ = 	snop  }
0x2a: {  	[tilespmem:s10], [sflag:$0x1] =	stream.indirect.gather [hbm4b:s2+s6], $0x80, s9, s6, $0xb8;
	[tilespmem:$0x10200] =	vst v63  }
0x2b: {  	_ = 	snop  }
0x2c: {  	[tilespmem:s12], [sflag:$0x1] =	stream.indirect.gather [hbm4b:s2+s6], $0x80, s11, s6, $0xb8;
	[tilespmem:$0x10200] =	vst v63  }
0x2d: {  	_ =	swait.ge [sflag:s13], $0x4000  }
0x2e: {  	[sflag:s13] =	ssyncset.done $0x0  }
0x2f: {  	[sflag:s13] =	ssyncadd.s32 $0xFFFFC000  }
0x30: {  	_ =	swait.ge [sflag:s13], $0x4000  }
0x31: {  	[sflag:s13] =	ssyncset.done $0x0  }
0x32: {  	[sflag:s13] =	ssyncadd.s32 $0xFFFFC000  }
0x33: {  	_ =	swait.ge [sflag:s13], $0x4000  }
0x34: {  	[sflag:s13] =	ssyncset.done $0x0  }
0x35: {  	[sflag:s13] =	ssyncadd.s32 $0xFFFFC000  }
0x36: {  	_ =	swait.ge [sflag:s13], $0x4000  }
.Ltmp1:
0x37: {  	[sflag:s13] =	ssyncset.done $0x0;
	(pc) =	sbr.rel @p0 .LBB2_1-.Ltmp1, $4  }
0x38: {  	[sflag:s13] =	ssyncadd.s32 $0xFFFFC000  }
0x39: {  	[hbm4b:s14+s3] =	stream.linear.scatter [tilespmem:s7], [sflag:$0x2], $0x10000, $0x38;
	[tilespmem:$0x10200] =	vst v63  }
0x3a: {  	_ =	swait.ge [sflag:s4], $0x10000  }
0x3b: {  	[sflag:s4] =	ssyncset.done $0x0  }
.LBB2_2:
0x3c: {  	[sflag:s4] =	ssyncadd.s32 $0xFFFF0000  }
0x3d: {  	_ =	sfence.sel $0x180000  }
0x3e: {  	[bflag:$0x0] =	sbarrier.arrive $0xFFFF  }
0x3f: {  	p0 =	sne.s32 s1, $0x0;
	_ =	strace $0x90000050  }
0x40: {  	s0 =	sadd.s32 @!p0 $0x100000, s0;
	[bflag:$0x2] =	sbarrier.arrive $0xFFFF  }
0x41: {  	[sflag:s0] =	ssyncadd.tile.s32 @!p0 $0x1;
	_ =	shalt  }
.Lfunc_end2:
_tile_overlayer_lowered:
.L_overlay_start_2:
0x42: {  	(tag) =	ssettag $0x2  }
0x43: {  	s0 =	rddreg [dreg:$0x0];
	s2 =	stileid.u32  }
0x44: {  	s1 =	rddreg [dreg:$0x1];
	p0 =	sne.s32 s2, $0x0  }
0x45: {  	s3 =	rddreg [dreg:$0x2];
	[bflag:$0x3] =	sbarrier.arrive $0xFFFF;
	s2 =	simm.s32 @!p0 $0x1C02  }
0x46: {  	[timem:s3], [sflag:s2] =	dma.local @!p0 [hbm:s0], s1  }
0x47: {  	s0 =	simm.s32 @!p0 $0x2  }
0x48: {  	_ =	swait.ge @!p0 [sflag:s0], s1  }
0x49: {  	s1 =	ssub.s32 @!p0 $0x0, s1;
	[sflag:s0] =	ssyncset.done @!p0 $0x0  }
0x4a: {  	[sflag:s0] =	ssyncadd.s32 @!p0 s1  }
0x4b: {  	[bflag:$0x3] =	sbarrier.arrive $0xFFFF  }
0x4c: {  	_ =	shalt  }

</sc_bundles>
